<compile_context>
chip_gen: v7x
topology: tpu7x:2x2x1
jax: 0.10.2.dev20260603
libtpu: 0.0.44.dev20260713+nightly
codegen_flags: <defaults>
</compile_context>

<pallas_src>
import functools

import jax
import jax.numpy as jnp
from jax import lax
from jax.experimental import pallas as pl
from jax.experimental.pallas import tpu as pltpu
from jax.experimental.pallas import tpu_sc as plsc

N = 50000
D = 128
H = 128
HW = H // 2
S = 10

NW = 32
NPAD = 51200
C = 40
CS = C * S
CH0 = 58
CH1 = 22
MAXCH = max(CH0, CH1)
PAIR = (CH0 + CH1) * C
GSZ = (112, 96, 96, 96)
GOFF = (0, 112, 208, 304)

BM = 2000


def _pack_bf16_words(r_lo, r_hi):
    blo = lax.bitcast_convert_type(r_lo, jnp.int32) + jnp.int32(0x8000)
    bhi = lax.bitcast_convert_type(r_hi, jnp.int32) + jnp.int32(0x8000)
    lo = lax.shift_right_logical(blo, 16)
    hi = bhi & jnp.int32(-65536)
    return hi | lo


def _mm_body(f_ref, wsl_ref, wsh_ref, wnl_ref, wnh_ref, ps_ref, pn_ref):
    f = f_ref[...]
    ps_ref[...] = _pack_bf16_words(
        jnp.dot(f, wsl_ref[...], preferred_element_type=jnp.float32),
        jnp.dot(f, wsh_ref[...], preferred_element_type=jnp.float32))
    pn_ref[...] = _pack_bf16_words(
        jnp.dot(f, wnl_ref[...], preferred_element_type=jnp.float32),
        jnp.dot(f, wnh_ref[...], preferred_element_type=jnp.float32))


def _project(feature, w_self_lo, w_self_hi, w_neigh_lo, w_neigh_hi):
    wspec = pl.BlockSpec((D, HW), lambda i: (0, 0))
    return pl.pallas_call(
        _mm_body,
        grid=(N // BM,),
        in_specs=[pl.BlockSpec((BM, D), lambda i: (i, 0)),
                  wspec, wspec, wspec, wspec],
        out_specs=[
            pl.BlockSpec((BM, HW), lambda i: (i, 0)),
            pl.BlockSpec((BM, HW), lambda i: (i, 0)),
        ],
        out_shape=[
            jax.ShapeDtypeStruct((N, HW), jnp.int32),
            jax.ShapeDtypeStruct((N, HW), jnp.int32),
        ],
    )(feature, w_self_lo, w_self_hi, w_neigh_lo, w_neigh_hi)


_mesh = plsc.VectorSubcoreMesh(core_axis_name="c", subcore_axis_name="s")


@functools.partial(
    pl.kernel,
    mesh=_mesh,
    compiler_params=pltpu.CompilerParams(use_tc_tiling_on_sc=False),
    out_type=jax.ShapeDtypeStruct((NPAD, H), jnp.float32),
    scratch_types=[
        pltpu.VMEM((MAXCH * C,), jnp.int32),
        pltpu.VMEM((MAXCH * CS,), jnp.int32),
        pltpu.VMEM((2, C, HW), jnp.int32),
        pltpu.VMEM((2, CS, HW), jnp.int32),
        pltpu.VMEM((2, C, H), jnp.float32),
        pltpu.SemaphoreType.DMA,
        pltpu.SemaphoreType.DMA,
        pltpu.SemaphoreType.DMA,
        pltpu.SemaphoreType.DMA,
    ],
)
def _sc_agg(nodes_hbm, nidx_hbm, ps_hbm, pn_hbm, out_hbm,
            sidx_v, nidx_v, srows_v, nrows_v, outb_v,
            sem_g0, sem_g1, sem_o0, sem_o1):
    cid = lax.axis_index("c")
    sid = lax.axis_index("s")
    base = sid * PAIR + cid * (CH0 * C)
    my_ch = jnp.where(cid == 0, CH0, CH1)
    sem_g = (sem_g0, sem_g1)
    sem_o = (sem_o0, sem_o1)
    himask = jnp.int32(-65536)

    @pl.when(my_ch > 0)
    def _():
        pltpu.sync_copy(nodes_hbm.at[pl.ds(base, MAXCH * C)], sidx_v)
        pltpu.sync_copy(nidx_hbm.at[pl.ds(base * S, MAXCH * CS)], nidx_v)

    def issue(k, b):
        pltpu.async_copy(
            ps_hbm.at[sidx_v.at[pl.ds(k * C, C)]], srows_v.at[b], sem_g[b])
        pltpu.async_copy(
            pn_hbm.at[nidx_v.at[pl.ds(k * CS, CS)]], nrows_v.at[b], sem_g[b])

    def wait_gathers(b):
        pltpu.make_async_copy(
            ps_hbm.at[pl.ds(0, C)], srows_v.at[b], sem_g[b]).wait()
        pltpu.make_async_copy(
            pn_hbm.at[pl.ds(0, CS)], nrows_v.at[b], sem_g[b]).wait()

    @pl.when(my_ch > 0)
    def _():
        issue(0, 0)

    def pair_body(it, carry):
        for b in range(2):
            k = it * 2 + b
            wait_gathers(b)

            @pl.when(k + 1 < my_ch)
            def _():
                issue(k + 1, 1 - b)

            @pl.when(k >= 2)
            def _():
                pltpu.make_async_copy(
                    out_hbm.at[pl.ds(0, C)], outb_v.at[b], sem_o[b]).wait()

            def node_body(i, c):
                r0 = i * S
                for g in range(4):
                    gsl = pl.ds(g * 16, 16)
                    w = srows_v[b, i, gsl]
                    acc_e = lax.bitcast_convert_type(w << 16, jnp.float32)
                    acc_o = lax.bitcast_convert_type(w & himask, jnp.float32)
                    for s in range(S):
                        w = nrows_v[b, r0 + s, gsl]
                        acc_e = acc_e + lax.bitcast_convert_type(w << 16, jnp.float32)
                        acc_o = acc_o + lax.bitcast_convert_type(w & himask, jnp.float32)
                    outb_v[b, i, pl.ds(g * 32, 16)] = jnp.maximum(acc_e, 0.0)
                    outb_v[b, i, pl.ds(g * 32 + 16, 16)] = jnp.maximum(acc_o, 0.0)
                return c

            lax.fori_loop(0, C, node_body, 0, unroll=False)
            pltpu.async_copy(
                outb_v.at[b], out_hbm.at[pl.ds(base + k * C, C)], sem_o[b])
        return carry

    lax.fori_loop(0, my_ch // 2, pair_body, 0, unroll=False)
    for b in range(2):
        @pl.when(my_ch > 0)
        def _():
            pltpu.make_async_copy(
                out_hbm.at[pl.ds(0, C)], outb_v.at[b], sem_o[b]).wait()


_LO = [32 * g + l for g in range(4) for l in range(16)]
_HI = [32 * g + 16 + l for g in range(4) for l in range(16)]


def kernel(nodes, neigh_idx, feature, weight):
    lo = jnp.array(_LO, dtype=jnp.int32)
    hi = jnp.array(_HI, dtype=jnp.int32)
    w_self = weight[:D]
    w_neigh = weight[D:] * (1.0 / S)
    ps, pn = _project(feature, w_self[:, lo], w_self[:, hi],
                      w_neigh[:, lo], w_neigh[:, hi])
    nodes_p = jnp.concatenate(
        [nodes.astype(jnp.int32), jnp.zeros((NPAD - N,), jnp.int32)])
    nidx_p = jnp.concatenate(
        [neigh_idx.reshape(-1).astype(jnp.int32),
         jnp.zeros(((NPAD - N) * S,), jnp.int32)])
    out = _sc_agg(nodes_p, nidx_p, ps, pn)
    return out[:N]

# --- scband reference (transcript-rebuilt; emitter-appended) ---
"""Pipeline reference for scband-graph-sage-layer-27324581937607 (READ-ONLY COPY).

The authoritative reference and input builder live on the scoring server;
editing this copy changes nothing except your own understanding.
"""

import jax, jax.numpy as jnp
import numpy as np

N, D, H, S = 50000, 128, 128, 10

def setup_inputs(seed: int = 0) -> dict:
    key = jax.random.key(seed)
    k1, k2, k3, k4 = jax.random.split(key, 4)
    nodes = jax.random.randint(k1, (N,), 0, N)
    neigh_idx = jax.random.randint(k2, (N, S), 0, N)
    feature = jax.random.normal(k3, (N, D), dtype=jnp.float32)
    # xavier_uniform for weight of shape (2*D, H) since gcn=False
    limit = float(np.sqrt(6.0 / (2 * D + H)))
    weight = jax.random.uniform(k4, (2 * D, H), minval=-limit, maxval=limit, dtype=jnp.float32)
    return {"nodes": nodes, "neigh_idx": neigh_idx, "feature": feature, "weight": weight}

def reference(nodes, neigh_idx, feature, weight):
    # Mean aggregator over num_sample sampled neighbors (adj_list flattened to neigh_idx)
    neigh_feats = jnp.take(feature, neigh_idx, axis=0).mean(axis=1)  # [B, D] via gather [B, S, D]
    # gcn=False: concat self features with aggregated neighbor features
    self_feats = jnp.take(feature, nodes, axis=0)  # [B, D]
    combined = jnp.concatenate([self_feats, neigh_feats], axis=1)  # [B, 2D]
    return jax.nn.relu(combined @ weight)  # [B, H]

if __name__ == "__main__":
    import jax
    _d = setup_inputs()
    print(jax.jit(kernel)(*tuple(_d.values())))

</pallas_src>

<mosaic_0001>
#map = affine_map<(d0, d1) -> (0)>
#map1 = affine_map<(d0, d1) -> (0, 0)>
module attributes {stable_mosaic.version = 14 : i64} {
  func.func @_sc_agg(%arg0: i32, %arg1: i32, %arg2: memref<51200xi32, #tpu.memory_space<hbm>>, %arg3: memref<512000xi32, #tpu.memory_space<hbm>>, %arg4: memref<50000x64xi32, #tpu.memory_space<hbm>>, %arg5: memref<50000x64xi32, #tpu.memory_space<hbm>>, %arg6: memref<51200x128xf32, #tpu.memory_space<hbm>>, %arg7: memref<2320xi32, #tpu.memory_space<vmem>>, %arg8: memref<23200xi32, #tpu.memory_space<vmem>>, %arg9: memref<2x40x64xi32, #tpu.memory_space<vmem>>, %arg10: memref<2x400x64xi32, #tpu.memory_space<vmem>>, %arg11: memref<2x40x128xf32, #tpu.memory_space<vmem>>, %arg12: memref<!tpu.dma_semaphore, #tpu.memory_space<semaphore_mem>>, %arg13: memref<!tpu.dma_semaphore, #tpu.memory_space<semaphore_mem>>, %arg14: memref<!tpu.dma_semaphore, #tpu.memory_space<semaphore_mem>>, %arg15: memref<!tpu.dma_semaphore, #tpu.memory_space<semaphore_mem>>) attributes {dimension_semantics = [#tpu.dimension_semantics<core_parallel>, #tpu.dimension_semantics<subcore_parallel>], iteration_bounds = array<i64: 2, 16>, scalar_prefetch = 0 : i64, scratch_operands = 9 : i64, tpu.core_type = #tpu.core_type<sc_vector_subcore>, window_params = [{transform_indices = #map}, {transform_indices = #map}, {transform_indices = #map1}, {transform_indices = #map1}, {transform_indices = #map1}]} {
    %mul3A = arith.constant 3200 : i32
    %mul3A_0 = arith.muli %arg1, %mul3A : i32
    %mul3A_1 = arith.constant 2320 : i32
    %mul3A_2 = arith.muli %arg0, %mul3A_1 : i32
    %add3A = arith.addi %mul3A_0, %mul3A_2 : i32
    %eq3A = arith.constant 0 : i32
    %eq3A_3 = arith.cmpi eq, %arg0, %eq3A : i32
    %jit3A = arith.constant 58 : i32
    %jit3A_4 = arith.constant 22 : i32
    %select_n3A = arith.select %eq3A_3, %jit3A, %jit3A_4 : i32
    %gt3A = arith.constant 0 : i32
    %gt3A_5 = arith.cmpi sgt, %select_n3A, %gt3A : i32
    %convert_element_type3A = arith.extui %gt3A_5 : i1 to i32
    %cond3A = arith.constant 0 : i32
    %cond3A_6 = arith.cmpi ne, %convert_element_type3A, %cond3A : i32
    scf.if %cond3A_6 {
      "tpu.region"() ({
        %run_scoped3A = tpu.sem_alloc : memref<!tpu.dma_semaphore, #tpu.memory_space<semaphore_mem>>
        %dma_start3A = tpu.memref_slice %arg2[%add3A] : memref<51200xi32, #tpu.memory_space<hbm>> -> memref<2320xi32, #tpu.memory_space<hbm>>
        %dma_start3A_52 = tpu.memref_slice %arg2[%add3A] : memref<51200xi32, #tpu.memory_space<hbm>> -> memref<2320xi32, #tpu.memory_space<hbm>>
        tpu.enqueue_dma source(%dma_start3A_52 : memref<2320xi32, #tpu.memory_space<hbm>>) target(%arg7 : memref<2320xi32, #tpu.memory_space<vmem>>) target_semaphore(%run_scoped3A : memref<!tpu.dma_semaphore, #tpu.memory_space<semaphore_mem>>)
        %dma_wait3A = tpu.memref_slice %arg2[%add3A] : memref<51200xi32, #tpu.memory_space<hbm>> -> memref<2320xi32, #tpu.memory_space<hbm>>
        %dma_wait3A_53 = tpu.memref_slice %arg2[%add3A] : memref<51200xi32, #tpu.memory_space<hbm>> -> memref<2320xi32, #tpu.memory_space<hbm>>
        tpu.wait_dma2 semaphore(%run_scoped3A : memref<!tpu.dma_semaphore, #tpu.memory_space<semaphore_mem>>) src(%dma_wait3A_53 : memref<2320xi32, #tpu.memory_space<hbm>>) dst(%arg7 : memref<2320xi32, #tpu.memory_space<vmem>>)
        tpu.yield
      }) : () -> ()
      %mul3A_50 = arith.constant 10 : i32
      %mul3A_51 = arith.muli %add3A, %mul3A_50 : i32
      "tpu.region"() ({
        %run_scoped3A = tpu.sem_alloc : memref<!tpu.dma_semaphore, #tpu.memory_space<semaphore_mem>>
        %dma_start3A = tpu.memref_slice %arg3[%mul3A_51] : memref<512000xi32, #tpu.memory_space<hbm>> -> memref<23200xi32, #tpu.memory_space<hbm>>
        %dma_start3A_52 = tpu.memref_slice %arg3[%mul3A_51] : memref<512000xi32, #tpu.memory_space<hbm>> -> memref<23200xi32, #tpu.memory_space<hbm>>
        tpu.enqueue_dma source(%dma_start3A_52 : memref<23200xi32, #tpu.memory_space<hbm>>) target(%arg8 : memref<23200xi32, #tpu.memory_space<vmem>>) target_semaphore(%run_scoped3A : memref<!tpu.dma_semaphore, #tpu.memory_space<semaphore_mem>>)
        %dma_wait3A = tpu.memref_slice %arg3[%mul3A_51] : memref<512000xi32, #tpu.memory_space<hbm>> -> memref<23200xi32, #tpu.memory_space<hbm>>
        %dma_wait3A_53 = tpu.memref_slice %arg3[%mul3A_51] : memref<512000xi32, #tpu.memory_space<hbm>> -> memref<23200xi32, #tpu.memory_space<hbm>>
        tpu.wait_dma2 semaphore(%run_scoped3A : memref<!tpu.dma_semaphore, #tpu.memory_space<semaphore_mem>>) src(%dma_wait3A_53 : memref<23200xi32, #tpu.memory_space<hbm>>) dst(%arg8 : memref<23200xi32, #tpu.memory_space<vmem>>)
        tpu.yield
      }) : () -> ()
    } else {
    }
    %gt3A_7 = arith.constant 0 : i32
    %gt3A_8 = arith.cmpi sgt, %select_n3A, %gt3A_7 : i32
    %convert_element_type3A_9 = arith.extui %gt3A_8 : i1 to i32
    %cond3A_10 = arith.constant 0 : i32
    %cond3A_11 = arith.cmpi ne, %convert_element_type3A_9, %cond3A_10 : i32
    scf.if %cond3A_11 {
      %dma_start3A = arith.constant 0 : i32
      %dma_start3A_50 = arith.constant 0 : i32
      %dma_start3A_51 = arith.constant 0 : i32
      %dma_start3A_52 = tpu.memref_slice %arg9[%dma_start3A, %dma_start3A_50, %dma_start3A_51] : memref<2x40x64xi32, #tpu.memory_space<vmem>> -> memref<1x40x64xi32, #tpu.memory_space<vmem>>
      %dma_start3A_53 = tpu.memref_squeeze %dma_start3A_52 : memref<1x40x64xi32, #tpu.memory_space<vmem>> -> memref<40x64xi32, #tpu.memory_space<vmem>>
      %dma_start3A_54 = arith.constant 0 : i32
      %dma_start3A_55 = tpu.memref_slice %arg7[%dma_start3A_54] : memref<2320xi32, #tpu.memory_space<vmem>> -> memref<40xi32, #tpu.memory_space<vmem>>
      %dma_start3A_56 = arith.constant 0 : i32
      %dma_start3A_57 = arith.constant 0 : i32
      %dma_start3A_58 = tpu.memref_slice %arg4[%dma_start3A_56, %dma_start3A_57] : memref<50000x64xi32, #tpu.memory_space<hbm>> -> memref<50000x64xi32, #tpu.memory_space<hbm>>
      tpu.enqueue_indirect_dma source(%dma_start3A_58 : memref<50000x64xi32, #tpu.memory_space<hbm>>) target(%dma_start3A_53 : memref<40x64xi32, #tpu.memory_space<vmem>>) offsets(%dma_start3A_55 : memref<40xi32, #tpu.memory_space<vmem>>) semaphore(%arg12 : memref<!tpu.dma_semaphore, #tpu.memory_space<semaphore_mem>>)
      %dma_start3A_59 = arith.constant 0 : i32
      %dma_start3A_60 = arith.constant 0 : i32
      %dma_start3A_61 = arith.constant 0 : i32
      %dma_start3A_62 = tpu.memref_slice %arg10[%dma_start3A_59, %dma_start3A_60, %dma_start3A_61] : memref<2x400x64xi32, #tpu.memory_space<vmem>> -> memref<1x400x64xi32, #tpu.memory_space<vmem>>
      %dma_start3A_63 = tpu.memref_squeeze %dma_start3A_62 : memref<1x400x64xi32, #tpu.memory_space<vmem>> -> memref<400x64xi32, #tpu.memory_space<vmem>>
      %dma_start3A_64 = arith.constant 0 : i32
      %dma_start3A_65 = tpu.memref_slice %arg8[%dma_start3A_64] : memref<23200xi32, #tpu.memory_space<vmem>> -> memref<400xi32, #tpu.memory_space<vmem>>
      %dma_start3A_66 = arith.constant 0 : i32
      %dma_start3A_67 = arith.constant 0 : i32
      %dma_start3A_68 = tpu.memref_slice %arg5[%dma_start3A_66, %dma_start3A_67] : memref<50000x64xi32, #tpu.memory_space<hbm>> -> memref<50000x64xi32, #tpu.memory_space<hbm>>
      tpu.enqueue_indirect_dma source(%dma_start3A_68 : memref<50000x64xi32, #tpu.memory_space<hbm>>) target(%dma_start3A_63 : memref<400x64xi32, #tpu.memory_space<vmem>>) offsets(%dma_start3A_65 : memref<400xi32, #tpu.memory_space<vmem>>) semaphore(%arg12 : memref<!tpu.dma_semaphore, #tpu.memory_space<semaphore_mem>>)
    } else {
    }
    %jit3A_12 = arith.constant 2 : i32
    %div3A = arith.divsi %select_n3A, %jit3A_12 : i32
    %sign3A = arith.constant 0 : i32
    %sign3A_13 = arith.cmpi sgt, %select_n3A, %sign3A : i32
    %sign3A_14 = arith.extui %sign3A_13 : i1 to i32
    %sign3A_15 = arith.constant 0 : i32
    %sign3A_16 = arith.cmpi slt, %select_n3A, %sign3A_15 : i32
    %sign3A_17 = arith.extui %sign3A_16 : i1 to i32
    %sign3A_18 = arith.subi %sign3A_14, %sign3A_17 : i32
    %sign3A_19 = arith.constant 0 : i32
    %sign3A_20 = arith.cmpi sgt, %jit3A_12, %sign3A_19 : i32
    %sign3A_21 = arith.extui %sign3A_20 : i1 to i32
    %sign3A_22 = arith.constant 0 : i32
    %sign3A_23 = arith.cmpi slt, %jit3A_12, %sign3A_22 : i32
    %sign3A_24 = arith.extui %sign3A_23 : i1 to i32
    %sign3A_25 = arith.subi %sign3A_21, %sign3A_24 : i32
    %ne3A = arith.cmpi ne, %sign3A_18, %sign3A_25 : i32
    %rem3A = arith.remsi %select_n3A, %jit3A_12 : i32
    %ne3A_26 = arith.constant 0 : i32
    %ne3A_27 = arith.cmpi ne, %rem3A, %ne3A_26 : i32
    %and3A = arith.andi %ne3A, %ne3A_27 : i1
    %sub3A = arith.constant 1 : i32
    %sub3A_28 = arith.subi %div3A, %sub3A : i32
    %select_n3A_29 = arith.select %and3A, %sub3A_28, %div3A : i32
    %while3A = arith.constant 0 : i32
    %while3A_30 = arith.constant -65536 : i32
    %while3A_31 = arith.constant 0 : i32
    %while3A_32 = arith.subi %select_n3A_29, %while3A_31 : i32
    %while3A_33 = arith.addi %while3A_31, %while3A_32 : i32
    %while3A_34 = arith.constant 1 : i32
    %while3A_35 = arith.divsi %while3A_32, %while3A_34 : i32
    %while3A_36 = arith.muli %while3A_35, %while3A_34 : i32
    %while3A_37 = arith.addi %while3A_31, %while3A_36 : i32
    %while3A_38 = arith.constant 1 : i32
    scf.for %while3A_50 = %while3A_31 to %while3A_37 step %while3A_38  : i32 {
      %mul3A_51 = arith.constant 2 : i32
      %mul3A_52 = arith.muli %while3A_50, %mul3A_51 : i32
      %add3A_53 = arith.constant 0 : i32
      %add3A_54 = arith.addi %mul3A_52, %add3A_53 : i32
      %dma_wait3A = arith.constant 0 : i32
      %dma_wait3A_55 = arith.constant 0 : i32
      %dma_wait3A_56 = arith.constant 0 : i32
      %dma_wait3A_57 = tpu.memref_slice %arg9[%dma_wait3A, %dma_wait3A_55, %dma_wait3A_56] : memref<2x40x64xi32, #tpu.memory_space<vmem>> -> memref<1x40x64xi32, #tpu.memory_space<vmem>>
      %dma_wait3A_58 = tpu.memref_squeeze %dma_wait3A_57 : memref<1x40x64xi32, #tpu.memory_space<vmem>> -> memref<40x64xi32, #tpu.memory_space<vmem>>
      %dma_wait3A_59 = arith.constant 0 : i32
      %dma_wait3A_60 = arith.constant 0 : i32
      %dma_wait3A_61 = tpu.memref_slice %arg4[%dma_wait3A_59, %dma_wait3A_60] : memref<50000x64xi32, #tpu.memory_space<hbm>> -> memref<40x64xi32, #tpu.memory_space<hbm>>
      %dma_wait3A_62 = arith.constant 0 : i32
      %dma_wait3A_63 = arith.constant 0 : i32
      %dma_wait3A_64 = tpu.memref_slice %arg9[%dma_wait3A, %dma_wait3A_62, %dma_wait3A_63] : memref<2x40x64xi32, #tpu.memory_space<vmem>> -> memref<1x40x64xi32, #tpu.memory_space<vmem>>
      %dma_wait3A_65 = tpu.memref_squeeze %dma_wait3A_64 : memref<1x40x64xi32, #tpu.memory_space<vmem>> -> memref<40x64xi32, #tpu.memory_space<vmem>>
      %dma_wait3A_66 = arith.constant 0 : i32
      %dma_wait3A_67 = arith.constant 0 : i32
      %dma_wait3A_68 = tpu.memref_slice %arg4[%dma_wait3A_66, %dma_wait3A_67] : memref<50000x64xi32, #tpu.memory_space<hbm>> -> memref<40x64xi32, #tpu.memory_space<hbm>>
      tpu.wait_dma2 semaphore(%arg12 : memref<!tpu.dma_semaphore, #tpu.memory_space<semaphore_mem>>) src(%dma_wait3A_68 : memref<40x64xi32, #tpu.memory_space<hbm>>) dst(%dma_wait3A_65 : memref<40x64xi32, #tpu.memory_space<vmem>>)
      %dma_wait3A_69 = arith.constant 0 : i32
      %dma_wait3A_70 = arith.constant 0 : i32
      %dma_wait3A_71 = arith.constant 0 : i32
      %dma_wait3A_72 = tpu.memref_slice %arg10[%dma_wait3A_69, %dma_wait3A_70, %dma_wait3A_71] : memref<2x400x64xi32, #tpu.memory_space<vmem>> -> memref<1x400x64xi32, #tpu.memory_space<vmem>>
      %dma_wait3A_73 = tpu.memref_squeeze %dma_wait3A_72 : memref<1x400x64xi32, #tpu.memory_space<vmem>> -> memref<400x64xi32, #tpu.memory_space<vmem>>
      %dma_wait3A_74 = arith.constant 0 : i32
      %dma_wait3A_75 = arith.constant 0 : i32
      %dma_wait3A_76 = tpu.memref_slice %arg5[%dma_wait3A_74, %dma_wait3A_75] : memref<50000x64xi32, #tpu.memory_space<hbm>> -> memref<400x64xi32, #tpu.memory_space<hbm>>
      %dma_wait3A_77 = arith.constant 0 : i32
      %dma_wait3A_78 = arith.constant 0 : i32
      %dma_wait3A_79 = tpu.memref_slice %arg10[%dma_wait3A_69, %dma_wait3A_77, %dma_wait3A_78] : memref<2x400x64xi32, #tpu.memory_space<vmem>> -> memref<1x400x64xi32, #tpu.memory_space<vmem>>
      %dma_wait3A_80 = tpu.memref_squeeze %dma_wait3A_79 : memref<1x400x64xi32, #tpu.memory_space<vmem>> -> memref<400x64xi32, #tpu.memory_space<vmem>>
      %dma_wait3A_81 = arith.constant 0 : i32
      %dma_wait3A_82 = arith.constant 0 : i32
      %dma_wait3A_83 = tpu.memref_slice %arg5[%dma_wait3A_81, %dma_wait3A_82] : memref<50000x64xi32, #tpu.memory_space<hbm>> -> memref<400x64xi32, #tpu.memory_space<hbm>>
      tpu.wait_dma2 semaphore(%arg12 : memref<!tpu.dma_semaphore, #tpu.memory_space<semaphore_mem>>) src(%dma_wait3A_83 : memref<400x64xi32, #tpu.memory_space<hbm>>) dst(%dma_wait3A_80 : memref<400x64xi32, #tpu.memory_space<vmem>>)
      %add3A_84 = arith.constant 1 : i32
      %add3A_85 = arith.addi %add3A_54, %add3A_84 : i32
      %lt3A = arith.cmpi slt, %add3A_85, %select_n3A : i32
      %convert_element_type3A_86 = arith.extui %lt3A : i1 to i32
      %cond3A_87 = arith.constant 0 : i32
      %cond3A_88 = arith.cmpi ne, %convert_element_type3A_86, %cond3A_87 : i32
      scf.if %cond3A_88 {
        %add3A_180 = arith.constant 1 : i32
        %add3A_181 = arith.addi %add3A_54, %add3A_180 : i32
        %mul3A_182 = arith.constant 40 : i32
        %mul3A_183 = arith.muli %add3A_181, %mul3A_182 : i32
        %dma_start3A_184 = arith.constant 1 : i32
        %dma_start3A_185 = arith.constant 0 : i32
        %dma_start3A_186 = arith.constant 0 : i32
        %dma_start3A_187 = tpu.memref_slice %arg9[%dma_start3A_184, %dma_start3A_185, %dma_start3A_186] : memref<2x40x64xi32, #tpu.memory_space<vmem>> -> memref<1x40x64xi32, #tpu.memory_space<vmem>>
        %dma_start3A_188 = tpu.memref_squeeze %dma_start3A_187 : memref<1x40x64xi32, #tpu.memory_space<vmem>> -> memref<40x64xi32, #tpu.memory_space<vmem>>
        %dma_start3A_189 = tpu.memref_slice %arg7[%mul3A_183] : memref<2320xi32, #tpu.memory_space<vmem>> -> memref<40xi32, #tpu.memory_space<vmem>>
        %dma_start3A_190 = arith.constant 0 : i32
        %dma_start3A_191 = arith.constant 0 : i32
        %dma_start3A_192 = tpu.memref_slice %arg4[%dma_start3A_190, %dma_start3A_191] : memref<50000x64xi32, #tpu.memory_space<hbm>> -> memref<50000x64xi32, #tpu.memory_space<hbm>>
        tpu.enqueue_indirect_dma source(%dma_start3A_192 : memref<50000x64xi32, #tpu.memory_space<hbm>>) target(%dma_start3A_188 : memref<40x64xi32, #tpu.memory_space<vmem>>) offsets(%dma_start3A_189 : memref<40xi32, #tpu.memory_space<vmem>>) semaphore(%arg13 : memref<!tpu.dma_semaphore, #tpu.memory_space<semaphore_mem>>)
        %mul3A_193 = arith.constant 400 : i32
        %mul3A_194 = arith.muli %add3A_181, %mul3A_193 : i32
        %dma_start3A_195 = arith.constant 1 : i32
        %dma_start3A_196 = arith.constant 0 : i32
        %dma_start3A_197 = arith.constant 0 : i32
        %dma_start3A_198 = tpu.memref_slice %arg10[%dma_start3A_195, %dma_start3A_196, %dma_start3A_197] : memref<2x400x64xi32, #tpu.memory_space<vmem>> -> memref<1x400x64xi32, #tpu.memory_space<vmem>>
        %dma_start3A_199 = tpu.memref_squeeze %dma_start3A_198 : memref<1x400x64xi32, #tpu.memory_space<vmem>> -> memref<400x64xi32, #tpu.memory_space<vmem>>
        %dma_start3A_200 = tpu.memref_slice %arg8[%mul3A_194] : memref<23200xi32, #tpu.memory_space<vmem>> -> memref<400xi32, #tpu.memory_space<vmem>>
        %dma_start3A_201 = arith.constant 0 : i32
        %dma_start3A_202 = arith.constant 0 : i32
        %dma_start3A_203 = tpu.memref_slice %arg5[%dma_start3A_201, %dma_start3A_202] : memref<50000x64xi32, #tpu.memory_space<hbm>> -> memref<50000x64xi32, #tpu.memory_space<hbm>>
        tpu.enqueue_indirect_dma source(%dma_start3A_203 : memref<50000x64xi32, #tpu.memory_space<hbm>>) target(%dma_start3A_199 : memref<400x64xi32, #tpu.memory_space<vmem>>) offsets(%dma_start3A_200 : memref<400xi32, #tpu.memory_space<vmem>>) semaphore(%arg13 : memref<!tpu.dma_semaphore, #tpu.memory_space<semaphore_mem>>)
      } else {
      }
      %ge3A = arith.constant 2 : i32
      %ge3A_89 = arith.cmpi sge, %add3A_54, %ge3A : i32
      %convert_element_type3A_90 = arith.extui %ge3A_89 : i1 to i32
      %cond3A_91 = arith.constant 0 : i32
      %cond3A_92 = arith.cmpi ne, %convert_element_type3A_90, %cond3A_91 : i32
      scf.if %cond3A_92 {
        %dma_wait3A_180 = arith.constant 0 : i32
        %dma_wait3A_181 = arith.constant 0 : i32
        %dma_wait3A_182 = arith.constant 0 : i32
        %dma_wait3A_183 = tpu.memref_slice %arg11[%dma_wait3A_180, %dma_wait3A_181, %dma_wait3A_182] : memref<2x40x128xf32, #tpu.memory_space<vmem>> -> memref<1x40x128xf32, #tpu.memory_space<vmem>>
        %dma_wait3A_184 = tpu.memref_squeeze %dma_wait3A_183 : memref<1x40x128xf32, #tpu.memory_space<vmem>> -> memref<40x128xf32, #tpu.memory_space<vmem>>
        %dma_wait3A_185 = arith.constant 0 : i32
        %dma_wait3A_186 = arith.constant 0 : i32
        %dma_wait3A_187 = tpu.memref_slice %arg6[%dma_wait3A_185, %dma_wait3A_186] : memref<51200x128xf32, #tpu.memory_space<hbm>> -> memref<40x128xf32, #tpu.memory_space<hbm>>
        %dma_wait3A_188 = arith.constant 0 : i32
        %dma_wait3A_189 = arith.constant 0 : i32
        %dma_wait3A_190 = tpu.memref_slice %arg11[%dma_wait3A_180, %dma_wait3A_188, %dma_wait3A_189] : memref<2x40x128xf32, #tpu.memory_space<vmem>> -> memref<1x40x128xf32, #tpu.memory_space<vmem>>
        %dma_wait3A_191 = tpu.memref_squeeze %dma_wait3A_190 : memref<1x40x128xf32, #tpu.memory_space<vmem>> -> memref<40x128xf32, #tpu.memory_space<vmem>>
        %dma_wait3A_192 = arith.constant 0 : i32
        %dma_wait3A_193 = arith.constant 0 : i32
        %dma_wait3A_194 = tpu.memref_slice %arg6[%dma_wait3A_192, %dma_wait3A_193] : memref<51200x128xf32, #tpu.memory_space<hbm>> -> memref<40x128xf32, #tpu.memory_space<hbm>>
        tpu.wait_dma2 semaphore(%arg14 : memref<!tpu.dma_semaphore, #tpu.memory_space<semaphore_mem>>) src(%dma_wait3A_194 : memref<40x128xf32, #tpu.memory_space<hbm>>) dst(%dma_wait3A_191 : memref<40x128xf32, #tpu.memory_space<vmem>>)
      } else {
      }
      %scan3A = arith.constant 0 : i32
      %scan3A_93 = arith.constant 0 : i32
      %scan3A_94 = arith.constant 40 : i32
      %scan3A_95 = arith.addi %scan3A_93, %scan3A_94 : i32
      %scan3A_96 = arith.constant 1 : i32
      scf.for %scan3A_180 = %scan3A_93 to %scan3A_95 step %scan3A_96  : i32 {
        %mul3A_181 = arith.constant 10 : i32
        %mul3A_182 = arith.muli %scan3A_180, %mul3A_181 : i32
        %get3A = arith.constant 0 : i32
        %get3A_183 = arith.index_cast %get3A : i32 to index
        %get3A_184 = arith.index_cast %scan3A_180 : i32 to index
        %get3A_185 = arith.constant 0 : index
        %get3A_186 = tpu.vector_load %arg9[%get3A_183, %get3A_184, %get3A_185] {strides = array<i32>} : memref<2x40x64xi32, #tpu.memory_space<vmem>>, vector<1x1x16xi32>,
        %get3A_187 = vector.shape_cast %get3A_186 : vector<1x1x16xi32> to vector<16xi32>
        %shift_left3A = arith.constant 16 : i32
        %shift_left3A_188 = vector.broadcast %shift_left3A : i32 to vector<16xi32>
        %shift_left3A_189 = arith.shli %get3A_187, %shift_left3A_188 : vector<16xi32>
        %bitcast_convert_type3A = tpu.bitcast %shift_left3A_189 : vector<16xi32> -> vector<16xf32>
        %and3A_190 = vector.broadcast %while3A_30 : i32 to vector<16xi32>
        %and3A_191 = arith.andi %get3A_187, %and3A_190 : vector<16xi32>
        %bitcast_convert_type3A_192 = tpu.bitcast %and3A_191 : vector<16xi32> -> vector<16xf32>
        %add3A_193 = arith.constant 0 : i32
        %add3A_194 = arith.addi %mul3A_182, %add3A_193 : i32
        %get3A_195 = arith.constant 0 : i32
        %get3A_196 = arith.index_cast %get3A_195 : i32 to index
        %get3A_197 = arith.index_cast %add3A_194 : i32 to index
        %get3A_198 = arith.constant 0 : index
        %get3A_199 = tpu.vector_load %arg10[%get3A_196, %get3A_197, %get3A_198] {strides = array<i32>} : memref<2x400x64xi32, #tpu.memory_space<vmem>>, vector<1x1x16xi32>,
        %get3A_200 = vector.shape_cast %get3A_199 : vector<1x1x16xi32> to vector<16xi32>
        %shift_left3A_201 = arith.constant 16 : i32
        %shift_left3A_202 = vector.broadcast %shift_left3A_201 : i32 to vector<16xi32>
        %shift_left3A_203 = arith.shli %get3A_200, %shift_left3A_202 : vector<16xi32>
        %bitcast_convert_type3A_204 = tpu.bitcast %shift_left3A_203 : vector<16xi32> -> vector<16xf32>
        %add3A_205 = arith.addf %bitcast_convert_type3A, %bitcast_convert_type3A_204 : vector<16xf32>
        %and3A_206 = vector.broadcast %while3A_30 : i32 to vector<16xi32>
        %and3A_207 = arith.andi %get3A_200, %and3A_206 : vector<16xi32>
        %bitcast_convert_type3A_208 = tpu.bitcast %and3A_207 : vector<16xi32> -> vector<16xf32>
        %add3A_209 = arith.addf %bitcast_convert_type3A_192, %bitcast_convert_type3A_208 : vector<16xf32>
        %add3A_210 = arith.constant 1 : i32
        %add3A_211 = arith.addi %mul3A_182, %add3A_210 : i32
        %get3A_212 = arith.constant 0 : i32
        %get3A_213 = arith.index_cast %get3A_212 : i32 to index
        %get3A_214 = arith.index_cast %add3A_211 : i32 to index
        %get3A_215 = arith.constant 0 : index
        %get3A_216 = tpu.vector_load %arg10[%get3A_213, %get3A_214, %get3A_215] {strides = array<i32>} : memref<2x400x64xi32, #tpu.memory_space<vmem>>, vector<1x1x16xi32>,
        %get3A_217 = vector.shape_cast %get3A_216 : vector<1x1x16xi32> to vector<16xi32>
        %shift_left3A_218 = arith.constant 16 : i32
        %shift_left3A_219 = vector.broadcast %shift_left3A_218 : i32 to vector<16xi32>
        %shift_left3A_220 = arith.shli %get3A_217, %shift_left3A_219 : vector<16xi32>
        %bitcast_convert_type3A_221 = tpu.bitcast %shift_left3A_220 : vector<16xi32> -> vector<16xf32>
        %add3A_222 = arith.addf %add3A_205, %bitcast_convert_type3A_221 : vector<16xf32>
        %and3A_223 = vector.broadcast %while3A_30 : i32 to vector<16xi32>
        %and3A_224 = arith.andi %get3A_217, %and3A_223 : vector<16xi32>
        %bitcast_convert_type3A_225 = tpu.bitcast %and3A_224 : vector<16xi32> -> vector<16xf32>
        %add3A_226 = arith.addf %add3A_209, %bitcast_convert_type3A_225 : vector<16xf32>
        %add3A_227 = arith.constant 2 : i32
        %add3A_228 = arith.addi %mul3A_182, %add3A_227 : i32
        %get3A_229 = arith.constant 0 : i32
        %get3A_230 = arith.index_cast %get3A_229 : i32 to index
        %get3A_231 = arith.index_cast %add3A_228 : i32 to index
        %get3A_232 = arith.constant 0 : index
        %get3A_233 = tpu.vector_load %arg10[%get3A_230, %get3A_231, %get3A_232] {strides = array<i32>} : memref<2x400x64xi32, #tpu.memory_space<vmem>>, vector<1x1x16xi32>,
        %get3A_234 = vector.shape_cast %get3A_233 : vector<1x1x16xi32> to vector<16xi32>
        %shift_left3A_235 = arith.constant 16 : i32
        %shift_left3A_236 = vector.broadcast %shift_left3A_235 : i32 to vector<16xi32>
        %shift_left3A_237 = arith.shli %get3A_234, %shift_left3A_236 : vector<16xi32>
        %bitcast_convert_type3A_238 = tpu.bitcast %shift_left3A_237 : vector<16xi32> -> vector<16xf32>
        %add3A_239 = arith.addf %add3A_222, %bitcast_convert_type3A_238 : vector<16xf32>
        %and3A_240 = vector.broadcast %while3A_30 : i32 to vector<16xi32>
        %and3A_241 = arith.andi %get3A_234, %and3A_240 : vector<16xi32>
        %bitcast_convert_type3A_242 = tpu.bitcast %and3A_241 : vector<16xi32> -> vector<16xf32>
        %add3A_243 = arith.addf %add3A_226, %bitcast_convert_type3A_242 : vector<16xf32>
        %add3A_244 = arith.constant 3 : i32
        %add3A_245 = arith.addi %mul3A_182, %add3A_244 : i32
        %get3A_246 = arith.constant 0 : i32
        %get3A_247 = arith.index_cast %get3A_246 : i32 to index
        %get3A_248 = arith.index_cast %add3A_245 : i32 to index
        %get3A_249 = arith.constant 0 : index
        %get3A_250 = tpu.vector_load %arg10[%get3A_247, %get3A_248, %get3A_249] {strides = array<i32>} : memref<2x400x64xi32, #tpu.memory_space<vmem>>, vector<1x1x16xi32>,
        %get3A_251 = vector.shape_cast %get3A_250 : vector<1x1x16xi32> to vector<16xi32>
        %shift_left3A_252 = arith.constant 16 : i32
        %shift_left3A_253 = vector.broadcast %shift_left3A_252 : i32 to vector<16xi32>
        %shift_left3A_254 = arith.shli %get3A_251, %shift_left3A_253 : vector<16xi32>
        %bitcast_convert_type3A_255 = tpu.bitcast %shift_left3A_254 : vector<16xi32> -> vector<16xf32>
        %add3A_256 = arith.addf %add3A_239, %bitcast_convert_type3A_255 : vector<16xf32>
        %and3A_257 = vector.broadcast %while3A_30 : i32 to vector<16xi32>
        %and3A_258 = arith.andi %get3A_251, %and3A_257 : vector<16xi32>
        %bitcast_convert_type3A_259 = tpu.bitcast %and3A_258 : vector<16xi32> -> vector<16xf32>
        %add3A_260 = arith.addf %add3A_243, %bitcast_convert_type3A_259 : vector<16xf32>
        %add3A_261 = arith.constant 4 : i32
        %add3A_262 = arith.addi %mul3A_182, %add3A_261 : i32
        %get3A_263 = arith.constant 0 : i32
        %get3A_264 = arith.index_cast %get3A_263 : i32 to index
        %get3A_265 = arith.index_cast %add3A_262 : i32 to index
        %get3A_266 = arith.constant 0 : index
        %get3A_267 = tpu.vector_load %arg10[%get3A_264, %get3A_265, %get3A_266] {strides = array<i32>} : memref<2x400x64xi32, #tpu.memory_space<vmem>>, vector<1x1x16xi32>,
        %get3A_268 = vector.shape_cast %get3A_267 : vector<1x1x16xi32> to vector<16xi32>
        %shift_left3A_269 = arith.constant 16 : i32
        %shift_left3A_270 = vector.broadcast %shift_left3A_269 : i32 to vector<16xi32>
        %shift_left3A_271 = arith.shli %get3A_268, %shift_left3A_270 : vector<16xi32>
        %bitcast_convert_type3A_272 = tpu.bitcast %shift_left3A_271 : vector<16xi32> -> vector<16xf32>
        %add3A_273 = arith.addf %add3A_256, %bitcast_convert_type3A_272 : vector<16xf32>
        %and3A_274 = vector.broadcast %while3A_30 : i32 to vector<16xi32>
        %and3A_275 = arith.andi %get3A_268, %and3A_274 : vector<16xi32>
        %bitcast_convert_type3A_276 = tpu.bitcast %and3A_275 : vector<16xi32> -> vector<16xf32>
        %add3A_277 = arith.addf %add3A_260, %bitcast_convert_type3A_276 : vector<16xf32>
        %add3A_278 = arith.constant 5 : i32
        %add3A_279 = arith.addi %mul3A_182, %add3A_278 : i32
        %get3A_280 = arith.constant 0 : i32
        %get3A_281 = arith.index_cast %get3A_280 : i32 to index
        %get3A_282 = arith.index_cast %add3A_279 : i32 to index
        %get3A_283 = arith.constant 0 : index
        %get3A_284 = tpu.vector_load %arg10[%get3A_281, %get3A_282, %get3A_283] {strides = array<i32>} : memref<2x400x64xi32, #tpu.memory_space<vmem>>, vector<1x1x16xi32>,
        %get3A_285 = vector.shape_cast %get3A_284 : vector<1x1x16xi32> to vector<16xi32>
        %shift_left3A_286 = arith.constant 16 : i32
        %shift_left3A_287 = vector.broadcast %shift_left3A_286 : i32 to vector<16xi32>
        %shift_left3A_288 = arith.shli %get3A_285, %shift_left3A_287 : vector<16xi32>
        %bitcast_convert_type3A_289 = tpu.bitcast %shift_left3A_288 : vector<16xi32> -> vector<16xf32>
        %add3A_290 = arith.addf %add3A_273, %bitcast_convert_type3A_289 : vector<16xf32>
        %and3A_291 = vector.broadcast %while3A_30 : i32 to vector<16xi32>
        %and3A_292 = arith.andi %get3A_285, %and3A_291 : vector<16xi32>
        %bitcast_convert_type3A_293 = tpu.bitcast %and3A_292 : vector<16xi32> -> vector<16xf32>
        %add3A_294 = arith.addf %add3A_277, %bitcast_convert_type3A_293 : vector<16xf32>
        %add3A_295 = arith.constant 6 : i32
        %add3A_296 = arith.addi %mul3A_182, %add3A_295 : i32
        %get3A_297 = arith.constant 0 : i32
        %get3A_298 = arith.index_cast %get3A_297 : i32 to index
        %get3A_299 = arith.index_cast %add3A_296 : i32 to index
        %get3A_300 = arith.constant 0 : index
        %get3A_301 = tpu.vector_load %arg10[%get3A_298, %get3A_299, %get3A_300] {strides = array<i32>} : memref<2x400x64xi32, #tpu.memory_space<vmem>>, vector<1x1x16xi32>,
        %get3A_302 = vector.shape_cast %get3A_301 : vector<1x1x16xi32> to vector<16xi32>
        %shift_left3A_303 = arith.constant 16 : i32
        %shift_left3A_304 = vector.broadcast %shift_left3A_303 : i32 to vector<16xi32>
        %shift_left3A_305 = arith.shli %get3A_302, %shift_left3A_304 : vector<16xi32>
        %bitcast_convert_type3A_306 = tpu.bitcast %shift_left3A_305 : vector<16xi32> -> vector<16xf32>
        %add3A_307 = arith.addf %add3A_290, %bitcast_convert_type3A_306 : vector<16xf32>
        %and3A_308 = vector.broadcast %while3A_30 : i32 to vector<16xi32>
        %and3A_309 = arith.andi %get3A_302, %and3A_308 : vector<16xi32>
        %bitcast_convert_type3A_310 = tpu.bitcast %and3A_309 : vector<16xi32> -> vector<16xf32>
        %add3A_311 = arith.addf %add3A_294, %bitcast_convert_type3A_310 : vector<16xf32>
        %add3A_312 = arith.constant 7 : i32
        %add3A_313 = arith.addi %mul3A_182, %add3A_312 : i32
        %get3A_314 = arith.constant 0 : i32
        %get3A_315 = arith.index_cast %get3A_314 : i32 to index
        %get3A_316 = arith.index_cast %add3A_313 : i32 to index
        %get3A_317 = arith.constant 0 : index
        %get3A_318 = tpu.vector_load %arg10[%get3A_315, %get3A_316, %get3A_317] {strides = array<i32>} : memref<2x400x64xi32, #tpu.memory_space<vmem>>, vector<1x1x16xi32>,
        %get3A_319 = vector.shape_cast %get3A_318 : vector<1x1x16xi32> to vector<16xi32>
        %shift_left3A_320 = arith.constant 16 : i32
        %shift_left3A_321 = vector.broadcast %shift_left3A_320 : i32 to vector<16xi32>
        %shift_left3A_322 = arith.shli %get3A_319, %shift_left3A_321 : vector<16xi32>
        %bitcast_convert_type3A_323 = tpu.bitcast %shift_left3A_322 : vector<16xi32> -> vector<16xf32>
        %add3A_324 = arith.addf %add3A_307, %bitcast_convert_type3A_323 : vector<16xf32>
        %and3A_325 = vector.broadcast %while3A_30 : i32 to vector<16xi32>
        %and3A_326 = arith.andi %get3A_319, %and3A_325 : vector<16xi32>
        %bitcast_convert_type3A_327 = tpu.bitcast %and3A_326 : vector<16xi32> -> vector<16xf32>
        %add3A_328 = arith.addf %add3A_311, %bitcast_convert_type3A_327 : vector<16xf32>
        %add3A_329 = arith.constant 8 : i32
        %add3A_330 = arith.addi %mul3A_182, %add3A_329 : i32
        %get3A_331 = arith.constant 0 : i32
        %get3A_332 = arith.index_cast %get3A_331 : i32 to index
        %get3A_333 = arith.index_cast %add3A_330 : i32 to index
        %get3A_334 = arith.constant 0 : index
        %get3A_335 = tpu.vector_load %arg10[%get3A_332, %get3A_333, %get3A_334] {strides = array<i32>} : memref<2x400x64xi32, #tpu.memory_space<vmem>>, vector<1x1x16xi32>,
        %get3A_336 = vector.shape_cast %get3A_335 : vector<1x1x16xi32> to vector<16xi32>
        %shift_left3A_337 = arith.constant 16 : i32
        %shift_left3A_338 = vector.broadcast %shift_left3A_337 : i32 to vector<16xi32>
        %shift_left3A_339 = arith.shli %get3A_336, %shift_left3A_338 : vector<16xi32>
        %bitcast_convert_type3A_340 = tpu.bitcast %shift_left3A_339 : vector<16xi32> -> vector<16xf32>
        %add3A_341 = arith.addf %add3A_324, %bitcast_convert_type3A_340 : vector<16xf32>
        %and3A_342 = vector.broadcast %while3A_30 : i32 to vector<16xi32>
        %and3A_343 = arith.andi %get3A_336, %and3A_342 : vector<16xi32>
        %bitcast_convert_type3A_344 = tpu.bitcast %and3A_343 : vector<16xi32> -> vector<16xf32>
        %add3A_345 = arith.addf %add3A_328, %bitcast_convert_type3A_344 : vector<16xf32>
        %add3A_346 = arith.constant 9 : i32
        %add3A_347 = arith.addi %mul3A_182, %add3A_346 : i32
        %get3A_348 = arith.constant 0 : i32
        %get3A_349 = arith.index_cast %get3A_348 : i32 to index
        %get3A_350 = arith.index_cast %add3A_347 : i32 to index
        %get3A_351 = arith.constant 0 : index
        %get3A_352 = tpu.vector_load %arg10[%get3A_349, %get3A_350, %get3A_351] {strides = array<i32>} : memref<2x400x64xi32, #tpu.memory_space<vmem>>, vector<1x1x16xi32>,
        %get3A_353 = vector.shape_cast %get3A_352 : vector<1x1x16xi32> to vector<16xi32>
        %shift_left3A_354 = arith.constant 16 : i32
        %shift_left3A_355 = vector.broadcast %shift_left3A_354 : i32 to vector<16xi32>
        %shift_left3A_356 = arith.shli %get3A_353, %shift_left3A_355 : vector<16xi32>
        %bitcast_convert_type3A_357 = tpu.bitcast %shift_left3A_356 : vector<16xi32> -> vector<16xf32>
        %add3A_358 = arith.addf %add3A_341, %bitcast_convert_type3A_357 : vector<16xf32>
        %and3A_359 = vector.broadcast %while3A_30 : i32 to vector<16xi32>
        %and3A_360 = arith.andi %get3A_353, %and3A_359 : vector<16xi32>
        %bitcast_convert_type3A_361 = tpu.bitcast %and3A_360 : vector<16xi32> -> vector<16xf32>
        %add3A_362 = arith.addf %add3A_345, %bitcast_convert_type3A_361 : vector<16xf32>
        %max3A = arith.constant 0.000000e+00 : f32
        %max3A_363 = vector.broadcast %max3A : f32 to vector<16xf32>
        %max3A_364 = arith.maximumf %add3A_358, %max3A_363 : vector<16xf32>
        %swap3A = arith.constant 0 : i32
        %swap3A_365 = arith.index_cast %swap3A : i32 to index
        %swap3A_366 = arith.index_cast %scan3A_180 : i32 to index
        %swap3A_367 = arith.constant 0 : index
        %swap3A_368 = tpu.vector_load %arg11[%swap3A_365, %swap3A_366, %swap3A_367] {strides = array<i32>} : memref<2x40x128xf32, #tpu.memory_space<vmem>>, vector<1x1x16xf32>,
        %swap3A_369 = vector.shape_cast %swap3A_368 : vector<1x1x16xf32> to vector<16xf32>
        %swap3A_370 = vector.shape_cast %max3A_364 : vector<16xf32> to vector<1x1x16xf32>
        tpu.vector_store %arg11[%swap3A_365, %swap3A_366, %swap3A_367], %swap3A_370 {strides = array<i32>} : memref<2x40x128xf32, #tpu.memory_space<vmem>>, vector<1x1x16xf32>,
        %max3A_371 = arith.constant 0.000000e+00 : f32
        %max3A_372 = vector.broadcast %max3A_371 : f32 to vector<16xf32>
        %max3A_373 = arith.maximumf %add3A_362, %max3A_372 : vector<16xf32>
        %swap3A_374 = arith.constant 0 : i32
        %swap3A_375 = arith.index_cast %swap3A_374 : i32 to index
        %swap3A_376 = arith.index_cast %scan3A_180 : i32 to index
        %swap3A_377 = arith.constant 16 : index
        %swap3A_378 = tpu.vector_load %arg11[%swap3A_375, %swap3A_376, %swap3A_377] {strides = array<i32>} : memref<2x40x128xf32, #tpu.memory_space<vmem>>, vector<1x1x16xf32>,
        %swap3A_379 = vector.shape_cast %swap3A_378 : vector<1x1x16xf32> to vector<16xf32>
        %swap3A_380 = vector.shape_cast %max3A_373 : vector<16xf32> to vector<1x1x16xf32>
        tpu.vector_store %arg11[%swap3A_375, %swap3A_376, %swap3A_377], %swap3A_380 {strides = array<i32>} : memref<2x40x128xf32, #tpu.memory_space<vmem>>, vector<1x1x16xf32>,
        %get3A_381 = arith.constant 0 : i32
        %get3A_382 = arith.index_cast %get3A_381 : i32 to index
        %get3A_383 = arith.index_cast %scan3A_180 : i32 to index
        %get3A_384 = arith.constant 16 : index
        %get3A_385 = tpu.vector_load %arg9[%get3A_382, %get3A_383, %get3A_384] {strides = array<i32>} : memref<2x40x64xi32, #tpu.memory_space<vmem>>, vector<1x1x16xi32>,
        %get3A_386 = vector.shape_cast %get3A_385 : vector<1x1x16xi32> to vector<16xi32>
        %shift_left3A_387 = arith.constant 16 : i32
        %shift_left3A_388 = vector.broadcast %shift_left3A_387 : i32 to vector<16xi32>
        %shift_left3A_389 = arith.shli %get3A_386, %shift_left3A_388 : vector<16xi32>
        %bitcast_convert_type3A_390 = tpu.bitcast %shift_left3A_389 : vector<16xi32> -> vector<16xf32>
        %and3A_391 = vector.broadcast %while3A_30 : i32 to vector<16xi32>
        %and3A_392 = arith.andi %get3A_386, %and3A_391 : vector<16xi32>
        %bitcast_convert_type3A_393 = tpu.bitcast %and3A_392 : vector<16xi32> -> vector<16xf32>
        %add3A_394 = arith.constant 0 : i32
        %add3A_395 = arith.addi %mul3A_182, %add3A_394 : i32
        %get3A_396 = arith.constant 0 : i32
        %get3A_397 = arith.index_cast %get3A_396 : i32 to index
        %get3A_398 = arith.index_cast %add3A_395 : i32 to index
        %get3A_399 = arith.constant 16 : index
        %get3A_400 = tpu.vector_load %arg10[%get3A_397, %get3A_398, %get3A_399] {strides = array<i32>} : memref<2x400x64xi32, #tpu.memory_space<vmem>>, vector<1x1x16xi32>,
        %get3A_401 = vector.shape_cast %get3A_400 : vector<1x1x16xi32> to vector<16xi32>
        %shift_left3A_402 = arith.constant 16 : i32
        %shift_left3A_403 = vector.broadcast %shift_left3A_402 : i32 to vector<16xi32>
        %shift_left3A_404 = arith.shli %get3A_401, %shift_left3A_403 : vector<16xi32>
        %bitcast_convert_type3A_405 = tpu.bitcast %shift_left3A_404 : vector<16xi32> -> vector<16xf32>
        %add3A_406 = arith.addf %bitcast_convert_type3A_390, %bitcast_convert_type3A_405 : vector<16xf32>
        %and3A_407 = vector.broadcast %while3A_30 : i32 to vector<16xi32>
        %and3A_408 = arith.andi %get3A_401, %and3A_407 : vector<16xi32>
        %bitcast_convert_type3A_409 = tpu.bitcast %and3A_408 : vector<16xi32> -> vector<16xf32>
        %add3A_410 = arith.addf %bitcast_convert_type3A_393, %bitcast_convert_type3A_409 : vector<16xf32>
        %add3A_411 = arith.constant 1 : i32
        %add3A_412 = arith.addi %mul3A_182, %add3A_411 : i32
        %get3A_413 = arith.constant 0 : i32
        %get3A_414 = arith.index_cast %get3A_413 : i32 to index
        %get3A_415 = arith.index_cast %add3A_412 : i32 to index
        %get3A_416 = arith.constant 16 : index
        %get3A_417 = tpu.vector_load %arg10[%get3A_414, %get3A_415, %get3A_416] {strides = array<i32>} : memref<2x400x64xi32, #tpu.memory_space<vmem>>, vector<1x1x16xi32>,
        %get3A_418 = vector.shape_cast %get3A_417 : vector<1x1x16xi32> to vector<16xi32>
        %shift_left3A_419 = arith.constant 16 : i32
        %shift_left3A_420 = vector.broadcast %shift_left3A_419 : i32 to vector<16xi32>
        %shift_left3A_421 = arith.shli %get3A_418, %shift_left3A_420 : vector<16xi32>
        %bitcast_convert_type3A_422 = tpu.bitcast %shift_left3A_421 : vector<16xi32> -> vector<16xf32>
        %add3A_423 = arith.addf %add3A_406, %bitcast_convert_type3A_422 : vector<16xf32>
        %and3A_424 = vector.broadcast %while3A_30 : i32 to vector<16xi32>
        %and3A_425 = arith.andi %get3A_418, %and3A_424 : vector<16xi32>
        %bitcast_convert_type3A_426 = tpu.bitcast %and3A_425 : vector<16xi32> -> vector<16xf32>
        %add3A_427 = arith.addf %add3A_410, %bitcast_convert_type3A_426 : vector<16xf32>
        %add3A_428 = arith.constant 2 : i32
        %add3A_429 = arith.addi %mul3A_182, %add3A_428 : i32
        %get3A_430 = arith.constant 0 : i32
        %get3A_431 = arith.index_cast %get3A_430 : i32 to index
        %get3A_432 = arith.index_cast %add3A_429 : i32 to index
        %get3A_433 = arith.constant 16 : index
        %get3A_434 = tpu.vector_load %arg10[%get3A_431, %get3A_432, %get3A_433] {strides = array<i32>} : memref<2x400x64xi32, #tpu.memory_space<vmem>>, vector<1x1x16xi32>,
        %get3A_435 = vector.shape_cast %get3A_434 : vector<1x1x16xi32> to vector<16xi32>
        %shift_left3A_436 = arith.constant 16 : i32
        %shift_left3A_437 = vector.broadcast %shift_left3A_436 : i32 to vector<16xi32>
        %shift_left3A_438 = arith.shli %get3A_435, %shift_left3A_437 : vector<16xi32>
        %bitcast_convert_type3A_439 = tpu.bitcast %shift_left3A_438 : vector<16xi32> -> vector<16xf32>
        %add3A_440 = arith.addf %add3A_423, %bitcast_convert_type3A_439 : vector<16xf32>
        %and3A_441 = vector.broadcast %while3A_30 : i32 to vector<16xi32>
        %and3A_442 = arith.andi %get3A_435, %and3A_441 : vector<16xi32>
        %bitcast_convert_type3A_443 = tpu.bitcast %and3A_442 : vector<16xi32> -> vector<16xf32>
        %add3A_444 = arith.addf %add3A_427, %bitcast_convert_type3A_443 : vector<16xf32>
        %add3A_445 = arith.constant 3 : i32
        %add3A_446 = arith.addi %mul3A_182, %add3A_445 : i32
        %get3A_447 = arith.constant 0 : i32
        %get3A_448 = arith.index_cast %get3A_447 : i32 to index
        %get3A_449 = arith.index_cast %add3A_446 : i32 to index
        %get3A_450 = arith.constant 16 : index
        %get3A_451 = tpu.vector_load %arg10[%get3A_448, %get3A_449, %get3A_450] {strides = array<i32>} : memref<2x400x64xi32, #tpu.memory_space<vmem>>, vector<1x1x16xi32>,
        %get3A_452 = vector.shape_cast %get3A_451 : vector<1x1x16xi32> to vector<16xi32>
        %shift_left3A_453 = arith.constant 16 : i32
        %shift_left3A_454 = vector.broadcast %shift_left3A_453 : i32 to vector<16xi32>
        %shift_left3A_455 = arith.shli %get3A_452, %shift_left3A_454 : vector<16xi32>
        %bitcast_convert_type3A_456 = tpu.bitcast %shift_left3A_455 : vector<16xi32> -> vector<16xf32>
        %add3A_457 = arith.addf %add3A_440, %bitcast_convert_type3A_456 : vector<16xf32>
        %and3A_458 = vector.broadcast %while3A_30 : i32 to vector<16xi32>
        %and3A_459 = arith.andi %get3A_452, %and3A_458 : vector<16xi32>
        %bitcast_convert_type3A_460 = tpu.bitcast %and3A_459 : vector<16xi32> -> vector<16xf32>
        %add3A_461 = arith.addf %add3A_444, %bitcast_convert_type3A_460 : vector<16xf32>
        %add3A_462 = arith.constant 4 : i32
        %add3A_463 = arith.addi %mul3A_182, %add3A_462 : i32
        %get3A_464 = arith.constant 0 : i32
        %get3A_465 = arith.index_cast %get3A_464 : i32 to index
        %get3A_466 = arith.index_cast %add3A_463 : i32 to index
        %get3A_467 = arith.constant 16 : index
        %get3A_468 = tpu.vector_load %arg10[%get3A_465, %get3A_466, %get3A_467] {strides = array<i32>} : memref<2x400x64xi32, #tpu.memory_space<vmem>>, vector<1x1x16xi32>,
        %get3A_469 = vector.shape_cast %get3A_468 : vector<1x1x16xi32> to vector<16xi32>
        %shift_left3A_470 = arith.constant 16 : i32
        %shift_left3A_471 = vector.broadcast %shift_left3A_470 : i32 to vector<16xi32>
        %shift_left3A_472 = arith.shli %get3A_469, %shift_left3A_471 : vector<16xi32>
        %bitcast_convert_type3A_473 = tpu.bitcast %shift_left3A_472 : vector<16xi32> -> vector<16xf32>
        %add3A_474 = arith.addf %add3A_457, %bitcast_convert_type3A_473 : vector<16xf32>
        %and3A_475 = vector.broadcast %while3A_30 : i32 to vector<16xi32>
        %and3A_476 = arith.andi %get3A_469, %and3A_475 : vector<16xi32>
        %bitcast_convert_type3A_477 = tpu.bitcast %and3A_476 : vector<16xi32> -> vector<16xf32>
        %add3A_478 = arith.addf %add3A_461, %bitcast_convert_type3A_477 : vector<16xf32>
        %add3A_479 = arith.constant 5 : i32
        %add3A_480 = arith.addi %mul3A_182, %add3A_479 : i32
        %get3A_481 = arith.constant 0 : i32
        %get3A_482 = arith.index_cast %get3A_481 : i32 to index
        %get3A_483 = arith.index_cast %add3A_480 : i32 to index
        %get3A_484 = arith.constant 16 : index
        %get3A_485 = tpu.vector_load %arg10[%get3A_482, %get3A_483, %get3A_484] {strides = array<i32>} : memref<2x400x64xi32, #tpu.memory_space<vmem>>, vector<1x1x16xi32>,
        %get3A_486 = vector.shape_cast %get3A_485 : vector<1x1x16xi32> to vector<16xi32>
        %shift_left3A_487 = arith.constant 16 : i32
        %shift_left3A_488 = vector.broadcast %shift_left3A_487 : i32 to vector<16xi32>
        %shift_left3A_489 = arith.shli %get3A_486, %shift_left3A_488 : vector<16xi32>
        %bitcast_convert_type3A_490 = tpu.bitcast %shift_left3A_489 : vector<16xi32> -> vector<16xf32>
        %add3A_491 = arith.addf %add3A_474, %bitcast_convert_type3A_490 : vector<16xf32>
        %and3A_492 = vector.broadcast %while3A_30 : i32 to vector<16xi32>
        %and3A_493 = arith.andi %get3A_486, %and3A_492 : vector<16xi32>
        %bitcast_convert_type3A_494 = tpu.bitcast %and3A_493 : vector<16xi32> -> vector<16xf32>
        %add3A_495 = arith.addf %add3A_478, %bitcast_convert_type3A_494 : vector<16xf32>
        %add3A_496 = arith.constant 6 : i32
        %add3A_497 = arith.addi %mul3A_182, %add3A_496 : i32
        %get3A_498 = arith.constant 0 : i32
        %get3A_499 = arith.index_cast %get3A_498 : i32 to index
        %get3A_500 = arith.index_cast %add3A_497 : i32 to index
        %get3A_501 = arith.constant 16 : index
        %get3A_502 = tpu.vector_load %arg10[%get3A_499, %get3A_500, %get3A_501] {strides = array<i32>} : memref<2x400x64xi32, #tpu.memory_space<vmem>>, vector<1x1x16xi32>,
        %get3A_503 = vector.shape_cast %get3A_502 : vector<1x1x16xi32> to vector<16xi32>
        %shift_left3A_504 = arith.constant 16 : i32
        %shift_left3A_505 = vector.broadcast %shift_left3A_504 : i32 to vector<16xi32>
        %shift_left3A_506 = arith.shli %get3A_503, %shift_left3A_505 : vector<16xi32>
        %bitcast_convert_type3A_507 = tpu.bitcast %shift_left3A_506 : vector<16xi32> -> vector<16xf32>
        %add3A_508 = arith.addf %add3A_491, %bitcast_convert_type3A_507 : vector<16xf32>
        %and3A_509 = vector.broadcast %while3A_30 : i32 to vector<16xi32>
        %and3A_510 = arith.andi %get3A_503, %and3A_509 : vector<16xi32>
        %bitcast_convert_type3A_511 = tpu.bitcast %and3A_510 : vector<16xi32> -> vector<16xf32>
        %add3A_512 = arith.addf %add3A_495, %bitcast_convert_type3A_511 : vector<16xf32>
        %add3A_513 = arith.constant 7 : i32
        %add3A_514 = arith.addi %mul3A_182, %add3A_513 : i32
        %get3A_515 = arith.constant 0 : i32
        %get3A_516 = arith.index_cast %get3A_515 : i32 to index
        %get3A_517 = arith.index_cast %add3A_514 : i32 to index
        %get3A_518 = arith.constant 16 : index
        %get3A_519 = tpu.vector_load %arg10[%get3A_516, %get3A_517, %get3A_518] {strides = array<i32>} : memref<2x400x64xi32, #tpu.memory_space<vmem>>, vector<1x1x16xi32>,
        %get3A_520 = vector.shape_cast %get3A_519 : vector<1x1x16xi32> to vector<16xi32>
        %shift_left3A_521 = arith.constant 16 : i32
        %shift_left3A_522 = vector.broadcast %shift_left3A_521 : i32 to vector<16xi32>
        %shift_left3A_523 = arith.shli %get3A_520, %shift_left3A_522 : vector<16xi32>
        %bitcast_convert_type3A_524 = tpu.bitcast %shift_left3A_523 : vector<16xi32> -> vector<16xf32>
        %add3A_525 = arith.addf %add3A_508, %bitcast_convert_type3A_524 : vector<16xf32>
        %and3A_526 = vector.broadcast %while3A_30 : i32 to vector<16xi32>
        %and3A_527 = arith.andi %get3A_520, %and3A_526 : vector<16xi32>
        %bitcast_convert_type3A_528 = tpu.bitcast %and3A_527 : vector<16xi32> -> vector<16xf32>
        %add3A_529 = arith.addf %add3A_512, %bitcast_convert_type3A_528 : vector<16xf32>
        %add3A_530 = arith.constant 8 : i32
        %add3A_531 = arith.addi %mul3A_182, %add3A_530 : i32
        %get3A_532 = arith.constant 0 : i32
        %get3A_533 = arith.index_cast %get3A_532 : i32 to index
        %get3A_534 = arith.index_cast %add3A_531 : i32 to index
        %get3A_535 = arith.constant 16 : index
        %get3A_536 = tpu.vector_load %arg10[%get3A_533, %get3A_534, %get3A_535] {strides = array<i32>} : memref<2x400x64xi32, #tpu.memory_space<vmem>>, vector<1x1x16xi32>,
        %get3A_537 = vector.shape_cast %get3A_536 : vector<1x1x16xi32> to vector<16xi32>
        %shift_left3A_538 = arith.constant 16 : i32
        %shift_left3A_539 = vector.broadcast %shift_left3A_538 : i32 to vector<16xi32>
        %shift_left3A_540 = arith.shli %get3A_537, %shift_left3A_539 : vector<16xi32>
        %bitcast_convert_type3A_541 = tpu.bitcast %shift_left3A_540 : vector<16xi32> -> vector<16xf32>
        %add3A_542 = arith.addf %add3A_525, %bitcast_convert_type3A_541 : vector<16xf32>
        %and3A_543 = vector.broadcast %while3A_30 : i32 to vector<16xi32>
        %and3A_544 = arith.andi %get3A_537, %and3A_543 : vector<16xi32>
        %bitcast_convert_type3A_545 = tpu.bitcast %and3A_544 : vector<16xi32> -> vector<16xf32>
        %add3A_546 = arith.addf %add3A_529, %bitcast_convert_type3A_545 : vector<16xf32>
        %add3A_547 = arith.constant 9 : i32
        %add3A_548 = arith.addi %mul3A_182, %add3A_547 : i32
        %get3A_549 = arith.constant 0 : i32
        %get3A_550 = arith.index_cast %get3A_549 : i32 to index
        %get3A_551 = arith.index_cast %add3A_548 : i32 to index
        %get3A_552 = arith.constant 16 : index
        %get3A_553 = tpu.vector_load %arg10[%get3A_550, %get3A_551, %get3A_552] {strides = array<i32>} : memref<2x400x64xi32, #tpu.memory_space<vmem>>, vector<1x1x16xi32>,
        %get3A_554 = vector.shape_cast %get3A_553 : vector<1x1x16xi32> to vector<16xi32>
        %shift_left3A_555 = arith.constant 16 : i32
        %shift_left3A_556 = vector.broadcast %shift_left3A_555 : i32 to vector<16xi32>
        %shift_left3A_557 = arith.shli %get3A_554, %shift_left3A_556 : vector<16xi32>
        %bitcast_convert_type3A_558 = tpu.bitcast %shift_left3A_557 : vector<16xi32> -> vector<16xf32>
        %add3A_559 = arith.addf %add3A_542, %bitcast_convert_type3A_558 : vector<16xf32>
        %and3A_560 = vector.broadcast %while3A_30 : i32 to vector<16xi32>
        %and3A_561 = arith.andi %get3A_554, %and3A_560 : vector<16xi32>
        %bitcast_convert_type3A_562 = tpu.bitcast %and3A_561 : vector<16xi32> -> vector<16xf32>
        %add3A_563 = arith.addf %add3A_546, %bitcast_convert_type3A_562 : vector<16xf32>
        %max3A_564 = arith.constant 0.000000e+00 : f32
        %max3A_565 = vector.broadcast %max3A_564 : f32 to vector<16xf32>
        %max3A_566 = arith.maximumf %add3A_559, %max3A_565 : vector<16xf32>
        %swap3A_567 = arith.constant 0 : i32
        %swap3A_568 = arith.index_cast %swap3A_567 : i32 to index
        %swap3A_569 = arith.index_cast %scan3A_180 : i32 to index
        %swap3A_570 = arith.constant 32 : index
        %swap3A_571 = tpu.vector_load %arg11[%swap3A_568, %swap3A_569, %swap3A_570] {strides = array<i32>} : memref<2x40x128xf32, #tpu.memory_space<vmem>>, vector<1x1x16xf32>,
        %swap3A_572 = vector.shape_cast %swap3A_571 : vector<1x1x16xf32> to vector<16xf32>
        %swap3A_573 = vector.shape_cast %max3A_566 : vector<16xf32> to vector<1x1x16xf32>
        tpu.vector_store %arg11[%swap3A_568, %swap3A_569, %swap3A_570], %swap3A_573 {strides = array<i32>} : memref<2x40x128xf32, #tpu.memory_space<vmem>>, vector<1x1x16xf32>,
        %max3A_574 = arith.constant 0.000000e+00 : f32
        %max3A_575 = vector.broadcast %max3A_574 : f32 to vector<16xf32>
        %max3A_576 = arith.maximumf %add3A_563, %max3A_575 : vector<16xf32>
        %swap3A_577 = arith.constant 0 : i32
        %swap3A_578 = arith.index_cast %swap3A_577 : i32 to index
        %swap3A_579 = arith.index_cast %scan3A_180 : i32 to index
        %swap3A_580 = arith.constant 48 : index
        %swap3A_581 = tpu.vector_load %arg11[%swap3A_578, %swap3A_579, %swap3A_580] {strides = array<i32>} : memref<2x40x128xf32, #tpu.memory_space<vmem>>, vector<1x1x16xf32>,
        %swap3A_582 = vector.shape_cast %swap3A_581 : vector<1x1x16xf32> to vector<16xf32>
        %swap3A_583 = vector.shape_cast %max3A_576 : vector<16xf32> to vector<1x1x16xf32>
        tpu.vector_store %arg11[%swap3A_578, %swap3A_579, %swap3A_580], %swap3A_583 {strides = array<i32>} : memref<2x40x128xf32, #tpu.memory_space<vmem>>, vector<1x1x16xf32>,
        %get3A_584 = arith.constant 0 : i32
        %get3A_585 = arith.index_cast %get3A_584 : i32 to index
        %get3A_586 = arith.index_cast %scan3A_180 : i32 to index
        %get3A_587 = arith.constant 32 : index
        %get3A_588 = tpu.vector_load %arg9[%get3A_585, %get3A_586, %get3A_587] {strides = array<i32>} : memref<2x40x64xi32, #tpu.memory_space<vmem>>, vector<1x1x16xi32>,
        %get3A_589 = vector.shape_cast %get3A_588 : vector<1x1x16xi32> to vector<16xi32>
        %shift_left3A_590 = arith.constant 16 : i32
        %shift_left3A_591 = vector.broadcast %shift_left3A_590 : i32 to vector<16xi32>
        %shift_left3A_592 = arith.shli %get3A_589, %shift_left3A_591 : vector<16xi32>
        %bitcast_convert_type3A_593 = tpu.bitcast %shift_left3A_592 : vector<16xi32> -> vector<16xf32>
        %and3A_594 = vector.broadcast %while3A_30 : i32 to vector<16xi32>
        %and3A_595 = arith.andi %get3A_589, %and3A_594 : vector<16xi32>
        %bitcast_convert_type3A_596 = tpu.bitcast %and3A_595 : vector<16xi32> -> vector<16xf32>
        %add3A_597 = arith.constant 0 : i32
        %add3A_598 = arith.addi %mul3A_182, %add3A_597 : i32
        %get3A_599 = arith.constant 0 : i32
        %get3A_600 = arith.index_cast %get3A_599 : i32 to index
        %get3A_601 = arith.index_cast %add3A_598 : i32 to index
        %get3A_602 = arith.constant 32 : index
        %get3A_603 = tpu.vector_load %arg10[%get3A_600, %get3A_601, %get3A_602] {strides = array<i32>} : memref<2x400x64xi32, #tpu.memory_space<vmem>>, vector<1x1x16xi32>,
        %get3A_604 = vector.shape_cast %get3A_603 : vector<1x1x16xi32> to vector<16xi32>
        %shift_left3A_605 = arith.constant 16 : i32
        %shift_left3A_606 = vector.broadcast %shift_left3A_605 : i32 to vector<16xi32>
        %shift_left3A_607 = arith.shli %get3A_604, %shift_left3A_606 : vector<16xi32>
        %bitcast_convert_type3A_608 = tpu.bitcast %shift_left3A_607 : vector<16xi32> -> vector<16xf32>
        %add3A_609 = arith.addf %bitcast_convert_type3A_593, %bitcast_convert_type3A_608 : vector<16xf32>
        %and3A_610 = vector.broadcast %while3A_30 : i32 to vector<16xi32>
        %and3A_611 = arith.andi %get3A_604, %and3A_610 : vector<16xi32>
        %bitcast_convert_type3A_612 = tpu.bitcast %and3A_611 : vector<16xi32> -> vector<16xf32>
        %add3A_613 = arith.addf %bitcast_convert_type3A_596, %bitcast_convert_type3A_612 : vector<16xf32>
        %add3A_614 = arith.constant 1 : i32
        %add3A_615 = arith.addi %mul3A_182, %add3A_614 : i32
        %get3A_616 = arith.constant 0 : i32
        %get3A_617 = arith.index_cast %get3A_616 : i32 to index
        %get3A_618 = arith.index_cast %add3A_615 : i32 to index
        %get3A_619 = arith.constant 32 : index
        %get3A_620 = tpu.vector_load %arg10[%get3A_617, %get3A_618, %get3A_619] {strides = array<i32>} : memref<2x400x64xi32, #tpu.memory_space<vmem>>, vector<1x1x16xi32>,
        %get3A_621 = vector.shape_cast %get3A_620 : vector<1x1x16xi32> to vector<16xi32>
        %shift_left3A_622 = arith.constant 16 : i32
        %shift_left3A_623 = vector.broadcast %shift_left3A_622 : i32 to vector<16xi32>
        %shift_left3A_624 = arith.shli %get3A_621, %shift_left3A_623 : vector<16xi32>
        %bitcast_convert_type3A_625 = tpu.bitcast %shift_left3A_624 : vector<16xi32> -> vector<16xf32>
        %add3A_626 = arith.addf %add3A_609, %bitcast_convert_type3A_625 : vector<16xf32>
        %and3A_627 = vector.broadcast %while3A_30 : i32 to vector<16xi32>
        %and3A_628 = arith.andi %get3A_621, %and3A_627 : vector<16xi32>
        %bitcast_convert_type3A_629 = tpu.bitcast %and3A_628 : vector<16xi32> -> vector<16xf32>
        %add3A_630 = arith.addf %add3A_613, %bitcast_convert_type3A_629 : vector<16xf32>
        %add3A_631 = arith.constant 2 : i32
        %add3A_632 = arith.addi %mul3A_182, %add3A_631 : i32
        %get3A_633 = arith.constant 0 : i32
        %get3A_634 = arith.index_cast %get3A_633 : i32 to index
        %get3A_635 = arith.index_cast %add3A_632 : i32 to index
        %get3A_636 = arith.constant 32 : index
        %get3A_637 = tpu.vector_load %arg10[%get3A_634, %get3A_635, %get3A_636] {strides = array<i32>} : memref<2x400x64xi32, #tpu.memory_space<vmem>>, vector<1x1x16xi32>,
        %get3A_638 = vector.shape_cast %get3A_637 : vector<1x1x16xi32> to vector<16xi32>
        %shift_left3A_639 = arith.constant 16 : i32
        %shift_left3A_640 = vector.broadcast %shift_left3A_639 : i32 to vector<16xi32>
        %shift_left3A_641 = arith.shli %get3A_638, %shift_left3A_640 : vector<16xi32>
        %bitcast_convert_type3A_642 = tpu.bitcast %shift_left3A_641 : vector<16xi32> -> vector<16xf32>
        %add3A_643 = arith.addf %add3A_626, %bitcast_convert_type3A_642 : vector<16xf32>
        %and3A_644 = vector.broadcast %while3A_30 : i32 to vector<16xi32>
        %and3A_645 = arith.andi %get3A_638, %and3A_644 : vector<16xi32>
        %bitcast_convert_type3A_646 = tpu.bitcast %and3A_645 : vector<16xi32> -> vector<16xf32>
        %add3A_647 = arith.addf %add3A_630, %bitcast_convert_type3A_646 : vector<16xf32>
        %add3A_648 = arith.constant 3 : i32
        %add3A_649 = arith.addi %mul3A_182, %add3A_648 : i32
        %get3A_650 = arith.constant 0 : i32
        %get3A_651 = arith.index_cast %get3A_650 : i32 to index
        %get3A_652 = arith.index_cast %add3A_649 : i32 to index
        %get3A_653 = arith.constant 32 : index
        %get3A_654 = tpu.vector_load %arg10[%get3A_651, %get3A_652, %get3A_653] {strides = array<i32>} : memref<2x400x64xi32, #tpu.memory_space<vmem>>, vector<1x1x16xi32>,
        %get3A_655 = vector.shape_cast %get3A_654 : vector<1x1x16xi32> to vector<16xi32>
        %shift_left3A_656 = arith.constant 16 : i32
        %shift_left3A_657 = vector.broadcast %shift_left3A_656 : i32 to vector<16xi32>
        %shift_left3A_658 = arith.shli %get3A_655, %shift_left3A_657 : vector<16xi32>
        %bitcast_convert_type3A_659 = tpu.bitcast %shift_left3A_658 : vector<16xi32> -> vector<16xf32>
        %add3A_660 = arith.addf %add3A_643, %bitcast_convert_type3A_659 : vector<16xf32>
        %and3A_661 = vector.broadcast %while3A_30 : i32 to vector<16xi32>
        %and3A_662 = arith.andi %get3A_655, %and3A_661 : vector<16xi32>
        %bitcast_convert_type3A_663 = tpu.bitcast %and3A_662 : vector<16xi32> -> vector<16xf32>
        %add3A_664 = arith.addf %add3A_647, %bitcast_convert_type3A_663 : vector<16xf32>
        %add3A_665 = arith.constant 4 : i32
        %add3A_666 = arith.addi %mul3A_182, %add3A_665 : i32
        %get3A_667 = arith.constant 0 : i32
        %get3A_668 = arith.index_cast %get3A_667 : i32 to index
        %get3A_669 = arith.index_cast %add3A_666 : i32 to index
        %get3A_670 = arith.constant 32 : index
        %get3A_671 = tpu.vector_load %arg10[%get3A_668, %get3A_669, %get3A_670] {strides = array<i32>} : memref<2x400x64xi32, #tpu.memory_space<vmem>>, vector<1x1x16xi32>,
        %get3A_672 = vector.shape_cast %get3A_671 : vector<1x1x16xi32> to vector<16xi32>
        %shift_left3A_673 = arith.constant 16 : i32
        %shift_left3A_674 = vector.broadcast %shift_left3A_673 : i32 to vector<16xi32>
        %shift_left3A_675 = arith.shli %get3A_672, %shift_left3A_674 : vector<16xi32>
        %bitcast_convert_type3A_676 = tpu.bitcast %shift_left3A_675 : vector<16xi32> -> vector<16xf32>
        %add3A_677 = arith.addf %add3A_660, %bitcast_convert_type3A_676 : vector<16xf32>
        %and3A_678 = vector.broadcast %while3A_30 : i32 to vector<16xi32>
        %and3A_679 = arith.andi %get3A_672, %and3A_678 : vector<16xi32>
        %bitcast_convert_type3A_680 = tpu.bitcast %and3A_679 : vector<16xi32> -> vector<16xf32>
        %add3A_681 = arith.addf %add3A_664, %bitcast_convert_type3A_680 : vector<16xf32>
        %add3A_682 = arith.constant 5 : i32
        %add3A_683 = arith.addi %mul3A_182, %add3A_682 : i32
        %get3A_684 = arith.constant 0 : i32
        %get3A_685 = arith.index_cast %get3A_684 : i32 to index
        %get3A_686 = arith.index_cast %add3A_683 : i32 to index
        %get3A_687 = arith.constant 32 : index
        %get3A_688 = tpu.vector_load %arg10[%get3A_685, %get3A_686, %get3A_687] {strides = array<i32>} : memref<2x400x64xi32, #tpu.memory_space<vmem>>, vector<1x1x16xi32>,
        %get3A_689 = vector.shape_cast %get3A_688 : vector<1x1x16xi32> to vector<16xi32>
        %shift_left3A_690 = arith.constant 16 : i32
        %shift_left3A_691 = vector.broadcast %shift_left3A_690 : i32 to vector<16xi32>
        %shift_left3A_692 = arith.shli %get3A_689, %shift_left3A_691 : vector<16xi32>
        %bitcast_convert_type3A_693 = tpu.bitcast %shift_left3A_692 : vector<16xi32> -> vector<16xf32>
        %add3A_694 = arith.addf %add3A_677, %bitcast_convert_type3A_693 : vector<16xf32>
        %and3A_695 = vector.broadcast %while3A_30 : i32 to vector<16xi32>
        %and3A_696 = arith.andi %get3A_689, %and3A_695 : vector<16xi32>
        %bitcast_convert_type3A_697 = tpu.bitcast %and3A_696 : vector<16xi32> -> vector<16xf32>
        %add3A_698 = arith.addf %add3A_681, %bitcast_convert_type3A_697 : vector<16xf32>
        %add3A_699 = arith.constant 6 : i32
        %add3A_700 = arith.addi %mul3A_182, %add3A_699 : i32
        %get3A_701 = arith.constant 0 : i32
        %get3A_702 = arith.index_cast %get3A_701 : i32 to index
        %get3A_703 = arith.index_cast %add3A_700 : i32 to index
        %get3A_704 = arith.constant 32 : index
        %get3A_705 = tpu.vector_load %arg10[%get3A_702, %get3A_703, %get3A_704] {strides = array<i32>} : memref<2x400x64xi32, #tpu.memory_space<vmem>>, vector<1x1x16xi32>,
        %get3A_706 = vector.shape_cast %get3A_705 : vector<1x1x16xi32> to vector<16xi32>
        %shift_left3A_707 = arith.constant 16 : i32
        %shift_left3A_708 = vector.broadcast %shift_left3A_707 : i32 to vector<16xi32>
        %shift_left3A_709 = arith.shli %get3A_706, %shift_left3A_708 : vector<16xi32>
        %bitcast_convert_type3A_710 = tpu.bitcast %shift_left3A_709 : vector<16xi32> -> vector<16xf32>
        %add3A_711 = arith.addf %add3A_694, %bitcast_convert_type3A_710 : vector<16xf32>
        %and3A_712 = vector.broadcast %while3A_30 : i32 to vector<16xi32>
        %and3A_713 = arith.andi %get3A_706, %and3A_712 : vector<16xi32>
        %bitcast_convert_type3A_714 = tpu.bitcast %and3A_713 : vector<16xi32> -> vector<16xf32>
        %add3A_715 = arith.addf %add3A_698, %bitcast_convert_type3A_714 : vector<16xf32>
        %add3A_716 = arith.constant 7 : i32
        %add3A_717 = arith.addi %mul3A_182, %add3A_716 : i32
        %get3A_718 = arith.constant 0 : i32
        %get3A_719 = arith.index_cast %get3A_718 : i32 to index
        %get3A_720 = arith.index_cast %add3A_717 : i32 to index
        %get3A_721 = arith.constant 32 : index
        %get3A_722 = tpu.vector_load %arg10[%get3A_719, %get3A_720, %get3A_721] {strides = array<i32>} : memref<2x400x64xi32, #tpu.memory_space<vmem>>, vector<1x1x16xi32>,
        %get3A_723 = vector.shape_cast %get3A_722 : vector<1x1x16xi32> to vector<16xi32>
        %shift_left3A_724 = arith.constant 16 : i32
        %shift_left3A_725 = vector.broadcast %shift_left3A_724 : i32 to vector<16xi32>
        %shift_left3A_726 = arith.shli %get3A_723, %shift_left3A_725 : vector<16xi32>
        %bitcast_convert_type3A_727 = tpu.bitcast %shift_left3A_726 : vector<16xi32> -> vector<16xf32>
        %add3A_728 = arith.addf %add3A_711, %bitcast_convert_type3A_727 : vector<16xf32>
        %and3A_729 = vector.broadcast %while3A_30 : i32 to vector<16xi32>
        %and3A_730 = arith.andi %get3A_723, %and3A_729 : vector<16xi32>
        %bitcast_convert_type3A_731 = tpu.bitcast %and3A_730 : vector<16xi32> -> vector<16xf32>
        %add3A_732 = arith.addf %add3A_715, %bitcast_convert_type3A_731 : vector<16xf32>
        %add3A_733 = arith.constant 8 : i32
        %add3A_734 = arith.addi %mul3A_182, %add3A_733 : i32
        %get3A_735 = arith.constant 0 : i32
        %get3A_736 = arith.index_cast %get3A_735 : i32 to index
        %get3A_737 = arith.index_cast %add3A_734 : i32 to index
        %get3A_738 = arith.constant 32 : index
        %get3A_739 = tpu.vector_load %arg10[%get3A_736, %get3A_737, %get3A_738] {strides = array<i32>} : memref<2x400x64xi32, #tpu.memory_space<vmem>>, vector<1x1x16xi32>,
        %get3A_740 = vector.shape_cast %get3A_739 : vector<1x1x16xi32> to vector<16xi32>
        %shift_left3A_741 = arith.constant 16 : i32
        %shift_left3A_742 = vector.broadcast %shift_left3A_741 : i32 to vector<16xi32>
        %shift_left3A_743 = arith.shli %get3A_740, %shift_left3A_742 : vector<16xi32>
        %bitcast_convert_type3A_744 = tpu.bitcast %shift_left3A_743 : vector<16xi32> -> vector<16xf32>
        %add3A_745 = arith.addf %add3A_728, %bitcast_convert_type3A_744 : vector<16xf32>
        %and3A_746 = vector.broadcast %while3A_30 : i32 to vector<16xi32>
        %and3A_747 = arith.andi %get3A_740, %and3A_746 : vector<16xi32>
        %bitcast_convert_type3A_748 = tpu.bitcast %and3A_747 : vector<16xi32> -> vector<16xf32>
        %add3A_749 = arith.addf %add3A_732, %bitcast_convert_type3A_748 : vector<16xf32>
        %add3A_750 = arith.constant 9 : i32
        %add3A_751 = arith.addi %mul3A_182, %add3A_750 : i32
        %get3A_752 = arith.constant 0 : i32
        %get3A_753 = arith.index_cast %get3A_752 : i32 to index
        %get3A_754 = arith.index_cast %add3A_751 : i32 to index
        %get3A_755 = arith.constant 32 : index
        %get3A_756 = tpu.vector_load %arg10[%get3A_753, %get3A_754, %get3A_755] {strides = array<i32>} : memref<2x400x64xi32, #tpu.memory_space<vmem>>, vector<1x1x16xi32>,
        %get3A_757 = vector.shape_cast %get3A_756 : vector<1x1x16xi32> to vector<16xi32>
        %shift_left3A_758 = arith.constant 16 : i32
        %shift_left3A_759 = vector.broadcast %shift_left3A_758 : i32 to vector<16xi32>
        %shift_left3A_760 = arith.shli %get3A_757, %shift_left3A_759 : vector<16xi32>
        %bitcast_convert_type3A_761 = tpu.bitcast %shift_left3A_760 : vector<16xi32> -> vector<16xf32>
        %add3A_762 = arith.addf %add3A_745, %bitcast_convert_type3A_761 : vector<16xf32>
        %and3A_763 = vector.broadcast %while3A_30 : i32 to vector<16xi32>
        %and3A_764 = arith.andi %get3A_757, %and3A_763 : vector<16xi32>
        %bitcast_convert_type3A_765 = tpu.bitcast %and3A_764 : vector<16xi32> -> vector<16xf32>
        %add3A_766 = arith.addf %add3A_749, %bitcast_convert_type3A_765 : vector<16xf32>
        %max3A_767 = arith.constant 0.000000e+00 : f32
        %max3A_768 = vector.broadcast %max3A_767 : f32 to vector<16xf32>
        %max3A_769 = arith.maximumf %add3A_762, %max3A_768 : vector<16xf32>
        %swap3A_770 = arith.constant 0 : i32
        %swap3A_771 = arith.index_cast %swap3A_770 : i32 to index
        %swap3A_772 = arith.index_cast %scan3A_180 : i32 to index
        %swap3A_773 = arith.constant 64 : index
        %swap3A_774 = tpu.vector_load %arg11[%swap3A_771, %swap3A_772, %swap3A_773] {strides = array<i32>} : memref<2x40x128xf32, #tpu.memory_space<vmem>>, vector<1x1x16xf32>,
        %swap3A_775 = vector.shape_cast %swap3A_774 : vector<1x1x16xf32> to vector<16xf32>
        %swap3A_776 = vector.shape_cast %max3A_769 : vector<16xf32> to vector<1x1x16xf32>
        tpu.vector_store %arg11[%swap3A_771, %swap3A_772, %swap3A_773], %swap3A_776 {strides = array<i32>} : memref<2x40x128xf32, #tpu.memory_space<vmem>>, vector<1x1x16xf32>,
        %max3A_777 = arith.constant 0.000000e+00 : f32
        %max3A_778 = vector.broadcast %max3A_777 : f32 to vector<16xf32>
        %max3A_779 = arith.maximumf %add3A_766, %max3A_778 : vector<16xf32>
        %swap3A_780 = arith.constant 0 : i32
        %swap3A_781 = arith.index_cast %swap3A_780 : i32 to index
        %swap3A_782 = arith.index_cast %scan3A_180 : i32 to index
        %swap3A_783 = arith.constant 80 : index
        %swap3A_784 = tpu.vector_load %arg11[%swap3A_781, %swap3A_782, %swap3A_783] {strides = array<i32>} : memref<2x40x128xf32, #tpu.memory_space<vmem>>, vector<1x1x16xf32>,
        %swap3A_785 = vector.shape_cast %swap3A_784 : vector<1x1x16xf32> to vector<16xf32>
        %swap3A_786 = vector.shape_cast %max3A_779 : vector<16xf32> to vector<1x1x16xf32>
        tpu.vector_store %arg11[%swap3A_781, %swap3A_782, %swap3A_783], %swap3A_786 {strides = array<i32>} : memref<2x40x128xf32, #tpu.memory_space<vmem>>, vector<1x1x16xf32>,
        %get3A_787 = arith.constant 0 : i32
        %get3A_788 = arith.index_cast %get3A_787 : i32 to index
        %get3A_789 = arith.index_cast %scan3A_180 : i32 to index
        %get3A_790 = arith.constant 48 : index
        %get3A_791 = tpu.vector_load %arg9[%get3A_788, %get3A_789, %get3A_790] {strides = array<i32>} : memref<2x40x64xi32, #tpu.memory_space<vmem>>, vector<1x1x16xi32>,
        %get3A_792 = vector.shape_cast %get3A_791 : vector<1x1x16xi32> to vector<16xi32>
        %shift_left3A_793 = arith.constant 16 : i32
        %shift_left3A_794 = vector.broadcast %shift_left3A_793 : i32 to vector<16xi32>
        %shift_left3A_795 = arith.shli %get3A_792, %shift_left3A_794 : vector<16xi32>
        %bitcast_convert_type3A_796 = tpu.bitcast %shift_left3A_795 : vector<16xi32> -> vector<16xf32>
        %and3A_797 = vector.broadcast %while3A_30 : i32 to vector<16xi32>
        %and3A_798 = arith.andi %get3A_792, %and3A_797 : vector<16xi32>
        %bitcast_convert_type3A_799 = tpu.bitcast %and3A_798 : vector<16xi32> -> vector<16xf32>
        %add3A_800 = arith.constant 0 : i32
        %add3A_801 = arith.addi %mul3A_182, %add3A_800 : i32
        %get3A_802 = arith.constant 0 : i32
        %get3A_803 = arith.index_cast %get3A_802 : i32 to index
        %get3A_804 = arith.index_cast %add3A_801 : i32 to index
        %get3A_805 = arith.constant 48 : index
        %get3A_806 = tpu.vector_load %arg10[%get3A_803, %get3A_804, %get3A_805] {strides = array<i32>} : memref<2x400x64xi32, #tpu.memory_space<vmem>>, vector<1x1x16xi32>,
        %get3A_807 = vector.shape_cast %get3A_806 : vector<1x1x16xi32> to vector<16xi32>
        %shift_left3A_808 = arith.constant 16 : i32
        %shift_left3A_809 = vector.broadcast %shift_left3A_808 : i32 to vector<16xi32>
        %shift_left3A_810 = arith.shli %get3A_807, %shift_left3A_809 : vector<16xi32>
        %bitcast_convert_type3A_811 = tpu.bitcast %shift_left3A_810 : vector<16xi32> -> vector<16xf32>
        %add3A_812 = arith.addf %bitcast_convert_type3A_796, %bitcast_convert_type3A_811 : vector<16xf32>
        %and3A_813 = vector.broadcast %while3A_30 : i32 to vector<16xi32>
        %and3A_814 = arith.andi %get3A_807, %and3A_813 : vector<16xi32>
        %bitcast_convert_type3A_815 = tpu.bitcast %and3A_814 : vector<16xi32> -> vector<16xf32>
        %add3A_816 = arith.addf %bitcast_convert_type3A_799, %bitcast_convert_type3A_815 : vector<16xf32>
        %add3A_817 = arith.constant 1 : i32
        %add3A_818 = arith.addi %mul3A_182, %add3A_817 : i32
        %get3A_819 = arith.constant 0 : i32
        %get3A_820 = arith.index_cast %get3A_819 : i32 to index
        %get3A_821 = arith.index_cast %add3A_818 : i32 to index
        %get3A_822 = arith.constant 48 : index
        %get3A_823 = tpu.vector_load %arg10[%get3A_820, %get3A_821, %get3A_822] {strides = array<i32>} : memref<2x400x64xi32, #tpu.memory_space<vmem>>, vector<1x1x16xi32>,
        %get3A_824 = vector.shape_cast %get3A_823 : vector<1x1x16xi32> to vector<16xi32>
        %shift_left3A_825 = arith.constant 16 : i32
        %shift_left3A_826 = vector.broadcast %shift_left3A_825 : i32 to vector<16xi32>
        %shift_left3A_827 = arith.shli %get3A_824, %shift_left3A_826 : vector<16xi32>
        %bitcast_convert_type3A_828 = tpu.bitcast %shift_left3A_827 : vector<16xi32> -> vector<16xf32>
        %add3A_829 = arith.addf %add3A_812, %bitcast_convert_type3A_828 : vector<16xf32>
        %and3A_830 = vector.broadcast %while3A_30 : i32 to vector<16xi32>
        %and3A_831 = arith.andi %get3A_824, %and3A_830 : vector<16xi32>
        %bitcast_convert_type3A_832 = tpu.bitcast %and3A_831 : vector<16xi32> -> vector<16xf32>
        %add3A_833 = arith.addf %add3A_816, %bitcast_convert_type3A_832 : vector<16xf32>
        %add3A_834 = arith.constant 2 : i32
        %add3A_835 = arith.addi %mul3A_182, %add3A_834 : i32
        %get3A_836 = arith.constant 0 : i32
        %get3A_837 = arith.index_cast %get3A_836 : i32 to index
        %get3A_838 = arith.index_cast %add3A_835 : i32 to index
        %get3A_839 = arith.constant 48 : index
        %get3A_840 = tpu.vector_load %arg10[%get3A_837, %get3A_838, %get3A_839] {strides = array<i32>} : memref<2x400x64xi32, #tpu.memory_space<vmem>>, vector<1x1x16xi32>,
        %get3A_841 = vector.shape_cast %get3A_840 : vector<1x1x16xi32> to vector<16xi32>
        %shift_left3A_842 = arith.constant 16 : i32
        %shift_left3A_843 = vector.broadcast %shift_left3A_842 : i32 to vector<16xi32>
        %shift_left3A_844 = arith.shli %get3A_841, %shift_left3A_843 : vector<16xi32>
        %bitcast_convert_type3A_845 = tpu.bitcast %shift_left3A_844 : vector<16xi32> -> vector<16xf32>
        %add3A_846 = arith.addf %add3A_829, %bitcast_convert_type3A_845 : vector<16xf32>
        %and3A_847 = vector.broadcast %while3A_30 : i32 to vector<16xi32>
        %and3A_848 = arith.andi %get3A_841, %and3A_847 : vector<16xi32>
        %bitcast_convert_type3A_849 = tpu.bitcast %and3A_848 : vector<16xi32> -> vector<16xf32>
        %add3A_850 = arith.addf %add3A_833, %bitcast_convert_type3A_849 : vector<16xf32>
        %add3A_851 = arith.constant 3 : i32
        %add3A_852 = arith.addi %mul3A_182, %add3A_851 : i32
        %get3A_853 = arith.constant 0 : i32
        %get3A_854 = arith.index_cast %get3A_853 : i32 to index
        %get3A_855 = arith.index_cast %add3A_852 : i32 to index
        %get3A_856 = arith.constant 48 : index
        %get3A_857 = tpu.vector_load %arg10[%get3A_854, %get3A_855, %get3A_856] {strides = array<i32>} : memref<2x400x64xi32, #tpu.memory_space<vmem>>, vector<1x1x16xi32>,
        %get3A_858 = vector.shape_cast %get3A_857 : vector<1x1x16xi32> to vector<16xi32>
        %shift_left3A_859 = arith.constant 16 : i32
        %shift_left3A_860 = vector.broadcast %shift_left3A_859 : i32 to vector<16xi32>
        %shift_left3A_861 = arith.shli %get3A_858, %shift_left3A_860 : vector<16xi32>
        %bitcast_convert_type3A_862 = tpu.bitcast %shift_left3A_861 : vector<16xi32> -> vector<16xf32>
        %add3A_863 = arith.addf %add3A_846, %bitcast_convert_type3A_862 : vector<16xf32>
        %and3A_864 = vector.broadcast %while3A_30 : i32 to vector<16xi32>
        %and3A_865 = arith.andi %get3A_858, %and3A_864 : vector<16xi32>
        %bitcast_convert_type3A_866 = tpu.bitcast %and3A_865 : vector<16xi32> -> vector<16xf32>
        %add3A_867 = arith.addf %add3A_850, %bitcast_convert_type3A_866 : vector<16xf32>
        %add3A_868 = arith.constant 4 : i32
        %add3A_869 = arith.addi %mul3A_182, %add3A_868 : i32
        %get3A_870 = arith.constant 0 : i32
        %get3A_871 = arith.index_cast %get3A_870 : i32 to index
        %get3A_872 = arith.index_cast %add3A_869 : i32 to index
        %get3A_873 = arith.constant 48 : index
        %get3A_874 = tpu.vector_load %arg10[%get3A_871, %get3A_872, %get3A_873] {strides = array<i32>} : memref<2x400x64xi32, #tpu.memory_space<vmem>>, vector<1x1x16xi32>,
        %get3A_875 = vector.shape_cast %get3A_874 : vector<1x1x16xi32> to vector<16xi32>
        %shift_left3A_876 = arith.constant 16 : i32
        %shift_left3A_877 = vector.broadcast %shift_left3A_876 : i32 to vector<16xi32>
        %shift_left3A_878 = arith.shli %get3A_875, %shift_left3A_877 : vector<16xi32>
        %bitcast_convert_type3A_879 = tpu.bitcast %shift_left3A_878 : vector<16xi32> -> vector<16xf32>
        %add3A_880 = arith.addf %add3A_863, %bitcast_convert_type3A_879 : vector<16xf32>
        %and3A_881 = vector.broadcast %while3A_30 : i32 to vector<16xi32>
        %and3A_882 = arith.andi %get3A_875, %and3A_881 : vector<16xi32>
        %bitcast_convert_type3A_883 = tpu.bitcast %and3A_882 : vector<16xi32> -> vector<16xf32>
        %add3A_884 = arith.addf %add3A_867, %bitcast_convert_type3A_883 : vector<16xf32>
        %add3A_885 = arith.constant 5 : i32
        %add3A_886 = arith.addi %mul3A_182, %add3A_885 : i32
        %get3A_887 = arith.constant 0 : i32
        %get3A_888 = arith.index_cast %get3A_887 : i32 to index
        %get3A_889 = arith.index_cast %add3A_886 : i32 to index
        %get3A_890 = arith.constant 48 : index
        %get3A_891 = tpu.vector_load %arg10[%get3A_888, %get3A_889, %get3A_890] {strides = array<i32>} : memref<2x400x64xi32, #tpu.memory_space<vmem>>, vector<1x1x16xi32>,
        %get3A_892 = vector.shape_cast %get3A_891 : vector<1x1x16xi32> to vector<16xi32>
        %shift_left3A_893 = arith.constant 16 : i32
        %shift_left3A_894 = vector.broadcast %shift_left3A_893 : i32 to vector<16xi32>
        %shift_left3A_895 = arith.shli %get3A_892, %shift_left3A_894 : vector<16xi32>
        %bitcast_convert_type3A_896 = tpu.bitcast %shift_left3A_895 : vector<16xi32> -> vector<16xf32>
        %add3A_897 = arith.addf %add3A_880, %bitcast_convert_type3A_896 : vector<16xf32>
        %and3A_898 = vector.broadcast %while3A_30 : i32 to vector<16xi32>
        %and3A_899 = arith.andi %get3A_892, %and3A_898 : vector<16xi32>
        %bitcast_convert_type3A_900 = tpu.bitcast %and3A_899 : vector<16xi32> -> vector<16xf32>
        %add3A_901 = arith.addf %add3A_884, %bitcast_convert_type3A_900 : vector<16xf32>
        %add3A_902 = arith.constant 6 : i32
        %add3A_903 = arith.addi %mul3A_182, %add3A_902 : i32
        %get3A_904 = arith.constant 0 : i32
        %get3A_905 = arith.index_cast %get3A_904 : i32 to index
        %get3A_906 = arith.index_cast %add3A_903 : i32 to index
        %get3A_907 = arith.constant 48 : index
        %get3A_908 = tpu.vector_load %arg10[%get3A_905, %get3A_906, %get3A_907] {strides = array<i32>} : memref<2x400x64xi32, #tpu.memory_space<vmem>>, vector<1x1x16xi32>,
        %get3A_909 = vector.shape_cast %get3A_908 : vector<1x1x16xi32> to vector<16xi32>
        %shift_left3A_910 = arith.constant 16 : i32
        %shift_left3A_911 = vector.broadcast %shift_left3A_910 : i32 to vector<16xi32>
        %shift_left3A_912 = arith.shli %get3A_909, %shift_left3A_911 : vector<16xi32>
        %bitcast_convert_type3A_913 = tpu.bitcast %shift_left3A_912 : vector<16xi32> -> vector<16xf32>
        %add3A_914 = arith.addf %add3A_897, %bitcast_convert_type3A_913 : vector<16xf32>
        %and3A_915 = vector.broadcast %while3A_30 : i32 to vector<16xi32>
        %and3A_916 = arith.andi %get3A_909, %and3A_915 : vector<16xi32>
        %bitcast_convert_type3A_917 = tpu.bitcast %and3A_916 : vector<16xi32> -> vector<16xf32>
        %add3A_918 = arith.addf %add3A_901, %bitcast_convert_type3A_917 : vector<16xf32>
        %add3A_919 = arith.constant 7 : i32
        %add3A_920 = arith.addi %mul3A_182, %add3A_919 : i32
        %get3A_921 = arith.constant 0 : i32
        %get3A_922 = arith.index_cast %get3A_921 : i32 to index
        %get3A_923 = arith.index_cast %add3A_920 : i32 to index
        %get3A_924 = arith.constant 48 : index
        %get3A_925 = tpu.vector_load %arg10[%get3A_922, %get3A_923, %get3A_924] {strides = array<i32>} : memref<2x400x64xi32, #tpu.memory_space<vmem>>, vector<1x1x16xi32>,
        %get3A_926 = vector.shape_cast %get3A_925 : vector<1x1x16xi32> to vector<16xi32>
        %shift_left3A_927 = arith.constant 16 : i32
        %shift_left3A_928 = vector.broadcast %shift_left3A_927 : i32 to vector<16xi32>
        %shift_left3A_929 = arith.shli %get3A_926, %shift_left3A_928 : vector<16xi32>
        %bitcast_convert_type3A_930 = tpu.bitcast %shift_left3A_929 : vector<16xi32> -> vector<16xf32>
        %add3A_931 = arith.addf %add3A_914, %bitcast_convert_type3A_930 : vector<16xf32>
        %and3A_932 = vector.broadcast %while3A_30 : i32 to vector<16xi32>
        %and3A_933 = arith.andi %get3A_926, %and3A_932 : vector<16xi32>
        %bitcast_convert_type3A_934 = tpu.bitcast %and3A_933 : vector<16xi32> -> vector<16xf32>
        %add3A_935 = arith.addf %add3A_918, %bitcast_convert_type3A_934 : vector<16xf32>
        %add3A_936 = arith.constant 8 : i32
        %add3A_937 = arith.addi %mul3A_182, %add3A_936 : i32
        %get3A_938 = arith.constant 0 : i32
        %get3A_939 = arith.index_cast %get3A_938 : i32 to index
        %get3A_940 = arith.index_cast %add3A_937 : i32 to index
        %get3A_941 = arith.constant 48 : index
        %get3A_942 = tpu.vector_load %arg10[%get3A_939, %get3A_940, %get3A_941] {strides = array<i32>} : memref<2x400x64xi32, #tpu.memory_space<vmem>>, vector<1x1x16xi32>,
        %get3A_943 = vector.shape_cast %get3A_942 : vector<1x1x16xi32> to vector<16xi32>
        %shift_left3A_944 = arith.constant 16 : i32
        %shift_left3A_945 = vector.broadcast %shift_left3A_944 : i32 to vector<16xi32>
        %shift_left3A_946 = arith.shli %get3A_943, %shift_left3A_945 : vector<16xi32>
        %bitcast_convert_type3A_947 = tpu.bitcast %shift_left3A_946 : vector<16xi32> -> vector<16xf32>
        %add3A_948 = arith.addf %add3A_931, %bitcast_convert_type3A_947 : vector<16xf32>
        %and3A_949 = vector.broadcast %while3A_30 : i32 to vector<16xi32>
        %and3A_950 = arith.andi %get3A_943, %and3A_949 : vector<16xi32>
        %bitcast_convert_type3A_951 = tpu.bitcast %and3A_950 : vector<16xi32> -> vector<16xf32>
        %add3A_952 = arith.addf %add3A_935, %bitcast_convert_type3A_951 : vector<16xf32>
        %add3A_953 = arith.constant 9 : i32
        %add3A_954 = arith.addi %mul3A_182, %add3A_953 : i32
        %get3A_955 = arith.constant 0 : i32
        %get3A_956 = arith.index_cast %get3A_955 : i32 to index
        %get3A_957 = arith.index_cast %add3A_954 : i32 to index
        %get3A_958 = arith.constant 48 : index
        %get3A_959 = tpu.vector_load %arg10[%get3A_956, %get3A_957, %get3A_958] {strides = array<i32>} : memref<2x400x64xi32, #tpu.memory_space<vmem>>, vector<1x1x16xi32>,
        %get3A_960 = vector.shape_cast %get3A_959 : vector<1x1x16xi32> to vector<16xi32>
        %shift_left3A_961 = arith.constant 16 : i32
        %shift_left3A_962 = vector.broadcast %shift_left3A_961 : i32 to vector<16xi32>
        %shift_left3A_963 = arith.shli %get3A_960, %shift_left3A_962 : vector<16xi32>
        %bitcast_convert_type3A_964 = tpu.bitcast %shift_left3A_963 : vector<16xi32> -> vector<16xf32>
        %add3A_965 = arith.addf %add3A_948, %bitcast_convert_type3A_964 : vector<16xf32>
        %and3A_966 = vector.broadcast %while3A_30 : i32 to vector<16xi32>
        %and3A_967 = arith.andi %get3A_960, %and3A_966 : vector<16xi32>
        %bitcast_convert_type3A_968 = tpu.bitcast %and3A_967 : vector<16xi32> -> vector<16xf32>
        %add3A_969 = arith.addf %add3A_952, %bitcast_convert_type3A_968 : vector<16xf32>
        %max3A_970 = arith.constant 0.000000e+00 : f32
        %max3A_971 = vector.broadcast %max3A_970 : f32 to vector<16xf32>
        %max3A_972 = arith.maximumf %add3A_965, %max3A_971 : vector<16xf32>
        %swap3A_973 = arith.constant 0 : i32
        %swap3A_974 = arith.index_cast %swap3A_973 : i32 to index
        %swap3A_975 = arith.index_cast %scan3A_180 : i32 to index
        %swap3A_976 = arith.constant 96 : index
        %swap3A_977 = tpu.vector_load %arg11[%swap3A_974, %swap3A_975, %swap3A_976] {strides = array<i32>} : memref<2x40x128xf32, #tpu.memory_space<vmem>>, vector<1x1x16xf32>,
        %swap3A_978 = vector.shape_cast %swap3A_977 : vector<1x1x16xf32> to vector<16xf32>
        %swap3A_979 = vector.shape_cast %max3A_972 : vector<16xf32> to vector<1x1x16xf32>
        tpu.vector_store %arg11[%swap3A_974, %swap3A_975, %swap3A_976], %swap3A_979 {strides = array<i32>} : memref<2x40x128xf32, #tpu.memory_space<vmem>>, vector<1x1x16xf32>,
        %max3A_980 = arith.constant 0.000000e+00 : f32
        %max3A_981 = vector.broadcast %max3A_980 : f32 to vector<16xf32>
        %max3A_982 = arith.maximumf %add3A_969, %max3A_981 : vector<16xf32>
        %swap3A_983 = arith.constant 0 : i32
        %swap3A_984 = arith.index_cast %swap3A_983 : i32 to index
        %swap3A_985 = arith.index_cast %scan3A_180 : i32 to index
        %swap3A_986 = arith.constant 112 : index
        %swap3A_987 = tpu.vector_load %arg11[%swap3A_984, %swap3A_985, %swap3A_986] {strides = array<i32>} : memref<2x40x128xf32, #tpu.memory_space<vmem>>, vector<1x1x16xf32>,
        %swap3A_988 = vector.shape_cast %swap3A_987 : vector<1x1x16xf32> to vector<16xf32>
        %swap3A_989 = vector.shape_cast %max3A_982 : vector<16xf32> to vector<1x1x16xf32>
        tpu.vector_store %arg11[%swap3A_984, %swap3A_985, %swap3A_986], %swap3A_989 {strides = array<i32>} : memref<2x40x128xf32, #tpu.memory_space<vmem>>, vector<1x1x16xf32>,
      }
      %scan3A_97 = arith.constant 40 : i32
      %mul3A_98 = arith.constant 40 : i32
      %mul3A_99 = arith.muli %add3A_54, %mul3A_98 : i32
      %add3A_100 = arith.addi %add3A, %mul3A_99 : i32
      %dma_start3A = arith.constant 0 : i32
      %dma_start3A_101 = arith.constant 0 : i32
      %dma_start3A_102 = arith.constant 0 : i32
      %dma_start3A_103 = tpu.memref_slice %arg11[%dma_start3A, %dma_start3A_101, %dma_start3A_102] : memref<2x40x128xf32, #tpu.memory_space<vmem>> -> memref<1x40x128xf32, #tpu.memory_space<vmem>>
      %dma_start3A_104 = tpu.memref_squeeze %dma_start3A_103 : memref<1x40x128xf32, #tpu.memory_space<vmem>> -> memref<40x128xf32, #tpu.memory_space<vmem>>
      %dma_start3A_105 = arith.constant 0 : i32
      %dma_start3A_106 = tpu.memref_slice %arg6[%add3A_100, %dma_start3A_105] : memref<51200x128xf32, #tpu.memory_space<hbm>> -> memref<40x128xf32, #tpu.memory_space<hbm>>
      %dma_start3A_107 = arith.constant 0 : i32
      %dma_start3A_108 = tpu.memref_slice %arg6[%add3A_100, %dma_start3A_107] : memref<51200x128xf32, #tpu.memory_space<hbm>> -> memref<40x128xf32, #tpu.memory_space<hbm>>
      %dma_start3A_109 = arith.constant 0 : i32
      %dma_start3A_110 = arith.constant 0 : i32
      %dma_start3A_111 = tpu.memref_slice %arg11[%dma_start3A, %dma_start3A_109, %dma_start3A_110] : memref<2x40x128xf32, #tpu.memory_space<vmem>> -> memref<1x40x128xf32, #tpu.memory_space<vmem>>
      %dma_start3A_112 = tpu.memref_squeeze %dma_start3A_111 : memref<1x40x128xf32, #tpu.memory_space<vmem>> -> memref<40x128xf32, #tpu.memory_space<vmem>>
      tpu.enqueue_dma source(%dma_start3A_112 : memref<40x128xf32, #tpu.memory_space<vmem>>) target(%dma_start3A_108 : memref<40x128xf32, #tpu.memory_space<hbm>>) target_semaphore(%arg14 : memref<!tpu.dma_semaphore, #tpu.memory_space<semaphore_mem>>)
      %mul3A_113 = arith.constant 2 : i32
      %mul3A_114 = arith.muli %while3A_50, %mul3A_113 : i32
      %add3A_115 = arith.constant 1 : i32
      %add3A_116 = arith.addi %mul3A_114, %add3A_115 : i32
      %dma_wait3A_117 = arith.constant 1 : i32
      %dma_wait3A_118 = arith.constant 0 : i32
      %dma_wait3A_119 = arith.constant 0 : i32
      %dma_wait3A_120 = tpu.memref_slice %arg9[%dma_wait3A_117, %dma_wait3A_118, %dma_wait3A_119] : memref<2x40x64xi32, #tpu.memory_space<vmem>> -> memref<1x40x64xi32, #tpu.memory_space<vmem>>
      %dma_wait3A_121 = tpu.memref_squeeze %dma_wait3A_120 : memref<1x40x64xi32, #tpu.memory_space<vmem>> -> memref<40x64xi32, #tpu.memory_space<vmem>>
      %dma_wait3A_122 = arith.constant 0 : i32
      %dma_wait3A_123 = arith.constant 0 : i32
      %dma_wait3A_124 = tpu.memref_slice %arg4[%dma_wait3A_122, %dma_wait3A_123] : memref<50000x64xi32, #tpu.memory_space<hbm>> -> memref<40x64xi32, #tpu.memory_space<hbm>>
      %dma_wait3A_125 = arith.constant 0 : i32
      %dma_wait3A_126 = arith.constant 0 : i32
      %dma_wait3A_127 = tpu.memref_slice %arg9[%dma_wait3A_117, %dma_wait3A_125, %dma_wait3A_126] : memref<2x40x64xi32, #tpu.memory_space<vmem>> -> memref<1x40x64xi32, #tpu.memory_space<vmem>>
      %dma_wait3A_128 = tpu.memref_squeeze %dma_wait3A_127 : memref<1x40x64xi32, #tpu.memory_space<vmem>> -> memref<40x64xi32, #tpu.memory_space<vmem>>
      %dma_wait3A_129 = arith.constant 0 : i32
      %dma_wait3A_130 = arith.constant 0 : i32
      %dma_wait3A_131 = tpu.memref_slice %arg4[%dma_wait3A_129, %dma_wait3A_130] : memref<50000x64xi32, #tpu.memory_space<hbm>> -> memref<40x64xi32, #tpu.memory_space<hbm>>
      tpu.wait_dma2 semaphore(%arg13 : memref<!tpu.dma_semaphore, #tpu.memory_space<semaphore_mem>>) src(%dma_wait3A_131 : memref<40x64xi32, #tpu.memory_space<hbm>>) dst(%dma_wait3A_128 : memref<40x64xi32, #tpu.memory_space<vmem>>)
      %dma_wait3A_132 = arith.constant 1 : i32
      %dma_wait3A_133 = arith.constant 0 : i32
      %dma_wait3A_134 = arith.constant 0 : i32
      %dma_wait3A_135 = tpu.memref_slice %arg10[%dma_wait3A_132, %dma_wait3A_133, %dma_wait3A_134] : memref<2x400x64xi32, #tpu.memory_space<vmem>> -> memref<1x400x64xi32, #tpu.memory_space<vmem>>
      %dma_wait3A_136 = tpu.memref_squeeze %dma_wait3A_135 : memref<1x400x64xi32, #tpu.memory_space<vmem>> -> memref<400x64xi32, #tpu.memory_space<vmem>>
      %dma_wait3A_137 = arith.constant 0 : i32
      %dma_wait3A_138 = arith.constant 0 : i32
      %dma_wait3A_139 = tpu.memref_slice %arg5[%dma_wait3A_137, %dma_wait3A_138] : memref<50000x64xi32, #tpu.memory_space<hbm>> -> memref<400x64xi32, #tpu.memory_space<hbm>>
      %dma_wait3A_140 = arith.constant 0 : i32
      %dma_wait3A_141 = arith.constant 0 : i32
      %dma_wait3A_142 = tpu.memref_slice %arg10[%dma_wait3A_132, %dma_wait3A_140, %dma_wait3A_141] : memref<2x400x64xi32, #tpu.memory_space<vmem>> -> memref<1x400x64xi32, #tpu.memory_space<vmem>>
      %dma_wait3A_143 = tpu.memref_squeeze %dma_wait3A_142 : memref<1x400x64xi32, #tpu.memory_space<vmem>> -> memref<400x64xi32, #tpu.memory_space<vmem>>
      %dma_wait3A_144 = arith.constant 0 : i32
      %dma_wait3A_145 = arith.constant 0 : i32
      %dma_wait3A_146 = tpu.memref_slice %arg5[%dma_wait3A_144, %dma_wait3A_145] : memref<50000x64xi32, #tpu.memory_space<hbm>> -> memref<400x64xi32, #tpu.memory_space<hbm>>
      tpu.wait_dma2 semaphore(%arg13 : memref<!tpu.dma_semaphore, #tpu.memory_space<semaphore_mem>>) src(%dma_wait3A_146 : memref<400x64xi32, #tpu.memory_space<hbm>>) dst(%dma_wait3A_143 : memref<400x64xi32, #tpu.memory_space<vmem>>)
      %add3A_147 = arith.constant 1 : i32
      %add3A_148 = arith.addi %add3A_116, %add3A_147 : i32
      %lt3A_149 = arith.cmpi slt, %add3A_148, %select_n3A : i32
      %convert_element_type3A_150 = arith.extui %lt3A_149 : i1 to i32
      %cond3A_151 = arith.constant 0 : i32
      %cond3A_152 = arith.cmpi ne, %convert_element_type3A_150, %cond3A_151 : i32
      scf.if %cond3A_152 {
        %add3A_180 = arith.constant 1 : i32
        %add3A_181 = arith.addi %add3A_116, %add3A_180 : i32
        %mul3A_182 = arith.constant 40 : i32
        %mul3A_183 = arith.muli %add3A_181, %mul3A_182 : i32
        %dma_start3A_184 = arith.constant 0 : i32
        %dma_start3A_185 = arith.constant 0 : i32
        %dma_start3A_186 = arith.constant 0 : i32
        %dma_start3A_187 = tpu.memref_slice %arg9[%dma_start3A_184, %dma_start3A_185, %dma_start3A_186] : memref<2x40x64xi32, #tpu.memory_space<vmem>> -> memref<1x40x64xi32, #tpu.memory_space<vmem>>
        %dma_start3A_188 = tpu.memref_squeeze %dma_start3A_187 : memref<1x40x64xi32, #tpu.memory_space<vmem>> -> memref<40x64xi32, #tpu.memory_space<vmem>>
        %dma_start3A_189 = tpu.memref_slice %arg7[%mul3A_183] : memref<2320xi32, #tpu.memory_space<vmem>> -> memref<40xi32, #tpu.memory_space<vmem>>
        %dma_start3A_190 = arith.constant 0 : i32
        %dma_start3A_191 = arith.constant 0 : i32
        %dma_start3A_192 = tpu.memref_slice %arg4[%dma_start3A_190, %dma_start3A_191] : memref<50000x64xi32, #tpu.memory_space<hbm>> -> memref<50000x64xi32, #tpu.memory_space<hbm>>
        tpu.enqueue_indirect_dma source(%dma_start3A_192 : memref<50000x64xi32, #tpu.memory_space<hbm>>) target(%dma_start3A_188 : memref<40x64xi32, #tpu.memory_space<vmem>>) offsets(%dma_start3A_189 : memref<40xi32, #tpu.memory_space<vmem>>) semaphore(%arg12 : memref<!tpu.dma_semaphore, #tpu.memory_space<semaphore_mem>>)
        %mul3A_193 = arith.constant 400 : i32
        %mul3A_194 = arith.muli %add3A_181, %mul3A_193 : i32
        %dma_start3A_195 = arith.constant 0 : i32
        %dma_start3A_196 = arith.constant 0 : i32
        %dma_start3A_197 = arith.constant 0 : i32
        %dma_start3A_198 = tpu.memref_slice %arg10[%dma_start3A_195, %dma_start3A_196, %dma_start3A_197] : memref<2x400x64xi32, #tpu.memory_space<vmem>> -> memref<1x400x64xi32, #tpu.memory_space<vmem>>
        %dma_start3A_199 = tpu.memref_squeeze %dma_start3A_198 : memref<1x400x64xi32, #tpu.memory_space<vmem>> -> memref<400x64xi32, #tpu.memory_space<vmem>>
        %dma_start3A_200 = tpu.memref_slice %arg8[%mul3A_194] : memref<23200xi32, #tpu.memory_space<vmem>> -> memref<400xi32, #tpu.memory_space<vmem>>
        %dma_start3A_201 = arith.constant 0 : i32
        %dma_start3A_202 = arith.constant 0 : i32
        %dma_start3A_203 = tpu.memref_slice %arg5[%dma_start3A_201, %dma_start3A_202] : memref<50000x64xi32, #tpu.memory_space<hbm>> -> memref<50000x64xi32, #tpu.memory_space<hbm>>
        tpu.enqueue_indirect_dma source(%dma_start3A_203 : memref<50000x64xi32, #tpu.memory_space<hbm>>) target(%dma_start3A_199 : memref<400x64xi32, #tpu.memory_space<vmem>>) offsets(%dma_start3A_200 : memref<400xi32, #tpu.memory_space<vmem>>) semaphore(%arg12 : memref<!tpu.dma_semaphore, #tpu.memory_space<semaphore_mem>>)
      } else {
      }
      %ge3A_153 = arith.constant 2 : i32
      %ge3A_154 = arith.cmpi sge, %add3A_116, %ge3A_153 : i32
      %convert_element_type3A_155 = arith.extui %ge3A_154 : i1 to i32
      %cond3A_156 = arith.constant 0 : i32
      %cond3A_157 = arith.cmpi ne, %convert_element_type3A_155, %cond3A_156 : i32
      scf.if %cond3A_157 {
        %dma_wait3A_180 = arith.constant 1 : i32
        %dma_wait3A_181 = arith.constant 0 : i32
        %dma_wait3A_182 = arith.constant 0 : i32
        %dma_wait3A_183 = tpu.memref_slice %arg11[%dma_wait3A_180, %dma_wait3A_181, %dma_wait3A_182] : memref<2x40x128xf32, #tpu.memory_space<vmem>> -> memref<1x40x128xf32, #tpu.memory_space<vmem>>
        %dma_wait3A_184 = tpu.memref_squeeze %dma_wait3A_183 : memref<1x40x128xf32, #tpu.memory_space<vmem>> -> memref<40x128xf32, #tpu.memory_space<vmem>>
        %dma_wait3A_185 = arith.constant 0 : i32
        %dma_wait3A_186 = arith.constant 0 : i32
        %dma_wait3A_187 = tpu.memref_slice %arg6[%dma_wait3A_185, %dma_wait3A_186] : memref<51200x128xf32, #tpu.memory_space<hbm>> -> memref<40x128xf32, #tpu.memory_space<hbm>>
        %dma_wait3A_188 = arith.constant 0 : i32
        %dma_wait3A_189 = arith.constant 0 : i32
        %dma_wait3A_190 = tpu.memref_slice %arg11[%dma_wait3A_180, %dma_wait3A_188, %dma_wait3A_189] : memref<2x40x128xf32, #tpu.memory_space<vmem>> -> memref<1x40x128xf32, #tpu.memory_space<vmem>>
        %dma_wait3A_191 = tpu.memref_squeeze %dma_wait3A_190 : memref<1x40x128xf32, #tpu.memory_space<vmem>> -> memref<40x128xf32, #tpu.memory_space<vmem>>
        %dma_wait3A_192 = arith.constant 0 : i32
        %dma_wait3A_193 = arith.constant 0 : i32
        %dma_wait3A_194 = tpu.memref_slice %arg6[%dma_wait3A_192, %dma_wait3A_193] : memref<51200x128xf32, #tpu.memory_space<hbm>> -> memref<40x128xf32, #tpu.memory_space<hbm>>
        tpu.wait_dma2 semaphore(%arg15 : memref<!tpu.dma_semaphore, #tpu.memory_space<semaphore_mem>>) src(%dma_wait3A_194 : memref<40x128xf32, #tpu.memory_space<hbm>>) dst(%dma_wait3A_191 : memref<40x128xf32, #tpu.memory_space<vmem>>)
      } else {
      }
      %scan3A_158 = arith.constant 0 : i32
      %scan3A_159 = arith.constant 0 : i32
      %scan3A_160 = arith.constant 40 : i32
      %scan3A_161 = arith.addi %scan3A_159, %scan3A_160 : i32
      %scan3A_162 = arith.constant 1 : i32
      scf.for %scan3A_180 = %scan3A_159 to %scan3A_161 step %scan3A_162  : i32 {
        %mul3A_181 = arith.constant 10 : i32
        %mul3A_182 = arith.muli %scan3A_180, %mul3A_181 : i32
        %get3A = arith.constant 1 : i32
        %get3A_183 = arith.index_cast %get3A : i32 to index
        %get3A_184 = arith.index_cast %scan3A_180 : i32 to index
        %get3A_185 = arith.constant 0 : index
        %get3A_186 = tpu.vector_load %arg9[%get3A_183, %get3A_184, %get3A_185] {strides = array<i32>} : memref<2x40x64xi32, #tpu.memory_space<vmem>>, vector<1x1x16xi32>,
        %get3A_187 = vector.shape_cast %get3A_186 : vector<1x1x16xi32> to vector<16xi32>
        %shift_left3A = arith.constant 16 : i32
        %shift_left3A_188 = vector.broadcast %shift_left3A : i32 to vector<16xi32>
        %shift_left3A_189 = arith.shli %get3A_187, %shift_left3A_188 : vector<16xi32>
        %bitcast_convert_type3A = tpu.bitcast %shift_left3A_189 : vector<16xi32> -> vector<16xf32>
        %and3A_190 = vector.broadcast %while3A_30 : i32 to vector<16xi32>
        %and3A_191 = arith.andi %get3A_187, %and3A_190 : vector<16xi32>
        %bitcast_convert_type3A_192 = tpu.bitcast %and3A_191 : vector<16xi32> -> vector<16xf32>
        %add3A_193 = arith.constant 0 : i32
        %add3A_194 = arith.addi %mul3A_182, %add3A_193 : i32
        %get3A_195 = arith.constant 1 : i32
        %get3A_196 = arith.index_cast %get3A_195 : i32 to index
        %get3A_197 = arith.index_cast %add3A_194 : i32 to index
        %get3A_198 = arith.constant 0 : index
        %get3A_199 = tpu.vector_load %arg10[%get3A_196, %get3A_197, %get3A_198] {strides = array<i32>} : memref<2x400x64xi32, #tpu.memory_space<vmem>>, vector<1x1x16xi32>,
        %get3A_200 = vector.shape_cast %get3A_199 : vector<1x1x16xi32> to vector<16xi32>
        %shift_left3A_201 = arith.constant 16 : i32
        %shift_left3A_202 = vector.broadcast %shift_left3A_201 : i32 to vector<16xi32>
        %shift_left3A_203 = arith.shli %get3A_200, %shift_left3A_202 : vector<16xi32>
        %bitcast_convert_type3A_204 = tpu.bitcast %shift_left3A_203 : vector<16xi32> -> vector<16xf32>
        %add3A_205 = arith.addf %bitcast_convert_type3A, %bitcast_convert_type3A_204 : vector<16xf32>
        %and3A_206 = vector.broadcast %while3A_30 : i32 to vector<16xi32>
        %and3A_207 = arith.andi %get3A_200, %and3A_206 : vector<16xi32>
        %bitcast_convert_type3A_208 = tpu.bitcast %and3A_207 : vector<16xi32> -> vector<16xf32>
        %add3A_209 = arith.addf %bitcast_convert_type3A_192, %bitcast_convert_type3A_208 : vector<16xf32>
        %add3A_210 = arith.constant 1 : i32
        %add3A_211 = arith.addi %mul3A_182, %add3A_210 : i32
        %get3A_212 = arith.constant 1 : i32
        %get3A_213 = arith.index_cast %get3A_212 : i32 to index
        %get3A_214 = arith.index_cast %add3A_211 : i32 to index
        %get3A_215 = arith.constant 0 : index
        %get3A_216 = tpu.vector_load %arg10[%get3A_213, %get3A_214, %get3A_215] {strides = array<i32>} : memref<2x400x64xi32, #tpu.memory_space<vmem>>, vector<1x1x16xi32>,
        %get3A_217 = vector.shape_cast %get3A_216 : vector<1x1x16xi32> to vector<16xi32>
        %shift_left3A_218 = arith.constant 16 : i32
        %shift_left3A_219 = vector.broadcast %shift_left3A_218 : i32 to vector<16xi32>
        %shift_left3A_220 = arith.shli %get3A_217, %shift_left3A_219 : vector<16xi32>
        %bitcast_convert_type3A_221 = tpu.bitcast %shift_left3A_220 : vector<16xi32> -> vector<16xf32>
        %add3A_222 = arith.addf %add3A_205, %bitcast_convert_type3A_221 : vector<16xf32>
        %and3A_223 = vector.broadcast %while3A_30 : i32 to vector<16xi32>
        %and3A_224 = arith.andi %get3A_217, %and3A_223 : vector<16xi32>
        %bitcast_convert_type3A_225 = tpu.bitcast %and3A_224 : vector<16xi32> -> vector<16xf32>
        %add3A_226 = arith.addf %add3A_209, %bitcast_convert_type3A_225 : vector<16xf32>
        %add3A_227 = arith.constant 2 : i32
        %add3A_228 = arith.addi %mul3A_182, %add3A_227 : i32
        %get3A_229 = arith.constant 1 : i32
        %get3A_230 = arith.index_cast %get3A_229 : i32 to index
        %get3A_231 = arith.index_cast %add3A_228 : i32 to index
        %get3A_232 = arith.constant 0 : index
        %get3A_233 = tpu.vector_load %arg10[%get3A_230, %get3A_231, %get3A_232] {strides = array<i32>} : memref<2x400x64xi32, #tpu.memory_space<vmem>>, vector<1x1x16xi32>,
        %get3A_234 = vector.shape_cast %get3A_233 : vector<1x1x16xi32> to vector<16xi32>
        %shift_left3A_235 = arith.constant 16 : i32
        %shift_left3A_236 = vector.broadcast %shift_left3A_235 : i32 to vector<16xi32>
        %shift_left3A_237 = arith.shli %get3A_234, %shift_left3A_236 : vector<16xi32>
        %bitcast_convert_type3A_238 = tpu.bitcast %shift_left3A_237 : vector<16xi32> -> vector<16xf32>
        %add3A_239 = arith.addf %add3A_222, %bitcast_convert_type3A_238 : vector<16xf32>
        %and3A_240 = vector.broadcast %while3A_30 : i32 to vector<16xi32>
        %and3A_241 = arith.andi %get3A_234, %and3A_240 : vector<16xi32>
        %bitcast_convert_type3A_242 = tpu.bitcast %and3A_241 : vector<16xi32> -> vector<16xf32>
        %add3A_243 = arith.addf %add3A_226, %bitcast_convert_type3A_242 : vector<16xf32>
        %add3A_244 = arith.constant 3 : i32
        %add3A_245 = arith.addi %mul3A_182, %add3A_244 : i32
        %get3A_246 = arith.constant 1 : i32
        %get3A_247 = arith.index_cast %get3A_246 : i32 to index
        %get3A_248 = arith.index_cast %add3A_245 : i32 to index
        %get3A_249 = arith.constant 0 : index
        %get3A_250 = tpu.vector_load %arg10[%get3A_247, %get3A_248, %get3A_249] {strides = array<i32>} : memref<2x400x64xi32, #tpu.memory_space<vmem>>, vector<1x1x16xi32>,
        %get3A_251 = vector.shape_cast %get3A_250 : vector<1x1x16xi32> to vector<16xi32>
        %shift_left3A_252 = arith.constant 16 : i32
        %shift_left3A_253 = vector.broadcast %shift_left3A_252 : i32 to vector<16xi32>
        %shift_left3A_254 = arith.shli %get3A_251, %shift_left3A_253 : vector<16xi32>
        %bitcast_convert_type3A_255 = tpu.bitcast %shift_left3A_254 : vector<16xi32> -> vector<16xf32>
        %add3A_256 = arith.addf %add3A_239, %bitcast_convert_type3A_255 : vector<16xf32>
        %and3A_257 = vector.broadcast %while3A_30 : i32 to vector<16xi32>
        %and3A_258 = arith.andi %get3A_251, %and3A_257 : vector<16xi32>
        %bitcast_convert_type3A_259 = tpu.bitcast %and3A_258 : vector<16xi32> -> vector<16xf32>
        %add3A_260 = arith.addf %add3A_243, %bitcast_convert_type3A_259 : vector<16xf32>
        %add3A_261 = arith.constant 4 : i32
        %add3A_262 = arith.addi %mul3A_182, %add3A_261 : i32
        %get3A_263 = arith.constant 1 : i32
        %get3A_264 = arith.index_cast %get3A_263 : i32 to index
        %get3A_265 = arith.index_cast %add3A_262 : i32 to index
        %get3A_266 = arith.constant 0 : index
        %get3A_267 = tpu.vector_load %arg10[%get3A_264, %get3A_265, %get3A_266] {strides = array<i32>} : memref<2x400x64xi32, #tpu.memory_space<vmem>>, vector<1x1x16xi32>,
        %get3A_268 = vector.shape_cast %get3A_267 : vector<1x1x16xi32> to vector<16xi32>
        %shift_left3A_269 = arith.constant 16 : i32
        %shift_left3A_270 = vector.broadcast %shift_left3A_269 : i32 to vector<16xi32>
        %shift_left3A_271 = arith.shli %get3A_268, %shift_left3A_270 : vector<16xi32>
        %bitcast_convert_type3A_272 = tpu.bitcast %shift_left3A_271 : vector<16xi32> -> vector<16xf32>
        %add3A_273 = arith.addf %add3A_256, %bitcast_convert_type3A_272 : vector<16xf32>
        %and3A_274 = vector.broadcast %while3A_30 : i32 to vector<16xi32>
        %and3A_275 = arith.andi %get3A_268, %and3A_274 : vector<16xi32>
        %bitcast_convert_type3A_276 = tpu.bitcast %and3A_275 : vector<16xi32> -> vector<16xf32>
        %add3A_277 = arith.addf %add3A_260, %bitcast_convert_type3A_276 : vector<16xf32>
        %add3A_278 = arith.constant 5 : i32
        %add3A_279 = arith.addi %mul3A_182, %add3A_278 : i32
        %get3A_280 = arith.constant 1 : i32
        %get3A_281 = arith.index_cast %get3A_280 : i32 to index
        %get3A_282 = arith.index_cast %add3A_279 : i32 to index
        %get3A_283 = arith.constant 0 : index
        %get3A_284 = tpu.vector_load %arg10[%get3A_281, %get3A_282, %get3A_283] {strides = array<i32>} : memref<2x400x64xi32, #tpu.memory_space<vmem>>, vector<1x1x16xi32>,
        %get3A_285 = vector.shape_cast %get3A_284 : vector<1x1x16xi32> to vector<16xi32>
        %shift_left3A_286 = arith.constant 16 : i32
        %shift_left3A_287 = vector.broadcast %shift_left3A_286 : i32 to vector<16xi32>
        %shift_left3A_288 = arith.shli %get3A_285, %shift_left3A_287 : vector<16xi32>
        %bitcast_convert_type3A_289 = tpu.bitcast %shift_left3A_288 : vector<16xi32> -> vector<16xf32>
        %add3A_290 = arith.addf %add3A_273, %bitcast_convert_type3A_289 : vector<16xf32>
        %and3A_291 = vector.broadcast %while3A_30 : i32 to vector<16xi32>
        %and3A_292 = arith.andi %get3A_285, %and3A_291 : vector<16xi32>
        %bitcast_convert_type3A_293 = tpu.bitcast %and3A_292 : vector<16xi32> -> vector<16xf32>
        %add3A_294 = arith.addf %add3A_277, %bitcast_convert_type3A_293 : vector<16xf32>
        %add3A_295 = arith.constant 6 : i32
        %add3A_296 = arith.addi %mul3A_182, %add3A_295 : i32
        %get3A_297 = arith.constant 1 : i32
        %get3A_298 = arith.index_cast %get3A_297 : i32 to index
        %get3A_299 = arith.index_cast %add3A_296 : i32 to index
        %get3A_300 = arith.constant 0 : index
        %get3A_301 = tpu.vector_load %arg10[%get3A_298, %get3A_299, %get3A_300] {strides = array<i32>} : memref<2x400x64xi32, #tpu.memory_space<vmem>>, vector<1x1x16xi32>,
        %get3A_302 = vector.shape_cast %get3A_301 : vector<1x1x16xi32> to vector<16xi32>
        %shift_left3A_303 = arith.constant 16 : i32
        %shift_left3A_304 = vector.broadcast %shift_left3A_303 : i32 to vector<16xi32>
        %shift_left3A_305 = arith.shli %get3A_302, %shift_left3A_304 : vector<16xi32>
        %bitcast_convert_type3A_306 = tpu.bitcast %shift_left3A_305 : vector<16xi32> -> vector<16xf32>
        %add3A_307 = arith.addf %add3A_290, %bitcast_convert_type3A_306 : vector<16xf32>
        %and3A_308 = vector.broadcast %while3A_30 : i32 to vector<16xi32>
        %and3A_309 = arith.andi %get3A_302, %and3A_308 : vector<16xi32>
        %bitcast_convert_type3A_310 = tpu.bitcast %and3A_309 : vector<16xi32> -> vector<16xf32>
        %add3A_311 = arith.addf %add3A_294, %bitcast_convert_type3A_310 : vector<16xf32>
        %add3A_312 = arith.constant 7 : i32
        %add3A_313 = arith.addi %mul3A_182, %add3A_312 : i32
        %get3A_314 = arith.constant 1 : i32
        %get3A_315 = arith.index_cast %get3A_314 : i32 to index
        %get3A_316 = arith.index_cast %add3A_313 : i32 to index
        %get3A_317 = arith.constant 0 : index
        %get3A_318 = tpu.vector_load %arg10[%get3A_315, %get3A_316, %get3A_317] {strides = array<i32>} : memref<2x400x64xi32, #tpu.memory_space<vmem>>, vector<1x1x16xi32>,
        %get3A_319 = vector.shape_cast %get3A_318 : vector<1x1x16xi32> to vector<16xi32>
        %shift_left3A_320 = arith.constant 16 : i32
        %shift_left3A_321 = vector.broadcast %shift_left3A_320 : i32 to vector<16xi32>
        %shift_left3A_322 = arith.shli %get3A_319, %shift_left3A_321 : vector<16xi32>
        %bitcast_convert_type3A_323 = tpu.bitcast %shift_left3A_322 : vector<16xi32> -> vector<16xf32>
        %add3A_324 = arith.addf %add3A_307, %bitcast_convert_type3A_323 : vector<16xf32>
        %and3A_325 = vector.broadcast %while3A_30 : i32 to vector<16xi32>
        %and3A_326 = arith.andi %get3A_319, %and3A_325 : vector<16xi32>
        %bitcast_convert_type3A_327 = tpu.bitcast %and3A_326 : vector<16xi32> -> vector<16xf32>
        %add3A_328 = arith.addf %add3A_311, %bitcast_convert_type3A_327 : vector<16xf32>
        %add3A_329 = arith.constant 8 : i32
        %add3A_330 = arith.addi %mul3A_182, %add3A_329 : i32
        %get3A_331 = arith.constant 1 : i32
        %get3A_332 = arith.index_cast %get3A_331 : i32 to index
        %get3A_333 = arith.index_cast %add3A_330 : i32 to index
        %get3A_334 = arith.constant 0 : index
        %get3A_335 = tpu.vector_load %arg10[%get3A_332, %get3A_333, %get3A_334] {strides = array<i32>} : memref<2x400x64xi32, #tpu.memory_space<vmem>>, vector<1x1x16xi32>,
        %get3A_336 = vector.shape_cast %get3A_335 : vector<1x1x16xi32> to vector<16xi32>
        %shift_left3A_337 = arith.constant 16 : i32
        %shift_left3A_338 = vector.broadcast %shift_left3A_337 : i32 to vector<16xi32>
        %shift_left3A_339 = arith.shli %get3A_336, %shift_left3A_338 : vector<16xi32>
        %bitcast_convert_type3A_340 = tpu.bitcast %shift_left3A_339 : vector<16xi32> -> vector<16xf32>
        %add3A_341 = arith.addf %add3A_324, %bitcast_convert_type3A_340 : vector<16xf32>
        %and3A_342 = vector.broadcast %while3A_30 : i32 to vector<16xi32>
        %and3A_343 = arith.andi %get3A_336, %and3A_342 : vector<16xi32>
        %bitcast_convert_type3A_344 = tpu.bitcast %and3A_343 : vector<16xi32> -> vector<16xf32>
        %add3A_345 = arith.addf %add3A_328, %bitcast_convert_type3A_344 : vector<16xf32>
        %add3A_346 = arith.constant 9 : i32
        %add3A_347 = arith.addi %mul3A_182, %add3A_346 : i32
        %get3A_348 = arith.constant 1 : i32
        %get3A_349 = arith.index_cast %get3A_348 : i32 to index
        %get3A_350 = arith.index_cast %add3A_347 : i32 to index
        %get3A_351 = arith.constant 0 : index
        %get3A_352 = tpu.vector_load %arg10[%get3A_349, %get3A_350, %get3A_351] {strides = array<i32>} : memref<2x400x64xi32, #tpu.memory_space<vmem>>, vector<1x1x16xi32>,
        %get3A_353 = vector.shape_cast %get3A_352 : vector<1x1x16xi32> to vector<16xi32>
        %shift_left3A_354 = arith.constant 16 : i32
        %shift_left3A_355 = vector.broadcast %shift_left3A_354 : i32 to vector<16xi32>
        %shift_left3A_356 = arith.shli %get3A_353, %shift_left3A_355 : vector<16xi32>
        %bitcast_convert_type3A_357 = tpu.bitcast %shift_left3A_356 : vector<16xi32> -> vector<16xf32>
        %add3A_358 = arith.addf %add3A_341, %bitcast_convert_type3A_357 : vector<16xf32>
        %and3A_359 = vector.broadcast %while3A_30 : i32 to vector<16xi32>
        %and3A_360 = arith.andi %get3A_353, %and3A_359 : vector<16xi32>
        %bitcast_convert_type3A_361 = tpu.bitcast %and3A_360 : vector<16xi32> -> vector<16xf32>
        %add3A_362 = arith.addf %add3A_345, %bitcast_convert_type3A_361 : vector<16xf32>
        %max3A = arith.constant 0.000000e+00 : f32
        %max3A_363 = vector.broadcast %max3A : f32 to vector<16xf32>
        %max3A_364 = arith.maximumf %add3A_358, %max3A_363 : vector<16xf32>
        %swap3A = arith.constant 1 : i32
        %swap3A_365 = arith.index_cast %swap3A : i32 to index
        %swap3A_366 = arith.index_cast %scan3A_180 : i32 to index
        %swap3A_367 = arith.constant 0 : index
        %swap3A_368 = tpu.vector_load %arg11[%swap3A_365, %swap3A_366, %swap3A_367] {strides = array<i32>} : memref<2x40x128xf32, #tpu.memory_space<vmem>>, vector<1x1x16xf32>,
        %swap3A_369 = vector.shape_cast %swap3A_368 : vector<1x1x16xf32> to vector<16xf32>
        %swap3A_370 = vector.shape_cast %max3A_364 : vector<16xf32> to vector<1x1x16xf32>
        tpu.vector_store %arg11[%swap3A_365, %swap3A_366, %swap3A_367], %swap3A_370 {strides = array<i32>} : memref<2x40x128xf32, #tpu.memory_space<vmem>>, vector<1x1x16xf32>,
        %max3A_371 = arith.constant 0.000000e+00 : f32
        %max3A_372 = vector.broadcast %max3A_371 : f32 to vector<16xf32>
        %max3A_373 = arith.maximumf %add3A_362, %max3A_372 : vector<16xf32>
        %swap3A_374 = arith.constant 1 : i32
        %swap3A_375 = arith.index_cast %swap3A_374 : i32 to index
        %swap3A_376 = arith.index_cast %scan3A_180 : i32 to index
        %swap3A_377 = arith.constant 16 : index
        %swap3A_378 = tpu.vector_load %arg11[%swap3A_375, %swap3A_376, %swap3A_377] {strides = array<i32>} : memref<2x40x128xf32, #tpu.memory_space<vmem>>, vector<1x1x16xf32>,
        %swap3A_379 = vector.shape_cast %swap3A_378 : vector<1x1x16xf32> to vector<16xf32>
        %swap3A_380 = vector.shape_cast %max3A_373 : vector<16xf32> to vector<1x1x16xf32>
        tpu.vector_store %arg11[%swap3A_375, %swap3A_376, %swap3A_377], %swap3A_380 {strides = array<i32>} : memref<2x40x128xf32, #tpu.memory_space<vmem>>, vector<1x1x16xf32>,
        %get3A_381 = arith.constant 1 : i32
        %get3A_382 = arith.index_cast %get3A_381 : i32 to index
        %get3A_383 = arith.index_cast %scan3A_180 : i32 to index
        %get3A_384 = arith.constant 16 : index
        %get3A_385 = tpu.vector_load %arg9[%get3A_382, %get3A_383, %get3A_384] {strides = array<i32>} : memref<2x40x64xi32, #tpu.memory_space<vmem>>, vector<1x1x16xi32>,
        %get3A_386 = vector.shape_cast %get3A_385 : vector<1x1x16xi32> to vector<16xi32>
        %shift_left3A_387 = arith.constant 16 : i32
        %shift_left3A_388 = vector.broadcast %shift_left3A_387 : i32 to vector<16xi32>
        %shift_left3A_389 = arith.shli %get3A_386, %shift_left3A_388 : vector<16xi32>
        %bitcast_convert_type3A_390 = tpu.bitcast %shift_left3A_389 : vector<16xi32> -> vector<16xf32>
        %and3A_391 = vector.broadcast %while3A_30 : i32 to vector<16xi32>
        %and3A_392 = arith.andi %get3A_386, %and3A_391 : vector<16xi32>
        %bitcast_convert_type3A_393 = tpu.bitcast %and3A_392 : vector<16xi32> -> vector<16xf32>
        %add3A_394 = arith.constant 0 : i32
        %add3A_395 = arith.addi %mul3A_182, %add3A_394 : i32
        %get3A_396 = arith.constant 1 : i32
        %get3A_397 = arith.index_cast %get3A_396 : i32 to index
        %get3A_398 = arith.index_cast %add3A_395 : i32 to index
        %get3A_399 = arith.constant 16 : index
        %get3A_400 = tpu.vector_load %arg10[%get3A_397, %get3A_398, %get3A_399] {strides = array<i32>} : memref<2x400x64xi32, #tpu.memory_space<vmem>>, vector<1x1x16xi32>,
        %get3A_401 = vector.shape_cast %get3A_400 : vector<1x1x16xi32> to vector<16xi32>
        %shift_left3A_402 = arith.constant 16 : i32
        %shift_left3A_403 = vector.broadcast %shift_left3A_402 : i32 to vector<16xi32>
        %shift_left3A_404 = arith.shli %get3A_401, %shift_left3A_403 : vector<16xi32>
        %bitcast_convert_type3A_405 = tpu.bitcast %shift_left3A_404 : vector<16xi32> -> vector<16xf32>
        %add3A_406 = arith.addf %bitcast_convert_type3A_390, %bitcast_convert_type3A_405 : vector<16xf32>
        %and3A_407 = vector.broadcast %while3A_30 : i32 to vector<16xi32>
        %and3A_408 = arith.andi %get3A_401, %and3A_407 : vector<16xi32>
        %bitcast_convert_type3A_409 = tpu.bitcast %and3A_408 : vector<16xi32> -> vector<16xf32>
        %add3A_410 = arith.addf %bitcast_convert_type3A_393, %bitcast_convert_type3A_409 : vector<16xf32>
        %add3A_411 = arith.constant 1 : i32
        %add3A_412 = arith.addi %mul3A_182, %add3A_411 : i32
        %get3A_413 = arith.constant 1 : i32
        %get3A_414 = arith.index_cast %get3A_413 : i32 to index
        %get3A_415 = arith.index_cast %add3A_412 : i32 to index
        %get3A_416 = arith.constant 16 : index
        %get3A_417 = tpu.vector_load %arg10[%get3A_414, %get3A_415, %get3A_416] {strides = array<i32>} : memref<2x400x64xi32, #tpu.memory_space<vmem>>, vector<1x1x16xi32>,
        %get3A_418 = vector.shape_cast %get3A_417 : vector<1x1x16xi32> to vector<16xi32>
        %shift_left3A_419 = arith.constant 16 : i32
        %shift_left3A_420 = vector.broadcast %shift_left3A_419 : i32 to vector<16xi32>
        %shift_left3A_421 = arith.shli %get3A_418, %shift_left3A_420 : vector<16xi32>
        %bitcast_convert_type3A_422 = tpu.bitcast %shift_left3A_421 : vector<16xi32> -> vector<16xf32>
        %add3A_423 = arith.addf %add3A_406, %bitcast_convert_type3A_422 : vector<16xf32>
        %and3A_424 = vector.broadcast %while3A_30 : i32 to vector<16xi32>
        %and3A_425 = arith.andi %get3A_418, %and3A_424 : vector<16xi32>
        %bitcast_convert_type3A_426 = tpu.bitcast %and3A_425 : vector<16xi32> -> vector<16xf32>
        %add3A_427 = arith.addf %add3A_410, %bitcast_convert_type3A_426 : vector<16xf32>
        %add3A_428 = arith.constant 2 : i32
        %add3A_429 = arith.addi %mul3A_182, %add3A_428 : i32
        %get3A_430 = arith.constant 1 : i32
        %get3A_431 = arith.index_cast %get3A_430 : i32 to index
        %get3A_432 = arith.index_cast %add3A_429 : i32 to index
        %get3A_433 = arith.constant 16 : index
        %get3A_434 = tpu.vector_load %arg10[%get3A_431, %get3A_432, %get3A_433] {strides = array<i32>} : memref<2x400x64xi32, #tpu.memory_space<vmem>>, vector<1x1x16xi32>,
        %get3A_435 = vector.shape_cast %get3A_434 : vector<1x1x16xi32> to vector<16xi32>
        %shift_left3A_436 = arith.constant 16 : i32
        %shift_left3A_437 = vector.broadcast %shift_left3A_436 : i32 to vector<16xi32>
        %shift_left3A_438 = arith.shli %get3A_435, %shift_left3A_437 : vector<16xi32>
        %bitcast_convert_type3A_439 = tpu.bitcast %shift_left3A_438 : vector<16xi32> -> vector<16xf32>
        %add3A_440 = arith.addf %add3A_423, %bitcast_convert_type3A_439 : vector<16xf32>
        %and3A_441 = vector.broadcast %while3A_30 : i32 to vector<16xi32>
        %and3A_442 = arith.andi %get3A_435, %and3A_441 : vector<16xi32>
        %bitcast_convert_type3A_443 = tpu.bitcast %and3A_442 : vector<16xi32> -> vector<16xf32>
        %add3A_444 = arith.addf %add3A_427, %bitcast_convert_type3A_443 : vector<16xf32>
        %add3A_445 = arith.constant 3 : i32
        %add3A_446 = arith.addi %mul3A_182, %add3A_445 : i32
        %get3A_447 = arith.constant 1 : i32
        %get3A_448 = arith.index_cast %get3A_447 : i32 to index
        %get3A_449 = arith.index_cast %add3A_446 : i32 to index
        %get3A_450 = arith.constant 16 : index
        %get3A_451 = tpu.vector_load %arg10[%get3A_448, %get3A_449, %get3A_450] {strides = array<i32>} : memref<2x400x64xi32, #tpu.memory_space<vmem>>, vector<1x1x16xi32>,
        %get3A_452 = vector.shape_cast %get3A_451 : vector<1x1x16xi32> to vector<16xi32>
        %shift_left3A_453 = arith.constant 16 : i32
        %shift_left3A_454 = vector.broadcast %shift_left3A_453 : i32 to vector<16xi32>
        %shift_left3A_455 = arith.shli %get3A_452, %shift_left3A_454 : vector<16xi32>
        %bitcast_convert_type3A_456 = tpu.bitcast %shift_left3A_455 : vector<16xi32> -> vector<16xf32>
        %add3A_457 = arith.addf %add3A_440, %bitcast_convert_type3A_456 : vector<16xf32>
        %and3A_458 = vector.broadcast %while3A_30 : i32 to vector<16xi32>
        %and3A_459 = arith.andi %get3A_452, %and3A_458 : vector<16xi32>
        %bitcast_convert_type3A_460 = tpu.bitcast %and3A_459 : vector<16xi32> -> vector<16xf32>
        %add3A_461 = arith.addf %add3A_444, %bitcast_convert_type3A_460 : vector<16xf32>
        %add3A_462 = arith.constant 4 : i32
        %add3A_463 = arith.addi %mul3A_182, %add3A_462 : i32
        %get3A_464 = arith.constant 1 : i32
        %get3A_465 = arith.index_cast %get3A_464 : i32 to index
        %get3A_466 = arith.index_cast %add3A_463 : i32 to index
        %get3A_467 = arith.constant 16 : index
        %get3A_468 = tpu.vector_load %arg10[%get3A_465, %get3A_466, %get3A_467] {strides = array<i32>} : memref<2x400x64xi32, #tpu.memory_space<vmem>>, vector<1x1x16xi32>,
        %get3A_469 = vector.shape_cast %get3A_468 : vector<1x1x16xi32> to vector<16xi32>
        %shift_left3A_470 = arith.constant 16 : i32
        %shift_left3A_471 = vector.broadcast %shift_left3A_470 : i32 to vector<16xi32>
        %shift_left3A_472 = arith.shli %get3A_469, %shift_left3A_471 : vector<16xi32>
        %bitcast_convert_type3A_473 = tpu.bitcast %shift_left3A_472 : vector<16xi32> -> vector<16xf32>
        %add3A_474 = arith.addf %add3A_457, %bitcast_convert_type3A_473 : vector<16xf32>
        %and3A_475 = vector.broadcast %while3A_30 : i32 to vector<16xi32>
        %and3A_476 = arith.andi %get3A_469, %and3A_475 : vector<16xi32>
        %bitcast_convert_type3A_477 = tpu.bitcast %and3A_476 : vector<16xi32> -> vector<16xf32>
        %add3A_478 = arith.addf %add3A_461, %bitcast_convert_type3A_477 : vector<16xf32>
        %add3A_479 = arith.constant 5 : i32
        %add3A_480 = arith.addi %mul3A_182, %add3A_479 : i32
        %get3A_481 = arith.constant 1 : i32
        %get3A_482 = arith.index_cast %get3A_481 : i32 to index
        %get3A_483 = arith.index_cast %add3A_480 : i32 to index
        %get3A_484 = arith.constant 16 : index
        %get3A_485 = tpu.vector_load %arg10[%get3A_482, %get3A_483, %get3A_484] {strides = array<i32>} : memref<2x400x64xi32, #tpu.memory_space<vmem>>, vector<1x1x16xi32>,
        %get3A_486 = vector.shape_cast %get3A_485 : vector<1x1x16xi32> to vector<16xi32>
        %shift_left3A_487 = arith.constant 16 : i32
        %shift_left3A_488 = vector.broadcast %shift_left3A_487 : i32 to vector<16xi32>
        %shift_left3A_489 = arith.shli %get3A_486, %shift_left3A_488 : vector<16xi32>
        %bitcast_convert_type3A_490 = tpu.bitcast %shift_left3A_489 : vector<16xi32> -> vector<16xf32>
        %add3A_491 = arith.addf %add3A_474, %bitcast_convert_type3A_490 : vector<16xf32>
        %and3A_492 = vector.broadcast %while3A_30 : i32 to vector<16xi32>
        %and3A_493 = arith.andi %get3A_486, %and3A_492 : vector<16xi32>
        %bitcast_convert_type3A_494 = tpu.bitcast %and3A_493 : vector<16xi32> -> vector<16xf32>
        %add3A_495 = arith.addf %add3A_478, %bitcast_convert_type3A_494 : vector<16xf32>
        %add3A_496 = arith.constant 6 : i32
        %add3A_497 = arith.addi %mul3A_182, %add3A_496 : i32
        %get3A_498 = arith.constant 1 : i32
        %get3A_499 = arith.index_cast %get3A_498 : i32 to index
        %get3A_500 = arith.index_cast %add3A_497 : i32 to index
        %get3A_501 = arith.constant 16 : index
        %get3A_502 = tpu.vector_load %arg10[%get3A_499, %get3A_500, %get3A_501] {strides = array<i32>} : memref<2x400x64xi32, #tpu.memory_space<vmem>>, vector<1x1x16xi32>,
        %get3A_503 = vector.shape_cast %get3A_502 : vector<1x1x16xi32> to vector<16xi32>
        %shift_left3A_504 = arith.constant 16 : i32
        %shift_left3A_505 = vector.broadcast %shift_left3A_504 : i32 to vector<16xi32>
        %shift_left3A_506 = arith.shli %get3A_503, %shift_left3A_505 : vector<16xi32>
        %bitcast_convert_type3A_507 = tpu.bitcast %shift_left3A_506 : vector<16xi32> -> vector<16xf32>
        %add3A_508 = arith.addf %add3A_491, %bitcast_convert_type3A_507 : vector<16xf32>
        %and3A_509 = vector.broadcast %while3A_30 : i32 to vector<16xi32>
        %and3A_510 = arith.andi %get3A_503, %and3A_509 : vector<16xi32>
        %bitcast_convert_type3A_511 = tpu.bitcast %and3A_510 : vector<16xi32> -> vector<16xf32>
        %add3A_512 = arith.addf %add3A_495, %bitcast_convert_type3A_511 : vector<16xf32>
        %add3A_513 = arith.constant 7 : i32
        %add3A_514 = arith.addi %mul3A_182, %add3A_513 : i32
        %get3A_515 = arith.constant 1 : i32
        %get3A_516 = arith.index_cast %get3A_515 : i32 to index
        %get3A_517 = arith.index_cast %add3A_514 : i32 to index
        %get3A_518 = arith.constant 16 : index
        %get3A_519 = tpu.vector_load %arg10[%get3A_516, %get3A_517, %get3A_518] {strides = array<i32>} : memref<2x400x64xi32, #tpu.memory_space<vmem>>, vector<1x1x16xi32>,
        %get3A_520 = vector.shape_cast %get3A_519 : vector<1x1x16xi32> to vector<16xi32>
        %shift_left3A_521 = arith.constant 16 : i32
        %shift_left3A_522 = vector.broadcast %shift_left3A_521 : i32 to vector<16xi32>
        %shift_left3A_523 = arith.shli %get3A_520, %shift_left3A_522 : vector<16xi32>
        %bitcast_convert_type3A_524 = tpu.bitcast %shift_left3A_523 : vector<16xi32> -> vector<16xf32>
        %add3A_525 = arith.addf %add3A_508, %bitcast_convert_type3A_524 : vector<16xf32>
        %and3A_526 = vector.broadcast %while3A_30 : i32 to vector<16xi32>
        %and3A_527 = arith.andi %get3A_520, %and3A_526 : vector<16xi32>
        %bitcast_convert_type3A_528 = tpu.bitcast %and3A_527 : vector<16xi32> -> vector<16xf32>
        %add3A_529 = arith.addf %add3A_512, %bitcast_convert_type3A_528 : vector<16xf32>
        %add3A_530 = arith.constant 8 : i32
        %add3A_531 = arith.addi %mul3A_182, %add3A_530 : i32
        %get3A_532 = arith.constant 1 : i32
        %get3A_533 = arith.index_cast %get3A_532 : i32 to index
        %get3A_534 = arith.index_cast %add3A_531 : i32 to index
        %get3A_535 = arith.constant 16 : index
        %get3A_536 = tpu.vector_load %arg10[%get3A_533, %get3A_534, %get3A_535] {strides = array<i32>} : memref<2x400x64xi32, #tpu.memory_space<vmem>>, vector<1x1x16xi32>,
        %get3A_537 = vector.shape_cast %get3A_536 : vector<1x1x16xi32> to vector<16xi32>
        %shift_left3A_538 = arith.constant 16 : i32
        %shift_left3A_539 = vector.broadcast %shift_left3A_538 : i32 to vector<16xi32>
        %shift_left3A_540 = arith.shli %get3A_537, %shift_left3A_539 : vector<16xi32>
        %bitcast_convert_type3A_541 = tpu.bitcast %shift_left3A_540 : vector<16xi32> -> vector<16xf32>
        %add3A_542 = arith.addf %add3A_525, %bitcast_convert_type3A_541 : vector<16xf32>
        %and3A_543 = vector.broadcast %while3A_30 : i32 to vector<16xi32>
        %and3A_544 = arith.andi %get3A_537, %and3A_543 : vector<16xi32>
        %bitcast_convert_type3A_545 = tpu.bitcast %and3A_544 : vector<16xi32> -> vector<16xf32>
        %add3A_546 = arith.addf %add3A_529, %bitcast_convert_type3A_545 : vector<16xf32>
        %add3A_547 = arith.constant 9 : i32
        %add3A_548 = arith.addi %mul3A_182, %add3A_547 : i32
        %get3A_549 = arith.constant 1 : i32
        %get3A_550 = arith.index_cast %get3A_549 : i32 to index
        %get3A_551 = arith.index_cast %add3A_548 : i32 to index
        %get3A_552 = arith.constant 16 : index
        %get3A_553 = tpu.vector_load %arg10[%get3A_550, %get3A_551, %get3A_552] {strides = array<i32>} : memref<2x400x64xi32, #tpu.memory_space<vmem>>, vector<1x1x16xi32>,
        %get3A_554 = vector.shape_cast %get3A_553 : vector<1x1x16xi32> to vector<16xi32>
        %shift_left3A_555 = arith.constant 16 : i32
        %shift_left3A_556 = vector.broadcast %shift_left3A_555 : i32 to vector<16xi32>
        %shift_left3A_557 = arith.shli %get3A_554, %shift_left3A_556 : vector<16xi32>
        %bitcast_convert_type3A_558 = tpu.bitcast %shift_left3A_557 : vector<16xi32> -> vector<16xf32>
        %add3A_559 = arith.addf %add3A_542, %bitcast_convert_type3A_558 : vector<16xf32>
        %and3A_560 = vector.broadcast %while3A_30 : i32 to vector<16xi32>
        %and3A_561 = arith.andi %get3A_554, %and3A_560 : vector<16xi32>
        %bitcast_convert_type3A_562 = tpu.bitcast %and3A_561 : vector<16xi32> -> vector<16xf32>
        %add3A_563 = arith.addf %add3A_546, %bitcast_convert_type3A_562 : vector<16xf32>
        %max3A_564 = arith.constant 0.000000e+00 : f32
        %max3A_565 = vector.broadcast %max3A_564 : f32 to vector<16xf32>
        %max3A_566 = arith.maximumf %add3A_559, %max3A_565 : vector<16xf32>
        %swap3A_567 = arith.constant 1 : i32
        %swap3A_568 = arith.index_cast %swap3A_567 : i32 to index
        %swap3A_569 = arith.index_cast %scan3A_180 : i32 to index
        %swap3A_570 = arith.constant 32 : index
        %swap3A_571 = tpu.vector_load %arg11[%swap3A_568, %swap3A_569, %swap3A_570] {strides = array<i32>} : memref<2x40x128xf32, #tpu.memory_space<vmem>>, vector<1x1x16xf32>,
        %swap3A_572 = vector.shape_cast %swap3A_571 : vector<1x1x16xf32> to vector<16xf32>
        %swap3A_573 = vector.shape_cast %max3A_566 : vector<16xf32> to vector<1x1x16xf32>
        tpu.vector_store %arg11[%swap3A_568, %swap3A_569, %swap3A_570], %swap3A_573 {strides = array<i32>} : memref<2x40x128xf32, #tpu.memory_space<vmem>>, vector<1x1x16xf32>,
        %max3A_574 = arith.constant 0.000000e+00 : f32
        %max3A_575 = vector.broadcast %max3A_574 : f32 to vector<16xf32>
        %max3A_576 = arith.maximumf %add3A_563, %max3A_575 : vector<16xf32>
        %swap3A_577 = arith.constant 1 : i32
        %swap3A_578 = arith.index_cast %swap3A_577 : i32 to index
        %swap3A_579 = arith.index_cast %scan3A_180 : i32 to index
        %swap3A_580 = arith.constant 48 : index
        %swap3A_581 = tpu.vector_load %arg11[%swap3A_578, %swap3A_579, %swap3A_580] {strides = array<i32>} : memref<2x40x128xf32, #tpu.memory_space<vmem>>, vector<1x1x16xf32>,
        %swap3A_582 = vector.shape_cast %swap3A_581 : vector<1x1x16xf32> to vector<16xf32>
        %swap3A_583 = vector.shape_cast %max3A_576 : vector<16xf32> to vector<1x1x16xf32>
        tpu.vector_store %arg11[%swap3A_578, %swap3A_579, %swap3A_580], %swap3A_583 {strides = array<i32>} : memref<2x40x128xf32, #tpu.memory_space<vmem>>, vector<1x1x16xf32>,
        %get3A_584 = arith.constant 1 : i32
        %get3A_585 = arith.index_cast %get3A_584 : i32 to index
        %get3A_586 = arith.index_cast %scan3A_180 : i32 to index
        %get3A_587 = arith.constant 32 : index
        %get3A_588 = tpu.vector_load %arg9[%get3A_585, %get3A_586, %get3A_587] {strides = array<i32>} : memref<2x40x64xi32, #tpu.memory_space<vmem>>, vector<1x1x16xi32>,
        %get3A_589 = vector.shape_cast %get3A_588 : vector<1x1x16xi32> to vector<16xi32>
        %shift_left3A_590 = arith.constant 16 : i32
        %shift_left3A_591 = vector.broadcast %shift_left3A_590 : i32 to vector<16xi32>
        %shift_left3A_592 = arith.shli %get3A_589, %shift_left3A_591 : vector<16xi32>
        %bitcast_convert_type3A_593 = tpu.bitcast %shift_left3A_592 : vector<16xi32> -> vector<16xf32>
        %and3A_594 = vector.broadcast %while3A_30 : i32 to vector<16xi32>
        %and3A_595 = arith.andi %get3A_589, %and3A_594 : vector<16xi32>
        %bitcast_convert_type3A_596 = tpu.bitcast %and3A_595 : vector<16xi32> -> vector<16xf32>
        %add3A_597 = arith.constant 0 : i32
        %add3A_598 = arith.addi %mul3A_182, %add3A_597 : i32
        %get3A_599 = arith.constant 1 : i32
        %get3A_600 = arith.index_cast %get3A_599 : i32 to index
        %get3A_601 = arith.index_cast %add3A_598 : i32 to index
        %get3A_602 = arith.constant 32 : index
        %get3A_603 = tpu.vector_load %arg10[%get3A_600, %get3A_601, %get3A_602] {strides = array<i32>} : memref<2x400x64xi32, #tpu.memory_space<vmem>>, vector<1x1x16xi32>,
        %get3A_604 = vector.shape_cast %get3A_603 : vector<1x1x16xi32> to vector<16xi32>
        %shift_left3A_605 = arith.constant 16 : i32
        %shift_left3A_606 = vector.broadcast %shift_left3A_605 : i32 to vector<16xi32>
        %shift_left3A_607 = arith.shli %get3A_604, %shift_left3A_606 : vector<16xi32>
        %bitcast_convert_type3A_608 = tpu.bitcast %shift_left3A_607 : vector<16xi32> -> vector<16xf32>
        %add3A_609 = arith.addf %bitcast_convert_type3A_593, %bitcast_convert_type3A_608 : vector<16xf32>
        %and3A_610 = vector.broadcast %while3A_30 : i32 to vector<16xi32>
        %and3A_611 = arith.andi %get3A_604, %and3A_610 : vector<16xi32>
        %bitcast_convert_type3A_612 = tpu.bitcast %and3A_611 : vector<16xi32> -> vector<16xf32>
        %add3A_613 = arith.addf %bitcast_convert_type3A_596, %bitcast_convert_type3A_612 : vector<16xf32>
        %add3A_614 = arith.constant 1 : i32
        %add3A_615 = arith.addi %mul3A_182, %add3A_614 : i32
        %get3A_616 = arith.constant 1 : i32
        %get3A_617 = arith.index_cast %get3A_616 : i32 to index
        %get3A_618 = arith.index_cast %add3A_615 : i32 to index
        %get3A_619 = arith.constant 32 : index
        %get3A_620 = tpu.vector_load %arg10[%get3A_617, %get3A_618, %get3A_619] {strides = array<i32>} : memref<2x400x64xi32, #tpu.memory_space<vmem>>, vector<1x1x16xi32>,
        %get3A_621 = vector.shape_cast %get3A_620 : vector<1x1x16xi32> to vector<16xi32>
        %shift_left3A_622 = arith.constant 16 : i32
        %shift_left3A_623 = vector.broadcast %shift_left3A_622 : i32 to vector<16xi32>
        %shift_left3A_624 = arith.shli %get3A_621, %shift_left3A_623 : vector<16xi32>
        %bitcast_convert_type3A_625 = tpu.bitcast %shift_left3A_624 : vector<16xi32> -> vector<16xf32>
        %add3A_626 = arith.addf %add3A_609, %bitcast_convert_type3A_625 : vector<16xf32>
        %and3A_627 = vector.broadcast %while3A_30 : i32 to vector<16xi32>
        %and3A_628 = arith.andi %get3A_621, %and3A_627 : vector<16xi32>
        %bitcast_convert_type3A_629 = tpu.bitcast %and3A_628 : vector<16xi32> -> vector<16xf32>
        %add3A_630 = arith.addf %add3A_613, %bitcast_convert_type3A_629 : vector<16xf32>
        %add3A_631 = arith.constant 2 : i32
        %add3A_632 = arith.addi %mul3A_182, %add3A_631 : i32
        %get3A_633 = arith.constant 1 : i32
        %get3A_634 = arith.index_cast %get3A_633 : i32 to index
        %get3A_635 = arith.index_cast %add3A_632 : i32 to index
        %get3A_636 = arith.constant 32 : index
        %get3A_637 = tpu.vector_load %arg10[%get3A_634, %get3A_635, %get3A_636] {strides = array<i32>} : memref<2x400x64xi32, #tpu.memory_space<vmem>>, vector<1x1x16xi32>,
        %get3A_638 = vector.shape_cast %get3A_637 : vector<1x1x16xi32> to vector<16xi32>
        %shift_left3A_639 = arith.constant 16 : i32
        %shift_left3A_640 = vector.broadcast %shift_left3A_639 : i32 to vector<16xi32>
        %shift_left3A_641 = arith.shli %get3A_638, %shift_left3A_640 : vector<16xi32>
        %bitcast_convert_type3A_642 = tpu.bitcast %shift_left3A_641 : vector<16xi32> -> vector<16xf32>
        %add3A_643 = arith.addf %add3A_626, %bitcast_convert_type3A_642 : vector<16xf32>
        %and3A_644 = vector.broadcast %while3A_30 : i32 to vector<16xi32>
        %and3A_645 = arith.andi %get3A_638, %and3A_644 : vector<16xi32>
        %bitcast_convert_type3A_646 = tpu.bitcast %and3A_645 : vector<16xi32> -> vector<16xf32>
        %add3A_647 = arith.addf %add3A_630, %bitcast_convert_type3A_646 : vector<16xf32>
        %add3A_648 = arith.constant 3 : i32
        %add3A_649 = arith.addi %mul3A_182, %add3A_648 : i32
        %get3A_650 = arith.constant 1 : i32
        %get3A_651 = arith.index_cast %get3A_650 : i32 to index
        %get3A_652 = arith.index_cast %add3A_649 : i32 to index
        %get3A_653 = arith.constant 32 : index
        %get3A_654 = tpu.vector_load %arg10[%get3A_651, %get3A_652, %get3A_653] {strides = array<i32>} : memref<2x400x64xi32, #tpu.memory_space<vmem>>, vector<1x1x16xi32>,
        %get3A_655 = vector.shape_cast %get3A_654 : vector<1x1x16xi32> to vector<16xi32>
        %shift_left3A_656 = arith.constant 16 : i32
        %shift_left3A_657 = vector.broadcast %shift_left3A_656 : i32 to vector<16xi32>
        %shift_left3A_658 = arith.shli %get3A_655, %shift_left3A_657 : vector<16xi32>
        %bitcast_convert_type3A_659 = tpu.bitcast %shift_left3A_658 : vector<16xi32> -> vector<16xf32>
        %add3A_660 = arith.addf %add3A_643, %bitcast_convert_type3A_659 : vector<16xf32>
        %and3A_661 = vector.broadcast %while3A_30 : i32 to vector<16xi32>
        %and3A_662 = arith.andi %get3A_655, %and3A_661 : vector<16xi32>
        %bitcast_convert_type3A_663 = tpu.bitcast %and3A_662 : vector<16xi32> -> vector<16xf32>
        %add3A_664 = arith.addf %add3A_647, %bitcast_convert_type3A_663 : vector<16xf32>
        %add3A_665 = arith.constant 4 : i32
        %add3A_666 = arith.addi %mul3A_182, %add3A_665 : i32
        %get3A_667 = arith.constant 1 : i32
        %get3A_668 = arith.index_cast %get3A_667 : i32 to index
        %get3A_669 = arith.index_cast %add3A_666 : i32 to index
        %get3A_670 = arith.constant 32 : index
        %get3A_671 = tpu.vector_load %arg10[%get3A_668, %get3A_669, %get3A_670] {strides = array<i32>} : memref<2x400x64xi32, #tpu.memory_space<vmem>>, vector<1x1x16xi32>,
        %get3A_672 = vector.shape_cast %get3A_671 : vector<1x1x16xi32> to vector<16xi32>
        %shift_left3A_673 = arith.constant 16 : i32
        %shift_left3A_674 = vector.broadcast %shift_left3A_673 : i32 to vector<16xi32>
        %shift_left3A_675 = arith.shli %get3A_672, %shift_left3A_674 : vector<16xi32>
        %bitcast_convert_type3A_676 = tpu.bitcast %shift_left3A_675 : vector<16xi32> -> vector<16xf32>
        %add3A_677 = arith.addf %add3A_660, %bitcast_convert_type3A_676 : vector<16xf32>
        %and3A_678 = vector.broadcast %while3A_30 : i32 to vector<16xi32>
        %and3A_679 = arith.andi %get3A_672, %and3A_678 : vector<16xi32>
        %bitcast_convert_type3A_680 = tpu.bitcast %and3A_679 : vector<16xi32> -> vector<16xf32>
        %add3A_681 = arith.addf %add3A_664, %bitcast_convert_type3A_680 : vector<16xf32>
        %add3A_682 = arith.constant 5 : i32
        %add3A_683 = arith.addi %mul3A_182, %add3A_682 : i32
        %get3A_684 = arith.constant 1 : i32
        %get3A_685 = arith.index_cast %get3A_684 : i32 to index
        %get3A_686 = arith.index_cast %add3A_683 : i32 to index
        %get3A_687 = arith.constant 32 : index
        %get3A_688 = tpu.vector_load %arg10[%get3A_685, %get3A_686, %get3A_687] {strides = array<i32>} : memref<2x400x64xi32, #tpu.memory_space<vmem>>, vector<1x1x16xi32>,
        %get3A_689 = vector.shape_cast %get3A_688 : vector<1x1x16xi32> to vector<16xi32>
        %shift_left3A_690 = arith.constant 16 : i32
        %shift_left3A_691 = vector.broadcast %shift_left3A_690 : i32 to vector<16xi32>
        %shift_left3A_692 = arith.shli %get3A_689, %shift_left3A_691 : vector<16xi32>
        %bitcast_convert_type3A_693 = tpu.bitcast %shift_left3A_692 : vector<16xi32> -> vector<16xf32>
        %add3A_694 = arith.addf %add3A_677, %bitcast_convert_type3A_693 : vector<16xf32>
        %and3A_695 = vector.broadcast %while3A_30 : i32 to vector<16xi32>
        %and3A_696 = arith.andi %get3A_689, %and3A_695 : vector<16xi32>
        %bitcast_convert_type3A_697 = tpu.bitcast %and3A_696 : vector<16xi32> -> vector<16xf32>
        %add3A_698 = arith.addf %add3A_681, %bitcast_convert_type3A_697 : vector<16xf32>
        %add3A_699 = arith.constant 6 : i32
        %add3A_700 = arith.addi %mul3A_182, %add3A_699 : i32
        %get3A_701 = arith.constant 1 : i32
        %get3A_702 = arith.index_cast %get3A_701 : i32 to index
        %get3A_703 = arith.index_cast %add3A_700 : i32 to index
        %get3A_704 = arith.constant 32 : index
        %get3A_705 = tpu.vector_load %arg10[%get3A_702, %get3A_703, %get3A_704] {strides = array<i32>} : memref<2x400x64xi32, #tpu.memory_space<vmem>>, vector<1x1x16xi32>,
        %get3A_706 = vector.shape_cast %get3A_705 : vector<1x1x16xi32> to vector<16xi32>
        %shift_left3A_707 = arith.constant 16 : i32
        %shift_left3A_708 = vector.broadcast %shift_left3A_707 : i32 to vector<16xi32>
        %shift_left3A_709 = arith.shli %get3A_706, %shift_left3A_708 : vector<16xi32>
        %bitcast_convert_type3A_710 = tpu.bitcast %shift_left3A_709 : vector<16xi32> -> vector<16xf32>
        %add3A_711 = arith.addf %add3A_694, %bitcast_convert_type3A_710 : vector<16xf32>
        %and3A_712 = vector.broadcast %while3A_30 : i32 to vector<16xi32>
        %and3A_713 = arith.andi %get3A_706, %and3A_712 : vector<16xi32>
        %bitcast_convert_type3A_714 = tpu.bitcast %and3A_713 : vector<16xi32> -> vector<16xf32>
        %add3A_715 = arith.addf %add3A_698, %bitcast_convert_type3A_714 : vector<16xf32>
        %add3A_716 = arith.constant 7 : i32
        %add3A_717 = arith.addi %mul3A_182, %add3A_716 : i32
        %get3A_718 = arith.constant 1 : i32
        %get3A_719 = arith.index_cast %get3A_718 : i32 to index
        %get3A_720 = arith.index_cast %add3A_717 : i32 to index
        %get3A_721 = arith.constant 32 : index
        %get3A_722 = tpu.vector_load %arg10[%get3A_719, %get3A_720, %get3A_721] {strides = array<i32>} : memref<2x400x64xi32, #tpu.memory_space<vmem>>, vector<1x1x16xi32>,
        %get3A_723 = vector.shape_cast %get3A_722 : vector<1x1x16xi32> to vector<16xi32>
        %shift_left3A_724 = arith.constant 16 : i32
        %shift_left3A_725 = vector.broadcast %shift_left3A_724 : i32 to vector<16xi32>
        %shift_left3A_726 = arith.shli %get3A_723, %shift_left3A_725 : vector<16xi32>
        %bitcast_convert_type3A_727 = tpu.bitcast %shift_left3A_726 : vector<16xi32> -> vector<16xf32>
        %add3A_728 = arith.addf %add3A_711, %bitcast_convert_type3A_727 : vector<16xf32>
        %and3A_729 = vector.broadcast %while3A_30 : i32 to vector<16xi32>
        %and3A_730 = arith.andi %get3A_723, %and3A_729 : vector<16xi32>
        %bitcast_convert_type3A_731 = tpu.bitcast %and3A_730 : vector<16xi32> -> vector<16xf32>
        %add3A_732 = arith.addf %add3A_715, %bitcast_convert_type3A_731 : vector<16xf32>
        %add3A_733 = arith.constant 8 : i32
        %add3A_734 = arith.addi %mul3A_182, %add3A_733 : i32
        %get3A_735 = arith.constant 1 : i32
        %get3A_736 = arith.index_cast %get3A_735 : i32 to index
        %get3A_737 = arith.index_cast %add3A_734 : i32 to index
        %get3A_738 = arith.constant 32 : index
        %get3A_739 = tpu.vector_load %arg10[%get3A_736, %get3A_737, %get3A_738] {strides = array<i32>} : memref<2x400x64xi32, #tpu.memory_space<vmem>>, vector<1x1x16xi32>,
        %get3A_740 = vector.shape_cast %get3A_739 : vector<1x1x16xi32> to vector<16xi32>
        %shift_left3A_741 = arith.constant 16 : i32
        %shift_left3A_742 = vector.broadcast %shift_left3A_741 : i32 to vector<16xi32>
        %shift_left3A_743 = arith.shli %get3A_740, %shift_left3A_742 : vector<16xi32>
        %bitcast_convert_type3A_744 = tpu.bitcast %shift_left3A_743 : vector<16xi32> -> vector<16xf32>
        %add3A_745 = arith.addf %add3A_728, %bitcast_convert_type3A_744 : vector<16xf32>
        %and3A_746 = vector.broadcast %while3A_30 : i32 to vector<16xi32>
        %and3A_747 = arith.andi %get3A_740, %and3A_746 : vector<16xi32>
        %bitcast_convert_type3A_748 = tpu.bitcast %and3A_747 : vector<16xi32> -> vector<16xf32>
        %add3A_749 = arith.addf %add3A_732, %bitcast_convert_type3A_748 : vector<16xf32>
        %add3A_750 = arith.constant 9 : i32
        %add3A_751 = arith.addi %mul3A_182, %add3A_750 : i32
        %get3A_752 = arith.constant 1 : i32
        %get3A_753 = arith.index_cast %get3A_752 : i32 to index
        %get3A_754 = arith.index_cast %add3A_751 : i32 to index
        %get3A_755 = arith.constant 32 : index
        %get3A_756 = tpu.vector_load %arg10[%get3A_753, %get3A_754, %get3A_755] {strides = array<i32>} : memref<2x400x64xi32, #tpu.memory_space<vmem>>, vector<1x1x16xi32>,
        %get3A_757 = vector.shape_cast %get3A_756 : vector<1x1x16xi32> to vector<16xi32>
        %shift_left3A_758 = arith.constant 16 : i32
        %shift_left3A_759 = vector.broadcast %shift_left3A_758 : i32 to vector<16xi32>
        %shift_left3A_760 = arith.shli %get3A_757, %shift_left3A_759 : vector<16xi32>
        %bitcast_convert_type3A_761 = tpu.bitcast %shift_left3A_760 : vector<16xi32> -> vector<16xf32>
        %add3A_762 = arith.addf %add3A_745, %bitcast_convert_type3A_761 : vector<16xf32>
        %and3A_763 = vector.broadcast %while3A_30 : i32 to vector<16xi32>
        %and3A_764 = arith.andi %get3A_757, %and3A_763 : vector<16xi32>
        %bitcast_convert_type3A_765 = tpu.bitcast %and3A_764 : vector<16xi32> -> vector<16xf32>
        %add3A_766 = arith.addf %add3A_749, %bitcast_convert_type3A_765 : vector<16xf32>
        %max3A_767 = arith.constant 0.000000e+00 : f32
        %max3A_768 = vector.broadcast %max3A_767 : f32 to vector<16xf32>
        %max3A_769 = arith.maximumf %add3A_762, %max3A_768 : vector<16xf32>
        %swap3A_770 = arith.constant 1 : i32
        %swap3A_771 = arith.index_cast %swap3A_770 : i32 to index
        %swap3A_772 = arith.index_cast %scan3A_180 : i32 to index
        %swap3A_773 = arith.constant 64 : index
        %swap3A_774 = tpu.vector_load %arg11[%swap3A_771, %swap3A_772, %swap3A_773] {strides = array<i32>} : memref<2x40x128xf32, #tpu.memory_space<vmem>>, vector<1x1x16xf32>,
        %swap3A_775 = vector.shape_cast %swap3A_774 : vector<1x1x16xf32> to vector<16xf32>
        %swap3A_776 = vector.shape_cast %max3A_769 : vector<16xf32> to vector<1x1x16xf32>
        tpu.vector_store %arg11[%swap3A_771, %swap3A_772, %swap3A_773], %swap3A_776 {strides = array<i32>} : memref<2x40x128xf32, #tpu.memory_space<vmem>>, vector<1x1x16xf32>,
        %max3A_777 = arith.constant 0.000000e+00 : f32
        %max3A_778 = vector.broadcast %max3A_777 : f32 to vector<16xf32>
        %max3A_779 = arith.maximumf %add3A_766, %max3A_778 : vector<16xf32>
        %swap3A_780 = arith.constant 1 : i32
        %swap3A_781 = arith.index_cast %swap3A_780 : i32 to index
        %swap3A_782 = arith.index_cast %scan3A_180 : i32 to index
        %swap3A_783 = arith.constant 80 : index
        %swap3A_784 = tpu.vector_load %arg11[%swap3A_781, %swap3A_782, %swap3A_783] {strides = array<i32>} : memref<2x40x128xf32, #tpu.memory_space<vmem>>, vector<1x1x16xf32>,
        %swap3A_785 = vector.shape_cast %swap3A_784 : vector<1x1x16xf32> to vector<16xf32>
        %swap3A_786 = vector.shape_cast %max3A_779 : vector<16xf32> to vector<1x1x16xf32>
        tpu.vector_store %arg11[%swap3A_781, %swap3A_782, %swap3A_783], %swap3A_786 {strides = array<i32>} : memref<2x40x128xf32, #tpu.memory_space<vmem>>, vector<1x1x16xf32>,
        %get3A_787 = arith.constant 1 : i32
        %get3A_788 = arith.index_cast %get3A_787 : i32 to index
        %get3A_789 = arith.index_cast %scan3A_180 : i32 to index
        %get3A_790 = arith.constant 48 : index
        %get3A_791 = tpu.vector_load %arg9[%get3A_788, %get3A_789, %get3A_790] {strides = array<i32>} : memref<2x40x64xi32, #tpu.memory_space<vmem>>, vector<1x1x16xi32>,
        %get3A_792 = vector.shape_cast %get3A_791 : vector<1x1x16xi32> to vector<16xi32>
        %shift_left3A_793 = arith.constant 16 : i32
        %shift_left3A_794 = vector.broadcast %shift_left3A_793 : i32 to vector<16xi32>
        %shift_left3A_795 = arith.shli %get3A_792, %shift_left3A_794 : vector<16xi32>
        %bitcast_convert_type3A_796 = tpu.bitcast %shift_left3A_795 : vector<16xi32> -> vector<16xf32>
        %and3A_797 = vector.broadcast %while3A_30 : i32 to vector<16xi32>
        %and3A_798 = arith.andi %get3A_792, %and3A_797 : vector<16xi32>
        %bitcast_convert_type3A_799 = tpu.bitcast %and3A_798 : vector<16xi32> -> vector<16xf32>
        %add3A_800 = arith.constant 0 : i32
        %add3A_801 = arith.addi %mul3A_182, %add3A_800 : i32
        %get3A_802 = arith.constant 1 : i32
        %get3A_803 = arith.index_cast %get3A_802 : i32 to index
        %get3A_804 = arith.index_cast %add3A_801 : i32 to index
        %get3A_805 = arith.constant 48 : index
        %get3A_806 = tpu.vector_load %arg10[%get3A_803, %get3A_804, %get3A_805] {strides = array<i32>} : memref<2x400x64xi32, #tpu.memory_space<vmem>>, vector<1x1x16xi32>,
        %get3A_807 = vector.shape_cast %get3A_806 : vector<1x1x16xi32> to vector<16xi32>
        %shift_left3A_808 = arith.constant 16 : i32
        %shift_left3A_809 = vector.broadcast %shift_left3A_808 : i32 to vector<16xi32>
        %shift_left3A_810 = arith.shli %get3A_807, %shift_left3A_809 : vector<16xi32>
        %bitcast_convert_type3A_811 = tpu.bitcast %shift_left3A_810 : vector<16xi32> -> vector<16xf32>
        %add3A_812 = arith.addf %bitcast_convert_type3A_796, %bitcast_convert_type3A_811 : vector<16xf32>
        %and3A_813 = vector.broadcast %while3A_30 : i32 to vector<16xi32>
        %and3A_814 = arith.andi %get3A_807, %and3A_813 : vector<16xi32>
        %bitcast_convert_type3A_815 = tpu.bitcast %and3A_814 : vector<16xi32> -> vector<16xf32>
        %add3A_816 = arith.addf %bitcast_convert_type3A_799, %bitcast_convert_type3A_815 : vector<16xf32>
        %add3A_817 = arith.constant 1 : i32
        %add3A_818 = arith.addi %mul3A_182, %add3A_817 : i32
        %get3A_819 = arith.constant 1 : i32
        %get3A_820 = arith.index_cast %get3A_819 : i32 to index
        %get3A_821 = arith.index_cast %add3A_818 : i32 to index
        %get3A_822 = arith.constant 48 : index
        %get3A_823 = tpu.vector_load %arg10[%get3A_820, %get3A_821, %get3A_822] {strides = array<i32>} : memref<2x400x64xi32, #tpu.memory_space<vmem>>, vector<1x1x16xi32>,
        %get3A_824 = vector.shape_cast %get3A_823 : vector<1x1x16xi32> to vector<16xi32>
        %shift_left3A_825 = arith.constant 16 : i32
        %shift_left3A_826 = vector.broadcast %shift_left3A_825 : i32 to vector<16xi32>
        %shift_left3A_827 = arith.shli %get3A_824, %shift_left3A_826 : vector<16xi32>
        %bitcast_convert_type3A_828 = tpu.bitcast %shift_left3A_827 : vector<16xi32> -> vector<16xf32>
        %add3A_829 = arith.addf %add3A_812, %bitcast_convert_type3A_828 : vector<16xf32>
        %and3A_830 = vector.broadcast %while3A_30 : i32 to vector<16xi32>
        %and3A_831 = arith.andi %get3A_824, %and3A_830 : vector<16xi32>
        %bitcast_convert_type3A_832 = tpu.bitcast %and3A_831 : vector<16xi32> -> vector<16xf32>
        %add3A_833 = arith.addf %add3A_816, %bitcast_convert_type3A_832 : vector<16xf32>
        %add3A_834 = arith.constant 2 : i32
        %add3A_835 = arith.addi %mul3A_182, %add3A_834 : i32
        %get3A_836 = arith.constant 1 : i32
        %get3A_837 = arith.index_cast %get3A_836 : i32 to index
        %get3A_838 = arith.index_cast %add3A_835 : i32 to index
        %get3A_839 = arith.constant 48 : index
        %get3A_840 = tpu.vector_load %arg10[%get3A_837, %get3A_838, %get3A_839] {strides = array<i32>} : memref<2x400x64xi32, #tpu.memory_space<vmem>>, vector<1x1x16xi32>,
        %get3A_841 = vector.shape_cast %get3A_840 : vector<1x1x16xi32> to vector<16xi32>
        %shift_left3A_842 = arith.constant 16 : i32
        %shift_left3A_843 = vector.broadcast %shift_left3A_842 : i32 to vector<16xi32>
        %shift_left3A_844 = arith.shli %get3A_841, %shift_left3A_843 : vector<16xi32>
        %bitcast_convert_type3A_845 = tpu.bitcast %shift_left3A_844 : vector<16xi32> -> vector<16xf32>
        %add3A_846 = arith.addf %add3A_829, %bitcast_convert_type3A_845 : vector<16xf32>
        %and3A_847 = vector.broadcast %while3A_30 : i32 to vector<16xi32>
        %and3A_848 = arith.andi %get3A_841, %and3A_847 : vector<16xi32>
        %bitcast_convert_type3A_849 = tpu.bitcast %and3A_848 : vector<16xi32> -> vector<16xf32>
        %add3A_850 = arith.addf %add3A_833, %bitcast_convert_type3A_849 : vector<16xf32>
        %add3A_851 = arith.constant 3 : i32
        %add3A_852 = arith.addi %mul3A_182, %add3A_851 : i32
        %get3A_853 = arith.constant 1 : i32
        %get3A_854 = arith.index_cast %get3A_853 : i32 to index
        %get3A_855 = arith.index_cast %add3A_852 : i32 to index
        %get3A_856 = arith.constant 48 : index
        %get3A_857 = tpu.vector_load %arg10[%get3A_854, %get3A_855, %get3A_856] {strides = array<i32>} : memref<2x400x64xi32, #tpu.memory_space<vmem>>, vector<1x1x16xi32>,
        %get3A_858 = vector.shape_cast %get3A_857 : vector<1x1x16xi32> to vector<16xi32>
        %shift_left3A_859 = arith.constant 16 : i32
        %shift_left3A_860 = vector.broadcast %shift_left3A_859 : i32 to vector<16xi32>
        %shift_left3A_861 = arith.shli %get3A_858, %shift_left3A_860 : vector<16xi32>
        %bitcast_convert_type3A_862 = tpu.bitcast %shift_left3A_861 : vector<16xi32> -> vector<16xf32>
        %add3A_863 = arith.addf %add3A_846, %bitcast_convert_type3A_862 : vector<16xf32>
        %and3A_864 = vector.broadcast %while3A_30 : i32 to vector<16xi32>
        %and3A_865 = arith.andi %get3A_858, %and3A_864 : vector<16xi32>
        %bitcast_convert_type3A_866 = tpu.bitcast %and3A_865 : vector<16xi32> -> vector<16xf32>
        %add3A_867 = arith.addf %add3A_850, %bitcast_convert_type3A_866 : vector<16xf32>
        %add3A_868 = arith.constant 4 : i32
        %add3A_869 = arith.addi %mul3A_182, %add3A_868 : i32
        %get3A_870 = arith.constant 1 : i32
        %get3A_871 = arith.index_cast %get3A_870 : i32 to index
        %get3A_872 = arith.index_cast %add3A_869 : i32 to index
        %get3A_873 = arith.constant 48 : index
        %get3A_874 = tpu.vector_load %arg10[%get3A_871, %get3A_872, %get3A_873] {strides = array<i32>} : memref<2x400x64xi32, #tpu.memory_space<vmem>>, vector<1x1x16xi32>,
        %get3A_875 = vector.shape_cast %get3A_874 : vector<1x1x16xi32> to vector<16xi32>
        %shift_left3A_876 = arith.constant 16 : i32
        %shift_left3A_877 = vector.broadcast %shift_left3A_876 : i32 to vector<16xi32>
        %shift_left3A_878 = arith.shli %get3A_875, %shift_left3A_877 : vector<16xi32>
        %bitcast_convert_type3A_879 = tpu.bitcast %shift_left3A_878 : vector<16xi32> -> vector<16xf32>
        %add3A_880 = arith.addf %add3A_863, %bitcast_convert_type3A_879 : vector<16xf32>
        %and3A_881 = vector.broadcast %while3A_30 : i32 to vector<16xi32>
        %and3A_882 = arith.andi %get3A_875, %and3A_881 : vector<16xi32>
        %bitcast_convert_type3A_883 = tpu.bitcast %and3A_882 : vector<16xi32> -> vector<16xf32>
        %add3A_884 = arith.addf %add3A_867, %bitcast_convert_type3A_883 : vector<16xf32>
        %add3A_885 = arith.constant 5 : i32
        %add3A_886 = arith.addi %mul3A_182, %add3A_885 : i32
        %get3A_887 = arith.constant 1 : i32
        %get3A_888 = arith.index_cast %get3A_887 : i32 to index
        %get3A_889 = arith.index_cast %add3A_886 : i32 to index
        %get3A_890 = arith.constant 48 : index
        %get3A_891 = tpu.vector_load %arg10[%get3A_888, %get3A_889, %get3A_890] {strides = array<i32>} : memref<2x400x64xi32, #tpu.memory_space<vmem>>, vector<1x1x16xi32>,
        %get3A_892 = vector.shape_cast %get3A_891 : vector<1x1x16xi32> to vector<16xi32>
        %shift_left3A_893 = arith.constant 16 : i32
        %shift_left3A_894 = vector.broadcast %shift_left3A_893 : i32 to vector<16xi32>
        %shift_left3A_895 = arith.shli %get3A_892, %shift_left3A_894 : vector<16xi32>
        %bitcast_convert_type3A_896 = tpu.bitcast %shift_left3A_895 : vector<16xi32> -> vector<16xf32>
        %add3A_897 = arith.addf %add3A_880, %bitcast_convert_type3A_896 : vector<16xf32>
        %and3A_898 = vector.broadcast %while3A_30 : i32 to vector<16xi32>
        %and3A_899 = arith.andi %get3A_892, %and3A_898 : vector<16xi32>
        %bitcast_convert_type3A_900 = tpu.bitcast %and3A_899 : vector<16xi32> -> vector<16xf32>
        %add3A_901 = arith.addf %add3A_884, %bitcast_convert_type3A_900 : vector<16xf32>
        %add3A_902 = arith.constant 6 : i32
        %add3A_903 = arith.addi %mul3A_182, %add3A_902 : i32
        %get3A_904 = arith.constant 1 : i32
        %get3A_905 = arith.index_cast %get3A_904 : i32 to index
        %get3A_906 = arith.index_cast %add3A_903 : i32 to index
        %get3A_907 = arith.constant 48 : index
        %get3A_908 = tpu.vector_load %arg10[%get3A_905, %get3A_906, %get3A_907] {strides = array<i32>} : memref<2x400x64xi32, #tpu.memory_space<vmem>>, vector<1x1x16xi32>,
        %get3A_909 = vector.shape_cast %get3A_908 : vector<1x1x16xi32> to vector<16xi32>
        %shift_left3A_910 = arith.constant 16 : i32
        %shift_left3A_911 = vector.broadcast %shift_left3A_910 : i32 to vector<16xi32>
        %shift_left3A_912 = arith.shli %get3A_909, %shift_left3A_911 : vector<16xi32>
        %bitcast_convert_type3A_913 = tpu.bitcast %shift_left3A_912 : vector<16xi32> -> vector<16xf32>
        %add3A_914 = arith.addf %add3A_897, %bitcast_convert_type3A_913 : vector<16xf32>
        %and3A_915 = vector.broadcast %while3A_30 : i32 to vector<16xi32>
        %and3A_916 = arith.andi %get3A_909, %and3A_915 : vector<16xi32>
        %bitcast_convert_type3A_917 = tpu.bitcast %and3A_916 : vector<16xi32> -> vector<16xf32>
        %add3A_918 = arith.addf %add3A_901, %bitcast_convert_type3A_917 : vector<16xf32>
        %add3A_919 = arith.constant 7 : i32
        %add3A_920 = arith.addi %mul3A_182, %add3A_919 : i32
        %get3A_921 = arith.constant 1 : i32
        %get3A_922 = arith.index_cast %get3A_921 : i32 to index
        %get3A_923 = arith.index_cast %add3A_920 : i32 to index
        %get3A_924 = arith.constant 48 : index
        %get3A_925 = tpu.vector_load %arg10[%get3A_922, %get3A_923, %get3A_924] {strides = array<i32>} : memref<2x400x64xi32, #tpu.memory_space<vmem>>, vector<1x1x16xi32>,
        %get3A_926 = vector.shape_cast %get3A_925 : vector<1x1x16xi32> to vector<16xi32>
        %shift_left3A_927 = arith.constant 16 : i32
        %shift_left3A_928 = vector.broadcast %shift_left3A_927 : i32 to vector<16xi32>
        %shift_left3A_929 = arith.shli %get3A_926, %shift_left3A_928 : vector<16xi32>
        %bitcast_convert_type3A_930 = tpu.bitcast %shift_left3A_929 : vector<16xi32> -> vector<16xf32>
        %add3A_931 = arith.addf %add3A_914, %bitcast_convert_type3A_930 : vector<16xf32>
        %and3A_932 = vector.broadcast %while3A_30 : i32 to vector<16xi32>
        %and3A_933 = arith.andi %get3A_926, %and3A_932 : vector<16xi32>
        %bitcast_convert_type3A_934 = tpu.bitcast %and3A_933 : vector<16xi32> -> vector<16xf32>
        %add3A_935 = arith.addf %add3A_918, %bitcast_convert_type3A_934 : vector<16xf32>
        %add3A_936 = arith.constant 8 : i32
        %add3A_937 = arith.addi %mul3A_182, %add3A_936 : i32
        %get3A_938 = arith.constant 1 : i32
        %get3A_939 = arith.index_cast %get3A_938 : i32 to index
        %get3A_940 = arith.index_cast %add3A_937 : i32 to index
        %get3A_941 = arith.constant 48 : index
        %get3A_942 = tpu.vector_load %arg10[%get3A_939, %get3A_940, %get3A_941] {strides = array<i32>} : memref<2x400x64xi32, #tpu.memory_space<vmem>>, vector<1x1x16xi32>,
        %get3A_943 = vector.shape_cast %get3A_942 : vector<1x1x16xi32> to vector<16xi32>
        %shift_left3A_944 = arith.constant 16 : i32
        %shift_left3A_945 = vector.broadcast %shift_left3A_944 : i32 to vector<16xi32>
        %shift_left3A_946 = arith.shli %get3A_943, %shift_left3A_945 : vector<16xi32>
        %bitcast_convert_type3A_947 = tpu.bitcast %shift_left3A_946 : vector<16xi32> -> vector<16xf32>
        %add3A_948 = arith.addf %add3A_931, %bitcast_convert_type3A_947 : vector<16xf32>
        %and3A_949 = vector.broadcast %while3A_30 : i32 to vector<16xi32>
        %and3A_950 = arith.andi %get3A_943, %and3A_949 : vector<16xi32>
        %bitcast_convert_type3A_951 = tpu.bitcast %and3A_950 : vector<16xi32> -> vector<16xf32>
        %add3A_952 = arith.addf %add3A_935, %bitcast_convert_type3A_951 : vector<16xf32>
        %add3A_953 = arith.constant 9 : i32
        %add3A_954 = arith.addi %mul3A_182, %add3A_953 : i32
        %get3A_955 = arith.constant 1 : i32
        %get3A_956 = arith.index_cast %get3A_955 : i32 to index
        %get3A_957 = arith.index_cast %add3A_954 : i32 to index
        %get3A_958 = arith.constant 48 : index
        %get3A_959 = tpu.vector_load %arg10[%get3A_956, %get3A_957, %get3A_958] {strides = array<i32>} : memref<2x400x64xi32, #tpu.memory_space<vmem>>, vector<1x1x16xi32>,
        %get3A_960 = vector.shape_cast %get3A_959 : vector<1x1x16xi32> to vector<16xi32>
        %shift_left3A_961 = arith.constant 16 : i32
        %shift_left3A_962 = vector.broadcast %shift_left3A_961 : i32 to vector<16xi32>
        %shift_left3A_963 = arith.shli %get3A_960, %shift_left3A_962 : vector<16xi32>
        %bitcast_convert_type3A_964 = tpu.bitcast %shift_left3A_963 : vector<16xi32> -> vector<16xf32>
        %add3A_965 = arith.addf %add3A_948, %bitcast_convert_type3A_964 : vector<16xf32>
        %and3A_966 = vector.broadcast %while3A_30 : i32 to vector<16xi32>
        %and3A_967 = arith.andi %get3A_960, %and3A_966 : vector<16xi32>
        %bitcast_convert_type3A_968 = tpu.bitcast %and3A_967 : vector<16xi32> -> vector<16xf32>
        %add3A_969 = arith.addf %add3A_952, %bitcast_convert_type3A_968 : vector<16xf32>
        %max3A_970 = arith.constant 0.000000e+00 : f32
        %max3A_971 = vector.broadcast %max3A_970 : f32 to vector<16xf32>
        %max3A_972 = arith.maximumf %add3A_965, %max3A_971 : vector<16xf32>
        %swap3A_973 = arith.constant 1 : i32
        %swap3A_974 = arith.index_cast %swap3A_973 : i32 to index
        %swap3A_975 = arith.index_cast %scan3A_180 : i32 to index
        %swap3A_976 = arith.constant 96 : index
        %swap3A_977 = tpu.vector_load %arg11[%swap3A_974, %swap3A_975, %swap3A_976] {strides = array<i32>} : memref<2x40x128xf32, #tpu.memory_space<vmem>>, vector<1x1x16xf32>,
        %swap3A_978 = vector.shape_cast %swap3A_977 : vector<1x1x16xf32> to vector<16xf32>
        %swap3A_979 = vector.shape_cast %max3A_972 : vector<16xf32> to vector<1x1x16xf32>
        tpu.vector_store %arg11[%swap3A_974, %swap3A_975, %swap3A_976], %swap3A_979 {strides = array<i32>} : memref<2x40x128xf32, #tpu.memory_space<vmem>>, vector<1x1x16xf32>,
        %max3A_980 = arith.constant 0.000000e+00 : f32
        %max3A_981 = vector.broadcast %max3A_980 : f32 to vector<16xf32>
        %max3A_982 = arith.maximumf %add3A_969, %max3A_981 : vector<16xf32>
        %swap3A_983 = arith.constant 1 : i32
        %swap3A_984 = arith.index_cast %swap3A_983 : i32 to index
        %swap3A_985 = arith.index_cast %scan3A_180 : i32 to index
        %swap3A_986 = arith.constant 112 : index
        %swap3A_987 = tpu.vector_load %arg11[%swap3A_984, %swap3A_985, %swap3A_986] {strides = array<i32>} : memref<2x40x128xf32, #tpu.memory_space<vmem>>, vector<1x1x16xf32>,
        %swap3A_988 = vector.shape_cast %swap3A_987 : vector<1x1x16xf32> to vector<16xf32>
        %swap3A_989 = vector.shape_cast %max3A_982 : vector<16xf32> to vector<1x1x16xf32>
        tpu.vector_store %arg11[%swap3A_984, %swap3A_985, %swap3A_986], %swap3A_989 {strides = array<i32>} : memref<2x40x128xf32, #tpu.memory_space<vmem>>, vector<1x1x16xf32>,
      }
      %scan3A_163 = arith.constant 40 : i32
      %mul3A_164 = arith.constant 40 : i32
      %mul3A_165 = arith.muli %add3A_116, %mul3A_164 : i32
      %add3A_166 = arith.addi %add3A, %mul3A_165 : i32
      %dma_start3A_167 = arith.constant 1 : i32
      %dma_start3A_168 = arith.constant 0 : i32
      %dma_start3A_169 = arith.constant 0 : i32
      %dma_start3A_170 = tpu.memref_slice %arg11[%dma_start3A_167, %dma_start3A_168, %dma_start3A_169] : memref<2x40x128xf32, #tpu.memory_space<vmem>> -> memref<1x40x128xf32, #tpu.memory_space<vmem>>
      %dma_start3A_171 = tpu.memref_squeeze %dma_start3A_170 : memref<1x40x128xf32, #tpu.memory_space<vmem>> -> memref<40x128xf32, #tpu.memory_space<vmem>>
      %dma_start3A_172 = arith.constant 0 : i32
      %dma_start3A_173 = tpu.memref_slice %arg6[%add3A_166, %dma_start3A_172] : memref<51200x128xf32, #tpu.memory_space<hbm>> -> memref<40x128xf32, #tpu.memory_space<hbm>>
      %dma_start3A_174 = arith.constant 0 : i32
      %dma_start3A_175 = tpu.memref_slice %arg6[%add3A_166, %dma_start3A_174] : memref<51200x128xf32, #tpu.memory_space<hbm>> -> memref<40x128xf32, #tpu.memory_space<hbm>>
      %dma_start3A_176 = arith.constant 0 : i32
      %dma_start3A_177 = arith.constant 0 : i32
      %dma_start3A_178 = tpu.memref_slice %arg11[%dma_start3A_167, %dma_start3A_176, %dma_start3A_177] : memref<2x40x128xf32, #tpu.memory_space<vmem>> -> memref<1x40x128xf32, #tpu.memory_space<vmem>>
      %dma_start3A_179 = tpu.memref_squeeze %dma_start3A_178 : memref<1x40x128xf32, #tpu.memory_space<vmem>> -> memref<40x128xf32, #tpu.memory_space<vmem>>
      tpu.enqueue_dma source(%dma_start3A_179 : memref<40x128xf32, #tpu.memory_space<vmem>>) target(%dma_start3A_175 : memref<40x128xf32, #tpu.memory_space<hbm>>) target_semaphore(%arg15 : memref<!tpu.dma_semaphore, #tpu.memory_space<semaphore_mem>>)
    }
    %while3A_39 = arith.constant 1 : i32
    scf.for %while3A_50 = %while3A_37 to %while3A_33 step %while3A_39  : i32 {
      %mul3A_51 = arith.constant 2 : i32
      %mul3A_52 = arith.muli %while3A_50, %mul3A_51 : i32
      %add3A_53 = arith.constant 0 : i32
      %add3A_54 = arith.addi %mul3A_52, %add3A_53 : i32
      %dma_wait3A = arith.constant 0 : i32
      %dma_wait3A_55 = arith.constant 0 : i32
      %dma_wait3A_56 = arith.constant 0 : i32
      %dma_wait3A_57 = tpu.memref_slice %arg9[%dma_wait3A, %dma_wait3A_55, %dma_wait3A_56] : memref<2x40x64xi32, #tpu.memory_space<vmem>> -> memref<1x40x64xi32, #tpu.memory_space<vmem>>
      %dma_wait3A_58 = tpu.memref_squeeze %dma_wait3A_57 : memref<1x40x64xi32, #tpu.memory_space<vmem>> -> memref<40x64xi32, #tpu.memory_space<vmem>>
      %dma_wait3A_59 = arith.constant 0 : i32
      %dma_wait3A_60 = arith.constant 0 : i32
      %dma_wait3A_61 = tpu.memref_slice %arg4[%dma_wait3A_59, %dma_wait3A_60] : memref<50000x64xi32, #tpu.memory_space<hbm>> -> memref<40x64xi32, #tpu.memory_space<hbm>>
      %dma_wait3A_62 = arith.constant 0 : i32
      %dma_wait3A_63 = arith.constant 0 : i32
      %dma_wait3A_64 = tpu.memref_slice %arg9[%dma_wait3A, %dma_wait3A_62, %dma_wait3A_63] : memref<2x40x64xi32, #tpu.memory_space<vmem>> -> memref<1x40x64xi32, #tpu.memory_space<vmem>>
      %dma_wait3A_65 = tpu.memref_squeeze %dma_wait3A_64 : memref<1x40x64xi32, #tpu.memory_space<vmem>> -> memref<40x64xi32, #tpu.memory_space<vmem>>
      %dma_wait3A_66 = arith.constant 0 : i32
      %dma_wait3A_67 = arith.constant 0 : i32
      %dma_wait3A_68 = tpu.memref_slice %arg4[%dma_wait3A_66, %dma_wait3A_67] : memref<50000x64xi32, #tpu.memory_space<hbm>> -> memref<40x64xi32, #tpu.memory_space<hbm>>
      tpu.wait_dma2 semaphore(%arg12 : memref<!tpu.dma_semaphore, #tpu.memory_space<semaphore_mem>>) src(%dma_wait3A_68 : memref<40x64xi32, #tpu.memory_space<hbm>>) dst(%dma_wait3A_65 : memref<40x64xi32, #tpu.memory_space<vmem>>)
      %dma_wait3A_69 = arith.constant 0 : i32
      %dma_wait3A_70 = arith.constant 0 : i32
      %dma_wait3A_71 = arith.constant 0 : i32
      %dma_wait3A_72 = tpu.memref_slice %arg10[%dma_wait3A_69, %dma_wait3A_70, %dma_wait3A_71] : memref<2x400x64xi32, #tpu.memory_space<vmem>> -> memref<1x400x64xi32, #tpu.memory_space<vmem>>
      %dma_wait3A_73 = tpu.memref_squeeze %dma_wait3A_72 : memref<1x400x64xi32, #tpu.memory_space<vmem>> -> memref<400x64xi32, #tpu.memory_space<vmem>>
      %dma_wait3A_74 = arith.constant 0 : i32
      %dma_wait3A_75 = arith.constant 0 : i32
      %dma_wait3A_76 = tpu.memref_slice %arg5[%dma_wait3A_74, %dma_wait3A_75] : memref<50000x64xi32, #tpu.memory_space<hbm>> -> memref<400x64xi32, #tpu.memory_space<hbm>>
      %dma_wait3A_77 = arith.constant 0 : i32
      %dma_wait3A_78 = arith.constant 0 : i32
      %dma_wait3A_79 = tpu.memref_slice %arg10[%dma_wait3A_69, %dma_wait3A_77, %dma_wait3A_78] : memref<2x400x64xi32, #tpu.memory_space<vmem>> -> memref<1x400x64xi32, #tpu.memory_space<vmem>>
      %dma_wait3A_80 = tpu.memref_squeeze %dma_wait3A_79 : memref<1x400x64xi32, #tpu.memory_space<vmem>> -> memref<400x64xi32, #tpu.memory_space<vmem>>
      %dma_wait3A_81 = arith.constant 0 : i32
      %dma_wait3A_82 = arith.constant 0 : i32
      %dma_wait3A_83 = tpu.memref_slice %arg5[%dma_wait3A_81, %dma_wait3A_82] : memref<50000x64xi32, #tpu.memory_space<hbm>> -> memref<400x64xi32, #tpu.memory_space<hbm>>
      tpu.wait_dma2 semaphore(%arg12 : memref<!tpu.dma_semaphore, #tpu.memory_space<semaphore_mem>>) src(%dma_wait3A_83 : memref<400x64xi32, #tpu.memory_space<hbm>>) dst(%dma_wait3A_80 : memref<400x64xi32, #tpu.memory_space<vmem>>)
      %add3A_84 = arith.constant 1 : i32
      %add3A_85 = arith.addi %add3A_54, %add3A_84 : i32
      %lt3A = arith.cmpi slt, %add3A_85, %select_n3A : i32
      %convert_element_type3A_86 = arith.extui %lt3A : i1 to i32
      %cond3A_87 = arith.constant 0 : i32
      %cond3A_88 = arith.cmpi ne, %convert_element_type3A_86, %cond3A_87 : i32
      scf.if %cond3A_88 {
        %add3A_180 = arith.constant 1 : i32
        %add3A_181 = arith.addi %add3A_54, %add3A_180 : i32
        %mul3A_182 = arith.constant 40 : i32
        %mul3A_183 = arith.muli %add3A_181, %mul3A_182 : i32
        %dma_start3A_184 = arith.constant 1 : i32
        %dma_start3A_185 = arith.constant 0 : i32
        %dma_start3A_186 = arith.constant 0 : i32
        %dma_start3A_187 = tpu.memref_slice %arg9[%dma_start3A_184, %dma_start3A_185, %dma_start3A_186] : memref<2x40x64xi32, #tpu.memory_space<vmem>> -> memref<1x40x64xi32, #tpu.memory_space<vmem>>
        %dma_start3A_188 = tpu.memref_squeeze %dma_start3A_187 : memref<1x40x64xi32, #tpu.memory_space<vmem>> -> memref<40x64xi32, #tpu.memory_space<vmem>>
        %dma_start3A_189 = tpu.memref_slice %arg7[%mul3A_183] : memref<2320xi32, #tpu.memory_space<vmem>> -> memref<40xi32, #tpu.memory_space<vmem>>
        %dma_start3A_190 = arith.constant 0 : i32
        %dma_start3A_191 = arith.constant 0 : i32
        %dma_start3A_192 = tpu.memref_slice %arg4[%dma_start3A_190, %dma_start3A_191] : memref<50000x64xi32, #tpu.memory_space<hbm>> -> memref<50000x64xi32, #tpu.memory_space<hbm>>
        tpu.enqueue_indirect_dma source(%dma_start3A_192 : memref<50000x64xi32, #tpu.memory_space<hbm>>) target(%dma_start3A_188 : memref<40x64xi32, #tpu.memory_space<vmem>>) offsets(%dma_start3A_189 : memref<40xi32, #tpu.memory_space<vmem>>) semaphore(%arg13 : memref<!tpu.dma_semaphore, #tpu.memory_space<semaphore_mem>>)
        %mul3A_193 = arith.constant 400 : i32
        %mul3A_194 = arith.muli %add3A_181, %mul3A_193 : i32
        %dma_start3A_195 = arith.constant 1 : i32
        %dma_start3A_196 = arith.constant 0 : i32
        %dma_start3A_197 = arith.constant 0 : i32
        %dma_start3A_198 = tpu.memref_slice %arg10[%dma_start3A_195, %dma_start3A_196, %dma_start3A_197] : memref<2x400x64xi32, #tpu.memory_space<vmem>> -> memref<1x400x64xi32, #tpu.memory_space<vmem>>
        %dma_start3A_199 = tpu.memref_squeeze %dma_start3A_198 : memref<1x400x64xi32, #tpu.memory_space<vmem>> -> memref<400x64xi32, #tpu.memory_space<vmem>>
        %dma_start3A_200 = tpu.memref_slice %arg8[%mul3A_194] : memref<23200xi32, #tpu.memory_space<vmem>> -> memref<400xi32, #tpu.memory_space<vmem>>
        %dma_start3A_201 = arith.constant 0 : i32
        %dma_start3A_202 = arith.constant 0 : i32
        %dma_start3A_203 = tpu.memref_slice %arg5[%dma_start3A_201, %dma_start3A_202] : memref<50000x64xi32, #tpu.memory_space<hbm>> -> memref<50000x64xi32, #tpu.memory_space<hbm>>
        tpu.enqueue_indirect_dma source(%dma_start3A_203 : memref<50000x64xi32, #tpu.memory_space<hbm>>) target(%dma_start3A_199 : memref<400x64xi32, #tpu.memory_space<vmem>>) offsets(%dma_start3A_200 : memref<400xi32, #tpu.memory_space<vmem>>) semaphore(%arg13 : memref<!tpu.dma_semaphore, #tpu.memory_space<semaphore_mem>>)
      } else {
      }
      %ge3A = arith.constant 2 : i32
      %ge3A_89 = arith.cmpi sge, %add3A_54, %ge3A : i32
      %convert_element_type3A_90 = arith.extui %ge3A_89 : i1 to i32
      %cond3A_91 = arith.constant 0 : i32
      %cond3A_92 = arith.cmpi ne, %convert_element_type3A_90, %cond3A_91 : i32
      scf.if %cond3A_92 {
        %dma_wait3A_180 = arith.constant 0 : i32
        %dma_wait3A_181 = arith.constant 0 : i32
        %dma_wait3A_182 = arith.constant 0 : i32
        %dma_wait3A_183 = tpu.memref_slice %arg11[%dma_wait3A_180, %dma_wait3A_181, %dma_wait3A_182] : memref<2x40x128xf32, #tpu.memory_space<vmem>> -> memref<1x40x128xf32, #tpu.memory_space<vmem>>
        %dma_wait3A_184 = tpu.memref_squeeze %dma_wait3A_183 : memref<1x40x128xf32, #tpu.memory_space<vmem>> -> memref<40x128xf32, #tpu.memory_space<vmem>>
        %dma_wait3A_185 = arith.constant 0 : i32
        %dma_wait3A_186 = arith.constant 0 : i32
        %dma_wait3A_187 = tpu.memref_slice %arg6[%dma_wait3A_185, %dma_wait3A_186] : memref<51200x128xf32, #tpu.memory_space<hbm>> -> memref<40x128xf32, #tpu.memory_space<hbm>>
        %dma_wait3A_188 = arith.constant 0 : i32
        %dma_wait3A_189 = arith.constant 0 : i32
        %dma_wait3A_190 = tpu.memref_slice %arg11[%dma_wait3A_180, %dma_wait3A_188, %dma_wait3A_189] : memref<2x40x128xf32, #tpu.memory_space<vmem>> -> memref<1x40x128xf32, #tpu.memory_space<vmem>>
        %dma_wait3A_191 = tpu.memref_squeeze %dma_wait3A_190 : memref<1x40x128xf32, #tpu.memory_space<vmem>> -> memref<40x128xf32, #tpu.memory_space<vmem>>
        %dma_wait3A_192 = arith.constant 0 : i32
        %dma_wait3A_193 = arith.constant 0 : i32
        %dma_wait3A_194 = tpu.memref_slice %arg6[%dma_wait3A_192, %dma_wait3A_193] : memref<51200x128xf32, #tpu.memory_space<hbm>> -> memref<40x128xf32, #tpu.memory_space<hbm>>
        tpu.wait_dma2 semaphore(%arg14 : memref<!tpu.dma_semaphore, #tpu.memory_space<semaphore_mem>>) src(%dma_wait3A_194 : memref<40x128xf32, #tpu.memory_space<hbm>>) dst(%dma_wait3A_191 : memref<40x128xf32, #tpu.memory_space<vmem>>)
      } else {
      }
      %scan3A = arith.constant 0 : i32
      %scan3A_93 = arith.constant 0 : i32
      %scan3A_94 = arith.constant 40 : i32
      %scan3A_95 = arith.addi %scan3A_93, %scan3A_94 : i32
      %scan3A_96 = arith.constant 1 : i32
      scf.for %scan3A_180 = %scan3A_93 to %scan3A_95 step %scan3A_96  : i32 {
        %mul3A_181 = arith.constant 10 : i32
        %mul3A_182 = arith.muli %scan3A_180, %mul3A_181 : i32
        %get3A = arith.constant 0 : i32
        %get3A_183 = arith.index_cast %get3A : i32 to index
        %get3A_184 = arith.index_cast %scan3A_180 : i32 to index
        %get3A_185 = arith.constant 0 : index
        %get3A_186 = tpu.vector_load %arg9[%get3A_183, %get3A_184, %get3A_185] {strides = array<i32>} : memref<2x40x64xi32, #tpu.memory_space<vmem>>, vector<1x1x16xi32>,
        %get3A_187 = vector.shape_cast %get3A_186 : vector<1x1x16xi32> to vector<16xi32>
        %shift_left3A = arith.constant 16 : i32
        %shift_left3A_188 = vector.broadcast %shift_left3A : i32 to vector<16xi32>
        %shift_left3A_189 = arith.shli %get3A_187, %shift_left3A_188 : vector<16xi32>
        %bitcast_convert_type3A = tpu.bitcast %shift_left3A_189 : vector<16xi32> -> vector<16xf32>
        %and3A_190 = vector.broadcast %while3A_30 : i32 to vector<16xi32>
        %and3A_191 = arith.andi %get3A_187, %and3A_190 : vector<16xi32>
        %bitcast_convert_type3A_192 = tpu.bitcast %and3A_191 : vector<16xi32> -> vector<16xf32>
        %add3A_193 = arith.constant 0 : i32
        %add3A_194 = arith.addi %mul3A_182, %add3A_193 : i32
        %get3A_195 = arith.constant 0 : i32
        %get3A_196 = arith.index_cast %get3A_195 : i32 to index
        %get3A_197 = arith.index_cast %add3A_194 : i32 to index
        %get3A_198 = arith.constant 0 : index
        %get3A_199 = tpu.vector_load %arg10[%get3A_196, %get3A_197, %get3A_198] {strides = array<i32>} : memref<2x400x64xi32, #tpu.memory_space<vmem>>, vector<1x1x16xi32>,
        %get3A_200 = vector.shape_cast %get3A_199 : vector<1x1x16xi32> to vector<16xi32>
        %shift_left3A_201 = arith.constant 16 : i32
        %shift_left3A_202 = vector.broadcast %shift_left3A_201 : i32 to vector<16xi32>
        %shift_left3A_203 = arith.shli %get3A_200, %shift_left3A_202 : vector<16xi32>
        %bitcast_convert_type3A_204 = tpu.bitcast %shift_left3A_203 : vector<16xi32> -> vector<16xf32>
        %add3A_205 = arith.addf %bitcast_convert_type3A, %bitcast_convert_type3A_204 : vector<16xf32>
        %and3A_206 = vector.broadcast %while3A_30 : i32 to vector<16xi32>
        %and3A_207 = arith.andi %get3A_200, %and3A_206 : vector<16xi32>
        %bitcast_convert_type3A_208 = tpu.bitcast %and3A_207 : vector<16xi32> -> vector<16xf32>
        %add3A_209 = arith.addf %bitcast_convert_type3A_192, %bitcast_convert_type3A_208 : vector<16xf32>
        %add3A_210 = arith.constant 1 : i32
        %add3A_211 = arith.addi %mul3A_182, %add3A_210 : i32
        %get3A_212 = arith.constant 0 : i32
        %get3A_213 = arith.index_cast %get3A_212 : i32 to index
        %get3A_214 = arith.index_cast %add3A_211 : i32 to index
        %get3A_215 = arith.constant 0 : index
        %get3A_216 = tpu.vector_load %arg10[%get3A_213, %get3A_214, %get3A_215] {strides = array<i32>} : memref<2x400x64xi32, #tpu.memory_space<vmem>>, vector<1x1x16xi32>,
        %get3A_217 = vector.shape_cast %get3A_216 : vector<1x1x16xi32> to vector<16xi32>
        %shift_left3A_218 = arith.constant 16 : i32
        %shift_left3A_219 = vector.broadcast %shift_left3A_218 : i32 to vector<16xi32>
        %shift_left3A_220 = arith.shli %get3A_217, %shift_left3A_219 : vector<16xi32>
        %bitcast_convert_type3A_221 = tpu.bitcast %shift_left3A_220 : vector<16xi32> -> vector<16xf32>
        %add3A_222 = arith.addf %add3A_205, %bitcast_convert_type3A_221 : vector<16xf32>
        %and3A_223 = vector.broadcast %while3A_30 : i32 to vector<16xi32>
        %and3A_224 = arith.andi %get3A_217, %and3A_223 : vector<16xi32>
        %bitcast_convert_type3A_225 = tpu.bitcast %and3A_224 : vector<16xi32> -> vector<16xf32>
        %add3A_226 = arith.addf %add3A_209, %bitcast_convert_type3A_225 : vector<16xf32>
        %add3A_227 = arith.constant 2 : i32
        %add3A_228 = arith.addi %mul3A_182, %add3A_227 : i32
        %get3A_229 = arith.constant 0 : i32
        %get3A_230 = arith.index_cast %get3A_229 : i32 to index
        %get3A_231 = arith.index_cast %add3A_228 : i32 to index
        %get3A_232 = arith.constant 0 : index
        %get3A_233 = tpu.vector_load %arg10[%get3A_230, %get3A_231, %get3A_232] {strides = array<i32>} : memref<2x400x64xi32, #tpu.memory_space<vmem>>, vector<1x1x16xi32>,
        %get3A_234 = vector.shape_cast %get3A_233 : vector<1x1x16xi32> to vector<16xi32>
        %shift_left3A_235 = arith.constant 16 : i32
        %shift_left3A_236 = vector.broadcast %shift_left3A_235 : i32 to vector<16xi32>
        %shift_left3A_237 = arith.shli %get3A_234, %shift_left3A_236 : vector<16xi32>
        %bitcast_convert_type3A_238 = tpu.bitcast %shift_left3A_237 : vector<16xi32> -> vector<16xf32>
        %add3A_239 = arith.addf %add3A_222, %bitcast_convert_type3A_238 : vector<16xf32>
        %and3A_240 = vector.broadcast %while3A_30 : i32 to vector<16xi32>
        %and3A_241 = arith.andi %get3A_234, %and3A_240 : vector<16xi32>
        %bitcast_convert_type3A_242 = tpu.bitcast %and3A_241 : vector<16xi32> -> vector<16xf32>
        %add3A_243 = arith.addf %add3A_226, %bitcast_convert_type3A_242 : vector<16xf32>
        %add3A_244 = arith.constant 3 : i32
        %add3A_245 = arith.addi %mul3A_182, %add3A_244 : i32
        %get3A_246 = arith.constant 0 : i32
        %get3A_247 = arith.index_cast %get3A_246 : i32 to index
        %get3A_248 = arith.index_cast %add3A_245 : i32 to index
        %get3A_249 = arith.constant 0 : index
        %get3A_250 = tpu.vector_load %arg10[%get3A_247, %get3A_248, %get3A_249] {strides = array<i32>} : memref<2x400x64xi32, #tpu.memory_space<vmem>>, vector<1x1x16xi32>,
        %get3A_251 = vector.shape_cast %get3A_250 : vector<1x1x16xi32> to vector<16xi32>
        %shift_left3A_252 = arith.constant 16 : i32
        %shift_left3A_253 = vector.broadcast %shift_left3A_252 : i32 to vector<16xi32>
        %shift_left3A_254 = arith.shli %get3A_251, %shift_left3A_253 : vector<16xi32>
        %bitcast_convert_type3A_255 = tpu.bitcast %shift_left3A_254 : vector<16xi32> -> vector<16xf32>
        %add3A_256 = arith.addf %add3A_239, %bitcast_convert_type3A_255 : vector<16xf32>
        %and3A_257 = vector.broadcast %while3A_30 : i32 to vector<16xi32>
        %and3A_258 = arith.andi %get3A_251, %and3A_257 : vector<16xi32>
        %bitcast_convert_type3A_259 = tpu.bitcast %and3A_258 : vector<16xi32> -> vector<16xf32>
        %add3A_260 = arith.addf %add3A_243, %bitcast_convert_type3A_259 : vector<16xf32>
        %add3A_261 = arith.constant 4 : i32
        %add3A_262 = arith.addi %mul3A_182, %add3A_261 : i32
        %get3A_263 = arith.constant 0 : i32
        %get3A_264 = arith.index_cast %get3A_263 : i32 to index
        %get3A_265 = arith.index_cast %add3A_262 : i32 to index
        %get3A_266 = arith.constant 0 : index
        %get3A_267 = tpu.vector_load %arg10[%get3A_264, %get3A_265, %get3A_266] {strides = array<i32>} : memref<2x400x64xi32, #tpu.memory_space<vmem>>, vector<1x1x16xi32>,
        %get3A_268 = vector.shape_cast %get3A_267 : vector<1x1x16xi32> to vector<16xi32>
        %shift_left3A_269 = arith.constant 16 : i32
        %shift_left3A_270 = vector.broadcast %shift_left3A_269 : i32 to vector<16xi32>
        %shift_left3A_271 = arith.shli %get3A_268, %shift_left3A_270 : vector<16xi32>
        %bitcast_convert_type3A_272 = tpu.bitcast %shift_left3A_271 : vector<16xi32> -> vector<16xf32>
        %add3A_273 = arith.addf %add3A_256, %bitcast_convert_type3A_272 : vector<16xf32>
        %and3A_274 = vector.broadcast %while3A_30 : i32 to vector<16xi32>
        %and3A_275 = arith.andi %get3A_268, %and3A_274 : vector<16xi32>
        %bitcast_convert_type3A_276 = tpu.bitcast %and3A_275 : vector<16xi32> -> vector<16xf32>
        %add3A_277 = arith.addf %add3A_260, %bitcast_convert_type3A_276 : vector<16xf32>
        %add3A_278 = arith.constant 5 : i32
        %add3A_279 = arith.addi %mul3A_182, %add3A_278 : i32
        %get3A_280 = arith.constant 0 : i32
        %get3A_281 = arith.index_cast %get3A_280 : i32 to index
        %get3A_282 = arith.index_cast %add3A_279 : i32 to index
        %get3A_283 = arith.constant 0 : index
        %get3A_284 = tpu.vector_load %arg10[%get3A_281, %get3A_282, %get3A_283] {strides = array<i32>} : memref<2x400x64xi32, #tpu.memory_space<vmem>>, vector<1x1x16xi32>,
        %get3A_285 = vector.shape_cast %get3A_284 : vector<1x1x16xi32> to vector<16xi32>
        %shift_left3A_286 = arith.constant 16 : i32
        %shift_left3A_287 = vector.broadcast %shift_left3A_286 : i32 to vector<16xi32>
        %shift_left3A_288 = arith.shli %get3A_285, %shift_left3A_287 : vector<16xi32>
        %bitcast_convert_type3A_289 = tpu.bitcast %shift_left3A_288 : vector<16xi32> -> vector<16xf32>
        %add3A_290 = arith.addf %add3A_273, %bitcast_convert_type3A_289 : vector<16xf32>
        %and3A_291 = vector.broadcast %while3A_30 : i32 to vector<16xi32>
        %and3A_292 = arith.andi %get3A_285, %and3A_291 : vector<16xi32>
        %bitcast_convert_type3A_293 = tpu.bitcast %and3A_292 : vector<16xi32> -> vector<16xf32>
        %add3A_294 = arith.addf %add3A_277, %bitcast_convert_type3A_293 : vector<16xf32>
        %add3A_295 = arith.constant 6 : i32
        %add3A_296 = arith.addi %mul3A_182, %add3A_295 : i32
        %get3A_297 = arith.constant 0 : i32
        %get3A_298 = arith.index_cast %get3A_297 : i32 to index
        %get3A_299 = arith.index_cast %add3A_296 : i32 to index
        %get3A_300 = arith.constant 0 : index
        %get3A_301 = tpu.vector_load %arg10[%get3A_298, %get3A_299, %get3A_300] {strides = array<i32>} : memref<2x400x64xi32, #tpu.memory_space<vmem>>, vector<1x1x16xi32>,
        %get3A_302 = vector.shape_cast %get3A_301 : vector<1x1x16xi32> to vector<16xi32>
        %shift_left3A_303 = arith.constant 16 : i32
        %shift_left3A_304 = vector.broadcast %shift_left3A_303 : i32 to vector<16xi32>
        %shift_left3A_305 = arith.shli %get3A_302, %shift_left3A_304 : vector<16xi32>
        %bitcast_convert_type3A_306 = tpu.bitcast %shift_left3A_305 : vector<16xi32> -> vector<16xf32>
        %add3A_307 = arith.addf %add3A_290, %bitcast_convert_type3A_306 : vector<16xf32>
        %and3A_308 = vector.broadcast %while3A_30 : i32 to vector<16xi32>
        %and3A_309 = arith.andi %get3A_302, %and3A_308 : vector<16xi32>
        %bitcast_convert_type3A_310 = tpu.bitcast %and3A_309 : vector<16xi32> -> vector<16xf32>
        %add3A_311 = arith.addf %add3A_294, %bitcast_convert_type3A_310 : vector<16xf32>
        %add3A_312 = arith.constant 7 : i32
        %add3A_313 = arith.addi %mul3A_182, %add3A_312 : i32
        %get3A_314 = arith.constant 0 : i32
        %get3A_315 = arith.index_cast %get3A_314 : i32 to index
        %get3A_316 = arith.index_cast %add3A_313 : i32 to index
        %get3A_317 = arith.constant 0 : index
        %get3A_318 = tpu.vector_load %arg10[%get3A_315, %get3A_316, %get3A_317] {strides = array<i32>} : memref<2x400x64xi32, #tpu.memory_space<vmem>>, vector<1x1x16xi32>,
        %get3A_319 = vector.shape_cast %get3A_318 : vector<1x1x16xi32> to vector<16xi32>
        %shift_left3A_320 = arith.constant 16 : i32
        %shift_left3A_321 = vector.broadcast %shift_left3A_320 : i32 to vector<16xi32>
        %shift_left3A_322 = arith.shli %get3A_319, %shift_left3A_321 : vector<16xi32>
        %bitcast_convert_type3A_323 = tpu.bitcast %shift_left3A_322 : vector<16xi32> -> vector<16xf32>
        %add3A_324 = arith.addf %add3A_307, %bitcast_convert_type3A_323 : vector<16xf32>
        %and3A_325 = vector.broadcast %while3A_30 : i32 to vector<16xi32>
        %and3A_326 = arith.andi %get3A_319, %and3A_325 : vector<16xi32>
        %bitcast_convert_type3A_327 = tpu.bitcast %and3A_326 : vector<16xi32> -> vector<16xf32>
        %add3A_328 = arith.addf %add3A_311, %bitcast_convert_type3A_327 : vector<16xf32>
        %add3A_329 = arith.constant 8 : i32
        %add3A_330 = arith.addi %mul3A_182, %add3A_329 : i32
        %get3A_331 = arith.constant 0 : i32
        %get3A_332 = arith.index_cast %get3A_331 : i32 to index
        %get3A_333 = arith.index_cast %add3A_330 : i32 to index
        %get3A_334 = arith.constant 0 : index
        %get3A_335 = tpu.vector_load %arg10[%get3A_332, %get3A_333, %get3A_334] {strides = array<i32>} : memref<2x400x64xi32, #tpu.memory_space<vmem>>, vector<1x1x16xi32>,
        %get3A_336 = vector.shape_cast %get3A_335 : vector<1x1x16xi32> to vector<16xi32>
        %shift_left3A_337 = arith.constant 16 : i32
        %shift_left3A_338 = vector.broadcast %shift_left3A_337 : i32 to vector<16xi32>
        %shift_left3A_339 = arith.shli %get3A_336, %shift_left3A_338 : vector<16xi32>
        %bitcast_convert_type3A_340 = tpu.bitcast %shift_left3A_339 : vector<16xi32> -> vector<16xf32>
        %add3A_341 = arith.addf %add3A_324, %bitcast_convert_type3A_340 : vector<16xf32>
        %and3A_342 = vector.broadcast %while3A_30 : i32 to vector<16xi32>
        %and3A_343 = arith.andi %get3A_336, %and3A_342 : vector<16xi32>
        %bitcast_convert_type3A_344 = tpu.bitcast %and3A_343 : vector<16xi32> -> vector<16xf32>
        %add3A_345 = arith.addf %add3A_328, %bitcast_convert_type3A_344 : vector<16xf32>
        %add3A_346 = arith.constant 9 : i32
        %add3A_347 = arith.addi %mul3A_182, %add3A_346 : i32
        %get3A_348 = arith.constant 0 : i32
        %get3A_349 = arith.index_cast %get3A_348 : i32 to index
        %get3A_350 = arith.index_cast %add3A_347 : i32 to index
        %get3A_351 = arith.constant 0 : index
        %get3A_352 = tpu.vector_load %arg10[%get3A_349, %get3A_350, %get3A_351] {strides = array<i32>} : memref<2x400x64xi32, #tpu.memory_space<vmem>>, vector<1x1x16xi32>,
        %get3A_353 = vector.shape_cast %get3A_352 : vector<1x1x16xi32> to vector<16xi32>
        %shift_left3A_354 = arith.constant 16 : i32
        %shift_left3A_355 = vector.broadcast %shift_left3A_354 : i32 to vector<16xi32>
        %shift_left3A_356 = arith.shli %get3A_353, %shift_left3A_355 : vector<16xi32>
        %bitcast_convert_type3A_357 = tpu.bitcast %shift_left3A_356 : vector<16xi32> -> vector<16xf32>
        %add3A_358 = arith.addf %add3A_341, %bitcast_convert_type3A_357 : vector<16xf32>
        %and3A_359 = vector.broadcast %while3A_30 : i32 to vector<16xi32>
        %and3A_360 = arith.andi %get3A_353, %and3A_359 : vector<16xi32>
        %bitcast_convert_type3A_361 = tpu.bitcast %and3A_360 : vector<16xi32> -> vector<16xf32>
        %add3A_362 = arith.addf %add3A_345, %bitcast_convert_type3A_361 : vector<16xf32>
        %max3A = arith.constant 0.000000e+00 : f32
        %max3A_363 = vector.broadcast %max3A : f32 to vector<16xf32>
        %max3A_364 = arith.maximumf %add3A_358, %max3A_363 : vector<16xf32>
        %swap3A = arith.constant 0 : i32
        %swap3A_365 = arith.index_cast %swap3A : i32 to index
        %swap3A_366 = arith.index_cast %scan3A_180 : i32 to index
        %swap3A_367 = arith.constant 0 : index
        %swap3A_368 = tpu.vector_load %arg11[%swap3A_365, %swap3A_366, %swap3A_367] {strides = array<i32>} : memref<2x40x128xf32, #tpu.memory_space<vmem>>, vector<1x1x16xf32>,
        %swap3A_369 = vector.shape_cast %swap3A_368 : vector<1x1x16xf32> to vector<16xf32>
        %swap3A_370 = vector.shape_cast %max3A_364 : vector<16xf32> to vector<1x1x16xf32>
        tpu.vector_store %arg11[%swap3A_365, %swap3A_366, %swap3A_367], %swap3A_370 {strides = array<i32>} : memref<2x40x128xf32, #tpu.memory_space<vmem>>, vector<1x1x16xf32>,
        %max3A_371 = arith.constant 0.000000e+00 : f32
        %max3A_372 = vector.broadcast %max3A_371 : f32 to vector<16xf32>
        %max3A_373 = arith.maximumf %add3A_362, %max3A_372 : vector<16xf32>
        %swap3A_374 = arith.constant 0 : i32
        %swap3A_375 = arith.index_cast %swap3A_374 : i32 to index
        %swap3A_376 = arith.index_cast %scan3A_180 : i32 to index
        %swap3A_377 = arith.constant 16 : index
        %swap3A_378 = tpu.vector_load %arg11[%swap3A_375, %swap3A_376, %swap3A_377] {strides = array<i32>} : memref<2x40x128xf32, #tpu.memory_space<vmem>>, vector<1x1x16xf32>,
        %swap3A_379 = vector.shape_cast %swap3A_378 : vector<1x1x16xf32> to vector<16xf32>
        %swap3A_380 = vector.shape_cast %max3A_373 : vector<16xf32> to vector<1x1x16xf32>
        tpu.vector_store %arg11[%swap3A_375, %swap3A_376, %swap3A_377], %swap3A_380 {strides = array<i32>} : memref<2x40x128xf32, #tpu.memory_space<vmem>>, vector<1x1x16xf32>,
        %get3A_381 = arith.constant 0 : i32
        %get3A_382 = arith.index_cast %get3A_381 : i32 to index
        %get3A_383 = arith.index_cast %scan3A_180 : i32 to index
        %get3A_384 = arith.constant 16 : index
        %get3A_385 = tpu.vector_load %arg9[%get3A_382, %get3A_383, %get3A_384] {strides = array<i32>} : memref<2x40x64xi32, #tpu.memory_space<vmem>>, vector<1x1x16xi32>,
        %get3A_386 = vector.shape_cast %get3A_385 : vector<1x1x16xi32> to vector<16xi32>
        %shift_left3A_387 = arith.constant 16 : i32
        %shift_left3A_388 = vector.broadcast %shift_left3A_387 : i32 to vector<16xi32>
        %shift_left3A_389 = arith.shli %get3A_386, %shift_left3A_388 : vector<16xi32>
        %bitcast_convert_type3A_390 = tpu.bitcast %shift_left3A_389 : vector<16xi32> -> vector<16xf32>
        %and3A_391 = vector.broadcast %while3A_30 : i32 to vector<16xi32>
        %and3A_392 = arith.andi %get3A_386, %and3A_391 : vector<16xi32>
        %bitcast_convert_type3A_393 = tpu.bitcast %and3A_392 : vector<16xi32> -> vector<16xf32>
        %add3A_394 = arith.constant 0 : i32
        %add3A_395 = arith.addi %mul3A_182, %add3A_394 : i32
        %get3A_396 = arith.constant 0 : i32
        %get3A_397 = arith.index_cast %get3A_396 : i32 to index
        %get3A_398 = arith.index_cast %add3A_395 : i32 to index
        %get3A_399 = arith.constant 16 : index
        %get3A_400 = tpu.vector_load %arg10[%get3A_397, %get3A_398, %get3A_399] {strides = array<i32>} : memref<2x400x64xi32, #tpu.memory_space<vmem>>, vector<1x1x16xi32>,
        %get3A_401 = vector.shape_cast %get3A_400 : vector<1x1x16xi32> to vector<16xi32>
        %shift_left3A_402 = arith.constant 16 : i32
        %shift_left3A_403 = vector.broadcast %shift_left3A_402 : i32 to vector<16xi32>
        %shift_left3A_404 = arith.shli %get3A_401, %shift_left3A_403 : vector<16xi32>
        %bitcast_convert_type3A_405 = tpu.bitcast %shift_left3A_404 : vector<16xi32> -> vector<16xf32>
        %add3A_406 = arith.addf %bitcast_convert_type3A_390, %bitcast_convert_type3A_405 : vector<16xf32>
        %and3A_407 = vector.broadcast %while3A_30 : i32 to vector<16xi32>
        %and3A_408 = arith.andi %get3A_401, %and3A_407 : vector<16xi32>
        %bitcast_convert_type3A_409 = tpu.bitcast %and3A_408 : vector<16xi32> -> vector<16xf32>
        %add3A_410 = arith.addf %bitcast_convert_type3A_393, %bitcast_convert_type3A_409 : vector<16xf32>
        %add3A_411 = arith.constant 1 : i32
        %add3A_412 = arith.addi %mul3A_182, %add3A_411 : i32
        %get3A_413 = arith.constant 0 : i32
        %get3A_414 = arith.index_cast %get3A_413 : i32 to index
        %get3A_415 = arith.index_cast %add3A_412 : i32 to index
        %get3A_416 = arith.constant 16 : index
        %get3A_417 = tpu.vector_load %arg10[%get3A_414, %get3A_415, %get3A_416] {strides = array<i32>} : memref<2x400x64xi32, #tpu.memory_space<vmem>>, vector<1x1x16xi32>,
        %get3A_418 = vector.shape_cast %get3A_417 : vector<1x1x16xi32> to vector<16xi32>
        %shift_left3A_419 = arith.constant 16 : i32
        %shift_left3A_420 = vector.broadcast %shift_left3A_419 : i32 to vector<16xi32>
        %shift_left3A_421 = arith.shli %get3A_418, %shift_left3A_420 : vector<16xi32>
        %bitcast_convert_type3A_422 = tpu.bitcast %shift_left3A_421 : vector<16xi32> -> vector<16xf32>
        %add3A_423 = arith.addf %add3A_406, %bitcast_convert_type3A_422 : vector<16xf32>
        %and3A_424 = vector.broadcast %while3A_30 : i32 to vector<16xi32>
        %and3A_425 = arith.andi %get3A_418, %and3A_424 : vector<16xi32>
        %bitcast_convert_type3A_426 = tpu.bitcast %and3A_425 : vector<16xi32> -> vector<16xf32>
        %add3A_427 = arith.addf %add3A_410, %bitcast_convert_type3A_426 : vector<16xf32>
        %add3A_428 = arith.constant 2 : i32
        %add3A_429 = arith.addi %mul3A_182, %add3A_428 : i32
        %get3A_430 = arith.constant 0 : i32
        %get3A_431 = arith.index_cast %get3A_430 : i32 to index
        %get3A_432 = arith.index_cast %add3A_429 : i32 to index
        %get3A_433 = arith.constant 16 : index
        %get3A_434 = tpu.vector_load %arg10[%get3A_431, %get3A_432, %get3A_433] {strides = array<i32>} : memref<2x400x64xi32, #tpu.memory_space<vmem>>, vector<1x1x16xi32>,
        %get3A_435 = vector.shape_cast %get3A_434 : vector<1x1x16xi32> to vector<16xi32>
        %shift_left3A_436 = arith.constant 16 : i32
        %shift_left3A_437 = vector.broadcast %shift_left3A_436 : i32 to vector<16xi32>
        %shift_left3A_438 = arith.shli %get3A_435, %shift_left3A_437 : vector<16xi32>
        %bitcast_convert_type3A_439 = tpu.bitcast %shift_left3A_438 : vector<16xi32> -> vector<16xf32>
        %add3A_440 = arith.addf %add3A_423, %bitcast_convert_type3A_439 : vector<16xf32>
        %and3A_441 = vector.broadcast %while3A_30 : i32 to vector<16xi32>
        %and3A_442 = arith.andi %get3A_435, %and3A_441 : vector<16xi32>
        %bitcast_convert_type3A_443 = tpu.bitcast %and3A_442 : vector<16xi32> -> vector<16xf32>
        %add3A_444 = arith.addf %add3A_427, %bitcast_convert_type3A_443 : vector<16xf32>
        %add3A_445 = arith.constant 3 : i32
        %add3A_446 = arith.addi %mul3A_182, %add3A_445 : i32
        %get3A_447 = arith.constant 0 : i32
        %get3A_448 = arith.index_cast %get3A_447 : i32 to index
        %get3A_449 = arith.index_cast %add3A_446 : i32 to index
        %get3A_450 = arith.constant 16 : index
        %get3A_451 = tpu.vector_load %arg10[%get3A_448, %get3A_449, %get3A_450] {strides = array<i32>} : memref<2x400x64xi32, #tpu.memory_space<vmem>>, vector<1x1x16xi32>,
        %get3A_452 = vector.shape_cast %get3A_451 : vector<1x1x16xi32> to vector<16xi32>
        %shift_left3A_453 = arith.constant 16 : i32
        %shift_left3A_454 = vector.broadcast %shift_left3A_453 : i32 to vector<16xi32>
        %shift_left3A_455 = arith.shli %get3A_452, %shift_left3A_454 : vector<16xi32>
        %bitcast_convert_type3A_456 = tpu.bitcast %shift_left3A_455 : vector<16xi32> -> vector<16xf32>
        %add3A_457 = arith.addf %add3A_440, %bitcast_convert_type3A_456 : vector<16xf32>
        %and3A_458 = vector.broadcast %while3A_30 : i32 to vector<16xi32>
        %and3A_459 = arith.andi %get3A_452, %and3A_458 : vector<16xi32>
        %bitcast_convert_type3A_460 = tpu.bitcast %and3A_459 : vector<16xi32> -> vector<16xf32>
        %add3A_461 = arith.addf %add3A_444, %bitcast_convert_type3A_460 : vector<16xf32>
        %add3A_462 = arith.constant 4 : i32
        %add3A_463 = arith.addi %mul3A_182, %add3A_462 : i32
        %get3A_464 = arith.constant 0 : i32
        %get3A_465 = arith.index_cast %get3A_464 : i32 to index
        %get3A_466 = arith.index_cast %add3A_463 : i32 to index
        %get3A_467 = arith.constant 16 : index
        %get3A_468 = tpu.vector_load %arg10[%get3A_465, %get3A_466, %get3A_467] {strides = array<i32>} : memref<2x400x64xi32, #tpu.memory_space<vmem>>, vector<1x1x16xi32>,
        %get3A_469 = vector.shape_cast %get3A_468 : vector<1x1x16xi32> to vector<16xi32>
        %shift_left3A_470 = arith.constant 16 : i32
        %shift_left3A_471 = vector.broadcast %shift_left3A_470 : i32 to vector<16xi32>
        %shift_left3A_472 = arith.shli %get3A_469, %shift_left3A_471 : vector<16xi32>
        %bitcast_convert_type3A_473 = tpu.bitcast %shift_left3A_472 : vector<16xi32> -> vector<16xf32>
        %add3A_474 = arith.addf %add3A_457, %bitcast_convert_type3A_473 : vector<16xf32>
        %and3A_475 = vector.broadcast %while3A_30 : i32 to vector<16xi32>
        %and3A_476 = arith.andi %get3A_469, %and3A_475 : vector<16xi32>
        %bitcast_convert_type3A_477 = tpu.bitcast %and3A_476 : vector<16xi32> -> vector<16xf32>
        %add3A_478 = arith.addf %add3A_461, %bitcast_convert_type3A_477 : vector<16xf32>
        %add3A_479 = arith.constant 5 : i32
        %add3A_480 = arith.addi %mul3A_182, %add3A_479 : i32
        %get3A_481 = arith.constant 0 : i32
        %get3A_482 = arith.index_cast %get3A_481 : i32 to index
        %get3A_483 = arith.index_cast %add3A_480 : i32 to index
        %get3A_484 = arith.constant 16 : index
        %get3A_485 = tpu.vector_load %arg10[%get3A_482, %get3A_483, %get3A_484] {strides = array<i32>} : memref<2x400x64xi32, #tpu.memory_space<vmem>>, vector<1x1x16xi32>,
        %get3A_486 = vector.shape_cast %get3A_485 : vector<1x1x16xi32> to vector<16xi32>
        %shift_left3A_487 = arith.constant 16 : i32
        %shift_left3A_488 = vector.broadcast %shift_left3A_487 : i32 to vector<16xi32>
        %shift_left3A_489 = arith.shli %get3A_486, %shift_left3A_488 : vector<16xi32>
        %bitcast_convert_type3A_490 = tpu.bitcast %shift_left3A_489 : vector<16xi32> -> vector<16xf32>
        %add3A_491 = arith.addf %add3A_474, %bitcast_convert_type3A_490 : vector<16xf32>
        %and3A_492 = vector.broadcast %while3A_30 : i32 to vector<16xi32>
        %and3A_493 = arith.andi %get3A_486, %and3A_492 : vector<16xi32>
        %bitcast_convert_type3A_494 = tpu.bitcast %and3A_493 : vector<16xi32> -> vector<16xf32>
        %add3A_495 = arith.addf %add3A_478, %bitcast_convert_type3A_494 : vector<16xf32>
        %add3A_496 = arith.constant 6 : i32
        %add3A_497 = arith.addi %mul3A_182, %add3A_496 : i32
        %get3A_498 = arith.constant 0 : i32
        %get3A_499 = arith.index_cast %get3A_498 : i32 to index
        %get3A_500 = arith.index_cast %add3A_497 : i32 to index
        %get3A_501 = arith.constant 16 : index
        %get3A_502 = tpu.vector_load %arg10[%get3A_499, %get3A_500, %get3A_501] {strides = array<i32>} : memref<2x400x64xi32, #tpu.memory_space<vmem>>, vector<1x1x16xi32>,
        %get3A_503 = vector.shape_cast %get3A_502 : vector<1x1x16xi32> to vector<16xi32>
        %shift_left3A_504 = arith.constant 16 : i32
        %shift_left3A_505 = vector.broadcast %shift_left3A_504 : i32 to vector<16xi32>
        %shift_left3A_506 = arith.shli %get3A_503, %shift_left3A_505 : vector<16xi32>
        %bitcast_convert_type3A_507 = tpu.bitcast %shift_left3A_506 : vector<16xi32> -> vector<16xf32>
        %add3A_508 = arith.addf %add3A_491, %bitcast_convert_type3A_507 : vector<16xf32>
        %and3A_509 = vector.broadcast %while3A_30 : i32 to vector<16xi32>
        %and3A_510 = arith.andi %get3A_503, %and3A_509 : vector<16xi32>
        %bitcast_convert_type3A_511 = tpu.bitcast %and3A_510 : vector<16xi32> -> vector<16xf32>
        %add3A_512 = arith.addf %add3A_495, %bitcast_convert_type3A_511 : vector<16xf32>
        %add3A_513 = arith.constant 7 : i32
        %add3A_514 = arith.addi %mul3A_182, %add3A_513 : i32
        %get3A_515 = arith.constant 0 : i32
        %get3A_516 = arith.index_cast %get3A_515 : i32 to index
        %get3A_517 = arith.index_cast %add3A_514 : i32 to index
        %get3A_518 = arith.constant 16 : index
        %get3A_519 = tpu.vector_load %arg10[%get3A_516, %get3A_517, %get3A_518] {strides = array<i32>} : memref<2x400x64xi32, #tpu.memory_space<vmem>>, vector<1x1x16xi32>,
        %get3A_520 = vector.shape_cast %get3A_519 : vector<1x1x16xi32> to vector<16xi32>
        %shift_left3A_521 = arith.constant 16 : i32
        %shift_left3A_522 = vector.broadcast %shift_left3A_521 : i32 to vector<16xi32>
        %shift_left3A_523 = arith.shli %get3A_520, %shift_left3A_522 : vector<16xi32>
        %bitcast_convert_type3A_524 = tpu.bitcast %shift_left3A_523 : vector<16xi32> -> vector<16xf32>
        %add3A_525 = arith.addf %add3A_508, %bitcast_convert_type3A_524 : vector<16xf32>
        %and3A_526 = vector.broadcast %while3A_30 : i32 to vector<16xi32>
        %and3A_527 = arith.andi %get3A_520, %and3A_526 : vector<16xi32>
        %bitcast_convert_type3A_528 = tpu.bitcast %and3A_527 : vector<16xi32> -> vector<16xf32>
        %add3A_529 = arith.addf %add3A_512, %bitcast_convert_type3A_528 : vector<16xf32>
        %add3A_530 = arith.constant 8 : i32
        %add3A_531 = arith.addi %mul3A_182, %add3A_530 : i32
        %get3A_532 = arith.constant 0 : i32
        %get3A_533 = arith.index_cast %get3A_532 : i32 to index
        %get3A_534 = arith.index_cast %add3A_531 : i32 to index
        %get3A_535 = arith.constant 16 : index
        %get3A_536 = tpu.vector_load %arg10[%get3A_533, %get3A_534, %get3A_535] {strides = array<i32>} : memref<2x400x64xi32, #tpu.memory_space<vmem>>, vector<1x1x16xi32>,
        %get3A_537 = vector.shape_cast %get3A_536 : vector<1x1x16xi32> to vector<16xi32>
        %shift_left3A_538 = arith.constant 16 : i32
        %shift_left3A_539 = vector.broadcast %shift_left3A_538 : i32 to vector<16xi32>
        %shift_left3A_540 = arith.shli %get3A_537, %shift_left3A_539 : vector<16xi32>
        %bitcast_convert_type3A_541 = tpu.bitcast %shift_left3A_540 : vector<16xi32> -> vector<16xf32>
        %add3A_542 = arith.addf %add3A_525, %bitcast_convert_type3A_541 : vector<16xf32>
        %and3A_543 = vector.broadcast %while3A_30 : i32 to vector<16xi32>
        %and3A_544 = arith.andi %get3A_537, %and3A_543 : vector<16xi32>
        %bitcast_convert_type3A_545 = tpu.bitcast %and3A_544 : vector<16xi32> -> vector<16xf32>
        %add3A_546 = arith.addf %add3A_529, %bitcast_convert_type3A_545 : vector<16xf32>
        %add3A_547 = arith.constant 9 : i32
        %add3A_548 = arith.addi %mul3A_182, %add3A_547 : i32
        %get3A_549 = arith.constant 0 : i32
        %get3A_550 = arith.index_cast %get3A_549 : i32 to index
        %get3A_551 = arith.index_cast %add3A_548 : i32 to index
        %get3A_552 = arith.constant 16 : index
        %get3A_553 = tpu.vector_load %arg10[%get3A_550, %get3A_551, %get3A_552] {strides = array<i32>} : memref<2x400x64xi32, #tpu.memory_space<vmem>>, vector<1x1x16xi32>,
        %get3A_554 = vector.shape_cast %get3A_553 : vector<1x1x16xi32> to vector<16xi32>
        %shift_left3A_555 = arith.constant 16 : i32
        %shift_left3A_556 = vector.broadcast %shift_left3A_555 : i32 to vector<16xi32>
        %shift_left3A_557 = arith.shli %get3A_554, %shift_left3A_556 : vector<16xi32>
        %bitcast_convert_type3A_558 = tpu.bitcast %shift_left3A_557 : vector<16xi32> -> vector<16xf32>
        %add3A_559 = arith.addf %add3A_542, %bitcast_convert_type3A_558 : vector<16xf32>
        %and3A_560 = vector.broadcast %while3A_30 : i32 to vector<16xi32>
        %and3A_561 = arith.andi %get3A_554, %and3A_560 : vector<16xi32>
        %bitcast_convert_type3A_562 = tpu.bitcast %and3A_561 : vector<16xi32> -> vector<16xf32>
        %add3A_563 = arith.addf %add3A_546, %bitcast_convert_type3A_562 : vector<16xf32>
        %max3A_564 = arith.constant 0.000000e+00 : f32
        %max3A_565 = vector.broadcast %max3A_564 : f32 to vector<16xf32>
        %max3A_566 = arith.maximumf %add3A_559, %max3A_565 : vector<16xf32>
        %swap3A_567 = arith.constant 0 : i32
        %swap3A_568 = arith.index_cast %swap3A_567 : i32 to index
        %swap3A_569 = arith.index_cast %scan3A_180 : i32 to index
        %swap3A_570 = arith.constant 32 : index
        %swap3A_571 = tpu.vector_load %arg11[%swap3A_568, %swap3A_569, %swap3A_570] {strides = array<i32>} : memref<2x40x128xf32, #tpu.memory_space<vmem>>, vector<1x1x16xf32>,
        %swap3A_572 = vector.shape_cast %swap3A_571 : vector<1x1x16xf32> to vector<16xf32>
        %swap3A_573 = vector.shape_cast %max3A_566 : vector<16xf32> to vector<1x1x16xf32>
        tpu.vector_store %arg11[%swap3A_568, %swap3A_569, %swap3A_570], %swap3A_573 {strides = array<i32>} : memref<2x40x128xf32, #tpu.memory_space<vmem>>, vector<1x1x16xf32>,
        %max3A_574 = arith.constant 0.000000e+00 : f32
        %max3A_575 = vector.broadcast %max3A_574 : f32 to vector<16xf32>
        %max3A_576 = arith.maximumf %add3A_563, %max3A_575 : vector<16xf32>
        %swap3A_577 = arith.constant 0 : i32
        %swap3A_578 = arith.index_cast %swap3A_577 : i32 to index
        %swap3A_579 = arith.index_cast %scan3A_180 : i32 to index
        %swap3A_580 = arith.constant 48 : index
        %swap3A_581 = tpu.vector_load %arg11[%swap3A_578, %swap3A_579, %swap3A_580] {strides = array<i32>} : memref<2x40x128xf32, #tpu.memory_space<vmem>>, vector<1x1x16xf32>,
        %swap3A_582 = vector.shape_cast %swap3A_581 : vector<1x1x16xf32> to vector<16xf32>
        %swap3A_583 = vector.shape_cast %max3A_576 : vector<16xf32> to vector<1x1x16xf32>
        tpu.vector_store %arg11[%swap3A_578, %swap3A_579, %swap3A_580], %swap3A_583 {strides = array<i32>} : memref<2x40x128xf32, #tpu.memory_space<vmem>>, vector<1x1x16xf32>,
        %get3A_584 = arith.constant 0 : i32
        %get3A_585 = arith.index_cast %get3A_584 : i32 to index
        %get3A_586 = arith.index_cast %scan3A_180 : i32 to index
        %get3A_587 = arith.constant 32 : index
        %get3A_588 = tpu.vector_load %arg9[%get3A_585, %get3A_586, %get3A_587] {strides = array<i32>} : memref<2x40x64xi32, #tpu.memory_space<vmem>>, vector<1x1x16xi32>,
        %get3A_589 = vector.shape_cast %get3A_588 : vector<1x1x16xi32> to vector<16xi32>
        %shift_left3A_590 = arith.constant 16 : i32
        %shift_left3A_591 = vector.broadcast %shift_left3A_590 : i32 to vector<16xi32>
        %shift_left3A_592 = arith.shli %get3A_589, %shift_left3A_591 : vector<16xi32>
        %bitcast_convert_type3A_593 = tpu.bitcast %shift_left3A_592 : vector<16xi32> -> vector<16xf32>
        %and3A_594 = vector.broadcast %while3A_30 : i32 to vector<16xi32>
        %and3A_595 = arith.andi %get3A_589, %and3A_594 : vector<16xi32>
        %bitcast_convert_type3A_596 = tpu.bitcast %and3A_595 : vector<16xi32> -> vector<16xf32>
        %add3A_597 = arith.constant 0 : i32
        %add3A_598 = arith.addi %mul3A_182, %add3A_597 : i32
        %get3A_599 = arith.constant 0 : i32
        %get3A_600 = arith.index_cast %get3A_599 : i32 to index
        %get3A_601 = arith.index_cast %add3A_598 : i32 to index
        %get3A_602 = arith.constant 32 : index
        %get3A_603 = tpu.vector_load %arg10[%get3A_600, %get3A_601, %get3A_602] {strides = array<i32>} : memref<2x400x64xi32, #tpu.memory_space<vmem>>, vector<1x1x16xi32>,
        %get3A_604 = vector.shape_cast %get3A_603 : vector<1x1x16xi32> to vector<16xi32>
        %shift_left3A_605 = arith.constant 16 : i32
        %shift_left3A_606 = vector.broadcast %shift_left3A_605 : i32 to vector<16xi32>
        %shift_left3A_607 = arith.shli %get3A_604, %shift_left3A_606 : vector<16xi32>
        %bitcast_convert_type3A_608 = tpu.bitcast %shift_left3A_607 : vector<16xi32> -> vector<16xf32>
        %add3A_609 = arith.addf %bitcast_convert_type3A_593, %bitcast_convert_type3A_608 : vector<16xf32>
        %and3A_610 = vector.broadcast %while3A_30 : i32 to vector<16xi32>
        %and3A_611 = arith.andi %get3A_604, %and3A_610 : vector<16xi32>
        %bitcast_convert_type3A_612 = tpu.bitcast %and3A_611 : vector<16xi32> -> vector<16xf32>
        %add3A_613 = arith.addf %bitcast_convert_type3A_596, %bitcast_convert_type3A_612 : vector<16xf32>
        %add3A_614 = arith.constant 1 : i32
        %add3A_615 = arith.addi %mul3A_182, %add3A_614 : i32
        %get3A_616 = arith.constant 0 : i32
        %get3A_617 = arith.index_cast %get3A_616 : i32 to index
        %get3A_618 = arith.index_cast %add3A_615 : i32 to index
        %get3A_619 = arith.constant 32 : index
        %get3A_620 = tpu.vector_load %arg10[%get3A_617, %get3A_618, %get3A_619] {strides = array<i32>} : memref<2x400x64xi32, #tpu.memory_space<vmem>>, vector<1x1x16xi32>,
        %get3A_621 = vector.shape_cast %get3A_620 : vector<1x1x16xi32> to vector<16xi32>
        %shift_left3A_622 = arith.constant 16 : i32
        %shift_left3A_623 = vector.broadcast %shift_left3A_622 : i32 to vector<16xi32>
        %shift_left3A_624 = arith.shli %get3A_621, %shift_left3A_623 : vector<16xi32>
        %bitcast_convert_type3A_625 = tpu.bitcast %shift_left3A_624 : vector<16xi32> -> vector<16xf32>
        %add3A_626 = arith.addf %add3A_609, %bitcast_convert_type3A_625 : vector<16xf32>
        %and3A_627 = vector.broadcast %while3A_30 : i32 to vector<16xi32>
        %and3A_628 = arith.andi %get3A_621, %and3A_627 : vector<16xi32>
        %bitcast_convert_type3A_629 = tpu.bitcast %and3A_628 : vector<16xi32> -> vector<16xf32>
        %add3A_630 = arith.addf %add3A_613, %bitcast_convert_type3A_629 : vector<16xf32>
        %add3A_631 = arith.constant 2 : i32
        %add3A_632 = arith.addi %mul3A_182, %add3A_631 : i32
        %get3A_633 = arith.constant 0 : i32
        %get3A_634 = arith.index_cast %get3A_633 : i32 to index
        %get3A_635 = arith.index_cast %add3A_632 : i32 to index
        %get3A_636 = arith.constant 32 : index
        %get3A_637 = tpu.vector_load %arg10[%get3A_634, %get3A_635, %get3A_636] {strides = array<i32>} : memref<2x400x64xi32, #tpu.memory_space<vmem>>, vector<1x1x16xi32>,
        %get3A_638 = vector.shape_cast %get3A_637 : vector<1x1x16xi32> to vector<16xi32>
        %shift_left3A_639 = arith.constant 16 : i32
        %shift_left3A_640 = vector.broadcast %shift_left3A_639 : i32 to vector<16xi32>
        %shift_left3A_641 = arith.shli %get3A_638, %shift_left3A_640 : vector<16xi32>
        %bitcast_convert_type3A_642 = tpu.bitcast %shift_left3A_641 : vector<16xi32> -> vector<16xf32>
        %add3A_643 = arith.addf %add3A_626, %bitcast_convert_type3A_642 : vector<16xf32>
        %and3A_644 = vector.broadcast %while3A_30 : i32 to vector<16xi32>
        %and3A_645 = arith.andi %get3A_638, %and3A_644 : vector<16xi32>
        %bitcast_convert_type3A_646 = tpu.bitcast %and3A_645 : vector<16xi32> -> vector<16xf32>
        %add3A_647 = arith.addf %add3A_630, %bitcast_convert_type3A_646 : vector<16xf32>
        %add3A_648 = arith.constant 3 : i32
        %add3A_649 = arith.addi %mul3A_182, %add3A_648 : i32
        %get3A_650 = arith.constant 0 : i32
        %get3A_651 = arith.index_cast %get3A_650 : i32 to index
        %get3A_652 = arith.index_cast %add3A_649 : i32 to index
        %get3A_653 = arith.constant 32 : index
        %get3A_654 = tpu.vector_load %arg10[%get3A_651, %get3A_652, %get3A_653] {strides = array<i32>} : memref<2x400x64xi32, #tpu.memory_space<vmem>>, vector<1x1x16xi32>,
        %get3A_655 = vector.shape_cast %get3A_654 : vector<1x1x16xi32> to vector<16xi32>
        %shift_left3A_656 = arith.constant 16 : i32
        %shift_left3A_657 = vector.broadcast %shift_left3A_656 : i32 to vector<16xi32>
        %shift_left3A_658 = arith.shli %get3A_655, %shift_left3A_657 : vector<16xi32>
        %bitcast_convert_type3A_659 = tpu.bitcast %shift_left3A_658 : vector<16xi32> -> vector<16xf32>
        %add3A_660 = arith.addf %add3A_643, %bitcast_convert_type3A_659 : vector<16xf32>
        %and3A_661 = vector.broadcast %while3A_30 : i32 to vector<16xi32>
        %and3A_662 = arith.andi %get3A_655, %and3A_661 : vector<16xi32>
        %bitcast_convert_type3A_663 = tpu.bitcast %and3A_662 : vector<16xi32> -> vector<16xf32>
        %add3A_664 = arith.addf %add3A_647, %bitcast_convert_type3A_663 : vector<16xf32>
        %add3A_665 = arith.constant 4 : i32
        %add3A_666 = arith.addi %mul3A_182, %add3A_665 : i32
        %get3A_667 = arith.constant 0 : i32
        %get3A_668 = arith.index_cast %get3A_667 : i32 to index
        %get3A_669 = arith.index_cast %add3A_666 : i32 to index
        %get3A_670 = arith.constant 32 : index
        %get3A_671 = tpu.vector_load %arg10[%get3A_668, %get3A_669, %get3A_670] {strides = array<i32>} : memref<2x400x64xi32, #tpu.memory_space<vmem>>, vector<1x1x16xi32>,
        %get3A_672 = vector.shape_cast %get3A_671 : vector<1x1x16xi32> to vector<16xi32>
        %shift_left3A_673 = arith.constant 16 : i32
        %shift_left3A_674 = vector.broadcast %shift_left3A_673 : i32 to vector<16xi32>
        %shift_left3A_675 = arith.shli %get3A_672, %shift_left3A_674 : vector<16xi32>
        %bitcast_convert_type3A_676 = tpu.bitcast %shift_left3A_675 : vector<16xi32> -> vector<16xf32>
        %add3A_677 = arith.addf %add3A_660, %bitcast_convert_type3A_676 : vector<16xf32>
        %and3A_678 = vector.broadcast %while3A_30 : i32 to vector<16xi32>
        %and3A_679 = arith.andi %get3A_672, %and3A_678 : vector<16xi32>
        %bitcast_convert_type3A_680 = tpu.bitcast %and3A_679 : vector<16xi32> -> vector<16xf32>
        %add3A_681 = arith.addf %add3A_664, %bitcast_convert_type3A_680 : vector<16xf32>
        %add3A_682 = arith.constant 5 : i32
        %add3A_683 = arith.addi %mul3A_182, %add3A_682 : i32
        %get3A_684 = arith.constant 0 : i32
        %get3A_685 = arith.index_cast %get3A_684 : i32 to index
        %get3A_686 = arith.index_cast %add3A_683 : i32 to index
        %get3A_687 = arith.constant 32 : index
        %get3A_688 = tpu.vector_load %arg10[%get3A_685, %get3A_686, %get3A_687] {strides = array<i32>} : memref<2x400x64xi32, #tpu.memory_space<vmem>>, vector<1x1x16xi32>,
        %get3A_689 = vector.shape_cast %get3A_688 : vector<1x1x16xi32> to vector<16xi32>
        %shift_left3A_690 = arith.constant 16 : i32
        %shift_left3A_691 = vector.broadcast %shift_left3A_690 : i32 to vector<16xi32>
        %shift_left3A_692 = arith.shli %get3A_689, %shift_left3A_691 : vector<16xi32>
        %bitcast_convert_type3A_693 = tpu.bitcast %shift_left3A_692 : vector<16xi32> -> vector<16xf32>
        %add3A_694 = arith.addf %add3A_677, %bitcast_convert_type3A_693 : vector<16xf32>
        %and3A_695 = vector.broadcast %while3A_30 : i32 to vector<16xi32>
        %and3A_696 = arith.andi %get3A_689, %and3A_695 : vector<16xi32>
        %bitcast_convert_type3A_697 = tpu.bitcast %and3A_696 : vector<16xi32> -> vector<16xf32>
        %add3A_698 = arith.addf %add3A_681, %bitcast_convert_type3A_697 : vector<16xf32>
        %add3A_699 = arith.constant 6 : i32
        %add3A_700 = arith.addi %mul3A_182, %add3A_699 : i32
        %get3A_701 = arith.constant 0 : i32
        %get3A_702 = arith.index_cast %get3A_701 : i32 to index
        %get3A_703 = arith.index_cast %add3A_700 : i32 to index
        %get3A_704 = arith.constant 32 : index
        %get3A_705 = tpu.vector_load %arg10[%get3A_702, %get3A_703, %get3A_704] {strides = array<i32>} : memref<2x400x64xi32, #tpu.memory_space<vmem>>, vector<1x1x16xi32>,
        %get3A_706 = vector.shape_cast %get3A_705 : vector<1x1x16xi32> to vector<16xi32>
        %shift_left3A_707 = arith.constant 16 : i32
        %shift_left3A_708 = vector.broadcast %shift_left3A_707 : i32 to vector<16xi32>
        %shift_left3A_709 = arith.shli %get3A_706, %shift_left3A_708 : vector<16xi32>
        %bitcast_convert_type3A_710 = tpu.bitcast %shift_left3A_709 : vector<16xi32> -> vector<16xf32>
        %add3A_711 = arith.addf %add3A_694, %bitcast_convert_type3A_710 : vector<16xf32>
        %and3A_712 = vector.broadcast %while3A_30 : i32 to vector<16xi32>
        %and3A_713 = arith.andi %get3A_706, %and3A_712 : vector<16xi32>
        %bitcast_convert_type3A_714 = tpu.bitcast %and3A_713 : vector<16xi32> -> vector<16xf32>
        %add3A_715 = arith.addf %add3A_698, %bitcast_convert_type3A_714 : vector<16xf32>
        %add3A_716 = arith.constant 7 : i32
        %add3A_717 = arith.addi %mul3A_182, %add3A_716 : i32
        %get3A_718 = arith.constant 0 : i32
        %get3A_719 = arith.index_cast %get3A_718 : i32 to index
        %get3A_720 = arith.index_cast %add3A_717 : i32 to index
        %get3A_721 = arith.constant 32 : index
        %get3A_722 = tpu.vector_load %arg10[%get3A_719, %get3A_720, %get3A_721] {strides = array<i32>} : memref<2x400x64xi32, #tpu.memory_space<vmem>>, vector<1x1x16xi32>,
        %get3A_723 = vector.shape_cast %get3A_722 : vector<1x1x16xi32> to vector<16xi32>
        %shift_left3A_724 = arith.constant 16 : i32
        %shift_left3A_725 = vector.broadcast %shift_left3A_724 : i32 to vector<16xi32>
        %shift_left3A_726 = arith.shli %get3A_723, %shift_left3A_725 : vector<16xi32>
        %bitcast_convert_type3A_727 = tpu.bitcast %shift_left3A_726 : vector<16xi32> -> vector<16xf32>
        %add3A_728 = arith.addf %add3A_711, %bitcast_convert_type3A_727 : vector<16xf32>
        %and3A_729 = vector.broadcast %while3A_30 : i32 to vector<16xi32>
        %and3A_730 = arith.andi %get3A_723, %and3A_729 : vector<16xi32>
        %bitcast_convert_type3A_731 = tpu.bitcast %and3A_730 : vector<16xi32> -> vector<16xf32>
        %add3A_732 = arith.addf %add3A_715, %bitcast_convert_type3A_731 : vector<16xf32>
        %add3A_733 = arith.constant 8 : i32
        %add3A_734 = arith.addi %mul3A_182, %add3A_733 : i32
        %get3A_735 = arith.constant 0 : i32
        %get3A_736 = arith.index_cast %get3A_735 : i32 to index
        %get3A_737 = arith.index_cast %add3A_734 : i32 to index
        %get3A_738 = arith.constant 32 : index
        %get3A_739 = tpu.vector_load %arg10[%get3A_736, %get3A_737, %get3A_738] {strides = array<i32>} : memref<2x400x64xi32, #tpu.memory_space<vmem>>, vector<1x1x16xi32>,
        %get3A_740 = vector.shape_cast %get3A_739 : vector<1x1x16xi32> to vector<16xi32>
        %shift_left3A_741 = arith.constant 16 : i32
        %shift_left3A_742 = vector.broadcast %shift_left3A_741 : i32 to vector<16xi32>
        %shift_left3A_743 = arith.shli %get3A_740, %shift_left3A_742 : vector<16xi32>
        %bitcast_convert_type3A_744 = tpu.bitcast %shift_left3A_743 : vector<16xi32> -> vector<16xf32>
        %add3A_745 = arith.addf %add3A_728, %bitcast_convert_type3A_744 : vector<16xf32>
        %and3A_746 = vector.broadcast %while3A_30 : i32 to vector<16xi32>
        %and3A_747 = arith.andi %get3A_740, %and3A_746 : vector<16xi32>
        %bitcast_convert_type3A_748 = tpu.bitcast %and3A_747 : vector<16xi32> -> vector<16xf32>
        %add3A_749 = arith.addf %add3A_732, %bitcast_convert_type3A_748 : vector<16xf32>
        %add3A_750 = arith.constant 9 : i32
        %add3A_751 = arith.addi %mul3A_182, %add3A_750 : i32
        %get3A_752 = arith.constant 0 : i32
        %get3A_753 = arith.index_cast %get3A_752 : i32 to index
        %get3A_754 = arith.index_cast %add3A_751 : i32 to index
        %get3A_755 = arith.constant 32 : index
        %get3A_756 = tpu.vector_load %arg10[%get3A_753, %get3A_754, %get3A_755] {strides = array<i32>} : memref<2x400x64xi32, #tpu.memory_space<vmem>>, vector<1x1x16xi32>,
        %get3A_757 = vector.shape_cast %get3A_756 : vector<1x1x16xi32> to vector<16xi32>
        %shift_left3A_758 = arith.constant 16 : i32
        %shift_left3A_759 = vector.broadcast %shift_left3A_758 : i32 to vector<16xi32>
        %shift_left3A_760 = arith.shli %get3A_757, %shift_left3A_759 : vector<16xi32>
        %bitcast_convert_type3A_761 = tpu.bitcast %shift_left3A_760 : vector<16xi32> -> vector<16xf32>
        %add3A_762 = arith.addf %add3A_745, %bitcast_convert_type3A_761 : vector<16xf32>
        %and3A_763 = vector.broadcast %while3A_30 : i32 to vector<16xi32>
        %and3A_764 = arith.andi %get3A_757, %and3A_763 : vector<16xi32>
        %bitcast_convert_type3A_765 = tpu.bitcast %and3A_764 : vector<16xi32> -> vector<16xf32>
        %add3A_766 = arith.addf %add3A_749, %bitcast_convert_type3A_765 : vector<16xf32>
        %max3A_767 = arith.constant 0.000000e+00 : f32
        %max3A_768 = vector.broadcast %max3A_767 : f32 to vector<16xf32>
        %max3A_769 = arith.maximumf %add3A_762, %max3A_768 : vector<16xf32>
        %swap3A_770 = arith.constant 0 : i32
        %swap3A_771 = arith.index_cast %swap3A_770 : i32 to index
        %swap3A_772 = arith.index_cast %scan3A_180 : i32 to index
        %swap3A_773 = arith.constant 64 : index
        %swap3A_774 = tpu.vector_load %arg11[%swap3A_771, %swap3A_772, %swap3A_773] {strides = array<i32>} : memref<2x40x128xf32, #tpu.memory_space<vmem>>, vector<1x1x16xf32>,
        %swap3A_775 = vector.shape_cast %swap3A_774 : vector<1x1x16xf32> to vector<16xf32>
        %swap3A_776 = vector.shape_cast %max3A_769 : vector<16xf32> to vector<1x1x16xf32>
        tpu.vector_store %arg11[%swap3A_771, %swap3A_772, %swap3A_773], %swap3A_776 {strides = array<i32>} : memref<2x40x128xf32, #tpu.memory_space<vmem>>, vector<1x1x16xf32>,
        %max3A_777 = arith.constant 0.000000e+00 : f32
        %max3A_778 = vector.broadcast %max3A_777 : f32 to vector<16xf32>
        %max3A_779 = arith.maximumf %add3A_766, %max3A_778 : vector<16xf32>
        %swap3A_780 = arith.constant 0 : i32
        %swap3A_781 = arith.index_cast %swap3A_780 : i32 to index
        %swap3A_782 = arith.index_cast %scan3A_180 : i32 to index
        %swap3A_783 = arith.constant 80 : index
        %swap3A_784 = tpu.vector_load %arg11[%swap3A_781, %swap3A_782, %swap3A_783] {strides = array<i32>} : memref<2x40x128xf32, #tpu.memory_space<vmem>>, vector<1x1x16xf32>,
        %swap3A_785 = vector.shape_cast %swap3A_784 : vector<1x1x16xf32> to vector<16xf32>
        %swap3A_786 = vector.shape_cast %max3A_779 : vector<16xf32> to vector<1x1x16xf32>
        tpu.vector_store %arg11[%swap3A_781, %swap3A_782, %swap3A_783], %swap3A_786 {strides = array<i32>} : memref<2x40x128xf32, #tpu.memory_space<vmem>>, vector<1x1x16xf32>,
        %get3A_787 = arith.constant 0 : i32
        %get3A_788 = arith.index_cast %get3A_787 : i32 to index
        %get3A_789 = arith.index_cast %scan3A_180 : i32 to index
        %get3A_790 = arith.constant 48 : index
        %get3A_791 = tpu.vector_load %arg9[%get3A_788, %get3A_789, %get3A_790] {strides = array<i32>} : memref<2x40x64xi32, #tpu.memory_space<vmem>>, vector<1x1x16xi32>,
        %get3A_792 = vector.shape_cast %get3A_791 : vector<1x1x16xi32> to vector<16xi32>
        %shift_left3A_793 = arith.constant 16 : i32
        %shift_left3A_794 = vector.broadcast %shift_left3A_793 : i32 to vector<16xi32>
        %shift_left3A_795 = arith.shli %get3A_792, %shift_left3A_794 : vector<16xi32>
        %bitcast_convert_type3A_796 = tpu.bitcast %shift_left3A_795 : vector<16xi32> -> vector<16xf32>
        %and3A_797 = vector.broadcast %while3A_30 : i32 to vector<16xi32>
        %and3A_798 = arith.andi %get3A_792, %and3A_797 : vector<16xi32>
        %bitcast_convert_type3A_799 = tpu.bitcast %and3A_798 : vector<16xi32> -> vector<16xf32>
        %add3A_800 = arith.constant 0 : i32
        %add3A_801 = arith.addi %mul3A_182, %add3A_800 : i32
        %get3A_802 = arith.constant 0 : i32
        %get3A_803 = arith.index_cast %get3A_802 : i32 to index
        %get3A_804 = arith.index_cast %add3A_801 : i32 to index
        %get3A_805 = arith.constant 48 : index
        %get3A_806 = tpu.vector_load %arg10[%get3A_803, %get3A_804, %get3A_805] {strides = array<i32>} : memref<2x400x64xi32, #tpu.memory_space<vmem>>, vector<1x1x16xi32>,
        %get3A_807 = vector.shape_cast %get3A_806 : vector<1x1x16xi32> to vector<16xi32>
        %shift_left3A_808 = arith.constant 16 : i32
        %shift_left3A_809 = vector.broadcast %shift_left3A_808 : i32 to vector<16xi32>
        %shift_left3A_810 = arith.shli %get3A_807, %shift_left3A_809 : vector<16xi32>
        %bitcast_convert_type3A_811 = tpu.bitcast %shift_left3A_810 : vector<16xi32> -> vector<16xf32>
        %add3A_812 = arith.addf %bitcast_convert_type3A_796, %bitcast_convert_type3A_811 : vector<16xf32>
        %and3A_813 = vector.broadcast %while3A_30 : i32 to vector<16xi32>
        %and3A_814 = arith.andi %get3A_807, %and3A_813 : vector<16xi32>
        %bitcast_convert_type3A_815 = tpu.bitcast %and3A_814 : vector<16xi32> -> vector<16xf32>
        %add3A_816 = arith.addf %bitcast_convert_type3A_799, %bitcast_convert_type3A_815 : vector<16xf32>
        %add3A_817 = arith.constant 1 : i32
        %add3A_818 = arith.addi %mul3A_182, %add3A_817 : i32
        %get3A_819 = arith.constant 0 : i32
        %get3A_820 = arith.index_cast %get3A_819 : i32 to index
        %get3A_821 = arith.index_cast %add3A_818 : i32 to index
        %get3A_822 = arith.constant 48 : index
        %get3A_823 = tpu.vector_load %arg10[%get3A_820, %get3A_821, %get3A_822] {strides = array<i32>} : memref<2x400x64xi32, #tpu.memory_space<vmem>>, vector<1x1x16xi32>,
        %get3A_824 = vector.shape_cast %get3A_823 : vector<1x1x16xi32> to vector<16xi32>
        %shift_left3A_825 = arith.constant 16 : i32
        %shift_left3A_826 = vector.broadcast %shift_left3A_825 : i32 to vector<16xi32>
        %shift_left3A_827 = arith.shli %get3A_824, %shift_left3A_826 : vector<16xi32>
        %bitcast_convert_type3A_828 = tpu.bitcast %shift_left3A_827 : vector<16xi32> -> vector<16xf32>
        %add3A_829 = arith.addf %add3A_812, %bitcast_convert_type3A_828 : vector<16xf32>
        %and3A_830 = vector.broadcast %while3A_30 : i32 to vector<16xi32>
        %and3A_831 = arith.andi %get3A_824, %and3A_830 : vector<16xi32>
        %bitcast_convert_type3A_832 = tpu.bitcast %and3A_831 : vector<16xi32> -> vector<16xf32>
        %add3A_833 = arith.addf %add3A_816, %bitcast_convert_type3A_832 : vector<16xf32>
        %add3A_834 = arith.constant 2 : i32
        %add3A_835 = arith.addi %mul3A_182, %add3A_834 : i32
        %get3A_836 = arith.constant 0 : i32
        %get3A_837 = arith.index_cast %get3A_836 : i32 to index
        %get3A_838 = arith.index_cast %add3A_835 : i32 to index
        %get3A_839 = arith.constant 48 : index
        %get3A_840 = tpu.vector_load %arg10[%get3A_837, %get3A_838, %get3A_839] {strides = array<i32>} : memref<2x400x64xi32, #tpu.memory_space<vmem>>, vector<1x1x16xi32>,
        %get3A_841 = vector.shape_cast %get3A_840 : vector<1x1x16xi32> to vector<16xi32>
        %shift_left3A_842 = arith.constant 16 : i32
        %shift_left3A_843 = vector.broadcast %shift_left3A_842 : i32 to vector<16xi32>
        %shift_left3A_844 = arith.shli %get3A_841, %shift_left3A_843 : vector<16xi32>
        %bitcast_convert_type3A_845 = tpu.bitcast %shift_left3A_844 : vector<16xi32> -> vector<16xf32>
        %add3A_846 = arith.addf %add3A_829, %bitcast_convert_type3A_845 : vector<16xf32>
        %and3A_847 = vector.broadcast %while3A_30 : i32 to vector<16xi32>
        %and3A_848 = arith.andi %get3A_841, %and3A_847 : vector<16xi32>
        %bitcast_convert_type3A_849 = tpu.bitcast %and3A_848 : vector<16xi32> -> vector<16xf32>
        %add3A_850 = arith.addf %add3A_833, %bitcast_convert_type3A_849 : vector<16xf32>
        %add3A_851 = arith.constant 3 : i32
        %add3A_852 = arith.addi %mul3A_182, %add3A_851 : i32
        %get3A_853 = arith.constant 0 : i32
        %get3A_854 = arith.index_cast %get3A_853 : i32 to index
        %get3A_855 = arith.index_cast %add3A_852 : i32 to index
        %get3A_856 = arith.constant 48 : index
        %get3A_857 = tpu.vector_load %arg10[%get3A_854, %get3A_855, %get3A_856] {strides = array<i32>} : memref<2x400x64xi32, #tpu.memory_space<vmem>>, vector<1x1x16xi32>,
        %get3A_858 = vector.shape_cast %get3A_857 : vector<1x1x16xi32> to vector<16xi32>
        %shift_left3A_859 = arith.constant 16 : i32
        %shift_left3A_860 = vector.broadcast %shift_left3A_859 : i32 to vector<16xi32>
        %shift_left3A_861 = arith.shli %get3A_858, %shift_left3A_860 : vector<16xi32>
        %bitcast_convert_type3A_862 = tpu.bitcast %shift_left3A_861 : vector<16xi32> -> vector<16xf32>
        %add3A_863 = arith.addf %add3A_846, %bitcast_convert_type3A_862 : vector<16xf32>
        %and3A_864 = vector.broadcast %while3A_30 : i32 to vector<16xi32>
        %and3A_865 = arith.andi %get3A_858, %and3A_864 : vector<16xi32>
        %bitcast_convert_type3A_866 = tpu.bitcast %and3A_865 : vector<16xi32> -> vector<16xf32>
        %add3A_867 = arith.addf %add3A_850, %bitcast_convert_type3A_866 : vector<16xf32>
        %add3A_868 = arith.constant 4 : i32
        %add3A_869 = arith.addi %mul3A_182, %add3A_868 : i32
        %get3A_870 = arith.constant 0 : i32
        %get3A_871 = arith.index_cast %get3A_870 : i32 to index
        %get3A_872 = arith.index_cast %add3A_869 : i32 to index
        %get3A_873 = arith.constant 48 : index
        %get3A_874 = tpu.vector_load %arg10[%get3A_871, %get3A_872, %get3A_873] {strides = array<i32>} : memref<2x400x64xi32, #tpu.memory_space<vmem>>, vector<1x1x16xi32>,
        %get3A_875 = vector.shape_cast %get3A_874 : vector<1x1x16xi32> to vector<16xi32>
        %shift_left3A_876 = arith.constant 16 : i32
        %shift_left3A_877 = vector.broadcast %shift_left3A_876 : i32 to vector<16xi32>
        %shift_left3A_878 = arith.shli %get3A_875, %shift_left3A_877 : vector<16xi32>
        %bitcast_convert_type3A_879 = tpu.bitcast %shift_left3A_878 : vector<16xi32> -> vector<16xf32>
        %add3A_880 = arith.addf %add3A_863, %bitcast_convert_type3A_879 : vector<16xf32>
        %and3A_881 = vector.broadcast %while3A_30 : i32 to vector<16xi32>
        %and3A_882 = arith.andi %get3A_875, %and3A_881 : vector<16xi32>
        %bitcast_convert_type3A_883 = tpu.bitcast %and3A_882 : vector<16xi32> -> vector<16xf32>
        %add3A_884 = arith.addf %add3A_867, %bitcast_convert_type3A_883 : vector<16xf32>
        %add3A_885 = arith.constant 5 : i32
        %add3A_886 = arith.addi %mul3A_182, %add3A_885 : i32
        %get3A_887 = arith.constant 0 : i32
        %get3A_888 = arith.index_cast %get3A_887 : i32 to index
        %get3A_889 = arith.index_cast %add3A_886 : i32 to index
        %get3A_890 = arith.constant 48 : index
        %get3A_891 = tpu.vector_load %arg10[%get3A_888, %get3A_889, %get3A_890] {strides = array<i32>} : memref<2x400x64xi32, #tpu.memory_space<vmem>>, vector<1x1x16xi32>,
        %get3A_892 = vector.shape_cast %get3A_891 : vector<1x1x16xi32> to vector<16xi32>
        %shift_left3A_893 = arith.constant 16 : i32
        %shift_left3A_894 = vector.broadcast %shift_left3A_893 : i32 to vector<16xi32>
        %shift_left3A_895 = arith.shli %get3A_892, %shift_left3A_894 : vector<16xi32>
        %bitcast_convert_type3A_896 = tpu.bitcast %shift_left3A_895 : vector<16xi32> -> vector<16xf32>
        %add3A_897 = arith.addf %add3A_880, %bitcast_convert_type3A_896 : vector<16xf32>
        %and3A_898 = vector.broadcast %while3A_30 : i32 to vector<16xi32>
        %and3A_899 = arith.andi %get3A_892, %and3A_898 : vector<16xi32>
        %bitcast_convert_type3A_900 = tpu.bitcast %and3A_899 : vector<16xi32> -> vector<16xf32>
        %add3A_901 = arith.addf %add3A_884, %bitcast_convert_type3A_900 : vector<16xf32>
        %add3A_902 = arith.constant 6 : i32
        %add3A_903 = arith.addi %mul3A_182, %add3A_902 : i32
        %get3A_904 = arith.constant 0 : i32
        %get3A_905 = arith.index_cast %get3A_904 : i32 to index
        %get3A_906 = arith.index_cast %add3A_903 : i32 to index
        %get3A_907 = arith.constant 48 : index
        %get3A_908 = tpu.vector_load %arg10[%get3A_905, %get3A_906, %get3A_907] {strides = array<i32>} : memref<2x400x64xi32, #tpu.memory_space<vmem>>, vector<1x1x16xi32>,
        %get3A_909 = vector.shape_cast %get3A_908 : vector<1x1x16xi32> to vector<16xi32>
        %shift_left3A_910 = arith.constant 16 : i32
        %shift_left3A_911 = vector.broadcast %shift_left3A_910 : i32 to vector<16xi32>
        %shift_left3A_912 = arith.shli %get3A_909, %shift_left3A_911 : vector<16xi32>
        %bitcast_convert_type3A_913 = tpu.bitcast %shift_left3A_912 : vector<16xi32> -> vector<16xf32>
        %add3A_914 = arith.addf %add3A_897, %bitcast_convert_type3A_913 : vector<16xf32>
        %and3A_915 = vector.broadcast %while3A_30 : i32 to vector<16xi32>
        %and3A_916 = arith.andi %get3A_909, %and3A_915 : vector<16xi32>
        %bitcast_convert_type3A_917 = tpu.bitcast %and3A_916 : vector<16xi32> -> vector<16xf32>
        %add3A_918 = arith.addf %add3A_901, %bitcast_convert_type3A_917 : vector<16xf32>
        %add3A_919 = arith.constant 7 : i32
        %add3A_920 = arith.addi %mul3A_182, %add3A_919 : i32
        %get3A_921 = arith.constant 0 : i32
        %get3A_922 = arith.index_cast %get3A_921 : i32 to index
        %get3A_923 = arith.index_cast %add3A_920 : i32 to index
        %get3A_924 = arith.constant 48 : index
        %get3A_925 = tpu.vector_load %arg10[%get3A_922, %get3A_923, %get3A_924] {strides = array<i32>} : memref<2x400x64xi32, #tpu.memory_space<vmem>>, vector<1x1x16xi32>,
        %get3A_926 = vector.shape_cast %get3A_925 : vector<1x1x16xi32> to vector<16xi32>
        %shift_left3A_927 = arith.constant 16 : i32
        %shift_left3A_928 = vector.broadcast %shift_left3A_927 : i32 to vector<16xi32>
        %shift_left3A_929 = arith.shli %get3A_926, %shift_left3A_928 : vector<16xi32>
        %bitcast_convert_type3A_930 = tpu.bitcast %shift_left3A_929 : vector<16xi32> -> vector<16xf32>
        %add3A_931 = arith.addf %add3A_914, %bitcast_convert_type3A_930 : vector<16xf32>
        %and3A_932 = vector.broadcast %while3A_30 : i32 to vector<16xi32>
        %and3A_933 = arith.andi %get3A_926, %and3A_932 : vector<16xi32>
        %bitcast_convert_type3A_934 = tpu.bitcast %and3A_933 : vector<16xi32> -> vector<16xf32>
        %add3A_935 = arith.addf %add3A_918, %bitcast_convert_type3A_934 : vector<16xf32>
        %add3A_936 = arith.constant 8 : i32
        %add3A_937 = arith.addi %mul3A_182, %add3A_936 : i32
        %get3A_938 = arith.constant 0 : i32
        %get3A_939 = arith.index_cast %get3A_938 : i32 to index
        %get3A_940 = arith.index_cast %add3A_937 : i32 to index
        %get3A_941 = arith.constant 48 : index
        %get3A_942 = tpu.vector_load %arg10[%get3A_939, %get3A_940, %get3A_941] {strides = array<i32>} : memref<2x400x64xi32, #tpu.memory_space<vmem>>, vector<1x1x16xi32>,
        %get3A_943 = vector.shape_cast %get3A_942 : vector<1x1x16xi32> to vector<16xi32>
        %shift_left3A_944 = arith.constant 16 : i32
        %shift_left3A_945 = vector.broadcast %shift_left3A_944 : i32 to vector<16xi32>
        %shift_left3A_946 = arith.shli %get3A_943, %shift_left3A_945 : vector<16xi32>
        %bitcast_convert_type3A_947 = tpu.bitcast %shift_left3A_946 : vector<16xi32> -> vector<16xf32>
        %add3A_948 = arith.addf %add3A_931, %bitcast_convert_type3A_947 : vector<16xf32>
        %and3A_949 = vector.broadcast %while3A_30 : i32 to vector<16xi32>
        %and3A_950 = arith.andi %get3A_943, %and3A_949 : vector<16xi32>
        %bitcast_convert_type3A_951 = tpu.bitcast %and3A_950 : vector<16xi32> -> vector<16xf32>
        %add3A_952 = arith.addf %add3A_935, %bitcast_convert_type3A_951 : vector<16xf32>
        %add3A_953 = arith.constant 9 : i32
        %add3A_954 = arith.addi %mul3A_182, %add3A_953 : i32
        %get3A_955 = arith.constant 0 : i32
        %get3A_956 = arith.index_cast %get3A_955 : i32 to index
        %get3A_957 = arith.index_cast %add3A_954 : i32 to index
        %get3A_958 = arith.constant 48 : index
        %get3A_959 = tpu.vector_load %arg10[%get3A_956, %get3A_957, %get3A_958] {strides = array<i32>} : memref<2x400x64xi32, #tpu.memory_space<vmem>>, vector<1x1x16xi32>,
        %get3A_960 = vector.shape_cast %get3A_959 : vector<1x1x16xi32> to vector<16xi32>
        %shift_left3A_961 = arith.constant 16 : i32
        %shift_left3A_962 = vector.broadcast %shift_left3A_961 : i32 to vector<16xi32>
        %shift_left3A_963 = arith.shli %get3A_960, %shift_left3A_962 : vector<16xi32>
        %bitcast_convert_type3A_964 = tpu.bitcast %shift_left3A_963 : vector<16xi32> -> vector<16xf32>
        %add3A_965 = arith.addf %add3A_948, %bitcast_convert_type3A_964 : vector<16xf32>
        %and3A_966 = vector.broadcast %while3A_30 : i32 to vector<16xi32>
        %and3A_967 = arith.andi %get3A_960, %and3A_966 : vector<16xi32>
        %bitcast_convert_type3A_968 = tpu.bitcast %and3A_967 : vector<16xi32> -> vector<16xf32>
        %add3A_969 = arith.addf %add3A_952, %bitcast_convert_type3A_968 : vector<16xf32>
        %max3A_970 = arith.constant 0.000000e+00 : f32
        %max3A_971 = vector.broadcast %max3A_970 : f32 to vector<16xf32>
        %max3A_972 = arith.maximumf %add3A_965, %max3A_971 : vector<16xf32>
        %swap3A_973 = arith.constant 0 : i32
        %swap3A_974 = arith.index_cast %swap3A_973 : i32 to index
        %swap3A_975 = arith.index_cast %scan3A_180 : i32 to index
        %swap3A_976 = arith.constant 96 : index
        %swap3A_977 = tpu.vector_load %arg11[%swap3A_974, %swap3A_975, %swap3A_976] {strides = array<i32>} : memref<2x40x128xf32, #tpu.memory_space<vmem>>, vector<1x1x16xf32>,
        %swap3A_978 = vector.shape_cast %swap3A_977 : vector<1x1x16xf32> to vector<16xf32>
        %swap3A_979 = vector.shape_cast %max3A_972 : vector<16xf32> to vector<1x1x16xf32>
        tpu.vector_store %arg11[%swap3A_974, %swap3A_975, %swap3A_976], %swap3A_979 {strides = array<i32>} : memref<2x40x128xf32, #tpu.memory_space<vmem>>, vector<1x1x16xf32>,
        %max3A_980 = arith.constant 0.000000e+00 : f32
        %max3A_981 = vector.broadcast %max3A_980 : f32 to vector<16xf32>
        %max3A_982 = arith.maximumf %add3A_969, %max3A_981 : vector<16xf32>
        %swap3A_983 = arith.constant 0 : i32
        %swap3A_984 = arith.index_cast %swap3A_983 : i32 to index
        %swap3A_985 = arith.index_cast %scan3A_180 : i32 to index
        %swap3A_986 = arith.constant 112 : index
        %swap3A_987 = tpu.vector_load %arg11[%swap3A_984, %swap3A_985, %swap3A_986] {strides = array<i32>} : memref<2x40x128xf32, #tpu.memory_space<vmem>>, vector<1x1x16xf32>,
        %swap3A_988 = vector.shape_cast %swap3A_987 : vector<1x1x16xf32> to vector<16xf32>
        %swap3A_989 = vector.shape_cast %max3A_982 : vector<16xf32> to vector<1x1x16xf32>
        tpu.vector_store %arg11[%swap3A_984, %swap3A_985, %swap3A_986], %swap3A_989 {strides = array<i32>} : memref<2x40x128xf32, #tpu.memory_space<vmem>>, vector<1x1x16xf32>,
      }
      %scan3A_97 = arith.constant 40 : i32
      %mul3A_98 = arith.constant 40 : i32
      %mul3A_99 = arith.muli %add3A_54, %mul3A_98 : i32
      %add3A_100 = arith.addi %add3A, %mul3A_99 : i32
      %dma_start3A = arith.constant 0 : i32
      %dma_start3A_101 = arith.constant 0 : i32
      %dma_start3A_102 = arith.constant 0 : i32
      %dma_start3A_103 = tpu.memref_slice %arg11[%dma_start3A, %dma_start3A_101, %dma_start3A_102] : memref<2x40x128xf32, #tpu.memory_space<vmem>> -> memref<1x40x128xf32, #tpu.memory_space<vmem>>
      %dma_start3A_104 = tpu.memref_squeeze %dma_start3A_103 : memref<1x40x128xf32, #tpu.memory_space<vmem>> -> memref<40x128xf32, #tpu.memory_space<vmem>>
      %dma_start3A_105 = arith.constant 0 : i32
      %dma_start3A_106 = tpu.memref_slice %arg6[%add3A_100, %dma_start3A_105] : memref<51200x128xf32, #tpu.memory_space<hbm>> -> memref<40x128xf32, #tpu.memory_space<hbm>>
      %dma_start3A_107 = arith.constant 0 : i32
      %dma_start3A_108 = tpu.memref_slice %arg6[%add3A_100, %dma_start3A_107] : memref<51200x128xf32, #tpu.memory_space<hbm>> -> memref<40x128xf32, #tpu.memory_space<hbm>>
      %dma_start3A_109 = arith.constant 0 : i32
      %dma_start3A_110 = arith.constant 0 : i32
      %dma_start3A_111 = tpu.memref_slice %arg11[%dma_start3A, %dma_start3A_109, %dma_start3A_110] : memref<2x40x128xf32, #tpu.memory_space<vmem>> -> memref<1x40x128xf32, #tpu.memory_space<vmem>>
      %dma_start3A_112 = tpu.memref_squeeze %dma_start3A_111 : memref<1x40x128xf32, #tpu.memory_space<vmem>> -> memref<40x128xf32, #tpu.memory_space<vmem>>
      tpu.enqueue_dma source(%dma_start3A_112 : memref<40x128xf32, #tpu.memory_space<vmem>>) target(%dma_start3A_108 : memref<40x128xf32, #tpu.memory_space<hbm>>) target_semaphore(%arg14 : memref<!tpu.dma_semaphore, #tpu.memory_space<semaphore_mem>>)
      %mul3A_113 = arith.constant 2 : i32
      %mul3A_114 = arith.muli %while3A_50, %mul3A_113 : i32
      %add3A_115 = arith.constant 1 : i32
      %add3A_116 = arith.addi %mul3A_114, %add3A_115 : i32
      %dma_wait3A_117 = arith.constant 1 : i32
      %dma_wait3A_118 = arith.constant 0 : i32
      %dma_wait3A_119 = arith.constant 0 : i32
      %dma_wait3A_120 = tpu.memref_slice %arg9[%dma_wait3A_117, %dma_wait3A_118, %dma_wait3A_119] : memref<2x40x64xi32, #tpu.memory_space<vmem>> -> memref<1x40x64xi32, #tpu.memory_space<vmem>>
      %dma_wait3A_121 = tpu.memref_squeeze %dma_wait3A_120 : memref<1x40x64xi32, #tpu.memory_space<vmem>> -> memref<40x64xi32, #tpu.memory_space<vmem>>
      %dma_wait3A_122 = arith.constant 0 : i32
      %dma_wait3A_123 = arith.constant 0 : i32
      %dma_wait3A_124 = tpu.memref_slice %arg4[%dma_wait3A_122, %dma_wait3A_123] : memref<50000x64xi32, #tpu.memory_space<hbm>> -> memref<40x64xi32, #tpu.memory_space<hbm>>
      %dma_wait3A_125 = arith.constant 0 : i32
      %dma_wait3A_126 = arith.constant 0 : i32
      %dma_wait3A_127 = tpu.memref_slice %arg9[%dma_wait3A_117, %dma_wait3A_125, %dma_wait3A_126] : memref<2x40x64xi32, #tpu.memory_space<vmem>> -> memref<1x40x64xi32, #tpu.memory_space<vmem>>
      %dma_wait3A_128 = tpu.memref_squeeze %dma_wait3A_127 : memref<1x40x64xi32, #tpu.memory_space<vmem>> -> memref<40x64xi32, #tpu.memory_space<vmem>>
      %dma_wait3A_129 = arith.constant 0 : i32
      %dma_wait3A_130 = arith.constant 0 : i32
      %dma_wait3A_131 = tpu.memref_slice %arg4[%dma_wait3A_129, %dma_wait3A_130] : memref<50000x64xi32, #tpu.memory_space<hbm>> -> memref<40x64xi32, #tpu.memory_space<hbm>>
      tpu.wait_dma2 semaphore(%arg13 : memref<!tpu.dma_semaphore, #tpu.memory_space<semaphore_mem>>) src(%dma_wait3A_131 : memref<40x64xi32, #tpu.memory_space<hbm>>) dst(%dma_wait3A_128 : memref<40x64xi32, #tpu.memory_space<vmem>>)
      %dma_wait3A_132 = arith.constant 1 : i32
      %dma_wait3A_133 = arith.constant 0 : i32
      %dma_wait3A_134 = arith.constant 0 : i32
      %dma_wait3A_135 = tpu.memref_slice %arg10[%dma_wait3A_132, %dma_wait3A_133, %dma_wait3A_134] : memref<2x400x64xi32, #tpu.memory_space<vmem>> -> memref<1x400x64xi32, #tpu.memory_space<vmem>>
      %dma_wait3A_136 = tpu.memref_squeeze %dma_wait3A_135 : memref<1x400x64xi32, #tpu.memory_space<vmem>> -> memref<400x64xi32, #tpu.memory_space<vmem>>
      %dma_wait3A_137 = arith.constant 0 : i32
      %dma_wait3A_138 = arith.constant 0 : i32
      %dma_wait3A_139 = tpu.memref_slice %arg5[%dma_wait3A_137, %dma_wait3A_138] : memref<50000x64xi32, #tpu.memory_space<hbm>> -> memref<400x64xi32, #tpu.memory_space<hbm>>
      %dma_wait3A_140 = arith.constant 0 : i32
      %dma_wait3A_141 = arith.constant 0 : i32
      %dma_wait3A_142 = tpu.memref_slice %arg10[%dma_wait3A_132, %dma_wait3A_140, %dma_wait3A_141] : memref<2x400x64xi32, #tpu.memory_space<vmem>> -> memref<1x400x64xi32, #tpu.memory_space<vmem>>
      %dma_wait3A_143 = tpu.memref_squeeze %dma_wait3A_142 : memref<1x400x64xi32, #tpu.memory_space<vmem>> -> memref<400x64xi32, #tpu.memory_space<vmem>>
      %dma_wait3A_144 = arith.constant 0 : i32
      %dma_wait3A_145 = arith.constant 0 : i32
      %dma_wait3A_146 = tpu.memref_slice %arg5[%dma_wait3A_144, %dma_wait3A_145] : memref<50000x64xi32, #tpu.memory_space<hbm>> -> memref<400x64xi32, #tpu.memory_space<hbm>>
      tpu.wait_dma2 semaphore(%arg13 : memref<!tpu.dma_semaphore, #tpu.memory_space<semaphore_mem>>) src(%dma_wait3A_146 : memref<400x64xi32, #tpu.memory_space<hbm>>) dst(%dma_wait3A_143 : memref<400x64xi32, #tpu.memory_space<vmem>>)
      %add3A_147 = arith.constant 1 : i32
      %add3A_148 = arith.addi %add3A_116, %add3A_147 : i32
      %lt3A_149 = arith.cmpi slt, %add3A_148, %select_n3A : i32
      %convert_element_type3A_150 = arith.extui %lt3A_149 : i1 to i32
      %cond3A_151 = arith.constant 0 : i32
      %cond3A_152 = arith.cmpi ne, %convert_element_type3A_150, %cond3A_151 : i32
      scf.if %cond3A_152 {
        %add3A_180 = arith.constant 1 : i32
        %add3A_181 = arith.addi %add3A_116, %add3A_180 : i32
        %mul3A_182 = arith.constant 40 : i32
        %mul3A_183 = arith.muli %add3A_181, %mul3A_182 : i32
        %dma_start3A_184 = arith.constant 0 : i32
        %dma_start3A_185 = arith.constant 0 : i32
        %dma_start3A_186 = arith.constant 0 : i32
        %dma_start3A_187 = tpu.memref_slice %arg9[%dma_start3A_184, %dma_start3A_185, %dma_start3A_186] : memref<2x40x64xi32, #tpu.memory_space<vmem>> -> memref<1x40x64xi32, #tpu.memory_space<vmem>>
        %dma_start3A_188 = tpu.memref_squeeze %dma_start3A_187 : memref<1x40x64xi32, #tpu.memory_space<vmem>> -> memref<40x64xi32, #tpu.memory_space<vmem>>
        %dma_start3A_189 = tpu.memref_slice %arg7[%mul3A_183] : memref<2320xi32, #tpu.memory_space<vmem>> -> memref<40xi32, #tpu.memory_space<vmem>>
        %dma_start3A_190 = arith.constant 0 : i32
        %dma_start3A_191 = arith.constant 0 : i32
        %dma_start3A_192 = tpu.memref_slice %arg4[%dma_start3A_190, %dma_start3A_191] : memref<50000x64xi32, #tpu.memory_space<hbm>> -> memref<50000x64xi32, #tpu.memory_space<hbm>>
        tpu.enqueue_indirect_dma source(%dma_start3A_192 : memref<50000x64xi32, #tpu.memory_space<hbm>>) target(%dma_start3A_188 : memref<40x64xi32, #tpu.memory_space<vmem>>) offsets(%dma_start3A_189 : memref<40xi32, #tpu.memory_space<vmem>>) semaphore(%arg12 : memref<!tpu.dma_semaphore, #tpu.memory_space<semaphore_mem>>)
        %mul3A_193 = arith.constant 400 : i32
        %mul3A_194 = arith.muli %add3A_181, %mul3A_193 : i32
        %dma_start3A_195 = arith.constant 0 : i32
        %dma_start3A_196 = arith.constant 0 : i32
        %dma_start3A_197 = arith.constant 0 : i32
        %dma_start3A_198 = tpu.memref_slice %arg10[%dma_start3A_195, %dma_start3A_196, %dma_start3A_197] : memref<2x400x64xi32, #tpu.memory_space<vmem>> -> memref<1x400x64xi32, #tpu.memory_space<vmem>>
        %dma_start3A_199 = tpu.memref_squeeze %dma_start3A_198 : memref<1x400x64xi32, #tpu.memory_space<vmem>> -> memref<400x64xi32, #tpu.memory_space<vmem>>
        %dma_start3A_200 = tpu.memref_slice %arg8[%mul3A_194] : memref<23200xi32, #tpu.memory_space<vmem>> -> memref<400xi32, #tpu.memory_space<vmem>>
        %dma_start3A_201 = arith.constant 0 : i32
        %dma_start3A_202 = arith.constant 0 : i32
        %dma_start3A_203 = tpu.memref_slice %arg5[%dma_start3A_201, %dma_start3A_202] : memref<50000x64xi32, #tpu.memory_space<hbm>> -> memref<50000x64xi32, #tpu.memory_space<hbm>>
        tpu.enqueue_indirect_dma source(%dma_start3A_203 : memref<50000x64xi32, #tpu.memory_space<hbm>>) target(%dma_start3A_199 : memref<400x64xi32, #tpu.memory_space<vmem>>) offsets(%dma_start3A_200 : memref<400xi32, #tpu.memory_space<vmem>>) semaphore(%arg12 : memref<!tpu.dma_semaphore, #tpu.memory_space<semaphore_mem>>)
      } else {
      }
      %ge3A_153 = arith.constant 2 : i32
      %ge3A_154 = arith.cmpi sge, %add3A_116, %ge3A_153 : i32
      %convert_element_type3A_155 = arith.extui %ge3A_154 : i1 to i32
      %cond3A_156 = arith.constant 0 : i32
      %cond3A_157 = arith.cmpi ne, %convert_element_type3A_155, %cond3A_156 : i32
      scf.if %cond3A_157 {
        %dma_wait3A_180 = arith.constant 1 : i32
        %dma_wait3A_181 = arith.constant 0 : i32
        %dma_wait3A_182 = arith.constant 0 : i32
        %dma_wait3A_183 = tpu.memref_slice %arg11[%dma_wait3A_180, %dma_wait3A_181, %dma_wait3A_182] : memref<2x40x128xf32, #tpu.memory_space<vmem>> -> memref<1x40x128xf32, #tpu.memory_space<vmem>>
        %dma_wait3A_184 = tpu.memref_squeeze %dma_wait3A_183 : memref<1x40x128xf32, #tpu.memory_space<vmem>> -> memref<40x128xf32, #tpu.memory_space<vmem>>
        %dma_wait3A_185 = arith.constant 0 : i32
        %dma_wait3A_186 = arith.constant 0 : i32
        %dma_wait3A_187 = tpu.memref_slice %arg6[%dma_wait3A_185, %dma_wait3A_186] : memref<51200x128xf32, #tpu.memory_space<hbm>> -> memref<40x128xf32, #tpu.memory_space<hbm>>
        %dma_wait3A_188 = arith.constant 0 : i32
        %dma_wait3A_189 = arith.constant 0 : i32
        %dma_wait3A_190 = tpu.memref_slice %arg11[%dma_wait3A_180, %dma_wait3A_188, %dma_wait3A_189] : memref<2x40x128xf32, #tpu.memory_space<vmem>> -> memref<1x40x128xf32, #tpu.memory_space<vmem>>
        %dma_wait3A_191 = tpu.memref_squeeze %dma_wait3A_190 : memref<1x40x128xf32, #tpu.memory_space<vmem>> -> memref<40x128xf32, #tpu.memory_space<vmem>>
        %dma_wait3A_192 = arith.constant 0 : i32
        %dma_wait3A_193 = arith.constant 0 : i32
        %dma_wait3A_194 = tpu.memref_slice %arg6[%dma_wait3A_192, %dma_wait3A_193] : memref<51200x128xf32, #tpu.memory_space<hbm>> -> memref<40x128xf32, #tpu.memory_space<hbm>>
        tpu.wait_dma2 semaphore(%arg15 : memref<!tpu.dma_semaphore, #tpu.memory_space<semaphore_mem>>) src(%dma_wait3A_194 : memref<40x128xf32, #tpu.memory_space<hbm>>) dst(%dma_wait3A_191 : memref<40x128xf32, #tpu.memory_space<vmem>>)
      } else {
      }
      %scan3A_158 = arith.constant 0 : i32
      %scan3A_159 = arith.constant 0 : i32
      %scan3A_160 = arith.constant 40 : i32
      %scan3A_161 = arith.addi %scan3A_159, %scan3A_160 : i32
      %scan3A_162 = arith.constant 1 : i32
      scf.for %scan3A_180 = %scan3A_159 to %scan3A_161 step %scan3A_162  : i32 {
        %mul3A_181 = arith.constant 10 : i32
        %mul3A_182 = arith.muli %scan3A_180, %mul3A_181 : i32
        %get3A = arith.constant 1 : i32
        %get3A_183 = arith.index_cast %get3A : i32 to index
        %get3A_184 = arith.index_cast %scan3A_180 : i32 to index
        %get3A_185 = arith.constant 0 : index
        %get3A_186 = tpu.vector_load %arg9[%get3A_183, %get3A_184, %get3A_185] {strides = array<i32>} : memref<2x40x64xi32, #tpu.memory_space<vmem>>, vector<1x1x16xi32>,
        %get3A_187 = vector.shape_cast %get3A_186 : vector<1x1x16xi32> to vector<16xi32>
        %shift_left3A = arith.constant 16 : i32
        %shift_left3A_188 = vector.broadcast %shift_left3A : i32 to vector<16xi32>
        %shift_left3A_189 = arith.shli %get3A_187, %shift_left3A_188 : vector<16xi32>
        %bitcast_convert_type3A = tpu.bitcast %shift_left3A_189 : vector<16xi32> -> vector<16xf32>
        %and3A_190 = vector.broadcast %while3A_30 : i32 to vector<16xi32>
        %and3A_191 = arith.andi %get3A_187, %and3A_190 : vector<16xi32>
        %bitcast_convert_type3A_192 = tpu.bitcast %and3A_191 : vector<16xi32> -> vector<16xf32>
        %add3A_193 = arith.constant 0 : i32
        %add3A_194 = arith.addi %mul3A_182, %add3A_193 : i32
        %get3A_195 = arith.constant 1 : i32
        %get3A_196 = arith.index_cast %get3A_195 : i32 to index
        %get3A_197 = arith.index_cast %add3A_194 : i32 to index
        %get3A_198 = arith.constant 0 : index
        %get3A_199 = tpu.vector_load %arg10[%get3A_196, %get3A_197, %get3A_198] {strides = array<i32>} : memref<2x400x64xi32, #tpu.memory_space<vmem>>, vector<1x1x16xi32>,
        %get3A_200 = vector.shape_cast %get3A_199 : vector<1x1x16xi32> to vector<16xi32>
        %shift_left3A_201 = arith.constant 16 : i32
        %shift_left3A_202 = vector.broadcast %shift_left3A_201 : i32 to vector<16xi32>
        %shift_left3A_203 = arith.shli %get3A_200, %shift_left3A_202 : vector<16xi32>
        %bitcast_convert_type3A_204 = tpu.bitcast %shift_left3A_203 : vector<16xi32> -> vector<16xf32>
        %add3A_205 = arith.addf %bitcast_convert_type3A, %bitcast_convert_type3A_204 : vector<16xf32>
        %and3A_206 = vector.broadcast %while3A_30 : i32 to vector<16xi32>
        %and3A_207 = arith.andi %get3A_200, %and3A_206 : vector<16xi32>
        %bitcast_convert_type3A_208 = tpu.bitcast %and3A_207 : vector<16xi32> -> vector<16xf32>
        %add3A_209 = arith.addf %bitcast_convert_type3A_192, %bitcast_convert_type3A_208 : vector<16xf32>
        %add3A_210 = arith.constant 1 : i32
        %add3A_211 = arith.addi %mul3A_182, %add3A_210 : i32
        %get3A_212 = arith.constant 1 : i32
        %get3A_213 = arith.index_cast %get3A_212 : i32 to index
        %get3A_214 = arith.index_cast %add3A_211 : i32 to index
        %get3A_215 = arith.constant 0 : index
        %get3A_216 = tpu.vector_load %arg10[%get3A_213, %get3A_214, %get3A_215] {strides = array<i32>} : memref<2x400x64xi32, #tpu.memory_space<vmem>>, vector<1x1x16xi32>,
        %get3A_217 = vector.shape_cast %get3A_216 : vector<1x1x16xi32> to vector<16xi32>
        %shift_left3A_218 = arith.constant 16 : i32
        %shift_left3A_219 = vector.broadcast %shift_left3A_218 : i32 to vector<16xi32>
        %shift_left3A_220 = arith.shli %get3A_217, %shift_left3A_219 : vector<16xi32>
        %bitcast_convert_type3A_221 = tpu.bitcast %shift_left3A_220 : vector<16xi32> -> vector<16xf32>
        %add3A_222 = arith.addf %add3A_205, %bitcast_convert_type3A_221 : vector<16xf32>
        %and3A_223 = vector.broadcast %while3A_30 : i32 to vector<16xi32>
        %and3A_224 = arith.andi %get3A_217, %and3A_223 : vector<16xi32>
        %bitcast_convert_type3A_225 = tpu.bitcast %and3A_224 : vector<16xi32> -> vector<16xf32>
        %add3A_226 = arith.addf %add3A_209, %bitcast_convert_type3A_225 : vector<16xf32>
        %add3A_227 = arith.constant 2 : i32
        %add3A_228 = arith.addi %mul3A_182, %add3A_227 : i32
        %get3A_229 = arith.constant 1 : i32
        %get3A_230 = arith.index_cast %get3A_229 : i32 to index
        %get3A_231 = arith.index_cast %add3A_228 : i32 to index
        %get3A_232 = arith.constant 0 : index
        %get3A_233 = tpu.vector_load %arg10[%get3A_230, %get3A_231, %get3A_232] {strides = array<i32>} : memref<2x400x64xi32, #tpu.memory_space<vmem>>, vector<1x1x16xi32>,
        %get3A_234 = vector.shape_cast %get3A_233 : vector<1x1x16xi32> to vector<16xi32>
        %shift_left3A_235 = arith.constant 16 : i32
        %shift_left3A_236 = vector.broadcast %shift_left3A_235 : i32 to vector<16xi32>
        %shift_left3A_237 = arith.shli %get3A_234, %shift_left3A_236 : vector<16xi32>
        %bitcast_convert_type3A_238 = tpu.bitcast %shift_left3A_237 : vector<16xi32> -> vector<16xf32>
        %add3A_239 = arith.addf %add3A_222, %bitcast_convert_type3A_238 : vector<16xf32>
        %and3A_240 = vector.broadcast %while3A_30 : i32 to vector<16xi32>
        %and3A_241 = arith.andi %get3A_234, %and3A_240 : vector<16xi32>
        %bitcast_convert_type3A_242 = tpu.bitcast %and3A_241 : vector<16xi32> -> vector<16xf32>
        %add3A_243 = arith.addf %add3A_226, %bitcast_convert_type3A_242 : vector<16xf32>
        %add3A_244 = arith.constant 3 : i32
        %add3A_245 = arith.addi %mul3A_182, %add3A_244 : i32
        %get3A_246 = arith.constant 1 : i32
        %get3A_247 = arith.index_cast %get3A_246 : i32 to index
        %get3A_248 = arith.index_cast %add3A_245 : i32 to index
        %get3A_249 = arith.constant 0 : index
        %get3A_250 = tpu.vector_load %arg10[%get3A_247, %get3A_248, %get3A_249] {strides = array<i32>} : memref<2x400x64xi32, #tpu.memory_space<vmem>>, vector<1x1x16xi32>,
        %get3A_251 = vector.shape_cast %get3A_250 : vector<1x1x16xi32> to vector<16xi32>
        %shift_left3A_252 = arith.constant 16 : i32
        %shift_left3A_253 = vector.broadcast %shift_left3A_252 : i32 to vector<16xi32>
        %shift_left3A_254 = arith.shli %get3A_251, %shift_left3A_253 : vector<16xi32>
        %bitcast_convert_type3A_255 = tpu.bitcast %shift_left3A_254 : vector<16xi32> -> vector<16xf32>
        %add3A_256 = arith.addf %add3A_239, %bitcast_convert_type3A_255 : vector<16xf32>
        %and3A_257 = vector.broadcast %while3A_30 : i32 to vector<16xi32>
        %and3A_258 = arith.andi %get3A_251, %and3A_257 : vector<16xi32>
        %bitcast_convert_type3A_259 = tpu.bitcast %and3A_258 : vector<16xi32> -> vector<16xf32>
        %add3A_260 = arith.addf %add3A_243, %bitcast_convert_type3A_259 : vector<16xf32>
        %add3A_261 = arith.constant 4 : i32
        %add3A_262 = arith.addi %mul3A_182, %add3A_261 : i32
        %get3A_263 = arith.constant 1 : i32
        %get3A_264 = arith.index_cast %get3A_263 : i32 to index
        %get3A_265 = arith.index_cast %add3A_262 : i32 to index
        %get3A_266 = arith.constant 0 : index
        %get3A_267 = tpu.vector_load %arg10[%get3A_264, %get3A_265, %get3A_266] {strides = array<i32>} : memref<2x400x64xi32, #tpu.memory_space<vmem>>, vector<1x1x16xi32>,
        %get3A_268 = vector.shape_cast %get3A_267 : vector<1x1x16xi32> to vector<16xi32>
        %shift_left3A_269 = arith.constant 16 : i32
        %shift_left3A_270 = vector.broadcast %shift_left3A_269 : i32 to vector<16xi32>
        %shift_left3A_271 = arith.shli %get3A_268, %shift_left3A_270 : vector<16xi32>
        %bitcast_convert_type3A_272 = tpu.bitcast %shift_left3A_271 : vector<16xi32> -> vector<16xf32>
        %add3A_273 = arith.addf %add3A_256, %bitcast_convert_type3A_272 : vector<16xf32>
        %and3A_274 = vector.broadcast %while3A_30 : i32 to vector<16xi32>
        %and3A_275 = arith.andi %get3A_268, %and3A_274 : vector<16xi32>
        %bitcast_convert_type3A_276 = tpu.bitcast %and3A_275 : vector<16xi32> -> vector<16xf32>
        %add3A_277 = arith.addf %add3A_260, %bitcast_convert_type3A_276 : vector<16xf32>
        %add3A_278 = arith.constant 5 : i32
        %add3A_279 = arith.addi %mul3A_182, %add3A_278 : i32
        %get3A_280 = arith.constant 1 : i32
        %get3A_281 = arith.index_cast %get3A_280 : i32 to index
        %get3A_282 = arith.index_cast %add3A_279 : i32 to index
        %get3A_283 = arith.constant 0 : index
        %get3A_284 = tpu.vector_load %arg10[%get3A_281, %get3A_282, %get3A_283] {strides = array<i32>} : memref<2x400x64xi32, #tpu.memory_space<vmem>>, vector<1x1x16xi32>,
        %get3A_285 = vector.shape_cast %get3A_284 : vector<1x1x16xi32> to vector<16xi32>
        %shift_left3A_286 = arith.constant 16 : i32
        %shift_left3A_287 = vector.broadcast %shift_left3A_286 : i32 to vector<16xi32>
        %shift_left3A_288 = arith.shli %get3A_285, %shift_left3A_287 : vector<16xi32>
        %bitcast_convert_type3A_289 = tpu.bitcast %shift_left3A_288 : vector<16xi32> -> vector<16xf32>
        %add3A_290 = arith.addf %add3A_273, %bitcast_convert_type3A_289 : vector<16xf32>
        %and3A_291 = vector.broadcast %while3A_30 : i32 to vector<16xi32>
        %and3A_292 = arith.andi %get3A_285, %and3A_291 : vector<16xi32>
        %bitcast_convert_type3A_293 = tpu.bitcast %and3A_292 : vector<16xi32> -> vector<16xf32>
        %add3A_294 = arith.addf %add3A_277, %bitcast_convert_type3A_293 : vector<16xf32>
        %add3A_295 = arith.constant 6 : i32
        %add3A_296 = arith.addi %mul3A_182, %add3A_295 : i32
        %get3A_297 = arith.constant 1 : i32
        %get3A_298 = arith.index_cast %get3A_297 : i32 to index
        %get3A_299 = arith.index_cast %add3A_296 : i32 to index
        %get3A_300 = arith.constant 0 : index
        %get3A_301 = tpu.vector_load %arg10[%get3A_298, %get3A_299, %get3A_300] {strides = array<i32>} : memref<2x400x64xi32, #tpu.memory_space<vmem>>, vector<1x1x16xi32>,
        %get3A_302 = vector.shape_cast %get3A_301 : vector<1x1x16xi32> to vector<16xi32>
        %shift_left3A_303 = arith.constant 16 : i32
        %shift_left3A_304 = vector.broadcast %shift_left3A_303 : i32 to vector<16xi32>
        %shift_left3A_305 = arith.shli %get3A_302, %shift_left3A_304 : vector<16xi32>
        %bitcast_convert_type3A_306 = tpu.bitcast %shift_left3A_305 : vector<16xi32> -> vector<16xf32>
        %add3A_307 = arith.addf %add3A_290, %bitcast_convert_type3A_306 : vector<16xf32>
        %and3A_308 = vector.broadcast %while3A_30 : i32 to vector<16xi32>
        %and3A_309 = arith.andi %get3A_302, %and3A_308 : vector<16xi32>
        %bitcast_convert_type3A_310 = tpu.bitcast %and3A_309 : vector<16xi32> -> vector<16xf32>
        %add3A_311 = arith.addf %add3A_294, %bitcast_convert_type3A_310 : vector<16xf32>
        %add3A_312 = arith.constant 7 : i32
        %add3A_313 = arith.addi %mul3A_182, %add3A_312 : i32
        %get3A_314 = arith.constant 1 : i32
        %get3A_315 = arith.index_cast %get3A_314 : i32 to index
        %get3A_316 = arith.index_cast %add3A_313 : i32 to index
        %get3A_317 = arith.constant 0 : index
        %get3A_318 = tpu.vector_load %arg10[%get3A_315, %get3A_316, %get3A_317] {strides = array<i32>} : memref<2x400x64xi32, #tpu.memory_space<vmem>>, vector<1x1x16xi32>,
        %get3A_319 = vector.shape_cast %get3A_318 : vector<1x1x16xi32> to vector<16xi32>
        %shift_left3A_320 = arith.constant 16 : i32
        %shift_left3A_321 = vector.broadcast %shift_left3A_320 : i32 to vector<16xi32>
        %shift_left3A_322 = arith.shli %get3A_319, %shift_left3A_321 : vector<16xi32>
        %bitcast_convert_type3A_323 = tpu.bitcast %shift_left3A_322 : vector<16xi32> -> vector<16xf32>
        %add3A_324 = arith.addf %add3A_307, %bitcast_convert_type3A_323 : vector<16xf32>
        %and3A_325 = vector.broadcast %while3A_30 : i32 to vector<16xi32>
        %and3A_326 = arith.andi %get3A_319, %and3A_325 : vector<16xi32>
        %bitcast_convert_type3A_327 = tpu.bitcast %and3A_326 : vector<16xi32> -> vector<16xf32>
        %add3A_328 = arith.addf %add3A_311, %bitcast_convert_type3A_327 : vector<16xf32>
        %add3A_329 = arith.constant 8 : i32
        %add3A_330 = arith.addi %mul3A_182, %add3A_329 : i32
        %get3A_331 = arith.constant 1 : i32
        %get3A_332 = arith.index_cast %get3A_331 : i32 to index
        %get3A_333 = arith.index_cast %add3A_330 : i32 to index
        %get3A_334 = arith.constant 0 : index
        %get3A_335 = tpu.vector_load %arg10[%get3A_332, %get3A_333, %get3A_334] {strides = array<i32>} : memref<2x400x64xi32, #tpu.memory_space<vmem>>, vector<1x1x16xi32>,
        %get3A_336 = vector.shape_cast %get3A_335 : vector<1x1x16xi32> to vector<16xi32>
        %shift_left3A_337 = arith.constant 16 : i32
        %shift_left3A_338 = vector.broadcast %shift_left3A_337 : i32 to vector<16xi32>
        %shift_left3A_339 = arith.shli %get3A_336, %shift_left3A_338 : vector<16xi32>
        %bitcast_convert_type3A_340 = tpu.bitcast %shift_left3A_339 : vector<16xi32> -> vector<16xf32>
        %add3A_341 = arith.addf %add3A_324, %bitcast_convert_type3A_340 : vector<16xf32>
        %and3A_342 = vector.broadcast %while3A_30 : i32 to vector<16xi32>
        %and3A_343 = arith.andi %get3A_336, %and3A_342 : vector<16xi32>
        %bitcast_convert_type3A_344 = tpu.bitcast %and3A_343 : vector<16xi32> -> vector<16xf32>
        %add3A_345 = arith.addf %add3A_328, %bitcast_convert_type3A_344 : vector<16xf32>
        %add3A_346 = arith.constant 9 : i32
        %add3A_347 = arith.addi %mul3A_182, %add3A_346 : i32
        %get3A_348 = arith.constant 1 : i32
        %get3A_349 = arith.index_cast %get3A_348 : i32 to index
        %get3A_350 = arith.index_cast %add3A_347 : i32 to index
        %get3A_351 = arith.constant 0 : index
        %get3A_352 = tpu.vector_load %arg10[%get3A_349, %get3A_350, %get3A_351] {strides = array<i32>} : memref<2x400x64xi32, #tpu.memory_space<vmem>>, vector<1x1x16xi32>,
        %get3A_353 = vector.shape_cast %get3A_352 : vector<1x1x16xi32> to vector<16xi32>
        %shift_left3A_354 = arith.constant 16 : i32
        %shift_left3A_355 = vector.broadcast %shift_left3A_354 : i32 to vector<16xi32>
        %shift_left3A_356 = arith.shli %get3A_353, %shift_left3A_355 : vector<16xi32>
        %bitcast_convert_type3A_357 = tpu.bitcast %shift_left3A_356 : vector<16xi32> -> vector<16xf32>
        %add3A_358 = arith.addf %add3A_341, %bitcast_convert_type3A_357 : vector<16xf32>
        %and3A_359 = vector.broadcast %while3A_30 : i32 to vector<16xi32>
        %and3A_360 = arith.andi %get3A_353, %and3A_359 : vector<16xi32>
        %bitcast_convert_type3A_361 = tpu.bitcast %and3A_360 : vector<16xi32> -> vector<16xf32>
        %add3A_362 = arith.addf %add3A_345, %bitcast_convert_type3A_361 : vector<16xf32>
        %max3A = arith.constant 0.000000e+00 : f32
        %max3A_363 = vector.broadcast %max3A : f32 to vector<16xf32>
        %max3A_364 = arith.maximumf %add3A_358, %max3A_363 : vector<16xf32>
        %swap3A = arith.constant 1 : i32
        %swap3A_365 = arith.index_cast %swap3A : i32 to index
        %swap3A_366 = arith.index_cast %scan3A_180 : i32 to index
        %swap3A_367 = arith.constant 0 : index
        %swap3A_368 = tpu.vector_load %arg11[%swap3A_365, %swap3A_366, %swap3A_367] {strides = array<i32>} : memref<2x40x128xf32, #tpu.memory_space<vmem>>, vector<1x1x16xf32>,
        %swap3A_369 = vector.shape_cast %swap3A_368 : vector<1x1x16xf32> to vector<16xf32>
        %swap3A_370 = vector.shape_cast %max3A_364 : vector<16xf32> to vector<1x1x16xf32>
        tpu.vector_store %arg11[%swap3A_365, %swap3A_366, %swap3A_367], %swap3A_370 {strides = array<i32>} : memref<2x40x128xf32, #tpu.memory_space<vmem>>, vector<1x1x16xf32>,
        %max3A_371 = arith.constant 0.000000e+00 : f32
        %max3A_372 = vector.broadcast %max3A_371 : f32 to vector<16xf32>
        %max3A_373 = arith.maximumf %add3A_362, %max3A_372 : vector<16xf32>
        %swap3A_374 = arith.constant 1 : i32
        %swap3A_375 = arith.index_cast %swap3A_374 : i32 to index
        %swap3A_376 = arith.index_cast %scan3A_180 : i32 to index
        %swap3A_377 = arith.constant 16 : index
        %swap3A_378 = tpu.vector_load %arg11[%swap3A_375, %swap3A_376, %swap3A_377] {strides = array<i32>} : memref<2x40x128xf32, #tpu.memory_space<vmem>>, vector<1x1x16xf32>,
        %swap3A_379 = vector.shape_cast %swap3A_378 : vector<1x1x16xf32> to vector<16xf32>
        %swap3A_380 = vector.shape_cast %max3A_373 : vector<16xf32> to vector<1x1x16xf32>
        tpu.vector_store %arg11[%swap3A_375, %swap3A_376, %swap3A_377], %swap3A_380 {strides = array<i32>} : memref<2x40x128xf32, #tpu.memory_space<vmem>>, vector<1x1x16xf32>,
        %get3A_381 = arith.constant 1 : i32
        %get3A_382 = arith.index_cast %get3A_381 : i32 to index
        %get3A_383 = arith.index_cast %scan3A_180 : i32 to index
        %get3A_384 = arith.constant 16 : index
        %get3A_385 = tpu.vector_load %arg9[%get3A_382, %get3A_383, %get3A_384] {strides = array<i32>} : memref<2x40x64xi32, #tpu.memory_space<vmem>>, vector<1x1x16xi32>,
        %get3A_386 = vector.shape_cast %get3A_385 : vector<1x1x16xi32> to vector<16xi32>
        %shift_left3A_387 = arith.constant 16 : i32
        %shift_left3A_388 = vector.broadcast %shift_left3A_387 : i32 to vector<16xi32>
        %shift_left3A_389 = arith.shli %get3A_386, %shift_left3A_388 : vector<16xi32>
        %bitcast_convert_type3A_390 = tpu.bitcast %shift_left3A_389 : vector<16xi32> -> vector<16xf32>
        %and3A_391 = vector.broadcast %while3A_30 : i32 to vector<16xi32>
        %and3A_392 = arith.andi %get3A_386, %and3A_391 : vector<16xi32>
        %bitcast_convert_type3A_393 = tpu.bitcast %and3A_392 : vector<16xi32> -> vector<16xf32>
        %add3A_394 = arith.constant 0 : i32
        %add3A_395 = arith.addi %mul3A_182, %add3A_394 : i32
        %get3A_396 = arith.constant 1 : i32
        %get3A_397 = arith.index_cast %get3A_396 : i32 to index
        %get3A_398 = arith.index_cast %add3A_395 : i32 to index
        %get3A_399 = arith.constant 16 : index
        %get3A_400 = tpu.vector_load %arg10[%get3A_397, %get3A_398, %get3A_399] {strides = array<i32>} : memref<2x400x64xi32, #tpu.memory_space<vmem>>, vector<1x1x16xi32>,
        %get3A_401 = vector.shape_cast %get3A_400 : vector<1x1x16xi32> to vector<16xi32>
        %shift_left3A_402 = arith.constant 16 : i32
        %shift_left3A_403 = vector.broadcast %shift_left3A_402 : i32 to vector<16xi32>
        %shift_left3A_404 = arith.shli %get3A_401, %shift_left3A_403 : vector<16xi32>
        %bitcast_convert_type3A_405 = tpu.bitcast %shift_left3A_404 : vector<16xi32> -> vector<16xf32>
        %add3A_406 = arith.addf %bitcast_convert_type3A_390, %bitcast_convert_type3A_405 : vector<16xf32>
        %and3A_407 = vector.broadcast %while3A_30 : i32 to vector<16xi32>
        %and3A_408 = arith.andi %get3A_401, %and3A_407 : vector<16xi32>
        %bitcast_convert_type3A_409 = tpu.bitcast %and3A_408 : vector<16xi32> -> vector<16xf32>
        %add3A_410 = arith.addf %bitcast_convert_type3A_393, %bitcast_convert_type3A_409 : vector<16xf32>
        %add3A_411 = arith.constant 1 : i32
        %add3A_412 = arith.addi %mul3A_182, %add3A_411 : i32
        %get3A_413 = arith.constant 1 : i32
        %get3A_414 = arith.index_cast %get3A_413 : i32 to index
        %get3A_415 = arith.index_cast %add3A_412 : i32 to index
        %get3A_416 = arith.constant 16 : index
        %get3A_417 = tpu.vector_load %arg10[%get3A_414, %get3A_415, %get3A_416] {strides = array<i32>} : memref<2x400x64xi32, #tpu.memory_space<vmem>>, vector<1x1x16xi32>,
        %get3A_418 = vector.shape_cast %get3A_417 : vector<1x1x16xi32> to vector<16xi32>
        %shift_left3A_419 = arith.constant 16 : i32
        %shift_left3A_420 = vector.broadcast %shift_left3A_419 : i32 to vector<16xi32>
        %shift_left3A_421 = arith.shli %get3A_418, %shift_left3A_420 : vector<16xi32>
        %bitcast_convert_type3A_422 = tpu.bitcast %shift_left3A_421 : vector<16xi32> -> vector<16xf32>
        %add3A_423 = arith.addf %add3A_406, %bitcast_convert_type3A_422 : vector<16xf32>
        %and3A_424 = vector.broadcast %while3A_30 : i32 to vector<16xi32>
        %and3A_425 = arith.andi %get3A_418, %and3A_424 : vector<16xi32>
        %bitcast_convert_type3A_426 = tpu.bitcast %and3A_425 : vector<16xi32> -> vector<16xf32>
        %add3A_427 = arith.addf %add3A_410, %bitcast_convert_type3A_426 : vector<16xf32>
        %add3A_428 = arith.constant 2 : i32
        %add3A_429 = arith.addi %mul3A_182, %add3A_428 : i32
        %get3A_430 = arith.constant 1 : i32
        %get3A_431 = arith.index_cast %get3A_430 : i32 to index
        %get3A_432 = arith.index_cast %add3A_429 : i32 to index
        %get3A_433 = arith.constant 16 : index
        %get3A_434 = tpu.vector_load %arg10[%get3A_431, %get3A_432, %get3A_433] {strides = array<i32>} : memref<2x400x64xi32, #tpu.memory_space<vmem>>, vector<1x1x16xi32>,
        %get3A_435 = vector.shape_cast %get3A_434 : vector<1x1x16xi32> to vector<16xi32>
        %shift_left3A_436 = arith.constant 16 : i32
        %shift_left3A_437 = vector.broadcast %shift_left3A_436 : i32 to vector<16xi32>
        %shift_left3A_438 = arith.shli %get3A_435, %shift_left3A_437 : vector<16xi32>
        %bitcast_convert_type3A_439 = tpu.bitcast %shift_left3A_438 : vector<16xi32> -> vector<16xf32>
        %add3A_440 = arith.addf %add3A_423, %bitcast_convert_type3A_439 : vector<16xf32>
        %and3A_441 = vector.broadcast %while3A_30 : i32 to vector<16xi32>
        %and3A_442 = arith.andi %get3A_435, %and3A_441 : vector<16xi32>
        %bitcast_convert_type3A_443 = tpu.bitcast %and3A_442 : vector<16xi32> -> vector<16xf32>
        %add3A_444 = arith.addf %add3A_427, %bitcast_convert_type3A_443 : vector<16xf32>
        %add3A_445 = arith.constant 3 : i32
        %add3A_446 = arith.addi %mul3A_182, %add3A_445 : i32
        %get3A_447 = arith.constant 1 : i32
        %get3A_448 = arith.index_cast %get3A_447 : i32 to index
        %get3A_449 = arith.index_cast %add3A_446 : i32 to index
        %get3A_450 = arith.constant 16 : index
        %get3A_451 = tpu.vector_load %arg10[%get3A_448, %get3A_449, %get3A_450] {strides = array<i32>} : memref<2x400x64xi32, #tpu.memory_space<vmem>>, vector<1x1x16xi32>,
        %get3A_452 = vector.shape_cast %get3A_451 : vector<1x1x16xi32> to vector<16xi32>
        %shift_left3A_453 = arith.constant 16 : i32
        %shift_left3A_454 = vector.broadcast %shift_left3A_453 : i32 to vector<16xi32>
        %shift_left3A_455 = arith.shli %get3A_452, %shift_left3A_454 : vector<16xi32>
        %bitcast_convert_type3A_456 = tpu.bitcast %shift_left3A_455 : vector<16xi32> -> vector<16xf32>
        %add3A_457 = arith.addf %add3A_440, %bitcast_convert_type3A_456 : vector<16xf32>
        %and3A_458 = vector.broadcast %while3A_30 : i32 to vector<16xi32>
        %and3A_459 = arith.andi %get3A_452, %and3A_458 : vector<16xi32>
        %bitcast_convert_type3A_460 = tpu.bitcast %and3A_459 : vector<16xi32> -> vector<16xf32>
        %add3A_461 = arith.addf %add3A_444, %bitcast_convert_type3A_460 : vector<16xf32>
        %add3A_462 = arith.constant 4 : i32
        %add3A_463 = arith.addi %mul3A_182, %add3A_462 : i32
        %get3A_464 = arith.constant 1 : i32
        %get3A_465 = arith.index_cast %get3A_464 : i32 to index
        %get3A_466 = arith.index_cast %add3A_463 : i32 to index
        %get3A_467 = arith.constant 16 : index
        %get3A_468 = tpu.vector_load %arg10[%get3A_465, %get3A_466, %get3A_467] {strides = array<i32>} : memref<2x400x64xi32, #tpu.memory_space<vmem>>, vector<1x1x16xi32>,
        %get3A_469 = vector.shape_cast %get3A_468 : vector<1x1x16xi32> to vector<16xi32>
        %shift_left3A_470 = arith.constant 16 : i32
        %shift_left3A_471 = vector.broadcast %shift_left3A_470 : i32 to vector<16xi32>
        %shift_left3A_472 = arith.shli %get3A_469, %shift_left3A_471 : vector<16xi32>
        %bitcast_convert_type3A_473 = tpu.bitcast %shift_left3A_472 : vector<16xi32> -> vector<16xf32>
        %add3A_474 = arith.addf %add3A_457, %bitcast_convert_type3A_473 : vector<16xf32>
        %and3A_475 = vector.broadcast %while3A_30 : i32 to vector<16xi32>
        %and3A_476 = arith.andi %get3A_469, %and3A_475 : vector<16xi32>
        %bitcast_convert_type3A_477 = tpu.bitcast %and3A_476 : vector<16xi32> -> vector<16xf32>
        %add3A_478 = arith.addf %add3A_461, %bitcast_convert_type3A_477 : vector<16xf32>
        %add3A_479 = arith.constant 5 : i32
        %add3A_480 = arith.addi %mul3A_182, %add3A_479 : i32
        %get3A_481 = arith.constant 1 : i32
        %get3A_482 = arith.index_cast %get3A_481 : i32 to index
        %get3A_483 = arith.index_cast %add3A_480 : i32 to index
        %get3A_484 = arith.constant 16 : index
        %get3A_485 = tpu.vector_load %arg10[%get3A_482, %get3A_483, %get3A_484] {strides = array<i32>} : memref<2x400x64xi32, #tpu.memory_space<vmem>>, vector<1x1x16xi32>,
        %get3A_486 = vector.shape_cast %get3A_485 : vector<1x1x16xi32> to vector<16xi32>
        %shift_left3A_487 = arith.constant 16 : i32
        %shift_left3A_488 = vector.broadcast %shift_left3A_487 : i32 to vector<16xi32>
        %shift_left3A_489 = arith.shli %get3A_486, %shift_left3A_488 : vector<16xi32>
        %bitcast_convert_type3A_490 = tpu.bitcast %shift_left3A_489 : vector<16xi32> -> vector<16xf32>
        %add3A_491 = arith.addf %add3A_474, %bitcast_convert_type3A_490 : vector<16xf32>
        %and3A_492 = vector.broadcast %while3A_30 : i32 to vector<16xi32>
        %and3A_493 = arith.andi %get3A_486, %and3A_492 : vector<16xi32>
        %bitcast_convert_type3A_494 = tpu.bitcast %and3A_493 : vector<16xi32> -> vector<16xf32>
        %add3A_495 = arith.addf %add3A_478, %bitcast_convert_type3A_494 : vector<16xf32>
        %add3A_496 = arith.constant 6 : i32
        %add3A_497 = arith.addi %mul3A_182, %add3A_496 : i32
        %get3A_498 = arith.constant 1 : i32
        %get3A_499 = arith.index_cast %get3A_498 : i32 to index
        %get3A_500 = arith.index_cast %add3A_497 : i32 to index
        %get3A_501 = arith.constant 16 : index
        %get3A_502 = tpu.vector_load %arg10[%get3A_499, %get3A_500, %get3A_501] {strides = array<i32>} : memref<2x400x64xi32, #tpu.memory_space<vmem>>, vector<1x1x16xi32>,
        %get3A_503 = vector.shape_cast %get3A_502 : vector<1x1x16xi32> to vector<16xi32>
        %shift_left3A_504 = arith.constant 16 : i32
        %shift_left3A_505 = vector.broadcast %shift_left3A_504 : i32 to vector<16xi32>
        %shift_left3A_506 = arith.shli %get3A_503, %shift_left3A_505 : vector<16xi32>
        %bitcast_convert_type3A_507 = tpu.bitcast %shift_left3A_506 : vector<16xi32> -> vector<16xf32>
        %add3A_508 = arith.addf %add3A_491, %bitcast_convert_type3A_507 : vector<16xf32>
        %and3A_509 = vector.broadcast %while3A_30 : i32 to vector<16xi32>
        %and3A_510 = arith.andi %get3A_503, %and3A_509 : vector<16xi32>
        %bitcast_convert_type3A_511 = tpu.bitcast %and3A_510 : vector<16xi32> -> vector<16xf32>
        %add3A_512 = arith.addf %add3A_495, %bitcast_convert_type3A_511 : vector<16xf32>
        %add3A_513 = arith.constant 7 : i32
        %add3A_514 = arith.addi %mul3A_182, %add3A_513 : i32
        %get3A_515 = arith.constant 1 : i32
        %get3A_516 = arith.index_cast %get3A_515 : i32 to index
        %get3A_517 = arith.index_cast %add3A_514 : i32 to index
        %get3A_518 = arith.constant 16 : index
        %get3A_519 = tpu.vector_load %arg10[%get3A_516, %get3A_517, %get3A_518] {strides = array<i32>} : memref<2x400x64xi32, #tpu.memory_space<vmem>>, vector<1x1x16xi32>,
        %get3A_520 = vector.shape_cast %get3A_519 : vector<1x1x16xi32> to vector<16xi32>
        %shift_left3A_521 = arith.constant 16 : i32
        %shift_left3A_522 = vector.broadcast %shift_left3A_521 : i32 to vector<16xi32>
        %shift_left3A_523 = arith.shli %get3A_520, %shift_left3A_522 : vector<16xi32>
        %bitcast_convert_type3A_524 = tpu.bitcast %shift_left3A_523 : vector<16xi32> -> vector<16xf32>
        %add3A_525 = arith.addf %add3A_508, %bitcast_convert_type3A_524 : vector<16xf32>
        %and3A_526 = vector.broadcast %while3A_30 : i32 to vector<16xi32>
        %and3A_527 = arith.andi %get3A_520, %and3A_526 : vector<16xi32>
        %bitcast_convert_type3A_528 = tpu.bitcast %and3A_527 : vector<16xi32> -> vector<16xf32>
        %add3A_529 = arith.addf %add3A_512, %bitcast_convert_type3A_528 : vector<16xf32>
        %add3A_530 = arith.constant 8 : i32
        %add3A_531 = arith.addi %mul3A_182, %add3A_530 : i32
        %get3A_532 = arith.constant 1 : i32
        %get3A_533 = arith.index_cast %get3A_532 : i32 to index
        %get3A_534 = arith.index_cast %add3A_531 : i32 to index
        %get3A_535 = arith.constant 16 : index
        %get3A_536 = tpu.vector_load %arg10[%get3A_533, %get3A_534, %get3A_535] {strides = array<i32>} : memref<2x400x64xi32, #tpu.memory_space<vmem>>, vector<1x1x16xi32>,
        %get3A_537 = vector.shape_cast %get3A_536 : vector<1x1x16xi32> to vector<16xi32>
        %shift_left3A_538 = arith.constant 16 : i32
        %shift_left3A_539 = vector.broadcast %shift_left3A_538 : i32 to vector<16xi32>
        %shift_left3A_540 = arith.shli %get3A_537, %shift_left3A_539 : vector<16xi32>
        %bitcast_convert_type3A_541 = tpu.bitcast %shift_left3A_540 : vector<16xi32> -> vector<16xf32>
        %add3A_542 = arith.addf %add3A_525, %bitcast_convert_type3A_541 : vector<16xf32>
        %and3A_543 = vector.broadcast %while3A_30 : i32 to vector<16xi32>
        %and3A_544 = arith.andi %get3A_537, %and3A_543 : vector<16xi32>
        %bitcast_convert_type3A_545 = tpu.bitcast %and3A_544 : vector<16xi32> -> vector<16xf32>
        %add3A_546 = arith.addf %add3A_529, %bitcast_convert_type3A_545 : vector<16xf32>
        %add3A_547 = arith.constant 9 : i32
        %add3A_548 = arith.addi %mul3A_182, %add3A_547 : i32
        %get3A_549 = arith.constant 1 : i32
        %get3A_550 = arith.index_cast %get3A_549 : i32 to index
        %get3A_551 = arith.index_cast %add3A_548 : i32 to index
        %get3A_552 = arith.constant 16 : index
        %get3A_553 = tpu.vector_load %arg10[%get3A_550, %get3A_551, %get3A_552] {strides = array<i32>} : memref<2x400x64xi32, #tpu.memory_space<vmem>>, vector<1x1x16xi32>,
        %get3A_554 = vector.shape_cast %get3A_553 : vector<1x1x16xi32> to vector<16xi32>
        %shift_left3A_555 = arith.constant 16 : i32
        %shift_left3A_556 = vector.broadcast %shift_left3A_555 : i32 to vector<16xi32>
        %shift_left3A_557 = arith.shli %get3A_554, %shift_left3A_556 : vector<16xi32>
        %bitcast_convert_type3A_558 = tpu.bitcast %shift_left3A_557 : vector<16xi32> -> vector<16xf32>
        %add3A_559 = arith.addf %add3A_542, %bitcast_convert_type3A_558 : vector<16xf32>
        %and3A_560 = vector.broadcast %while3A_30 : i32 to vector<16xi32>
        %and3A_561 = arith.andi %get3A_554, %and3A_560 : vector<16xi32>
        %bitcast_convert_type3A_562 = tpu.bitcast %and3A_561 : vector<16xi32> -> vector<16xf32>
        %add3A_563 = arith.addf %add3A_546, %bitcast_convert_type3A_562 : vector<16xf32>
        %max3A_564 = arith.constant 0.000000e+00 : f32
        %max3A_565 = vector.broadcast %max3A_564 : f32 to vector<16xf32>
        %max3A_566 = arith.maximumf %add3A_559, %max3A_565 : vector<16xf32>
        %swap3A_567 = arith.constant 1 : i32
        %swap3A_568 = arith.index_cast %swap3A_567 : i32 to index
        %swap3A_569 = arith.index_cast %scan3A_180 : i32 to index
        %swap3A_570 = arith.constant 32 : index
        %swap3A_571 = tpu.vector_load %arg11[%swap3A_568, %swap3A_569, %swap3A_570] {strides = array<i32>} : memref<2x40x128xf32, #tpu.memory_space<vmem>>, vector<1x1x16xf32>,
        %swap3A_572 = vector.shape_cast %swap3A_571 : vector<1x1x16xf32> to vector<16xf32>
        %swap3A_573 = vector.shape_cast %max3A_566 : vector<16xf32> to vector<1x1x16xf32>
        tpu.vector_store %arg11[%swap3A_568, %swap3A_569, %swap3A_570], %swap3A_573 {strides = array<i32>} : memref<2x40x128xf32, #tpu.memory_space<vmem>>, vector<1x1x16xf32>,
        %max3A_574 = arith.constant 0.000000e+00 : f32
        %max3A_575 = vector.broadcast %max3A_574 : f32 to vector<16xf32>
        %max3A_576 = arith.maximumf %add3A_563, %max3A_575 : vector<16xf32>
        %swap3A_577 = arith.constant 1 : i32
        %swap3A_578 = arith.index_cast %swap3A_577 : i32 to index
        %swap3A_579 = arith.index_cast %scan3A_180 : i32 to index
        %swap3A_580 = arith.constant 48 : index
        %swap3A_581 = tpu.vector_load %arg11[%swap3A_578, %swap3A_579, %swap3A_580] {strides = array<i32>} : memref<2x40x128xf32, #tpu.memory_space<vmem>>, vector<1x1x16xf32>,
        %swap3A_582 = vector.shape_cast %swap3A_581 : vector<1x1x16xf32> to vector<16xf32>
        %swap3A_583 = vector.shape_cast %max3A_576 : vector<16xf32> to vector<1x1x16xf32>
        tpu.vector_store %arg11[%swap3A_578, %swap3A_579, %swap3A_580], %swap3A_583 {strides = array<i32>} : memref<2x40x128xf32, #tpu.memory_space<vmem>>, vector<1x1x16xf32>,
        %get3A_584 = arith.constant 1 : i32
        %get3A_585 = arith.index_cast %get3A_584 : i32 to index
        %get3A_586 = arith.index_cast %scan3A_180 : i32 to index
        %get3A_587 = arith.constant 32 : index
        %get3A_588 = tpu.vector_load %arg9[%get3A_585, %get3A_586, %get3A_587] {strides = array<i32>} : memref<2x40x64xi32, #tpu.memory_space<vmem>>, vector<1x1x16xi32>,
        %get3A_589 = vector.shape_cast %get3A_588 : vector<1x1x16xi32> to vector<16xi32>
        %shift_left3A_590 = arith.constant 16 : i32
        %shift_left3A_591 = vector.broadcast %shift_left3A_590 : i32 to vector<16xi32>
        %shift_left3A_592 = arith.shli %get3A_589, %shift_left3A_591 : vector<16xi32>
        %bitcast_convert_type3A_593 = tpu.bitcast %shift_left3A_592 : vector<16xi32> -> vector<16xf32>
        %and3A_594 = vector.broadcast %while3A_30 : i32 to vector<16xi32>
        %and3A_595 = arith.andi %get3A_589, %and3A_594 : vector<16xi32>
        %bitcast_convert_type3A_596 = tpu.bitcast %and3A_595 : vector<16xi32> -> vector<16xf32>
        %add3A_597 = arith.constant 0 : i32
        %add3A_598 = arith.addi %mul3A_182, %add3A_597 : i32
        %get3A_599 = arith.constant 1 : i32
        %get3A_600 = arith.index_cast %get3A_599 : i32 to index
        %get3A_601 = arith.index_cast %add3A_598 : i32 to index
        %get3A_602 = arith.constant 32 : index
        %get3A_603 = tpu.vector_load %arg10[%get3A_600, %get3A_601, %get3A_602] {strides = array<i32>} : memref<2x400x64xi32, #tpu.memory_space<vmem>>, vector<1x1x16xi32>,
        %get3A_604 = vector.shape_cast %get3A_603 : vector<1x1x16xi32> to vector<16xi32>
        %shift_left3A_605 = arith.constant 16 : i32
        %shift_left3A_606 = vector.broadcast %shift_left3A_605 : i32 to vector<16xi32>
        %shift_left3A_607 = arith.shli %get3A_604, %shift_left3A_606 : vector<16xi32>
        %bitcast_convert_type3A_608 = tpu.bitcast %shift_left3A_607 : vector<16xi32> -> vector<16xf32>
        %add3A_609 = arith.addf %bitcast_convert_type3A_593, %bitcast_convert_type3A_608 : vector<16xf32>
        %and3A_610 = vector.broadcast %while3A_30 : i32 to vector<16xi32>
        %and3A_611 = arith.andi %get3A_604, %and3A_610 : vector<16xi32>
        %bitcast_convert_type3A_612 = tpu.bitcast %and3A_611 : vector<16xi32> -> vector<16xf32>
        %add3A_613 = arith.addf %bitcast_convert_type3A_596, %bitcast_convert_type3A_612 : vector<16xf32>
        %add3A_614 = arith.constant 1 : i32
        %add3A_615 = arith.addi %mul3A_182, %add3A_614 : i32
        %get3A_616 = arith.constant 1 : i32
        %get3A_617 = arith.index_cast %get3A_616 : i32 to index
        %get3A_618 = arith.index_cast %add3A_615 : i32 to index
        %get3A_619 = arith.constant 32 : index
        %get3A_620 = tpu.vector_load %arg10[%get3A_617, %get3A_618, %get3A_619] {strides = array<i32>} : memref<2x400x64xi32, #tpu.memory_space<vmem>>, vector<1x1x16xi32>,
        %get3A_621 = vector.shape_cast %get3A_620 : vector<1x1x16xi32> to vector<16xi32>
        %shift_left3A_622 = arith.constant 16 : i32
        %shift_left3A_623 = vector.broadcast %shift_left3A_622 : i32 to vector<16xi32>
        %shift_left3A_624 = arith.shli %get3A_621, %shift_left3A_623 : vector<16xi32>
        %bitcast_convert_type3A_625 = tpu.bitcast %shift_left3A_624 : vector<16xi32> -> vector<16xf32>
        %add3A_626 = arith.addf %add3A_609, %bitcast_convert_type3A_625 : vector<16xf32>
        %and3A_627 = vector.broadcast %while3A_30 : i32 to vector<16xi32>
        %and3A_628 = arith.andi %get3A_621, %and3A_627 : vector<16xi32>
        %bitcast_convert_type3A_629 = tpu.bitcast %and3A_628 : vector<16xi32> -> vector<16xf32>
        %add3A_630 = arith.addf %add3A_613, %bitcast_convert_type3A_629 : vector<16xf32>
        %add3A_631 = arith.constant 2 : i32
        %add3A_632 = arith.addi %mul3A_182, %add3A_631 : i32
        %get3A_633 = arith.constant 1 : i32
        %get3A_634 = arith.index_cast %get3A_633 : i32 to index
        %get3A_635 = arith.index_cast %add3A_632 : i32 to index
        %get3A_636 = arith.constant 32 : index
        %get3A_637 = tpu.vector_load %arg10[%get3A_634, %get3A_635, %get3A_636] {strides = array<i32>} : memref<2x400x64xi32, #tpu.memory_space<vmem>>, vector<1x1x16xi32>,
        %get3A_638 = vector.shape_cast %get3A_637 : vector<1x1x16xi32> to vector<16xi32>
        %shift_left3A_639 = arith.constant 16 : i32
        %shift_left3A_640 = vector.broadcast %shift_left3A_639 : i32 to vector<16xi32>
        %shift_left3A_641 = arith.shli %get3A_638, %shift_left3A_640 : vector<16xi32>
        %bitcast_convert_type3A_642 = tpu.bitcast %shift_left3A_641 : vector<16xi32> -> vector<16xf32>
        %add3A_643 = arith.addf %add3A_626, %bitcast_convert_type3A_642 : vector<16xf32>
        %and3A_644 = vector.broadcast %while3A_30 : i32 to vector<16xi32>
        %and3A_645 = arith.andi %get3A_638, %and3A_644 : vector<16xi32>
        %bitcast_convert_type3A_646 = tpu.bitcast %and3A_645 : vector<16xi32> -> vector<16xf32>
        %add3A_647 = arith.addf %add3A_630, %bitcast_convert_type3A_646 : vector<16xf32>
        %add3A_648 = arith.constant 3 : i32
        %add3A_649 = arith.addi %mul3A_182, %add3A_648 : i32
        %get3A_650 = arith.constant 1 : i32
        %get3A_651 = arith.index_cast %get3A_650 : i32 to index
        %get3A_652 = arith.index_cast %add3A_649 : i32 to index
        %get3A_653 = arith.constant 32 : index
        %get3A_654 = tpu.vector_load %arg10[%get3A_651, %get3A_652, %get3A_653] {strides = array<i32>} : memref<2x400x64xi32, #tpu.memory_space<vmem>>, vector<1x1x16xi32>,
        %get3A_655 = vector.shape_cast %get3A_654 : vector<1x1x16xi32> to vector<16xi32>
        %shift_left3A_656 = arith.constant 16 : i32
        %shift_left3A_657 = vector.broadcast %shift_left3A_656 : i32 to vector<16xi32>
        %shift_left3A_658 = arith.shli %get3A_655, %shift_left3A_657 : vector<16xi32>
        %bitcast_convert_type3A_659 = tpu.bitcast %shift_left3A_658 : vector<16xi32> -> vector<16xf32>
        %add3A_660 = arith.addf %add3A_643, %bitcast_convert_type3A_659 : vector<16xf32>
        %and3A_661 = vector.broadcast %while3A_30 : i32 to vector<16xi32>
        %and3A_662 = arith.andi %get3A_655, %and3A_661 : vector<16xi32>
        %bitcast_convert_type3A_663 = tpu.bitcast %and3A_662 : vector<16xi32> -> vector<16xf32>
        %add3A_664 = arith.addf %add3A_647, %bitcast_convert_type3A_663 : vector<16xf32>
        %add3A_665 = arith.constant 4 : i32
        %add3A_666 = arith.addi %mul3A_182, %add3A_665 : i32
        %get3A_667 = arith.constant 1 : i32
        %get3A_668 = arith.index_cast %get3A_667 : i32 to index
        %get3A_669 = arith.index_cast %add3A_666 : i32 to index
        %get3A_670 = arith.constant 32 : index
        %get3A_671 = tpu.vector_load %arg10[%get3A_668, %get3A_669, %get3A_670] {strides = array<i32>} : memref<2x400x64xi32, #tpu.memory_space<vmem>>, vector<1x1x16xi32>,
        %get3A_672 = vector.shape_cast %get3A_671 : vector<1x1x16xi32> to vector<16xi32>
        %shift_left3A_673 = arith.constant 16 : i32
        %shift_left3A_674 = vector.broadcast %shift_left3A_673 : i32 to vector<16xi32>
        %shift_left3A_675 = arith.shli %get3A_672, %shift_left3A_674 : vector<16xi32>
        %bitcast_convert_type3A_676 = tpu.bitcast %shift_left3A_675 : vector<16xi32> -> vector<16xf32>
        %add3A_677 = arith.addf %add3A_660, %bitcast_convert_type3A_676 : vector<16xf32>
        %and3A_678 = vector.broadcast %while3A_30 : i32 to vector<16xi32>
        %and3A_679 = arith.andi %get3A_672, %and3A_678 : vector<16xi32>
        %bitcast_convert_type3A_680 = tpu.bitcast %and3A_679 : vector<16xi32> -> vector<16xf32>
        %add3A_681 = arith.addf %add3A_664, %bitcast_convert_type3A_680 : vector<16xf32>
        %add3A_682 = arith.constant 5 : i32
        %add3A_683 = arith.addi %mul3A_182, %add3A_682 : i32
        %get3A_684 = arith.constant 1 : i32
        %get3A_685 = arith.index_cast %get3A_684 : i32 to index
        %get3A_686 = arith.index_cast %add3A_683 : i32 to index
        %get3A_687 = arith.constant 32 : index
        %get3A_688 = tpu.vector_load %arg10[%get3A_685, %get3A_686, %get3A_687] {strides = array<i32>} : memref<2x400x64xi32, #tpu.memory_space<vmem>>, vector<1x1x16xi32>,
        %get3A_689 = vector.shape_cast %get3A_688 : vector<1x1x16xi32> to vector<16xi32>
        %shift_left3A_690 = arith.constant 16 : i32
        %shift_left3A_691 = vector.broadcast %shift_left3A_690 : i32 to vector<16xi32>
        %shift_left3A_692 = arith.shli %get3A_689, %shift_left3A_691 : vector<16xi32>
        %bitcast_convert_type3A_693 = tpu.bitcast %shift_left3A_692 : vector<16xi32> -> vector<16xf32>
        %add3A_694 = arith.addf %add3A_677, %bitcast_convert_type3A_693 : vector<16xf32>
        %and3A_695 = vector.broadcast %while3A_30 : i32 to vector<16xi32>
        %and3A_696 = arith.andi %get3A_689, %and3A_695 : vector<16xi32>
        %bitcast_convert_type3A_697 = tpu.bitcast %and3A_696 : vector<16xi32> -> vector<16xf32>
        %add3A_698 = arith.addf %add3A_681, %bitcast_convert_type3A_697 : vector<16xf32>
        %add3A_699 = arith.constant 6 : i32
        %add3A_700 = arith.addi %mul3A_182, %add3A_699 : i32
        %get3A_701 = arith.constant 1 : i32
        %get3A_702 = arith.index_cast %get3A_701 : i32 to index
        %get3A_703 = arith.index_cast %add3A_700 : i32 to index
        %get3A_704 = arith.constant 32 : index
        %get3A_705 = tpu.vector_load %arg10[%get3A_702, %get3A_703, %get3A_704] {strides = array<i32>} : memref<2x400x64xi32, #tpu.memory_space<vmem>>, vector<1x1x16xi32>,
        %get3A_706 = vector.shape_cast %get3A_705 : vector<1x1x16xi32> to vector<16xi32>
        %shift_left3A_707 = arith.constant 16 : i32
        %shift_left3A_708 = vector.broadcast %shift_left3A_707 : i32 to vector<16xi32>
        %shift_left3A_709 = arith.shli %get3A_706, %shift_left3A_708 : vector<16xi32>
        %bitcast_convert_type3A_710 = tpu.bitcast %shift_left3A_709 : vector<16xi32> -> vector<16xf32>
        %add3A_711 = arith.addf %add3A_694, %bitcast_convert_type3A_710 : vector<16xf32>
        %and3A_712 = vector.broadcast %while3A_30 : i32 to vector<16xi32>
        %and3A_713 = arith.andi %get3A_706, %and3A_712 : vector<16xi32>
        %bitcast_convert_type3A_714 = tpu.bitcast %and3A_713 : vector<16xi32> -> vector<16xf32>
        %add3A_715 = arith.addf %add3A_698, %bitcast_convert_type3A_714 : vector<16xf32>
        %add3A_716 = arith.constant 7 : i32
        %add3A_717 = arith.addi %mul3A_182, %add3A_716 : i32
        %get3A_718 = arith.constant 1 : i32
        %get3A_719 = arith.index_cast %get3A_718 : i32 to index
        %get3A_720 = arith.index_cast %add3A_717 : i32 to index
        %get3A_721 = arith.constant 32 : index
        %get3A_722 = tpu.vector_load %arg10[%get3A_719, %get3A_720, %get3A_721] {strides = array<i32>} : memref<2x400x64xi32, #tpu.memory_space<vmem>>, vector<1x1x16xi32>,
        %get3A_723 = vector.shape_cast %get3A_722 : vector<1x1x16xi32> to vector<16xi32>
        %shift_left3A_724 = arith.constant 16 : i32
        %shift_left3A_725 = vector.broadcast %shift_left3A_724 : i32 to vector<16xi32>
        %shift_left3A_726 = arith.shli %get3A_723, %shift_left3A_725 : vector<16xi32>
        %bitcast_convert_type3A_727 = tpu.bitcast %shift_left3A_726 : vector<16xi32> -> vector<16xf32>
        %add3A_728 = arith.addf %add3A_711, %bitcast_convert_type3A_727 : vector<16xf32>
        %and3A_729 = vector.broadcast %while3A_30 : i32 to vector<16xi32>
        %and3A_730 = arith.andi %get3A_723, %and3A_729 : vector<16xi32>
        %bitcast_convert_type3A_731 = tpu.bitcast %and3A_730 : vector<16xi32> -> vector<16xf32>
        %add3A_732 = arith.addf %add3A_715, %bitcast_convert_type3A_731 : vector<16xf32>
        %add3A_733 = arith.constant 8 : i32
        %add3A_734 = arith.addi %mul3A_182, %add3A_733 : i32
        %get3A_735 = arith.constant 1 : i32
        %get3A_736 = arith.index_cast %get3A_735 : i32 to index
        %get3A_737 = arith.index_cast %add3A_734 : i32 to index
        %get3A_738 = arith.constant 32 : index
        %get3A_739 = tpu.vector_load %arg10[%get3A_736, %get3A_737, %get3A_738] {strides = array<i32>} : memref<2x400x64xi32, #tpu.memory_space<vmem>>, vector<1x1x16xi32>,
        %get3A_740 = vector.shape_cast %get3A_739 : vector<1x1x16xi32> to vector<16xi32>
        %shift_left3A_741 = arith.constant 16 : i32
        %shift_left3A_742 = vector.broadcast %shift_left3A_741 : i32 to vector<16xi32>
        %shift_left3A_743 = arith.shli %get3A_740, %shift_left3A_742 : vector<16xi32>
        %bitcast_convert_type3A_744 = tpu.bitcast %shift_left3A_743 : vector<16xi32> -> vector<16xf32>
        %add3A_745 = arith.addf %add3A_728, %bitcast_convert_type3A_744 : vector<16xf32>
        %and3A_746 = vector.broadcast %while3A_30 : i32 to vector<16xi32>
        %and3A_747 = arith.andi %get3A_740, %and3A_746 : vector<16xi32>
        %bitcast_convert_type3A_748 = tpu.bitcast %and3A_747 : vector<16xi32> -> vector<16xf32>
        %add3A_749 = arith.addf %add3A_732, %bitcast_convert_type3A_748 : vector<16xf32>
        %add3A_750 = arith.constant 9 : i32
        %add3A_751 = arith.addi %mul3A_182, %add3A_750 : i32
        %get3A_752 = arith.constant 1 : i32
        %get3A_753 = arith.index_cast %get3A_752 : i32 to index
        %get3A_754 = arith.index_cast %add3A_751 : i32 to index
        %get3A_755 = arith.constant 32 : index
        %get3A_756 = tpu.vector_load %arg10[%get3A_753, %get3A_754, %get3A_755] {strides = array<i32>} : memref<2x400x64xi32, #tpu.memory_space<vmem>>, vector<1x1x16xi32>,
        %get3A_757 = vector.shape_cast %get3A_756 : vector<1x1x16xi32> to vector<16xi32>
        %shift_left3A_758 = arith.constant 16 : i32
        %shift_left3A_759 = vector.broadcast %shift_left3A_758 : i32 to vector<16xi32>
        %shift_left3A_760 = arith.shli %get3A_757, %shift_left3A_759 : vector<16xi32>
        %bitcast_convert_type3A_761 = tpu.bitcast %shift_left3A_760 : vector<16xi32> -> vector<16xf32>
        %add3A_762 = arith.addf %add3A_745, %bitcast_convert_type3A_761 : vector<16xf32>
        %and3A_763 = vector.broadcast %while3A_30 : i32 to vector<16xi32>
        %and3A_764 = arith.andi %get3A_757, %and3A_763 : vector<16xi32>
        %bitcast_convert_type3A_765 = tpu.bitcast %and3A_764 : vector<16xi32> -> vector<16xf32>
        %add3A_766 = arith.addf %add3A_749, %bitcast_convert_type3A_765 : vector<16xf32>
        %max3A_767 = arith.constant 0.000000e+00 : f32
        %max3A_768 = vector.broadcast %max3A_767 : f32 to vector<16xf32>
        %max3A_769 = arith.maximumf %add3A_762, %max3A_768 : vector<16xf32>
        %swap3A_770 = arith.constant 1 : i32
        %swap3A_771 = arith.index_cast %swap3A_770 : i32 to index
        %swap3A_772 = arith.index_cast %scan3A_180 : i32 to index
        %swap3A_773 = arith.constant 64 : index
        %swap3A_774 = tpu.vector_load %arg11[%swap3A_771, %swap3A_772, %swap3A_773] {strides = array<i32>} : memref<2x40x128xf32, #tpu.memory_space<vmem>>, vector<1x1x16xf32>,
        %swap3A_775 = vector.shape_cast %swap3A_774 : vector<1x1x16xf32> to vector<16xf32>
        %swap3A_776 = vector.shape_cast %max3A_769 : vector<16xf32> to vector<1x1x16xf32>
        tpu.vector_store %arg11[%swap3A_771, %swap3A_772, %swap3A_773], %swap3A_776 {strides = array<i32>} : memref<2x40x128xf32, #tpu.memory_space<vmem>>, vector<1x1x16xf32>,
        %max3A_777 = arith.constant 0.000000e+00 : f32
        %max3A_778 = vector.broadcast %max3A_777 : f32 to vector<16xf32>
        %max3A_779 = arith.maximumf %add3A_766, %max3A_778 : vector<16xf32>
        %swap3A_780 = arith.constant 1 : i32
        %swap3A_781 = arith.index_cast %swap3A_780 : i32 to index
        %swap3A_782 = arith.index_cast %scan3A_180 : i32 to index
        %swap3A_783 = arith.constant 80 : index
        %swap3A_784 = tpu.vector_load %arg11[%swap3A_781, %swap3A_782, %swap3A_783] {strides = array<i32>} : memref<2x40x128xf32, #tpu.memory_space<vmem>>, vector<1x1x16xf32>,
        %swap3A_785 = vector.shape_cast %swap3A_784 : vector<1x1x16xf32> to vector<16xf32>
        %swap3A_786 = vector.shape_cast %max3A_779 : vector<16xf32> to vector<1x1x16xf32>
        tpu.vector_store %arg11[%swap3A_781, %swap3A_782, %swap3A_783], %swap3A_786 {strides = array<i32>} : memref<2x40x128xf32, #tpu.memory_space<vmem>>, vector<1x1x16xf32>,
        %get3A_787 = arith.constant 1 : i32
        %get3A_788 = arith.index_cast %get3A_787 : i32 to index
        %get3A_789 = arith.index_cast %scan3A_180 : i32 to index
        %get3A_790 = arith.constant 48 : index
        %get3A_791 = tpu.vector_load %arg9[%get3A_788, %get3A_789, %get3A_790] {strides = array<i32>} : memref<2x40x64xi32, #tpu.memory_space<vmem>>, vector<1x1x16xi32>,
        %get3A_792 = vector.shape_cast %get3A_791 : vector<1x1x16xi32> to vector<16xi32>
        %shift_left3A_793 = arith.constant 16 : i32
        %shift_left3A_794 = vector.broadcast %shift_left3A_793 : i32 to vector<16xi32>
        %shift_left3A_795 = arith.shli %get3A_792, %shift_left3A_794 : vector<16xi32>
        %bitcast_convert_type3A_796 = tpu.bitcast %shift_left3A_795 : vector<16xi32> -> vector<16xf32>
        %and3A_797 = vector.broadcast %while3A_30 : i32 to vector<16xi32>
        %and3A_798 = arith.andi %get3A_792, %and3A_797 : vector<16xi32>
        %bitcast_convert_type3A_799 = tpu.bitcast %and3A_798 : vector<16xi32> -> vector<16xf32>
        %add3A_800 = arith.constant 0 : i32
        %add3A_801 = arith.addi %mul3A_182, %add3A_800 : i32
        %get3A_802 = arith.constant 1 : i32
        %get3A_803 = arith.index_cast %get3A_802 : i32 to index
        %get3A_804 = arith.index_cast %add3A_801 : i32 to index
        %get3A_805 = arith.constant 48 : index
        %get3A_806 = tpu.vector_load %arg10[%get3A_803, %get3A_804, %get3A_805] {strides = array<i32>} : memref<2x400x64xi32, #tpu.memory_space<vmem>>, vector<1x1x16xi32>,
        %get3A_807 = vector.shape_cast %get3A_806 : vector<1x1x16xi32> to vector<16xi32>
        %shift_left3A_808 = arith.constant 16 : i32
        %shift_left3A_809 = vector.broadcast %shift_left3A_808 : i32 to vector<16xi32>
        %shift_left3A_810 = arith.shli %get3A_807, %shift_left3A_809 : vector<16xi32>
        %bitcast_convert_type3A_811 = tpu.bitcast %shift_left3A_810 : vector<16xi32> -> vector<16xf32>
        %add3A_812 = arith.addf %bitcast_convert_type3A_796, %bitcast_convert_type3A_811 : vector<16xf32>
        %and3A_813 = vector.broadcast %while3A_30 : i32 to vector<16xi32>
        %and3A_814 = arith.andi %get3A_807, %and3A_813 : vector<16xi32>
        %bitcast_convert_type3A_815 = tpu.bitcast %and3A_814 : vector<16xi32> -> vector<16xf32>
        %add3A_816 = arith.addf %bitcast_convert_type3A_799, %bitcast_convert_type3A_815 : vector<16xf32>
        %add3A_817 = arith.constant 1 : i32
        %add3A_818 = arith.addi %mul3A_182, %add3A_817 : i32
        %get3A_819 = arith.constant 1 : i32
        %get3A_820 = arith.index_cast %get3A_819 : i32 to index
        %get3A_821 = arith.index_cast %add3A_818 : i32 to index
        %get3A_822 = arith.constant 48 : index
        %get3A_823 = tpu.vector_load %arg10[%get3A_820, %get3A_821, %get3A_822] {strides = array<i32>} : memref<2x400x64xi32, #tpu.memory_space<vmem>>, vector<1x1x16xi32>,
        %get3A_824 = vector.shape_cast %get3A_823 : vector<1x1x16xi32> to vector<16xi32>
        %shift_left3A_825 = arith.constant 16 : i32
        %shift_left3A_826 = vector.broadcast %shift_left3A_825 : i32 to vector<16xi32>
        %shift_left3A_827 = arith.shli %get3A_824, %shift_left3A_826 : vector<16xi32>
        %bitcast_convert_type3A_828 = tpu.bitcast %shift_left3A_827 : vector<16xi32> -> vector<16xf32>
        %add3A_829 = arith.addf %add3A_812, %bitcast_convert_type3A_828 : vector<16xf32>
        %and3A_830 = vector.broadcast %while3A_30 : i32 to vector<16xi32>
        %and3A_831 = arith.andi %get3A_824, %and3A_830 : vector<16xi32>
        %bitcast_convert_type3A_832 = tpu.bitcast %and3A_831 : vector<16xi32> -> vector<16xf32>
        %add3A_833 = arith.addf %add3A_816, %bitcast_convert_type3A_832 : vector<16xf32>
        %add3A_834 = arith.constant 2 : i32
        %add3A_835 = arith.addi %mul3A_182, %add3A_834 : i32
        %get3A_836 = arith.constant 1 : i32
        %get3A_837 = arith.index_cast %get3A_836 : i32 to index
        %get3A_838 = arith.index_cast %add3A_835 : i32 to index
        %get3A_839 = arith.constant 48 : index
        %get3A_840 = tpu.vector_load %arg10[%get3A_837, %get3A_838, %get3A_839] {strides = array<i32>} : memref<2x400x64xi32, #tpu.memory_space<vmem>>, vector<1x1x16xi32>,
        %get3A_841 = vector.shape_cast %get3A_840 : vector<1x1x16xi32> to vector<16xi32>
        %shift_left3A_842 = arith.constant 16 : i32
        %shift_left3A_843 = vector.broadcast %shift_left3A_842 : i32 to vector<16xi32>
        %shift_left3A_844 = arith.shli %get3A_841, %shift_left3A_843 : vector<16xi32>
        %bitcast_convert_type3A_845 = tpu.bitcast %shift_left3A_844 : vector<16xi32> -> vector<16xf32>
        %add3A_846 = arith.addf %add3A_829, %bitcast_convert_type3A_845 : vector<16xf32>
        %and3A_847 = vector.broadcast %while3A_30 : i32 to vector<16xi32>
        %and3A_848 = arith.andi %get3A_841, %and3A_847 : vector<16xi32>
        %bitcast_convert_type3A_849 = tpu.bitcast %and3A_848 : vector<16xi32> -> vector<16xf32>
        %add3A_850 = arith.addf %add3A_833, %bitcast_convert_type3A_849 : vector<16xf32>
        %add3A_851 = arith.constant 3 : i32
        %add3A_852 = arith.addi %mul3A_182, %add3A_851 : i32
        %get3A_853 = arith.constant 1 : i32
        %get3A_854 = arith.index_cast %get3A_853 : i32 to index
        %get3A_855 = arith.index_cast %add3A_852 : i32 to index
        %get3A_856 = arith.constant 48 : index
        %get3A_857 = tpu.vector_load %arg10[%get3A_854, %get3A_855, %get3A_856] {strides = array<i32>} : memref<2x400x64xi32, #tpu.memory_space<vmem>>, vector<1x1x16xi32>,
        %get3A_858 = vector.shape_cast %get3A_857 : vector<1x1x16xi32> to vector<16xi32>
        %shift_left3A_859 = arith.constant 16 : i32
        %shift_left3A_860 = vector.broadcast %shift_left3A_859 : i32 to vector<16xi32>
        %shift_left3A_861 = arith.shli %get3A_858, %shift_left3A_860 : vector<16xi32>
        %bitcast_convert_type3A_862 = tpu.bitcast %shift_left3A_861 : vector<16xi32> -> vector<16xf32>
        %add3A_863 = arith.addf %add3A_846, %bitcast_convert_type3A_862 : vector<16xf32>
        %and3A_864 = vector.broadcast %while3A_30 : i32 to vector<16xi32>
        %and3A_865 = arith.andi %get3A_858, %and3A_864 : vector<16xi32>
        %bitcast_convert_type3A_866 = tpu.bitcast %and3A_865 : vector<16xi32> -> vector<16xf32>
        %add3A_867 = arith.addf %add3A_850, %bitcast_convert_type3A_866 : vector<16xf32>
        %add3A_868 = arith.constant 4 : i32
        %add3A_869 = arith.addi %mul3A_182, %add3A_868 : i32
        %get3A_870 = arith.constant 1 : i32
        %get3A_871 = arith.index_cast %get3A_870 : i32 to index
        %get3A_872 = arith.index_cast %add3A_869 : i32 to index
        %get3A_873 = arith.constant 48 : index
        %get3A_874 = tpu.vector_load %arg10[%get3A_871, %get3A_872, %get3A_873] {strides = array<i32>} : memref<2x400x64xi32, #tpu.memory_space<vmem>>, vector<1x1x16xi32>,
        %get3A_875 = vector.shape_cast %get3A_874 : vector<1x1x16xi32> to vector<16xi32>
        %shift_left3A_876 = arith.constant 16 : i32
        %shift_left3A_877 = vector.broadcast %shift_left3A_876 : i32 to vector<16xi32>
        %shift_left3A_878 = arith.shli %get3A_875, %shift_left3A_877 : vector<16xi32>
        %bitcast_convert_type3A_879 = tpu.bitcast %shift_left3A_878 : vector<16xi32> -> vector<16xf32>
        %add3A_880 = arith.addf %add3A_863, %bitcast_convert_type3A_879 : vector<16xf32>
        %and3A_881 = vector.broadcast %while3A_30 : i32 to vector<16xi32>
        %and3A_882 = arith.andi %get3A_875, %and3A_881 : vector<16xi32>
        %bitcast_convert_type3A_883 = tpu.bitcast %and3A_882 : vector<16xi32> -> vector<16xf32>
        %add3A_884 = arith.addf %add3A_867, %bitcast_convert_type3A_883 : vector<16xf32>
        %add3A_885 = arith.constant 5 : i32
        %add3A_886 = arith.addi %mul3A_182, %add3A_885 : i32
        %get3A_887 = arith.constant 1 : i32
        %get3A_888 = arith.index_cast %get3A_887 : i32 to index
        %get3A_889 = arith.index_cast %add3A_886 : i32 to index
        %get3A_890 = arith.constant 48 : index
        %get3A_891 = tpu.vector_load %arg10[%get3A_888, %get3A_889, %get3A_890] {strides = array<i32>} : memref<2x400x64xi32, #tpu.memory_space<vmem>>, vector<1x1x16xi32>,
        %get3A_892 = vector.shape_cast %get3A_891 : vector<1x1x16xi32> to vector<16xi32>
        %shift_left3A_893 = arith.constant 16 : i32
        %shift_left3A_894 = vector.broadcast %shift_left3A_893 : i32 to vector<16xi32>
        %shift_left3A_895 = arith.shli %get3A_892, %shift_left3A_894 : vector<16xi32>
        %bitcast_convert_type3A_896 = tpu.bitcast %shift_left3A_895 : vector<16xi32> -> vector<16xf32>
        %add3A_897 = arith.addf %add3A_880, %bitcast_convert_type3A_896 : vector<16xf32>
        %and3A_898 = vector.broadcast %while3A_30 : i32 to vector<16xi32>
        %and3A_899 = arith.andi %get3A_892, %and3A_898 : vector<16xi32>
        %bitcast_convert_type3A_900 = tpu.bitcast %and3A_899 : vector<16xi32> -> vector<16xf32>
        %add3A_901 = arith.addf %add3A_884, %bitcast_convert_type3A_900 : vector<16xf32>
        %add3A_902 = arith.constant 6 : i32
        %add3A_903 = arith.addi %mul3A_182, %add3A_902 : i32
        %get3A_904 = arith.constant 1 : i32
        %get3A_905 = arith.index_cast %get3A_904 : i32 to index
        %get3A_906 = arith.index_cast %add3A_903 : i32 to index
        %get3A_907 = arith.constant 48 : index
        %get3A_908 = tpu.vector_load %arg10[%get3A_905, %get3A_906, %get3A_907] {strides = array<i32>} : memref<2x400x64xi32, #tpu.memory_space<vmem>>, vector<1x1x16xi32>,
        %get3A_909 = vector.shape_cast %get3A_908 : vector<1x1x16xi32> to vector<16xi32>
        %shift_left3A_910 = arith.constant 16 : i32
        %shift_left3A_911 = vector.broadcast %shift_left3A_910 : i32 to vector<16xi32>
        %shift_left3A_912 = arith.shli %get3A_909, %shift_left3A_911 : vector<16xi32>
        %bitcast_convert_type3A_913 = tpu.bitcast %shift_left3A_912 : vector<16xi32> -> vector<16xf32>
        %add3A_914 = arith.addf %add3A_897, %bitcast_convert_type3A_913 : vector<16xf32>
        %and3A_915 = vector.broadcast %while3A_30 : i32 to vector<16xi32>
        %and3A_916 = arith.andi %get3A_909, %and3A_915 : vector<16xi32>
        %bitcast_convert_type3A_917 = tpu.bitcast %and3A_916 : vector<16xi32> -> vector<16xf32>
        %add3A_918 = arith.addf %add3A_901, %bitcast_convert_type3A_917 : vector<16xf32>
        %add3A_919 = arith.constant 7 : i32
        %add3A_920 = arith.addi %mul3A_182, %add3A_919 : i32
        %get3A_921 = arith.constant 1 : i32
        %get3A_922 = arith.index_cast %get3A_921 : i32 to index
        %get3A_923 = arith.index_cast %add3A_920 : i32 to index
        %get3A_924 = arith.constant 48 : index
        %get3A_925 = tpu.vector_load %arg10[%get3A_922, %get3A_923, %get3A_924] {strides = array<i32>} : memref<2x400x64xi32, #tpu.memory_space<vmem>>, vector<1x1x16xi32>,
        %get3A_926 = vector.shape_cast %get3A_925 : vector<1x1x16xi32> to vector<16xi32>
        %shift_left3A_927 = arith.constant 16 : i32
        %shift_left3A_928 = vector.broadcast %shift_left3A_927 : i32 to vector<16xi32>
        %shift_left3A_929 = arith.shli %get3A_926, %shift_left3A_928 : vector<16xi32>
        %bitcast_convert_type3A_930 = tpu.bitcast %shift_left3A_929 : vector<16xi32> -> vector<16xf32>
        %add3A_931 = arith.addf %add3A_914, %bitcast_convert_type3A_930 : vector<16xf32>
        %and3A_932 = vector.broadcast %while3A_30 : i32 to vector<16xi32>
        %and3A_933 = arith.andi %get3A_926, %and3A_932 : vector<16xi32>
        %bitcast_convert_type3A_934 = tpu.bitcast %and3A_933 : vector<16xi32> -> vector<16xf32>
        %add3A_935 = arith.addf %add3A_918, %bitcast_convert_type3A_934 : vector<16xf32>
        %add3A_936 = arith.constant 8 : i32
        %add3A_937 = arith.addi %mul3A_182, %add3A_936 : i32
        %get3A_938 = arith.constant 1 : i32
        %get3A_939 = arith.index_cast %get3A_938 : i32 to index
        %get3A_940 = arith.index_cast %add3A_937 : i32 to index
        %get3A_941 = arith.constant 48 : index
        %get3A_942 = tpu.vector_load %arg10[%get3A_939, %get3A_940, %get3A_941] {strides = array<i32>} : memref<2x400x64xi32, #tpu.memory_space<vmem>>, vector<1x1x16xi32>,
        %get3A_943 = vector.shape_cast %get3A_942 : vector<1x1x16xi32> to vector<16xi32>
        %shift_left3A_944 = arith.constant 16 : i32
        %shift_left3A_945 = vector.broadcast %shift_left3A_944 : i32 to vector<16xi32>
        %shift_left3A_946 = arith.shli %get3A_943, %shift_left3A_945 : vector<16xi32>
        %bitcast_convert_type3A_947 = tpu.bitcast %shift_left3A_946 : vector<16xi32> -> vector<16xf32>
        %add3A_948 = arith.addf %add3A_931, %bitcast_convert_type3A_947 : vector<16xf32>
        %and3A_949 = vector.broadcast %while3A_30 : i32 to vector<16xi32>
        %and3A_950 = arith.andi %get3A_943, %and3A_949 : vector<16xi32>
        %bitcast_convert_type3A_951 = tpu.bitcast %and3A_950 : vector<16xi32> -> vector<16xf32>
        %add3A_952 = arith.addf %add3A_935, %bitcast_convert_type3A_951 : vector<16xf32>
        %add3A_953 = arith.constant 9 : i32
        %add3A_954 = arith.addi %mul3A_182, %add3A_953 : i32
        %get3A_955 = arith.constant 1 : i32
        %get3A_956 = arith.index_cast %get3A_955 : i32 to index
        %get3A_957 = arith.index_cast %add3A_954 : i32 to index
        %get3A_958 = arith.constant 48 : index
        %get3A_959 = tpu.vector_load %arg10[%get3A_956, %get3A_957, %get3A_958] {strides = array<i32>} : memref<2x400x64xi32, #tpu.memory_space<vmem>>, vector<1x1x16xi32>,
        %get3A_960 = vector.shape_cast %get3A_959 : vector<1x1x16xi32> to vector<16xi32>
        %shift_left3A_961 = arith.constant 16 : i32
        %shift_left3A_962 = vector.broadcast %shift_left3A_961 : i32 to vector<16xi32>
        %shift_left3A_963 = arith.shli %get3A_960, %shift_left3A_962 : vector<16xi32>
        %bitcast_convert_type3A_964 = tpu.bitcast %shift_left3A_963 : vector<16xi32> -> vector<16xf32>
        %add3A_965 = arith.addf %add3A_948, %bitcast_convert_type3A_964 : vector<16xf32>
        %and3A_966 = vector.broadcast %while3A_30 : i32 to vector<16xi32>
        %and3A_967 = arith.andi %get3A_960, %and3A_966 : vector<16xi32>
        %bitcast_convert_type3A_968 = tpu.bitcast %and3A_967 : vector<16xi32> -> vector<16xf32>
        %add3A_969 = arith.addf %add3A_952, %bitcast_convert_type3A_968 : vector<16xf32>
        %max3A_970 = arith.constant 0.000000e+00 : f32
        %max3A_971 = vector.broadcast %max3A_970 : f32 to vector<16xf32>
        %max3A_972 = arith.maximumf %add3A_965, %max3A_971 : vector<16xf32>
        %swap3A_973 = arith.constant 1 : i32
        %swap3A_974 = arith.index_cast %swap3A_973 : i32 to index
        %swap3A_975 = arith.index_cast %scan3A_180 : i32 to index
        %swap3A_976 = arith.constant 96 : index
        %swap3A_977 = tpu.vector_load %arg11[%swap3A_974, %swap3A_975, %swap3A_976] {strides = array<i32>} : memref<2x40x128xf32, #tpu.memory_space<vmem>>, vector<1x1x16xf32>,
        %swap3A_978 = vector.shape_cast %swap3A_977 : vector<1x1x16xf32> to vector<16xf32>
        %swap3A_979 = vector.shape_cast %max3A_972 : vector<16xf32> to vector<1x1x16xf32>
        tpu.vector_store %arg11[%swap3A_974, %swap3A_975, %swap3A_976], %swap3A_979 {strides = array<i32>} : memref<2x40x128xf32, #tpu.memory_space<vmem>>, vector<1x1x16xf32>,
        %max3A_980 = arith.constant 0.000000e+00 : f32
        %max3A_981 = vector.broadcast %max3A_980 : f32 to vector<16xf32>
        %max3A_982 = arith.maximumf %add3A_969, %max3A_981 : vector<16xf32>
        %swap3A_983 = arith.constant 1 : i32
        %swap3A_984 = arith.index_cast %swap3A_983 : i32 to index
        %swap3A_985 = arith.index_cast %scan3A_180 : i32 to index
        %swap3A_986 = arith.constant 112 : index
        %swap3A_987 = tpu.vector_load %arg11[%swap3A_984, %swap3A_985, %swap3A_986] {strides = array<i32>} : memref<2x40x128xf32, #tpu.memory_space<vmem>>, vector<1x1x16xf32>,
        %swap3A_988 = vector.shape_cast %swap3A_987 : vector<1x1x16xf32> to vector<16xf32>
        %swap3A_989 = vector.shape_cast %max3A_982 : vector<16xf32> to vector<1x1x16xf32>
        tpu.vector_store %arg11[%swap3A_984, %swap3A_985, %swap3A_986], %swap3A_989 {strides = array<i32>} : memref<2x40x128xf32, #tpu.memory_space<vmem>>, vector<1x1x16xf32>,
      }
      %scan3A_163 = arith.constant 40 : i32
      %mul3A_164 = arith.constant 40 : i32
      %mul3A_165 = arith.muli %add3A_116, %mul3A_164 : i32
      %add3A_166 = arith.addi %add3A, %mul3A_165 : i32
      %dma_start3A_167 = arith.constant 1 : i32
      %dma_start3A_168 = arith.constant 0 : i32
      %dma_start3A_169 = arith.constant 0 : i32
      %dma_start3A_170 = tpu.memref_slice %arg11[%dma_start3A_167, %dma_start3A_168, %dma_start3A_169] : memref<2x40x128xf32, #tpu.memory_space<vmem>> -> memref<1x40x128xf32, #tpu.memory_space<vmem>>
      %dma_start3A_171 = tpu.memref_squeeze %dma_start3A_170 : memref<1x40x128xf32, #tpu.memory_space<vmem>> -> memref<40x128xf32, #tpu.memory_space<vmem>>
      %dma_start3A_172 = arith.constant 0 : i32
      %dma_start3A_173 = tpu.memref_slice %arg6[%add3A_166, %dma_start3A_172] : memref<51200x128xf32, #tpu.memory_space<hbm>> -> memref<40x128xf32, #tpu.memory_space<hbm>>
      %dma_start3A_174 = arith.constant 0 : i32
      %dma_start3A_175 = tpu.memref_slice %arg6[%add3A_166, %dma_start3A_174] : memref<51200x128xf32, #tpu.memory_space<hbm>> -> memref<40x128xf32, #tpu.memory_space<hbm>>
      %dma_start3A_176 = arith.constant 0 : i32
      %dma_start3A_177 = arith.constant 0 : i32
      %dma_start3A_178 = tpu.memref_slice %arg11[%dma_start3A_167, %dma_start3A_176, %dma_start3A_177] : memref<2x40x128xf32, #tpu.memory_space<vmem>> -> memref<1x40x128xf32, #tpu.memory_space<vmem>>
      %dma_start3A_179 = tpu.memref_squeeze %dma_start3A_178 : memref<1x40x128xf32, #tpu.memory_space<vmem>> -> memref<40x128xf32, #tpu.memory_space<vmem>>
      tpu.enqueue_dma source(%dma_start3A_179 : memref<40x128xf32, #tpu.memory_space<vmem>>) target(%dma_start3A_175 : memref<40x128xf32, #tpu.memory_space<hbm>>) target_semaphore(%arg15 : memref<!tpu.dma_semaphore, #tpu.memory_space<semaphore_mem>>)
    }
    %gt3A_40 = arith.constant 0 : i32
    %gt3A_41 = arith.cmpi sgt, %select_n3A, %gt3A_40 : i32
    %convert_element_type3A_42 = arith.extui %gt3A_41 : i1 to i32
    %cond3A_43 = arith.constant 0 : i32
    %cond3A_44 = arith.cmpi ne, %convert_element_type3A_42, %cond3A_43 : i32
    scf.if %cond3A_44 {
      %dma_wait3A = arith.constant 0 : i32
      %dma_wait3A_50 = arith.constant 0 : i32
      %dma_wait3A_51 = arith.constant 0 : i32
      %dma_wait3A_52 = tpu.memref_slice %arg11[%dma_wait3A, %dma_wait3A_50, %dma_wait3A_51] : memref<2x40x128xf32, #tpu.memory_space<vmem>> -> memref<1x40x128xf32, #tpu.memory_space<vmem>>
      %dma_wait3A_53 = tpu.memref_squeeze %dma_wait3A_52 : memref<1x40x128xf32, #tpu.memory_space<vmem>> -> memref<40x128xf32, #tpu.memory_space<vmem>>
      %dma_wait3A_54 = arith.constant 0 : i32
      %dma_wait3A_55 = arith.constant 0 : i32
      %dma_wait3A_56 = tpu.memref_slice %arg6[%dma_wait3A_54, %dma_wait3A_55] : memref<51200x128xf32, #tpu.memory_space<hbm>> -> memref<40x128xf32, #tpu.memory_space<hbm>>
      %dma_wait3A_57 = arith.constant 0 : i32
      %dma_wait3A_58 = arith.constant 0 : i32
      %dma_wait3A_59 = tpu.memref_slice %arg11[%dma_wait3A, %dma_wait3A_57, %dma_wait3A_58] : memref<2x40x128xf32, #tpu.memory_space<vmem>> -> memref<1x40x128xf32, #tpu.memory_space<vmem>>
      %dma_wait3A_60 = tpu.memref_squeeze %dma_wait3A_59 : memref<1x40x128xf32, #tpu.memory_space<vmem>> -> memref<40x128xf32, #tpu.memory_space<vmem>>
      %dma_wait3A_61 = arith.constant 0 : i32
      %dma_wait3A_62 = arith.constant 0 : i32
      %dma_wait3A_63 = tpu.memref_slice %arg6[%dma_wait3A_61, %dma_wait3A_62] : memref<51200x128xf32, #tpu.memory_space<hbm>> -> memref<40x128xf32, #tpu.memory_space<hbm>>
      tpu.wait_dma2 semaphore(%arg14 : memref<!tpu.dma_semaphore, #tpu.memory_space<semaphore_mem>>) src(%dma_wait3A_63 : memref<40x128xf32, #tpu.memory_space<hbm>>) dst(%dma_wait3A_60 : memref<40x128xf32, #tpu.memory_space<vmem>>)
    } else {
    }
    %gt3A_45 = arith.constant 0 : i32
    %gt3A_46 = arith.cmpi sgt, %select_n3A, %gt3A_45 : i32
    %convert_element_type3A_47 = arith.extui %gt3A_46 : i1 to i32
    %cond3A_48 = arith.constant 0 : i32
    %cond3A_49 = arith.cmpi ne, %convert_element_type3A_47, %cond3A_48 : i32
    scf.if %cond3A_49 {
      %dma_wait3A = arith.constant 1 : i32
      %dma_wait3A_50 = arith.constant 0 : i32
      %dma_wait3A_51 = arith.constant 0 : i32
      %dma_wait3A_52 = tpu.memref_slice %arg11[%dma_wait3A, %dma_wait3A_50, %dma_wait3A_51] : memref<2x40x128xf32, #tpu.memory_space<vmem>> -> memref<1x40x128xf32, #tpu.memory_space<vmem>>
      %dma_wait3A_53 = tpu.memref_squeeze %dma_wait3A_52 : memref<1x40x128xf32, #tpu.memory_space<vmem>> -> memref<40x128xf32, #tpu.memory_space<vmem>>
      %dma_wait3A_54 = arith.constant 0 : i32
      %dma_wait3A_55 = arith.constant 0 : i32
      %dma_wait3A_56 = tpu.memref_slice %arg6[%dma_wait3A_54, %dma_wait3A_55] : memref<51200x128xf32, #tpu.memory_space<hbm>> -> memref<40x128xf32, #tpu.memory_space<hbm>>
      %dma_wait3A_57 = arith.constant 0 : i32
      %dma_wait3A_58 = arith.constant 0 : i32
      %dma_wait3A_59 = tpu.memref_slice %arg11[%dma_wait3A, %dma_wait3A_57, %dma_wait3A_58] : memref<2x40x128xf32, #tpu.memory_space<vmem>> -> memref<1x40x128xf32, #tpu.memory_space<vmem>>
      %dma_wait3A_60 = tpu.memref_squeeze %dma_wait3A_59 : memref<1x40x128xf32, #tpu.memory_space<vmem>> -> memref<40x128xf32, #tpu.memory_space<vmem>>
      %dma_wait3A_61 = arith.constant 0 : i32
      %dma_wait3A_62 = arith.constant 0 : i32
      %dma_wait3A_63 = tpu.memref_slice %arg6[%dma_wait3A_61, %dma_wait3A_62] : memref<51200x128xf32, #tpu.memory_space<hbm>> -> memref<40x128xf32, #tpu.memory_space<hbm>>
      tpu.wait_dma2 semaphore(%arg15 : memref<!tpu.dma_semaphore, #tpu.memory_space<semaphore_mem>>) src(%dma_wait3A_63 : memref<40x128xf32, #tpu.memory_space<hbm>>) dst(%dma_wait3A_60 : memref<40x128xf32, #tpu.memory_space<vmem>>)
    } else {
    }
    return
  }
}

module attributes {stable_mosaic.version = 14 : i64} {
  func.func @_mm_body(%arg0: i32, %arg1: memref<2000x128xf32, #tpu.memory_space<vmem>>, %arg2: memref<128x64xf32, #tpu.memory_space<vmem>>, %arg3: memref<128x64xf32, #tpu.memory_space<vmem>>, %arg4: memref<128x64xf32, #tpu.memory_space<vmem>>, %arg5: memref<128x64xf32, #tpu.memory_space<vmem>>, %arg6: memref<2000x64xi32, #tpu.memory_space<vmem>>, %arg7: memref<2000x64xi32, #tpu.memory_space<vmem>>) attributes {dimension_semantics = [#tpu.dimension_semantics<arbitrary>], iteration_bounds = array<i64: 25>, scalar_prefetch = 0 : i64, scratch_operands = 0 : i64, tpu.core_type = #tpu.core_type<tc>, window_params = [{transform_indices = @transform_0, window_bounds = array<i64: 2000, 128>}, {pipeline_mode = #tpu.pipeline_mode<synchronous>, transform_indices = @transform_1, window_bounds = array<i64: 128, 64>}, {pipeline_mode = #tpu.pipeline_mode<synchronous>, transform_indices = @transform_2, window_bounds = array<i64: 128, 64>}, {pipeline_mode = #tpu.pipeline_mode<synchronous>, transform_indices = @transform_3, window_bounds = array<i64: 128, 64>}, {pipeline_mode = #tpu.pipeline_mode<synchronous>, transform_indices = @transform_4, window_bounds = array<i64: 128, 64>}, {transform_indices = @transform_5, window_bounds = array<i64: 2000, 64>}, {transform_indices = @transform_6, window_bounds = array<i64: 2000, 64>}]} {
    %get3A = arith.constant 0 : index
    %get3A_0 = arith.constant 0 : index
    %get3A_1 = vector.load %arg1[%get3A, %get3A_0] : memref<2000x128xf32, #tpu.memory_space<vmem>>, vector<2000x128xf32>
    %get3A_2 = arith.constant 0 : index
    %get3A_3 = arith.constant 0 : index
    %get3A_4 = vector.load %arg2[%get3A_2, %get3A_3] : memref<128x64xf32, #tpu.memory_space<vmem>>, vector<128x64xf32>
    %dot_general3A = arith.constant dense<0.000000e+00> : vector<2000x64xf32>
    %dot_general3A_5 = tpu.matmul %get3A_1, %get3A_4, %dot_general3A {dimension_numbers = #tpu.dot_dimension_numbers<[1], [0], [0], [1], [0, 0, 1, 1], [], []>, transpose_lhs_hint = false} : vector<2000x128xf32>, vector<128x64xf32>, vector<2000x64xf32> -> vector<2000x64xf32>
    %get3A_6 = arith.constant 0 : index
    %get3A_7 = arith.constant 0 : index
    %get3A_8 = vector.load %arg3[%get3A_6, %get3A_7] : memref<128x64xf32, #tpu.memory_space<vmem>>, vector<128x64xf32>
    %dot_general3A_9 = arith.constant dense<0.000000e+00> : vector<2000x64xf32>
    %dot_general3A_10 = tpu.matmul %get3A_1, %get3A_8, %dot_general3A_9 {dimension_numbers = #tpu.dot_dimension_numbers<[1], [0], [0], [1], [0, 0, 1, 1], [], []>, transpose_lhs_hint = false} : vector<2000x128xf32>, vector<128x64xf32>, vector<2000x64xf32> -> vector<2000x64xf32>
    %bitcast_convert_type3A = tpu.bitcast %dot_general3A_5 : vector<2000x64xf32> -> vector<2000x64xi32>
    %add3A = arith.constant 32768 : i32
    %add3A_11 = vector.broadcast %add3A : i32 to vector<2000x64xi32>
    %add3A_12 = arith.addi %bitcast_convert_type3A, %add3A_11 : vector<2000x64xi32>
    %bitcast_convert_type3A_13 = tpu.bitcast %dot_general3A_10 : vector<2000x64xf32> -> vector<2000x64xi32>
    %add3A_14 = arith.constant 32768 : i32
    %add3A_15 = vector.broadcast %add3A_14 : i32 to vector<2000x64xi32>
    %add3A_16 = arith.addi %bitcast_convert_type3A_13, %add3A_15 : vector<2000x64xi32>
    %shift_right_logical3A = arith.constant 16 : i32
    %shift_right_logical3A_17 = vector.broadcast %shift_right_logical3A : i32 to vector<2000x64xi32>
    %shift_right_logical3A_18 = arith.shrui %add3A_12, %shift_right_logical3A_17 : vector<2000x64xi32>
    %and3A = arith.constant -65536 : i32
    %and3A_19 = vector.broadcast %and3A : i32 to vector<2000x64xi32>
    %and3A_20 = arith.andi %add3A_16, %and3A_19 : vector<2000x64xi32>
    %or3A = arith.ori %and3A_20, %shift_right_logical3A_18 : vector<2000x64xi32>
    %swap3A = arith.constant 0 : index
    %swap3A_21 = arith.constant 0 : index
    %swap3A_22 = vector.load %arg6[%swap3A, %swap3A_21] : memref<2000x64xi32, #tpu.memory_space<vmem>>, vector<2000x64xi32>
    tpu.vector_store %arg6[%swap3A, %swap3A_21], %or3A {strides = array<i32>} : memref<2000x64xi32, #tpu.memory_space<vmem>>, vector<2000x64xi32>,
    %get3A_23 = arith.constant 0 : index
    %get3A_24 = arith.constant 0 : index
    %get3A_25 = vector.load %arg4[%get3A_23, %get3A_24] : memref<128x64xf32, #tpu.memory_space<vmem>>, vector<128x64xf32>
    %dot_general3A_26 = arith.constant dense<0.000000e+00> : vector<2000x64xf32>
    %dot_general3A_27 = tpu.matmul %get3A_1, %get3A_25, %dot_general3A_26 {dimension_numbers = #tpu.dot_dimension_numbers<[1], [0], [0], [1], [0, 0, 1, 1], [], []>, transpose_lhs_hint = false} : vector<2000x128xf32>, vector<128x64xf32>, vector<2000x64xf32> -> vector<2000x64xf32>
    %get3A_28 = arith.constant 0 : index
    %get3A_29 = arith.constant 0 : index
    %get3A_30 = vector.load %arg5[%get3A_28, %get3A_29] : memref<128x64xf32, #tpu.memory_space<vmem>>, vector<128x64xf32>
    %dot_general3A_31 = arith.constant dense<0.000000e+00> : vector<2000x64xf32>
    %dot_general3A_32 = tpu.matmul %get3A_1, %get3A_30, %dot_general3A_31 {dimension_numbers = #tpu.dot_dimension_numbers<[1], [0], [0], [1], [0, 0, 1, 1], [], []>, transpose_lhs_hint = false} : vector<2000x128xf32>, vector<128x64xf32>, vector<2000x64xf32> -> vector<2000x64xf32>
    %bitcast_convert_type3A_33 = tpu.bitcast %dot_general3A_27 : vector<2000x64xf32> -> vector<2000x64xi32>
    %add3A_34 = arith.constant 32768 : i32
    %add3A_35 = vector.broadcast %add3A_34 : i32 to vector<2000x64xi32>
    %add3A_36 = arith.addi %bitcast_convert_type3A_33, %add3A_35 : vector<2000x64xi32>
    %bitcast_convert_type3A_37 = tpu.bitcast %dot_general3A_32 : vector<2000x64xf32> -> vector<2000x64xi32>
    %add3A_38 = arith.constant 32768 : i32
    %add3A_39 = vector.broadcast %add3A_38 : i32 to vector<2000x64xi32>
    %add3A_40 = arith.addi %bitcast_convert_type3A_37, %add3A_39 : vector<2000x64xi32>
    %shift_right_logical3A_41 = arith.constant 16 : i32
    %shift_right_logical3A_42 = vector.broadcast %shift_right_logical3A_41 : i32 to vector<2000x64xi32>
    %shift_right_logical3A_43 = arith.shrui %add3A_36, %shift_right_logical3A_42 : vector<2000x64xi32>
    %and3A_44 = arith.constant -65536 : i32
    %and3A_45 = vector.broadcast %and3A_44 : i32 to vector<2000x64xi32>
    %and3A_46 = arith.andi %add3A_40, %and3A_45 : vector<2000x64xi32>
    %or3A_47 = arith.ori %and3A_46, %shift_right_logical3A_43 : vector<2000x64xi32>
    %swap3A_48 = arith.constant 0 : index
    %swap3A_49 = arith.constant 0 : index
    %swap3A_50 = vector.load %arg7[%swap3A_48, %swap3A_49] : memref<2000x64xi32, #tpu.memory_space<vmem>>, vector<2000x64xi32>
    tpu.vector_store %arg7[%swap3A_48, %swap3A_49], %or3A_47 {strides = array<i32>} : memref<2000x64xi32, #tpu.memory_space<vmem>>, vector<2000x64xi32>,
    return
  }
  func.func @transform_0(%arg0: i32) -> (i32, i32) {
    %c0_i32 = arith.constant 0 : i32
    %c0_i32_0 = arith.constant 0 : i32
    return %arg0, %c0_i32 : i32, i32
  }
  func.func @transform_1(%arg0: i32) -> (i32, i32) {
    %c0_i32 = arith.constant 0 : i32
    %c0_i32_0 = arith.constant 0 : i32
    %c0_i32_1 = arith.constant 0 : i32
    return %c0_i32, %c0_i32_0 : i32, i32
  }
  func.func @transform_2(%arg0: i32) -> (i32, i32) {
    %c0_i32 = arith.constant 0 : i32
    %c0_i32_0 = arith.constant 0 : i32
    %c0_i32_1 = arith.constant 0 : i32
    return %c0_i32, %c0_i32_0 : i32, i32
  }
  func.func @transform_3(%arg0: i32) -> (i32, i32) {
    %c0_i32 = arith.constant 0 : i32
    %c0_i32_0 = arith.constant 0 : i32
    %c0_i32_1 = arith.constant 0 : i32
    return %c0_i32, %c0_i32_0 : i32, i32
  }
  func.func @transform_4(%arg0: i32) -> (i32, i32) {
    %c0_i32 = arith.constant 0 : i32
    %c0_i32_0 = arith.constant 0 : i32
    %c0_i32_1 = arith.constant 0 : i32
    return %c0_i32, %c0_i32_0 : i32, i32
  }
  func.func @transform_5(%arg0: i32) -> (i32, i32) {
    %c0_i32 = arith.constant 0 : i32
    %c0_i32_0 = arith.constant 0 : i32
    return %arg0, %c0_i32 : i32, i32
  }
  func.func @transform_6(%arg0: i32) -> (i32, i32) {
    %c0_i32 = arith.constant 0 : i32
    %c0_i32_0 = arith.constant 0 : i32
    return %arg0, %c0_i32 : i32, i32
  }
}

</mosaic_0001>

<sc_bundles>
// kernel: kernel.4.cloned.1.call-start
scs
__scs_entry_jumppad:
0x0: {  	(pc) =	sbr.rel $0x88, $3  }
0x1: {  	(tag) =	ssettag $0x0;
	lr =	simm.s32 $0x1  }
0x2: {  	[smem:$0x3F9D] =	sst lr;
	_ =	strace $0xD0000000  }
0x3: {  	_ = 	snop  }
0x4: {  	_ = 	snop  }
0x5: {  	_ = 	snop  }
0x6: {  	_ = 	snop  }
0x7: {  	_ = 	snop  }
__scs_overlays_trampoline_lowered:
0x8: {  	[smem:$0x3FAC] =	sst s0  }
0x9: {  	[smem:$0x3FAD] =	sst s1  }
0xa: {  	[smem:$0x3FAE] =	sst s2  }
0xb: {  	[smem:$0x3FAF] =	sst s3  }
0xc: {  	[smem:$0x3FB0] =	sst s4  }
0xd: {  	[smem:$0x3FB1] =	sst s5  }
0xe: {  	[smem:$0x3FB2] =	sst s6  }
0xf: {  	[smem:$0x3FB3] =	sst s7  }
0x10: {  	[smem:$0x3FB4] =	sst s8  }
0x11: {  	[smem:$0x3FB5] =	sst s9;
	s0 =	simm.s32 @!p0 $0x0  }
0x12: {  	s1 =	sld [smem:$0x3F9B];
	s0 =	simm.s32 @p0 $0x1  }
0x13: {  	[smem:$0x3FB6] =	sst s0;
	s0 =	simm.s32 @!p1 $0x0  }
0x14: {  	s2 =	sld [smem:$0x3F9A];
	s0 =	simm.s32 @p1 $0x1  }
0x15: {  	[smem:$0x3FB7] =	sst s0;
	s0 =	simm.s32 @!p2 $0x0  }
0x16: {  	s3 =	sld [smem:$0x3FDB];
	s0 =	simm.s32 @p2 $0x1  }
0x17: {  	s4 =	simm.s32 $0x1BF5;
	[smem:$0x3FB9] =	sst s0  }
0x18: {  	s0 =	sld [smem:$0x3F9C];
	_ =	swait.ge [sflag:s4], $0x0  }
0x19: {  	s7 =	sld [smem:$0x3F9D]  }
0x1a: {  	s8 =	sadd.s32 $0xFFFFE003, lr  }
0x1b: {  	s9 =	sadd.s32 $0xFFFFFEF7, lr;
	s5 =	simm.s32 $0xFFFFFFFF;
	p2 =	slt.u32 s8, $0xFFFFF086  }
0x1c: {  	p1 =	slt.u32 s9, $0xF7A;
	s5 =	simm.s32 @!p2 $0x0  }
0x1d: {  	s5 =	simm.s32 @p1 $0x1;
	p0 =	seq.s32 s7, s2  }
0x1e: {  	s7 =	smul.u32 @!p0 $0xF7A, s2;
	p2 =	seq.s32 @!p0 s5, $0x0  }
0x1f: {  	s9 =	smul.u32 $0xF7A, s1;
	s8 =	simm.s32 @!p0 $0x1BF5;
	p2 =	por !p2, p0  }
0x20: {  	[sflag:s8] =	ssyncset.s32 @!p0 $0xFFFFF086;
	s6 =	sadd.s32 @!p0 s3, s7;
	s7 =	simm.s32 @!p0 $0x108  }
0x21: {  	s3 =	sadd.s32 s3, s9;
	s6 =	sadd.s32 @!p0 $0x88, s6;
	s7 =	simm.s32 @p2 $0x1082  }
0x22: {  	[simem:s7], [sflag:s8] =	dma.local @!p0 [hbm:s6], $0xF7A  }
0x23: {  	s9 =	sor.u32 $0xD0000000, s2;
	s6 =	simm.s32 $0x108;
	_ =	swait.ge @!p0 [sflag:s8], $0x0  }
0x24: {  	s3 =	sadd.s32 $0x88, s3;
	s6 =	simm.s32 @!p1 $0x1082;
	[sflag:s4] =	ssyncset.s32 $0xFFFFF086  }
0x25: {  	[simem:s6], [sflag:s4] =	dma.local [hbm:s3], $0xF7A  }
0x26: {  	[smem:$0x3F9D] =	sst s1;
	(tag) =	ssettag s2;
	_ =	strace s9  }
0x27: {  	s1 =	sld [smem:$0x3FAD]  }
0x28: {  	s2 =	sld [smem:$0x3FAE]  }
0x29: {  	s4 =	sld [smem:$0x3FB0]  }
0x2a: {  	p0 =	seq.s32 s5, $0x0;
	s5 =	sld [smem:$0x3FB1]  }
0x2b: {  	s6 =	sld [smem:$0x3FB2]  }
0x2c: {  	s7 =	sld [smem:$0x3FB3]  }
0x2d: {  	s3 =	simm.s32 $0x108;
	s8 =	sld [smem:$0x3FB4]  }
0x2e: {  	s3 =	simm.s32 @!p0 $0x1082;
	s9 =	sld [smem:$0x3FB5]  }
0x2f: {  	lr =	sadd.s32 s0, s3;
	s0 =	sld [smem:$0x3FAC]  }
0x30: {  	s3 =	sld [smem:$0x3FAF]  }
0x31: {  	[smem:$0x3FB8] =	sst s10  }
0x32: {  	s10 =	sld [smem:$0x3FB6];
	_ =	sdelay $0x3  }
0x33: {  	p0 =	seq.s32 s10, $0x1;
	s10 =	sld [smem:$0x3FB8];
	_ =	sdelay $0x3  }
0x34: {  	[smem:$0x3FB8] =	sst s10  }
0x35: {  	s10 =	sld [smem:$0x3FB7];
	_ =	sdelay $0x3  }
0x36: {  	p1 =	seq.s32 s10, $0x1;
	s10 =	sld [smem:$0x3FB8];
	_ =	sdelay $0x3  }
0x37: {  	[smem:$0x3FB8] =	sst s10  }
0x38: {  	s10 =	sld [smem:$0x3FB9]  }
0x39: {  	_ = 	snop;
	(pc) =	sbr.ind lr, $3  }
0x3a: {  	_ = 	snop  }
0x3b: {  	_ = 	snop  }
0x3c: {  	p2 =	seq.s32 s10, $0x1;
	s10 =	sld [smem:$0x3FB8]  }
0x3d: {  	_ =	shalt  }
0x3e: {  	_ =	shalt  }
0x3f: {  	_ =	shalt  }
0x40: {  	_ =	shalt  }
0x41: {  	_ =	shalt  }
0x42: {  	_ =	shalt  }
0x43: {  	_ =	shalt  }
0x44: {  	_ =	shalt  }
0x45: {  	_ =	shalt  }
0x46: {  	_ =	shalt  }
0x47: {  	_ =	shalt  }
0x48: {  	_ =	shalt  }
0x49: {  	_ =	shalt  }
0x4a: {  	_ =	shalt  }
0x4b: {  	_ =	shalt  }
0x4c: {  	_ =	shalt  }
0x4d: {  	_ =	shalt  }
0x4e: {  	_ =	shalt  }
0x4f: {  	_ =	shalt  }
0x50: {  	_ =	shalt  }
0x51: {  	_ =	shalt  }
0x52: {  	_ =	shalt  }
0x53: {  	_ =	shalt  }
0x54: {  	_ =	shalt  }
0x55: {  	_ =	shalt  }
0x56: {  	_ =	shalt  }
0x57: {  	_ =	shalt  }
0x58: {  	_ =	shalt  }
0x59: {  	_ =	shalt  }
0x5a: {  	_ =	shalt  }
0x5b: {  	_ =	shalt  }
0x5c: {  	_ =	shalt  }
0x5d: {  	_ =	shalt  }
0x5e: {  	_ =	shalt  }
0x5f: {  	_ =	shalt  }
0x60: {  	_ =	shalt  }
0x61: {  	_ =	shalt  }
0x62: {  	_ =	shalt  }
0x63: {  	_ =	shalt  }
0x64: {  	_ =	shalt  }
0x65: {  	_ =	shalt  }
0x66: {  	_ =	shalt  }
0x67: {  	_ =	shalt  }
0x68: {  	_ =	shalt  }
0x69: {  	_ =	shalt  }
0x6a: {  	_ =	shalt  }
0x6b: {  	_ =	shalt  }
0x6c: {  	_ =	shalt  }
0x6d: {  	_ =	shalt  }
0x6e: {  	_ =	shalt  }
0x6f: {  	_ =	shalt  }
0x70: {  	_ =	shalt  }
0x71: {  	_ =	shalt  }
0x72: {  	_ =	shalt  }
0x73: {  	_ =	shalt  }
0x74: {  	_ =	shalt  }
0x75: {  	_ =	shalt  }
0x76: {  	_ =	shalt  }
0x77: {  	_ =	shalt  }
0x78: {  	_ =	shalt  }
0x79: {  	_ =	shalt  }
0x7a: {  	_ =	shalt  }
0x7b: {  	_ =	shalt  }
0x7c: {  	_ =	shalt  }
0x7d: {  	_ =	shalt  }
0x7e: {  	_ =	shalt  }
0x7f: {  	_ =	shalt  }
0x80: {  	_ =	shalt  }
0x81: {  	_ =	shalt  }
0x82: {  	_ =	shalt  }
0x83: {  	_ =	shalt  }
0x84: {  	_ =	shalt  }
0x85: {  	_ =	shalt  }
0x86: {  	_ =	shalt  }
0x87: {  	_ =	shalt  }
.Lfunc_end0:
.L_simem_size_0:
called_computation_lowered:
.L_overlay_start_0:
0x88: {  	s2 =	sld [smem:$0x3FD9]  }
0x89: {  	s3 =	sld [smem:$0x3FFE];
	_ =	sdelay $0x1  }
0x8a: {  	s1 =	srdreg.scid  }
0x8b: {  	s0 =	sand.u32 $0x1, s1  }
0x8c: {  	s17 =	sshll.u32 s0, $0xA;
	s2 =	sadd.s32 s3, s2  }
0x8d: {  	s2 =	sadd.s32 s2, s17  }
0x8e: {  	[smem:$0x3FC4] =	sst s2  }
0x8f: {  	_ = 	snop  }
0x90: {  	s2 =	sld [smem:$0x3FD0];
	(tm) =	ssettm $0x1  }
0x91: {  	s18 =	sld [smem:$0x3FFB];
	_ =	sdelay $0x3  }
0x92: {  	_ =	strace s18  }
0x93: {  	s3 =	sld [smem:$0x3FFC];
	_ =	sdelay $0x3  }
0x94: {  	_ =	strace s3  }
0x95: {  	s3 =	sld [smem:$0x3FFD];
	_ =	sdelay $0x3  }
0x96: {  	_ =	strace s3  }
0x97: {  	_ =	strace $0x8FFFFFFF  }
0x98: {  	s19 =	sld [smem:$0x3FDB];
	_ =	sdelay $0x1  }
0x99: {  	s4 =	simm.s32 $_scs_section_size  }
0x9a: {  	s5 =	simm.s32 $_size__tile_overlayer_lowered;
	s6 =	simm.s32 $_tile_overlayer_lowered  }
0x9b: {  	s22 =	simm.s32 $0x1BFF;
	s21 =	sshll.u32 s6, $0x1;
	s3 =	sadd.s32 s4, s19  }
0x9c: {  	s7 =	simm.s32 $0x0;
	s20 =	sshll.u32 s5, $0x1;
	s5 =	sadd.s32 s21, s3  }
0x9d: {  	[timem:s7], [sflag:s22] =	dma.local [hbm:s5], s20  }
0x9e: {  	_ =	swait.ge [sflag:s22], s20  }
0x9f: {  	s4 =	ssub.s32 $0x0, s20;
	[sflag:s22] =	ssyncset.done $0x0  }
0xa0: {  	[sflag:s22] =	ssyncadd.s32 s4;
	_ =	sdelay $0x1  }
0xa1: {  	s23 =	simm.s32 $0x1B8B  }
0xa2: {  	_ =	swait.ge [sflag:s23], $0x1  }
0xa3: {  	[sflag:s23] =	ssyncset.done $0x0  }
0xa4: {  	s25 =	simm.s32 $0x1B8E;
	s24 =	sld [smem:$0x3FFE];
	[sflag:s23] =	ssyncadd.s32 $0xFFFFFFFF  }
0xa5: {  	s26 =	simm.s32 $execute0_lowered;
	[smem:$0x3FD2] =	sst s25  }
0xa6: {  	s5 =	sshll.u32 s26, $0x1;
	_ =	strace $0x80000046;
	[dreg:$0x1] =	wrdreg $0xFFFFFFFF  }
0xa7: {  	s28 =	simm.s32 $_size_execute0_lowered;
	s3 =	sadd.s32 s3, s5;
	[dreg:$0x0] =	wrdreg $0x0  }
0xa8: {  	s5 =	sshll.u32 s28, $0x1;
	[dreg:$0x2] =	wrdreg s3  }
0xa9: {  	[dreg:$0x3] =	wrdreg s5  }
0xaa: {  	[dreg:$0x4] =	wrdreg $0xC0  }
0xab: {  	_ =	task [dreg:s7], $0x5FFFF  }
0xac: {  	[dreg:$0x1] =	wrdreg $0xFFFFFFFF  }
0xad: {  	[dreg:$0x0] =	wrdreg $0x60  }
0xae: {  	[dreg:$0x2] =	wrdreg s24  }
0xaf: {  	[dreg:$0x3] =	wrdreg s2  }
0xb0: {  	[dreg:$0x4] =	wrdreg $0x9  }
0xb1: {  	_ =	task.clear_ibuf [dreg:s7], $0x5FFFF;
	_ =	strace $0x90000046  }
0xb2: {  	s29 =	simm.s32 $0x9;
	_ =	strace $0x80000048  }
0xb3: {  	_ =	swait.ge [sflag:s29], $0x1  }
0xb4: {  	[sflag:s29] =	ssyncadd.s32 $0xFFFFFFFF  }
0xb5: {  	_ =	strace $0x90000048  }
0xb6: {  	_ =	sfence  }
0xb7: {  	s30 =	sld [smem:$0x0];
	_ =	sdelay $0x2  }
0xb8: {  	s31 =	sshll.u32 s1, $0xD;
	s1 =	sshrl.u32 s1, $0x2  }
0xb9: {  	s3 =	sand.u32 $0x4000, s31;
	s1 =	sadd.s32 s1, s30  }
0xba: {  	s0 =	sor.u32 s3, s0;
	s1 =	sshll.u32 s1, $0x11  }
0xbb: {  	s0 =	sor.u32 s1, s0  }
0xbc: {  	s0 =	sadd.s32 $0x8F2B, s0  }
0xbd: {  	[sflag:s0] =	ssyncadd.remote.s32 $0x1  }
0xbe: {  	_ =	sfence.sel $0xFFFF  }
0xbf: {  	[dreg:$0x0] =	wrdreg $0xFFFFFFFF;
	(pc) =	sbr.abs _section_cstart, $3  }
0xc0: {  	[dreg:$0x1] =	wrdreg $0xFFFFFFFF  }
0xc1: {  	_ =	task.clear_ibuf [dreg:s7], $0x2FFFF;
	_ =	strace $0x9FFFFFFF  }
0xc2: {  	(tm) =	ssettm $0x7FFFFFFF  }
0xc3: {  	_ =	shalt  }
tec
execute0_lowered:
.L_overlay_start_1:
0x0: {  	(tag) =	ssettag $0x1  }
0x1: {  	s0 =	srdreg.scid;
	s6 =	rddreg [dreg:$0x0]  }
0x2: {  	s1 =	stileid.u32;
	s2 =	rddreg [dreg:$0x1];
	s4 =	simm.s32 $0x0  }
0x3: {  	s12 =	simm.s32 $0x5;
	s13 =	simm.s32 $0x910;
	s14 =	simm.s32 $0x28  }
0x4: {  	s15 =	simm.s32 $0x63B0;
	s16 =	simm.s32 $0x190;
	s17 =	simm.s32 $0x77B0  }
0x5: {  	s18 =	simm.s32 $0x1;
	s19 =	simm.s32 $0x13FB0;
	s20 =	simm.s32 $0x2  }
0x6: {  	s21 =	simm.s32 $0x153B0;
	s0 =	sand.u32 $0x1, s0;
	s1 =	smul.u32 $0xC80, s1  }
0x7: {  	s22 =	simm.s32 $0x3;
	s23 =	simm.s32 $0x4;
	s3 =	smul.u32 $0x910, s0  }
0x8: {  	s24 =	simm.s32 $0x0;
	[smem:$0x7FF] =	sst s4;
	s7 =	ssub.s32 $0x2, s0  }
0x9: {  	p0 =	seq.s32 s0, $0x0;
	s9 =	sshrl.u32 s7, $0x1;
	s3 =	sadd.s32 s3, s1  }
0xa: {  	s11 =	ssub.s32 s7, s9;
	s7 =	simm.s32 $0x3A;
	s1 =	smul.u32 $0xA, s3  }
0xb: {  	_ =	strace $0x80000047;
	s5 =	sshrl.u32 s3, $0x3;
	s7 =	simm.s32 @!p0 $0x16  }
0xc: {  	s11 =	smax.u32 s11, $0x1;
	s8 =	sadd.s32 s5, s6;
	s1 =	sshrl.u32 s1, $0x3  }
0xd: {  	s5 =	sadd.s32 $0xC4400, s6;
	s10 =	sshrl.u32 s7, $0x1;
	s1 =	sadd.s32 s1, s6  }
0xe: {  	s8 =	sadd.s32 $0x10800, s8;
	s6 =	sadd.s32 $0x126000, s6;
	s9 =	sadd.s32 $0xE00, s1  }
.LBB2_1:
0xf: {  	[tilespmem:s4], [sflag:$0x5] =	stream.linear.gather [hbm4b:s8+s4], $0x910, $0x38;
	[tilespmem:$0x167B0] =	vst v63  }
0x10: {  	_ =	swait.ge [sflag:s12], $0x910  }
0x11: {  	[sflag:s12] =	ssyncset.done $0x0  }
0x12: {  	[sflag:s12] =	ssyncadd.s32 $0xFFFFF6F0  }
0x13: {  	[tilespmem:s13], [sflag:$0x5] =	stream.linear.gather [hbm4b:s9+s4], $0x5AA0, $0x38;
	[tilespmem:$0x167B0] =	vst v63  }
0x14: {  	_ =	swait.ge [sflag:s12], $0x5AA0  }
0x15: {  	[sflag:s12] =	ssyncset.done $0x0  }
0x16: {  	[sflag:s12] =	ssyncadd.s32 $0xFFFFA560  }
0x17: {  	[tilespmem:s15], [sflag:$0x1] =	stream.indirect.gather [hbm4b:s2+s14], $0x40, s4, s14, $0xb8;
	[tilespmem:$0x167B0] =	vst v63  }
0x18: {  	s25 =	simm.s32 $0x0  }
0x19: {  	[tilespmem:s17], [sflag:$0x1] =	stream.indirect.gather [hbm4b:s5+s16], $0x40, s13, s16, $0xb8;
	[tilespmem:$0x167B0] =	vst v63  }
.LBB2_2:
0x1a: {  	_ =	swait.ge [sflag:s18], $0xA00  }
0x1b: {  	s26 =	sshllo.u32 s25, $0x1;
	[sflag:s18] =	ssyncset.done $0x0  }
0x1c: {  	p0 =	sge.u32 s26, s7;
	[sflag:s18] =	ssyncadd.s32 $0xFFFFF600  }
0x1d: {  	s0 =	smul.u32 @!p0 $0xA0, s26;
	_ =	swait.ge [sflag:s18], $0x6400  }
0x1e: {  	s1 =	simm.s32 @!p0 $0x28;
	s28 =	simm.s32 @!p0 $0x6DB0;
	[sflag:s18] =	ssyncset.done $0x0  }
0x1f: {  	s29 =	smul.u32 @!p0 $0x640, s26;
	s0 =	sshra.s32 @!p0 s0, $0x2;
	[sflag:s18] =	ssyncadd.s32 $0xFFFF9C00  }
0x20: {  	[tilespmem:s28], [sflag:$0x2] =	stream.indirect.gather @!p0 [hbm4b:s2+s1], $0x40, s0, s1, $0xb8;
	[tilespmem:$0x167B0] =	vst v63  }
0x21: {  	s0 =	sshra.s32 @!p0 s29, $0x2  }
0x22: {  	s1 =	simm.s32 @!p0 $0x190;
	s28 =	simm.s32 @!p0 $0xDBB0;
	s0 =	sadd.s32 @!p0 $0x910, s0  }
0x23: {  	[tilespmem:s28], [sflag:$0x2] =	stream.indirect.gather @!p0 [hbm4b:s5+s1], $0x40, s0, s1, $0xb8;
	[tilespmem:$0x167B0] =	vst v63  }
0x24: {  	p0 =	seq.s32 s25, $0x0  }
0x25: {  	s0 =	simm.s32 @!p0 $0x3  }
0x26: {  	_ =	swait.ge @!p0 [sflag:s0], $0x1400  }
0x27: {  	[sflag:s0] =	ssyncset.done @!p0 $0x0  }
0x28: {  	s1 =	simm.s32 $0x30;
	[sflag:s0] =	ssyncadd.s32 @!p0 $0xFFFFEC00  }
0x29: {  	s28 =	simm.s32 $0x78F0;
	v0 =	vld [tilespmem:s1+$0x6380]  }
0x2a: {  	v1 =	vld [tilespmem:s28+$0xFFFFFEC0];
	_ =	sdelay $0x1  }
0x2b: {  	v2 =	vld [tilespmem:s28+$0xFFFFFF00];
	_ =	sdelay $0x1  }
0x2c: {  	v3 =	vld [tilespmem:s28+$0xFFFFFF40]  }
0x2d: {  	v4 =	vshll.u32 v0, $0x10;
	v5 =	vshll.u32 v1, $0x10  }
0x2e: {  	v0 =	vand.u32 $0xFFFF0000, v0;
	v1 =	vand.u32 $0xFFFF0000, v1;
	v4 =	vadd.f32 v5, v4;
	v5 =	vld [tilespmem:s28+$0xFFFFFF80]  }
0x2f: {  	v6 =	vshll.u32 v2, $0x10;
	v0 =	vadd.f32 v1, v0  }
0x30: {  	v1 =	vand.u32 $0xFFFF0000, v2;
	v2 =	vadd.f32 v6, v4;
	v4 =	vld [tilespmem:s28+$0xFFFFFFC0]  }
0x31: {  	v6 =	vshll.u32 v3, $0x10;
	v0 =	vadd.f32 v1, v0  }
0x32: {  	v1 =	vand.u32 $0xFFFF0000, v3;
	v3 =	vld [tilespmem:s28+$0x0];
	v2 =	vadd.f32 v6, v2  }
0x33: {  	v0 =	vadd.f32 v1, v0;
	v1 =	vshll.u32 v5, $0x10  }
0x34: {  	v1 =	vadd.f32 v1, v2;
	v2 =	vand.u32 $0xFFFF0000, v5;
	v5 =	vld [tilespmem:s28+$0x40]  }
0x35: {  	v0 =	vadd.f32 v2, v0;
	v2 =	vshll.u32 v4, $0x10  }
0x36: {  	v1 =	vadd.f32 v2, v1;
	v2 =	vand.u32 $0xFFFF0000, v4;
	v4 =	vld [tilespmem:s28+$0x80]  }
0x37: {  	v0 =	vadd.f32 v2, v0;
	v2 =	vshll.u32 v3, $0x10  }
0x38: {  	v1 =	vadd.f32 v2, v1;
	v2 =	vand.u32 $0xFFFF0000, v3;
	v3 =	vld [tilespmem:s28+$0xC0]  }
0x39: {  	v0 =	vadd.f32 v2, v0;
	v2 =	vshll.u32 v5, $0x10  }
0x3a: {  	v1 =	vadd.f32 v2, v1;
	v2 =	vand.u32 $0xFFFF0000, v5;
	v5 =	vld [tilespmem:s28+$0x100]  }
0x3b: {  	v0 =	vadd.f32 v2, v0;
	v2 =	vshll.u32 v4, $0x10  }
0x3c: {  	v1 =	vadd.f32 v2, v1;
	v2 =	vand.u32 $0xFFFF0000, v4  }
0x3d: {  	v0 =	vadd.f32 v2, v0;
	v2 =	vshll.u32 v3, $0x10  }
0x3e: {  	v1 =	vadd.f32 v2, v1;
	v2 =	vand.u32 $0xFFFF0000, v3  }
0x3f: {  	v0 =	vadd.f32 v2, v0;
	v2 =	vshll.u32 v5, $0x10  }
0x40: {  	v1 =	vadd.f32 v2, v1;
	v2 =	vand.u32 $0xFFFF0000, v5  }
0x41: {  	v0 =	vadd.f32 v2, v0  }
0x42: {  	s29 =	simm.s32 $0x13FF0;
	v1 =	vmax.f32 v1, $0.0e+00  }
0x43: {  	[tilespmem:s29+$0xFFFFFFC0] =	vst v1;
	v0 =	vmax.f32 v0, $0.0e+00  }
0x44: {  	[tilespmem:s29+$0xFFFFFFD0] =	vst v0  }
0x45: {  	v0 =	vld [tilespmem:s1+$0x6390]  }
0x46: {  	v1 =	vld [tilespmem:s28+$0xFFFFFED0];
	_ =	sdelay $0x1  }
0x47: {  	v2 =	vld [tilespmem:s28+$0xFFFFFF10];
	_ =	sdelay $0x1  }
0x48: {  	v3 =	vld [tilespmem:s28+$0xFFFFFF50]  }
0x49: {  	v4 =	vshll.u32 v0, $0x10;
	v5 =	vshll.u32 v1, $0x10  }
0x4a: {  	v0 =	vand.u32 $0xFFFF0000, v0;
	v1 =	vand.u32 $0xFFFF0000, v1;
	v4 =	vadd.f32 v5, v4;
	v5 =	vld [tilespmem:s28+$0xFFFFFF90]  }
0x4b: {  	v0 =	vadd.f32 v1, v0;
	v1 =	vshll.u32 v2, $0x10  }
0x4c: {  	v2 =	vand.u32 $0xFFFF0000, v2;
	v1 =	vadd.f32 v1, v4;
	v4 =	vld [tilespmem:s28+$0xFFFFFFD0]  }
0x4d: {  	v0 =	vadd.f32 v2, v0;
	v2 =	vshll.u32 v3, $0x10  }
0x4e: {  	v3 =	vand.u32 $0xFFFF0000, v3;
	v1 =	vadd.f32 v2, v1;
	v2 =	vld [tilespmem:s28+$0x10]  }
0x4f: {  	v0 =	vadd.f32 v3, v0;
	v3 =	vshll.u32 v5, $0x10  }
0x50: {  	v5 =	vand.u32 $0xFFFF0000, v5;
	v1 =	vadd.f32 v3, v1;
	v3 =	vld [tilespmem:s28+$0x50]  }
0x51: {  	v0 =	vadd.f32 v5, v0;
	v5 =	vshll.u32 v4, $0x10  }
0x52: {  	v4 =	vand.u32 $0xFFFF0000, v4;
	v1 =	vadd.f32 v5, v1;
	v5 =	vld [tilespmem:s28+$0x90]  }
0x53: {  	v0 =	vadd.f32 v4, v0;
	v4 =	vshll.u32 v2, $0x10  }
0x54: {  	v2 =	vand.u32 $0xFFFF0000, v2;
	v1 =	vadd.f32 v4, v1;
	v4 =	vld [tilespmem:s28+$0xD0]  }
0x55: {  	v0 =	vadd.f32 v2, v0;
	v2 =	vshll.u32 v3, $0x10  }
0x56: {  	v3 =	vand.u32 $0xFFFF0000, v3;
	v1 =	vadd.f32 v2, v1;
	v2 =	vld [tilespmem:s28+$0x110]  }
0x57: {  	v0 =	vadd.f32 v3, v0;
	v3 =	vshll.u32 v5, $0x10  }
0x58: {  	v5 =	vand.u32 $0xFFFF0000, v5;
	v1 =	vadd.f32 v3, v1  }
0x59: {  	v0 =	vadd.f32 v5, v0;
	v3 =	vshll.u32 v4, $0x10  }
0x5a: {  	v4 =	vand.u32 $0xFFFF0000, v4;
	v1 =	vadd.f32 v3, v1  }
0x5b: {  	v0 =	vadd.f32 v4, v0;
	v3 =	vshll.u32 v2, $0x10  }
0x5c: {  	v2 =	vand.u32 $0xFFFF0000, v2;
	v1 =	vadd.f32 v3, v1  }
0x5d: {  	v0 =	vadd.f32 v2, v0  }
0x5e: {  	v1 =	vmax.f32 v1, $0.0e+00  }
0x5f: {  	v0 =	vmax.f32 v0, $0.0e+00;
	[tilespmem:s29+$0xFFFFFFE0] =	vst v1  }
0x60: {  	[tilespmem:s29+$0xFFFFFFF0] =	vst v0  }
0x61: {  	v0 =	vld [tilespmem:s1+$0x63A0]  }
0x62: {  	v1 =	vld [tilespmem:s28+$0xFFFFFEE0];
	_ =	sdelay $0x1  }
0x63: {  	v2 =	vld [tilespmem:s28+$0xFFFFFF20];
	_ =	sdelay $0x1  }
0x64: {  	v3 =	vld [tilespmem:s28+$0xFFFFFF60]  }
0x65: {  	v4 =	vshll.u32 v0, $0x10;
	v5 =	vshll.u32 v1, $0x10  }
0x66: {  	v0 =	vand.u32 $0xFFFF0000, v0;
	v1 =	vand.u32 $0xFFFF0000, v1;
	v4 =	vadd.f32 v5, v4;
	v5 =	vld [tilespmem:s28+$0xFFFFFFA0]  }
0x67: {  	v0 =	vadd.f32 v1, v0;
	v1 =	vshll.u32 v2, $0x10  }
0x68: {  	v2 =	vand.u32 $0xFFFF0000, v2;
	v1 =	vadd.f32 v1, v4;
	v4 =	vld [tilespmem:s28+$0xFFFFFFE0]  }
0x69: {  	v0 =	vadd.f32 v2, v0;
	v2 =	vshll.u32 v3, $0x10  }
0x6a: {  	v3 =	vand.u32 $0xFFFF0000, v3;
	v1 =	vadd.f32 v2, v1;
	v2 =	vld [tilespmem:s28+$0x20]  }
0x6b: {  	v0 =	vadd.f32 v3, v0;
	v3 =	vshll.u32 v5, $0x10  }
0x6c: {  	v5 =	vand.u32 $0xFFFF0000, v5;
	v1 =	vadd.f32 v3, v1;
	v3 =	vld [tilespmem:s28+$0x60]  }
0x6d: {  	v0 =	vadd.f32 v5, v0;
	v5 =	vshll.u32 v4, $0x10  }
0x6e: {  	v4 =	vand.u32 $0xFFFF0000, v4;
	v1 =	vadd.f32 v5, v1;
	v5 =	vld [tilespmem:s28+$0xA0]  }
0x6f: {  	v0 =	vadd.f32 v4, v0;
	v4 =	vshll.u32 v2, $0x10  }
0x70: {  	v2 =	vand.u32 $0xFFFF0000, v2;
	v1 =	vadd.f32 v4, v1;
	v4 =	vld [tilespmem:s28+$0xE0]  }
0x71: {  	v0 =	vadd.f32 v2, v0;
	v2 =	vshll.u32 v3, $0x10  }
0x72: {  	v3 =	vand.u32 $0xFFFF0000, v3;
	v1 =	vadd.f32 v2, v1;
	v2 =	vld [tilespmem:s28+$0x120]  }
0x73: {  	v0 =	vadd.f32 v3, v0;
	v3 =	vshll.u32 v5, $0x10  }
0x74: {  	v5 =	vand.u32 $0xFFFF0000, v5;
	v1 =	vadd.f32 v3, v1  }
0x75: {  	v0 =	vadd.f32 v5, v0;
	v3 =	vshll.u32 v4, $0x10  }
0x76: {  	v4 =	vand.u32 $0xFFFF0000, v4;
	v1 =	vadd.f32 v3, v1  }
0x77: {  	v0 =	vadd.f32 v4, v0;
	v3 =	vshll.u32 v2, $0x10  }
0x78: {  	v2 =	vand.u32 $0xFFFF0000, v2;
	v1 =	vadd.f32 v3, v1  }
0x79: {  	v0 =	vadd.f32 v2, v0  }
0x7a: {  	v1 =	vmax.f32 v1, $0.0e+00  }
0x7b: {  	v0 =	vmax.f32 v0, $0.0e+00;
	[tilespmem:s29+$0x0] =	vst v1  }
0x7c: {  	[tilespmem:s29+$0x10] =	vst v0  }
0x7d: {  	v0 =	vld [tilespmem:s1+$0x63B0]  }
0x7e: {  	v1 =	vld [tilespmem:s28+$0xFFFFFEF0];
	_ =	sdelay $0x1  }
0x7f: {  	v2 =	vld [tilespmem:s28+$0xFFFFFF30];
	_ =	sdelay $0x1  }
0x80: {  	v3 =	vld [tilespmem:s28+$0xFFFFFF70];
	v4 =	vshll.u32 v0, $0x10  }
0x81: {  	v0 =	vand.u32 $0xFFFF0000, v0;
	v5 =	vshll.u32 v1, $0x10;
	v1 =	vand.u32 $0xFFFF0000, v1  }
0x82: {  	v6 =	vld [tilespmem:s28+$0xFFFFFFB0];
	v4 =	vadd.f32 v5, v4;
	v0 =	vadd.f32 v1, v0  }
0x83: {  	v1 =	vshll.u32 v2, $0x10;
	v2 =	vand.u32 $0xFFFF0000, v2  }
0x84: {  	v5 =	vld [tilespmem:s28+$0xFFFFFFF0];
	v1 =	vadd.f32 v1, v4;
	v0 =	vadd.f32 v2, v0  }
0x85: {  	v2 =	vshll.u32 v3, $0x10;
	v3 =	vand.u32 $0xFFFF0000, v3  }
0x86: {  	v4 =	vld [tilespmem:s28+$0x30];
	v1 =	vadd.f32 v2, v1;
	v0 =	vadd.f32 v3, v0  }
0x87: {  	v7 =	vld [tilespmem:s28+$0xB0];
	v2 =	vshll.u32 v6, $0x10;
	v6 =	vand.u32 $0xFFFF0000, v6  }
0x88: {  	v3 =	vld [tilespmem:s28+$0x70];
	v1 =	vadd.f32 v2, v1;
	v0 =	vadd.f32 v6, v0  }
0x89: {  	v2 =	vshll.u32 v5, $0x10;
	v5 =	vand.u32 $0xFFFF0000, v5  }
0x8a: {  	v1 =	vadd.f32 v2, v1;
	v0 =	vadd.f32 v5, v0  }
0x8b: {  	v2 =	vshll.u32 v4, $0x10;
	v4 =	vand.u32 $0xFFFF0000, v4  }
0x8c: {  	v5 =	vadd.f32 v2, v1;
	v6 =	vadd.f32 v4, v0;
	v0 =	vld [tilespmem:s28+$0xF0]  }
0x8d: {  	v8 =	vand.u32 $0xFFFF0000, v3;
	v2 =	vshll.u32 v7, $0x10;
	v4 =	vshll.u32 v3, $0x10  }
0x8e: {  	s30 =	sshll.u32 s25, $0x1;
	s31 =	simm.s32 $0x13FF0;
	s1 =	simm.s32 $0x1C0;
	v1 =	vld [tilespmem:s28+$0x130];
	v3 =	vand.u32 $0xFFFF0000, v7;
	v4 =	vadd.f32 v4, v5;
	v5 =	vadd.f32 v8, v6  }
.LBB2_3:
0x8f: {  	p1 =	sne.s32 s1, $0x27C0;
	s29 =	sadd.s32 $0x80, s29;
	s28 =	sadd.s32 $0x280, s28  }
0x90: {  	s0 =	smov.u32 s1;
	s1 =	sadd.s32 $0x100, s1;
	v2 =	vadd.f32 v2, v4;
	v3 =	vadd.f32 v3, v5  }
0x91: {  	v4 =	vshll.u32 v0, $0x10;
	v0 =	vand.u32 $0xFFFF0000, v0  }
0x92: {  	v2 =	vadd.f32 v4, v2;
	v0 =	vadd.f32 v0, v3  }
0x93: {  	v3 =	vshll.u32 v1, $0x10;
	v1 =	vand.u32 $0xFFFF0000, v1  }
0x94: {  	v2 =	vadd.f32 v3, v2;
	v0 =	vadd.f32 v1, v0;
	_ =	sdelay $0x1  }
0x95: {  	v1 =	vmax.f32 v2, $0.0e+00;
	v0 =	vmax.f32 v0, $0.0e+00  }
0x96: {  	s0 =	sshra.s32 s0, $0x2;
	[tilespmem:s31+$0x20] =	vst v1  }
0x97: {  	[tilespmem:s31+$0x30] =	vst v0;
	s31 =	smov.u32 s29  }
0x98: {  	v0 =	vld [tilespmem:s0+$0x6380]  }
0x99: {  	v1 =	vld [tilespmem:s28+$0xFFFFFEC0]  }
0x9a: {  	v2 =	vld [tilespmem:s28+$0xFFFFFF00];
	_ =	sdelay $0x1  }
0x9b: {  	v3 =	vld [tilespmem:s28+$0xFFFFFF40]  }
0x9c: {  	v4 =	vand.u32 $0xFFFF0000, v0  }
0x9d: {  	v0 =	vshll.u32 v0, $0x10;
	v5 =	vshll.u32 v1, $0x10;
	v1 =	vand.u32 $0xFFFF0000, v1  }
0x9e: {  	v0 =	vadd.f32 v5, v0;
	v5 =	vshll.u32 v2, $0x10;
	v2 =	vand.u32 $0xFFFF0000, v2;
	v6 =	vld [tilespmem:s28+$0xFFFFFF80]  }
0x9f: {  	v1 =	vadd.f32 v1, v4  }
0xa0: {  	v0 =	vadd.f32 v5, v0;
	v4 =	vshll.u32 v3, $0x10;
	v3 =	vand.u32 $0xFFFF0000, v3;
	v5 =	vld [tilespmem:s28+$0xFFFFFFC0]  }
0xa1: {  	v1 =	vadd.f32 v2, v1  }
0xa2: {  	v0 =	vadd.f32 v4, v0;
	v2 =	vld [tilespmem:s28+$0x0]  }
0xa3: {  	v1 =	vadd.f32 v3, v1;
	v3 =	vshll.u32 v6, $0x10  }
0xa4: {  	v0 =	vadd.f32 v3, v0;
	v3 =	vand.u32 $0xFFFF0000, v6;
	v4 =	vld [tilespmem:s28+$0x40]  }
0xa5: {  	v1 =	vadd.f32 v3, v1;
	v3 =	vshll.u32 v5, $0x10  }
0xa6: {  	v0 =	vadd.f32 v3, v0;
	v3 =	vand.u32 $0xFFFF0000, v5;
	v5 =	vld [tilespmem:s28+$0x80]  }
0xa7: {  	v1 =	vadd.f32 v3, v1;
	v3 =	vshll.u32 v2, $0x10  }
0xa8: {  	v2 =	vand.u32 $0xFFFF0000, v2;
	v0 =	vadd.f32 v3, v0;
	v3 =	vld [tilespmem:s28+$0xC0]  }
0xa9: {  	v1 =	vadd.f32 v2, v1;
	v2 =	vshll.u32 v4, $0x10  }
0xaa: {  	v0 =	vadd.f32 v2, v0;
	v2 =	vand.u32 $0xFFFF0000, v4;
	v4 =	vld [tilespmem:s28+$0x100]  }
0xab: {  	v1 =	vadd.f32 v2, v1;
	v2 =	vshll.u32 v5, $0x10  }
0xac: {  	v0 =	vadd.f32 v2, v0;
	v2 =	vand.u32 $0xFFFF0000, v5  }
0xad: {  	v1 =	vadd.f32 v2, v1;
	v2 =	vshll.u32 v3, $0x10  }
0xae: {  	v0 =	vadd.f32 v2, v0;
	v2 =	vand.u32 $0xFFFF0000, v3  }
0xaf: {  	v1 =	vadd.f32 v2, v1;
	v2 =	vshll.u32 v4, $0x10  }
0xb0: {  	v0 =	vadd.f32 v2, v0;
	v2 =	vand.u32 $0xFFFF0000, v4  }
0xb1: {  	v1 =	vadd.f32 v2, v1  }
0xb2: {  	v0 =	vmax.f32 v0, $0.0e+00  }
0xb3: {  	[tilespmem:s29+$0xFFFFFFC0] =	vst v0;
	v0 =	vmax.f32 v1, $0.0e+00  }
0xb4: {  	[tilespmem:s29+$0xFFFFFFD0] =	vst v0  }
0xb5: {  	v0 =	vld [tilespmem:s0+$0x6390]  }
0xb6: {  	v1 =	vld [tilespmem:s28+$0xFFFFFED0]  }
0xb7: {  	v2 =	vld [tilespmem:s28+$0xFFFFFF50]  }
0xb8: {  	v3 =	vld [tilespmem:s28+$0xFFFFFF10];
	_ =	sdelay $0x1  }
0xb9: {  	v4 =	vand.u32 $0xFFFF0000, v0  }
0xba: {  	v0 =	vshll.u32 v0, $0x10;
	v5 =	vshll.u32 v1, $0x10;
	v1 =	vand.u32 $0xFFFF0000, v1  }
0xbb: {  	v0 =	vadd.f32 v5, v0;
	v1 =	vadd.f32 v1, v4;
	v4 =	vld [tilespmem:s28+$0xFFFFFF90]  }
0xbc: {  	v5 =	vshll.u32 v3, $0x10;
	v3 =	vand.u32 $0xFFFF0000, v3  }
0xbd: {  	v0 =	vadd.f32 v5, v0;
	v1 =	vadd.f32 v3, v1;
	v3 =	vld [tilespmem:s28+$0xFFFFFFD0]  }
0xbe: {  	v5 =	vshll.u32 v2, $0x10;
	v2 =	vand.u32 $0xFFFF0000, v2  }
0xbf: {  	v0 =	vadd.f32 v5, v0;
	v1 =	vadd.f32 v2, v1;
	v2 =	vld [tilespmem:s28+$0x10]  }
0xc0: {  	v5 =	vshll.u32 v4, $0x10;
	v4 =	vand.u32 $0xFFFF0000, v4  }
0xc1: {  	v0 =	vadd.f32 v5, v0;
	v1 =	vadd.f32 v4, v1;
	v4 =	vld [tilespmem:s28+$0x50]  }
0xc2: {  	v5 =	vshll.u32 v3, $0x10;
	v3 =	vand.u32 $0xFFFF0000, v3  }
0xc3: {  	v0 =	vadd.f32 v5, v0;
	v1 =	vadd.f32 v3, v1;
	v3 =	vld [tilespmem:s28+$0x90]  }
0xc4: {  	v5 =	vshll.u32 v2, $0x10;
	v2 =	vand.u32 $0xFFFF0000, v2  }
0xc5: {  	v0 =	vadd.f32 v5, v0;
	v1 =	vadd.f32 v2, v1;
	v2 =	vld [tilespmem:s28+$0xD0]  }
0xc6: {  	v5 =	vshll.u32 v4, $0x10;
	v4 =	vand.u32 $0xFFFF0000, v4  }
0xc7: {  	v0 =	vadd.f32 v5, v0;
	v1 =	vadd.f32 v4, v1;
	v4 =	vld [tilespmem:s28+$0x110]  }
0xc8: {  	v5 =	vshll.u32 v3, $0x10;
	v3 =	vand.u32 $0xFFFF0000, v3  }
0xc9: {  	v0 =	vadd.f32 v5, v0;
	v1 =	vadd.f32 v3, v1  }
0xca: {  	v3 =	vshll.u32 v2, $0x10;
	v2 =	vand.u32 $0xFFFF0000, v2  }
0xcb: {  	v0 =	vadd.f32 v3, v0;
	v1 =	vadd.f32 v2, v1  }
0xcc: {  	v2 =	vshll.u32 v4, $0x10;
	v3 =	vand.u32 $0xFFFF0000, v4  }
0xcd: {  	v0 =	vadd.f32 v2, v0;
	v1 =	vadd.f32 v3, v1;
	_ =	sdelay $0x1  }
0xce: {  	v0 =	vmax.f32 v0, $0.0e+00;
	v1 =	vmax.f32 v1, $0.0e+00  }
0xcf: {  	[tilespmem:s29+$0xFFFFFFE0] =	vst v0  }
0xd0: {  	[tilespmem:s29+$0xFFFFFFF0] =	vst v1  }
0xd1: {  	v0 =	vld [tilespmem:s0+$0x63A0]  }
0xd2: {  	v1 =	vld [tilespmem:s28+$0xFFFFFEE0];
	_ =	sdelay $0x1  }
0xd3: {  	v2 =	vld [tilespmem:s28+$0xFFFFFF20];
	_ =	sdelay $0x1  }
0xd4: {  	v3 =	vshll.u32 v0, $0x10;
	v4 =	vld [tilespmem:s28+$0xFFFFFF60]  }
0xd5: {  	v0 =	vand.u32 $0xFFFF0000, v0;
	v5 =	vshll.u32 v1, $0x10;
	v1 =	vand.u32 $0xFFFF0000, v1  }
0xd6: {  	v3 =	vadd.f32 v5, v3;
	v0 =	vadd.f32 v1, v0;
	v1 =	vld [tilespmem:s28+$0xFFFFFFA0]  }
0xd7: {  	v5 =	vshll.u32 v2, $0x10;
	v2 =	vand.u32 $0xFFFF0000, v2  }
0xd8: {  	v3 =	vadd.f32 v5, v3;
	v0 =	vadd.f32 v2, v0;
	v2 =	vld [tilespmem:s28+$0xFFFFFFE0]  }
0xd9: {  	v5 =	vshll.u32 v4, $0x10;
	v4 =	vand.u32 $0xFFFF0000, v4  }
0xda: {  	v3 =	vadd.f32 v5, v3;
	v0 =	vadd.f32 v4, v0;
	v4 =	vld [tilespmem:s28+$0x20]  }
0xdb: {  	v5 =	vshll.u32 v1, $0x10;
	v1 =	vand.u32 $0xFFFF0000, v1  }
0xdc: {  	v3 =	vadd.f32 v5, v3;
	v0 =	vadd.f32 v1, v0;
	v1 =	vld [tilespmem:s28+$0x60]  }
0xdd: {  	v5 =	vshll.u32 v2, $0x10;
	v2 =	vand.u32 $0xFFFF0000, v2  }
0xde: {  	v3 =	vadd.f32 v5, v3;
	v0 =	vadd.f32 v2, v0;
	v2 =	vld [tilespmem:s28+$0xA0]  }
0xdf: {  	v5 =	vshll.u32 v4, $0x10;
	v4 =	vand.u32 $0xFFFF0000, v4  }
0xe0: {  	v3 =	vadd.f32 v5, v3;
	v0 =	vadd.f32 v4, v0;
	v4 =	vld [tilespmem:s28+$0xE0]  }
0xe1: {  	v5 =	vshll.u32 v1, $0x10;
	v1 =	vand.u32 $0xFFFF0000, v1  }
0xe2: {  	v3 =	vadd.f32 v5, v3;
	v0 =	vadd.f32 v1, v0;
	v1 =	vld [tilespmem:s28+$0x120]  }
0xe3: {  	v5 =	vshll.u32 v2, $0x10;
	v2 =	vand.u32 $0xFFFF0000, v2  }
0xe4: {  	v3 =	vadd.f32 v5, v3;
	v0 =	vadd.f32 v2, v0  }
0xe5: {  	v2 =	vshll.u32 v4, $0x10;
	v4 =	vand.u32 $0xFFFF0000, v4  }
0xe6: {  	v2 =	vadd.f32 v2, v3;
	v0 =	vadd.f32 v4, v0  }
0xe7: {  	v3 =	vshll.u32 v1, $0x10;
	v1 =	vand.u32 $0xFFFF0000, v1  }
0xe8: {  	v2 =	vadd.f32 v3, v2;
	v0 =	vadd.f32 v1, v0;
	_ =	sdelay $0x1  }
0xe9: {  	v1 =	vmax.f32 v2, $0.0e+00;
	v0 =	vmax.f32 v0, $0.0e+00  }
0xea: {  	[tilespmem:s29+$0x0] =	vst v1  }
0xeb: {  	[tilespmem:s29+$0x10] =	vst v0  }
0xec: {  	v0 =	vld [tilespmem:s0+$0x63B0]  }
0xed: {  	v1 =	vld [tilespmem:s28+$0xFFFFFEF0]  }
0xee: {  	v2 =	vld [tilespmem:s28+$0xFFFFFF30]  }
0xef: {  	v3 =	vld [tilespmem:s28+$0xFFFFFF70]  }
0xf0: {  	v4 =	vld [tilespmem:s28+$0xFFFFFFB0]  }
0xf1: {  	v5 =	vshll.u32 v0, $0x10;
	v6 =	vld [tilespmem:s28+$0xFFFFFFF0]  }
0xf2: {  	v0 =	vand.u32 $0xFFFF0000, v0;
	v7 =	vshll.u32 v1, $0x10;
	v1 =	vand.u32 $0xFFFF0000, v1;
	v8 =	vld [tilespmem:s28+$0x30]  }
0xf3: {  	v5 =	vadd.f32 v7, v5;
	v0 =	vadd.f32 v1, v0;
	v7 =	vld [tilespmem:s28+$0x70]  }
0xf4: {  	v1 =	vshll.u32 v2, $0x10;
	v2 =	vand.u32 $0xFFFF0000, v2;
	v9 =	vld [tilespmem:s28+$0xB0]  }
0xf5: {  	v5 =	vadd.f32 v1, v5;
	v2 =	vadd.f32 v2, v0;
	v0 =	vld [tilespmem:s28+$0xF0]  }
0xf6: {  	v10 =	vshll.u32 v3, $0x10;
	v3 =	vand.u32 $0xFFFF0000, v3;
	v1 =	vld [tilespmem:s28+$0x130]  }
0xf7: {  	v5 =	vadd.f32 v10, v5;
	v2 =	vadd.f32 v3, v2  }
0xf8: {  	v3 =	vshll.u32 v4, $0x10;
	v4 =	vand.u32 $0xFFFF0000, v4  }
0xf9: {  	v5 =	vadd.f32 v3, v5;
	v4 =	vadd.f32 v4, v2;
	v2 =	vshll.u32 v9, $0x10  }
0xfa: {  	v10 =	vshll.u32 v6, $0x10;
	v6 =	vand.u32 $0xFFFF0000, v6;
	v3 =	vand.u32 $0xFFFF0000, v9  }
.Ltmp0:
0xfb: {  	v5 =	vadd.f32 v10, v5;
	v4 =	vadd.f32 v6, v4;
	(pc) =	sbr.rel @p1 .LBB2_3-.Ltmp0, $4  }
0xfc: {  	v6 =	vshll.u32 v8, $0x10;
	v8 =	vand.u32 $0xFFFF0000, v8  }
0xfd: {  	v5 =	vadd.f32 v6, v5;
	v6 =	vadd.f32 v8, v4  }
0xfe: {  	v4 =	vshll.u32 v7, $0x10;
	v7 =	vand.u32 $0xFFFF0000, v7  }
0xff: {  	v4 =	vadd.f32 v4, v5;
	v5 =	vadd.f32 v7, v6  }
0x100: {  	_ = 	snop  }
0x101: {  	v2 =	vadd.f32 v2, v4  }
0x102: {  	v3 =	vadd.f32 v3, v5;
	v4 =	vshll.u32 v0, $0x10  }
0x103: {  	v0 =	vand.u32 $0xFFFF0000, v0;
	v2 =	vadd.f32 v4, v2  }
0x104: {  	v0 =	vadd.f32 v0, v3;
	v3 =	vshll.u32 v1, $0x10  }
0x105: {  	s0 =	smul.u32 $0x50, s25;
	v1 =	vand.u32 $0xFFFF0000, v1;
	v2 =	vadd.f32 v3, v2  }
0x106: {  	v0 =	vadd.f32 v1, v0  }
0x107: {  	s0 =	sadd.s32 s3, s0;
	v1 =	vmax.f32 v2, $0.0e+00  }
0x108: {  	s0 =	sshll.u32 s0, $0x4;
	v0 =	vmax.f32 v0, $0.0e+00;
	[tilespmem:s31+$0x20] =	vst v1  }
0x109: {  	s0 =	sadd.s32 s6, s0;
	[tilespmem:s31+$0x30] =	vst v0  }
0x10a: {  	[hbm4b:s0+s4] =	stream.linear.scatter [tilespmem:s19], [sflag:$0x3], $0x1400, $0x38;
	[tilespmem:$0x167B0] =	vst v63  }
0x10b: {  	s0 =	sadd.s32 $0x2, s30;
	_ =	swait.ge [sflag:s20], $0xA00  }
0x10c: {  	p1 =	sge.u32 s0, s7;
	[sflag:s20] =	ssyncset.done $0x0  }
0x10d: {  	s1 =	smul.u32 @!p1 $0xA0, s0;
	[sflag:s20] =	ssyncadd.s32 $0xFFFFF600  }
0x10e: {  	s0 =	smul.u32 @!p1 $0x640, s0;
	_ =	swait.ge [sflag:s20], $0x6400  }
0x10f: {  	s28 =	simm.s32 @!p1 $0x28;
	s29 =	simm.s32 @!p1 $0x63B0;
	[sflag:s20] =	ssyncset.done $0x0  }
0x110: {  	s1 =	sshra.s32 @!p1 s1, $0x2;
	s0 =	sshra.s32 @!p1 s0, $0x2;
	[sflag:s20] =	ssyncadd.s32 $0xFFFF9C00  }
0x111: {  	[tilespmem:s29], [sflag:$0x1] =	stream.indirect.gather @!p1 [hbm4b:s2+s28], $0x40, s1, s28, $0xb8;
	[tilespmem:$0x167B0] =	vst v63  }
0x112: {  	s0 =	sadd.s32 @!p1 $0x910, s0;
	s1 =	simm.s32 @!p1 $0x190;
	s28 =	simm.s32 @!p1 $0x77B0  }
0x113: {  	[tilespmem:s28], [sflag:$0x1] =	stream.indirect.gather @!p1 [hbm4b:s5+s1], $0x40, s0, s1, $0xb8;
	[tilespmem:$0x167B0] =	vst v63  }
0x114: {  	s0 =	simm.s32 @!p0 $0x4  }
0x115: {  	_ =	swait.ge @!p0 [sflag:s0], $0x1400  }
0x116: {  	[sflag:s0] =	ssyncset.done @!p0 $0x0  }
0x117: {  	s28 =	simm.s32 $0x6DE0;
	[sflag:s0] =	ssyncadd.s32 @!p0 $0xFFFFEC00  }
0x118: {  	s31 =	simm.s32 $0x0;
	v0 =	vld [tilespmem:s28+$0xFFFFFFD0]  }
0x119: {  	v1 =	vld [tilespmem:s31+$0xDBB0];
	_ =	sdelay $0x1  }
0x11a: {  	v2 =	vld [tilespmem:s31+$0xDBF0];
	_ =	sdelay $0x1  }
0x11b: {  	v3 =	vld [tilespmem:s31+$0xDC30]  }
0x11c: {  	v4 =	vshll.u32 v0, $0x10;
	v5 =	vshll.u32 v1, $0x10  }
0x11d: {  	v0 =	vand.u32 $0xFFFF0000, v0;
	v1 =	vand.u32 $0xFFFF0000, v1;
	v4 =	vadd.f32 v5, v4;
	v5 =	vld [tilespmem:s31+$0xDC70]  }
0x11e: {  	v0 =	vadd.f32 v1, v0;
	v1 =	vshll.u32 v2, $0x10  }
0x11f: {  	v2 =	vand.u32 $0xFFFF0000, v2;
	v1 =	vadd.f32 v1, v4;
	v4 =	vld [tilespmem:s31+$0xDCB0]  }
0x120: {  	v6 =	vshll.u32 v3, $0x10;
	v0 =	vadd.f32 v2, v0  }
0x121: {  	v2 =	vand.u32 $0xFFFF0000, v3;
	v3 =	vld [tilespmem:s31+$0xDCF0];
	v1 =	vadd.f32 v6, v1  }
0x122: {  	v0 =	vadd.f32 v2, v0;
	v2 =	vshll.u32 v5, $0x10  }
0x123: {  	v5 =	vand.u32 $0xFFFF0000, v5;
	v1 =	vadd.f32 v2, v1;
	v2 =	vld [tilespmem:s31+$0xDD30]  }
0x124: {  	v0 =	vadd.f32 v5, v0;
	v5 =	vshll.u32 v4, $0x10  }
0x125: {  	v4 =	vand.u32 $0xFFFF0000, v4;
	v1 =	vadd.f32 v5, v1;
	v5 =	vld [tilespmem:s31+$0xDD70]  }
0x126: {  	v0 =	vadd.f32 v4, v0;
	v4 =	vshll.u32 v3, $0x10  }
0x127: {  	v3 =	vand.u32 $0xFFFF0000, v3;
	v1 =	vadd.f32 v4, v1;
	v4 =	vld [tilespmem:s31+$0xDDB0]  }
0x128: {  	v0 =	vadd.f32 v3, v0;
	v3 =	vshll.u32 v2, $0x10  }
0x129: {  	v2 =	vand.u32 $0xFFFF0000, v2;
	v1 =	vadd.f32 v3, v1;
	v3 =	vld [tilespmem:s31+$0xDDF0]  }
0x12a: {  	v0 =	vadd.f32 v2, v0;
	v2 =	vshll.u32 v5, $0x10  }
0x12b: {  	v5 =	vand.u32 $0xFFFF0000, v5;
	v1 =	vadd.f32 v2, v1  }
0x12c: {  	v0 =	vadd.f32 v5, v0;
	v2 =	vshll.u32 v4, $0x10  }
0x12d: {  	v4 =	vand.u32 $0xFFFF0000, v4;
	v1 =	vadd.f32 v2, v1  }
0x12e: {  	v0 =	vadd.f32 v4, v0;
	v2 =	vshll.u32 v3, $0x10  }
0x12f: {  	v3 =	vand.u32 $0xFFFF0000, v3;
	v1 =	vadd.f32 v2, v1  }
0x130: {  	v0 =	vadd.f32 v3, v0  }
0x131: {  	s29 =	simm.s32 $0x15420;
	v1 =	vmax.f32 v1, $0.0e+00  }
0x132: {  	v0 =	vmax.f32 v0, $0.0e+00;
	[tilespmem:s29+$0xFFFFFF90] =	vst v1  }
0x133: {  	[tilespmem:s29+$0xFFFFFFA0] =	vst v0  }
0x134: {  	v0 =	vld [tilespmem:s28+$0xFFFFFFE0]  }
0x135: {  	v1 =	vld [tilespmem:s31+$0xDBC0];
	_ =	sdelay $0x1  }
0x136: {  	v2 =	vld [tilespmem:s31+$0xDC00];
	_ =	sdelay $0x1  }
0x137: {  	v3 =	vld [tilespmem:s31+$0xDC40]  }
0x138: {  	v4 =	vshll.u32 v0, $0x10;
	v5 =	vshll.u32 v1, $0x10  }
0x139: {  	v0 =	vand.u32 $0xFFFF0000, v0;
	v1 =	vand.u32 $0xFFFF0000, v1;
	v4 =	vadd.f32 v5, v4;
	v5 =	vld [tilespmem:s31+$0xDC80]  }
0x13a: {  	v0 =	vadd.f32 v1, v0;
	v1 =	vshll.u32 v2, $0x10  }
0x13b: {  	v2 =	vand.u32 $0xFFFF0000, v2;
	v1 =	vadd.f32 v1, v4;
	v4 =	vld [tilespmem:s31+$0xDCC0]  }
0x13c: {  	v0 =	vadd.f32 v2, v0;
	v2 =	vshll.u32 v3, $0x10  }
0x13d: {  	v3 =	vand.u32 $0xFFFF0000, v3;
	v1 =	vadd.f32 v2, v1;
	v2 =	vld [tilespmem:s31+$0xDD00]  }
0x13e: {  	v0 =	vadd.f32 v3, v0;
	v3 =	vshll.u32 v5, $0x10  }
0x13f: {  	v5 =	vand.u32 $0xFFFF0000, v5;
	v1 =	vadd.f32 v3, v1;
	v3 =	vld [tilespmem:s31+$0xDD40]  }
0x140: {  	v0 =	vadd.f32 v5, v0;
	v5 =	vshll.u32 v4, $0x10  }
0x141: {  	v4 =	vand.u32 $0xFFFF0000, v4;
	v1 =	vadd.f32 v5, v1;
	v5 =	vld [tilespmem:s31+$0xDD80]  }
0x142: {  	v0 =	vadd.f32 v4, v0;
	v4 =	vshll.u32 v2, $0x10  }
0x143: {  	v2 =	vand.u32 $0xFFFF0000, v2;
	v1 =	vadd.f32 v4, v1;
	v4 =	vld [tilespmem:s31+$0xDDC0]  }
0x144: {  	v0 =	vadd.f32 v2, v0;
	v2 =	vshll.u32 v3, $0x10  }
0x145: {  	v3 =	vand.u32 $0xFFFF0000, v3;
	v1 =	vadd.f32 v2, v1;
	v2 =	vld [tilespmem:s31+$0xDE00]  }
0x146: {  	v0 =	vadd.f32 v3, v0;
	v3 =	vshll.u32 v5, $0x10  }
0x147: {  	v5 =	vand.u32 $0xFFFF0000, v5;
	v1 =	vadd.f32 v3, v1  }
0x148: {  	v0 =	vadd.f32 v5, v0;
	v3 =	vshll.u32 v4, $0x10  }
0x149: {  	v4 =	vand.u32 $0xFFFF0000, v4;
	v1 =	vadd.f32 v3, v1  }
0x14a: {  	v0 =	vadd.f32 v4, v0;
	v3 =	vshll.u32 v2, $0x10  }
0x14b: {  	v2 =	vand.u32 $0xFFFF0000, v2;
	v1 =	vadd.f32 v3, v1  }
0x14c: {  	v0 =	vadd.f32 v2, v0  }
0x14d: {  	v1 =	vmax.f32 v1, $0.0e+00  }
0x14e: {  	v0 =	vmax.f32 v0, $0.0e+00;
	[tilespmem:s29+$0xFFFFFFB0] =	vst v1  }
0x14f: {  	[tilespmem:s29+$0xFFFFFFC0] =	vst v0  }
0x150: {  	v0 =	vld [tilespmem:s28+$0xFFFFFFF0]  }
0x151: {  	v1 =	vld [tilespmem:s31+$0xDBD0];
	_ =	sdelay $0x1  }
0x152: {  	v2 =	vld [tilespmem:s31+$0xDC10];
	_ =	sdelay $0x1  }
0x153: {  	v3 =	vld [tilespmem:s31+$0xDC50]  }
0x154: {  	v4 =	vshll.u32 v0, $0x10;
	v5 =	vshll.u32 v1, $0x10  }
0x155: {  	v6 =	vld [tilespmem:s31+$0xDC90];
	v0 =	vand.u32 $0xFFFF0000, v0;
	v1 =	vand.u32 $0xFFFF0000, v1;
	v4 =	vadd.f32 v5, v4  }
0x156: {  	v0 =	vadd.f32 v1, v0;
	v1 =	vshll.u32 v2, $0x10  }
0x157: {  	v5 =	vld [tilespmem:s31+$0xDCD0];
	v2 =	vand.u32 $0xFFFF0000, v2;
	v1 =	vadd.f32 v1, v4  }
0x158: {  	v0 =	vadd.f32 v2, v0;
	v2 =	vshll.u32 v3, $0x10  }
0x159: {  	v4 =	vld [tilespmem:s31+$0xDD10];
	v3 =	vand.u32 $0xFFFF0000, v3;
	v1 =	vadd.f32 v2, v1  }
0x15a: {  	v0 =	vadd.f32 v3, v0;
	v2 =	vshll.u32 v6, $0x10  }
0x15b: {  	v3 =	vld [tilespmem:s31+$0xDD50];
	v6 =	vand.u32 $0xFFFF0000, v6;
	v1 =	vadd.f32 v2, v1  }
0x15c: {  	v0 =	vadd.f32 v6, v0;
	v2 =	vshll.u32 v5, $0x10  }
0x15d: {  	v6 =	vld [tilespmem:s31+$0xDD90];
	v5 =	vand.u32 $0xFFFF0000, v5;
	v1 =	vadd.f32 v2, v1  }
0x15e: {  	v0 =	vadd.f32 v5, v0;
	v2 =	vshll.u32 v4, $0x10  }
0x15f: {  	v5 =	vld [tilespmem:s31+$0xDDD0];
	v4 =	vand.u32 $0xFFFF0000, v4;
	v1 =	vadd.f32 v2, v1  }
0x160: {  	v0 =	vadd.f32 v4, v0;
	v2 =	vshll.u32 v3, $0x10  }
0x161: {  	v4 =	vld [tilespmem:s31+$0xDE10];
	v3 =	vand.u32 $0xFFFF0000, v3;
	v1 =	vadd.f32 v2, v1  }
0x162: {  	v0 =	vadd.f32 v3, v0;
	v2 =	vshll.u32 v6, $0x10  }
0x163: {  	v3 =	vand.u32 $0xFFFF0000, v6;
	v1 =	vadd.f32 v2, v1  }
0x164: {  	v0 =	vadd.f32 v3, v0;
	v2 =	vshll.u32 v5, $0x10  }
0x165: {  	v3 =	vand.u32 $0xFFFF0000, v5;
	v1 =	vadd.f32 v2, v1  }
0x166: {  	v0 =	vadd.f32 v3, v0;
	v2 =	vshll.u32 v4, $0x10  }
0x167: {  	v3 =	vand.u32 $0xFFFF0000, v4;
	v1 =	vadd.f32 v2, v1  }
0x168: {  	v0 =	vadd.f32 v3, v0  }
0x169: {  	v1 =	vmax.f32 v1, $0.0e+00  }
0x16a: {  	v0 =	vmax.f32 v0, $0.0e+00;
	[tilespmem:s29+$0xFFFFFFD0] =	vst v1  }
0x16b: {  	[tilespmem:s29+$0xFFFFFFE0] =	vst v0  }
0x16c: {  	v0 =	vld [tilespmem:s28+$0x0]  }
0x16d: {  	v1 =	vld [tilespmem:s31+$0xDBE0];
	_ =	sdelay $0x1  }
0x16e: {  	v2 =	vld [tilespmem:s31+$0xDC20];
	_ =	sdelay $0x1  }
0x16f: {  	v3 =	vld [tilespmem:s31+$0xDC60];
	v4 =	vand.u32 $0xFFFF0000, v0  }
0x170: {  	v0 =	vshll.u32 v0, $0x10;
	v5 =	vshll.u32 v1, $0x10;
	v1 =	vand.u32 $0xFFFF0000, v1  }
0x171: {  	v6 =	vld [tilespmem:s31+$0xDCA0];
	v0 =	vadd.f32 v5, v0;
	v1 =	vadd.f32 v1, v4  }
0x172: {  	v4 =	vshll.u32 v2, $0x10;
	v2 =	vand.u32 $0xFFFF0000, v2  }
0x173: {  	v5 =	vld [tilespmem:s31+$0xDCE0];
	v0 =	vadd.f32 v4, v0;
	v1 =	vadd.f32 v2, v1  }
0x174: {  	v7 =	vld [tilespmem:s31+$0xDD60];
	v2 =	vshll.u32 v3, $0x10;
	v3 =	vand.u32 $0xFFFF0000, v3  }
0x175: {  	v4 =	vld [tilespmem:s31+$0xDD20];
	v0 =	vadd.f32 v2, v0;
	v1 =	vadd.f32 v3, v1  }
0x176: {  	v2 =	vshll.u32 v6, $0x10;
	v3 =	vand.u32 $0xFFFF0000, v6  }
0x177: {  	v0 =	vadd.f32 v2, v0;
	v1 =	vadd.f32 v3, v1  }
0x178: {  	v3 =	vshll.u32 v5, $0x10;
	v5 =	vand.u32 $0xFFFF0000, v5  }
0x179: {  	v2 =	vld [tilespmem:s31+$0xDDA0];
	v6 =	vadd.f32 v3, v0;
	v8 =	vadd.f32 v5, v1  }
0x17a: {  	v9 =	vand.u32 $0xFFFF0000, v4;
	v1 =	vld [tilespmem:s31+$0xDDE0];
	v3 =	vshll.u32 v7, $0x10;
	v5 =	vshll.u32 v4, $0x10  }
0x17b: {  	s30 =	simm.s32 $0x15420;
	s1 =	simm.s32 $0xA00;
	v0 =	vld [tilespmem:s31+$0xDE20];
	v4 =	vand.u32 $0xFFFF0000, v7;
	v5 =	vadd.f32 v5, v6;
	v6 =	vadd.f32 v9, v8  }
.LBB2_5:
0x17c: {  	p0 =	sne.s32 s1, $0x18600;
	s29 =	sadd.s32 $0x80, s29;
	s28 =	sadd.s32 $0x40, s28  }
0x17d: {  	s0 =	smov.u32 s1;
	s1 =	sadd.s32 $0xA00, s1;
	v3 =	vadd.f32 v3, v5;
	v4 =	vadd.f32 v4, v6  }
0x17e: {  	v5 =	vshll.u32 v2, $0x10;
	v2 =	vand.u32 $0xFFFF0000, v2  }
0x17f: {  	v3 =	vadd.f32 v5, v3;
	v2 =	vadd.f32 v2, v4  }
0x180: {  	v4 =	vshll.u32 v1, $0x10;
	v1 =	vand.u32 $0xFFFF0000, v1  }
0x181: {  	v3 =	vadd.f32 v4, v3;
	v1 =	vadd.f32 v1, v2  }
0x182: {  	v2 =	vshll.u32 v0, $0x10;
	v0 =	vand.u32 $0xFFFF0000, v0  }
0x183: {  	v2 =	vadd.f32 v2, v3;
	v0 =	vadd.f32 v0, v1  }
0x184: {  	s31 =	sshra.s32 s0, $0x2  }
0x185: {  	v1 =	vmax.f32 v2, $0.0e+00;
	v0 =	vmax.f32 v0, $0.0e+00  }
0x186: {  	[tilespmem:s30+$0xFFFFFFF0] =	vst v1  }
0x187: {  	[tilespmem:s30+$0x0] =	vst v0;
	s30 =	smov.u32 s29  }
0x188: {  	v0 =	vld [tilespmem:s28+$0xFFFFFFD0]  }
0x189: {  	v1 =	vld [tilespmem:s31+$0xDBB0]  }
0x18a: {  	v2 =	vld [tilespmem:s31+$0xDBF0]  }
0x18b: {  	v3 =	vld [tilespmem:s31+$0xDC30];
	_ =	sdelay $0x1  }
0x18c: {  	v4 =	vshll.u32 v0, $0x10;
	v0 =	vand.u32 $0xFFFF0000, v0  }
0x18d: {  	v5 =	vshll.u32 v1, $0x10;
	v1 =	vand.u32 $0xFFFF0000, v1  }
0x18e: {  	v4 =	vadd.f32 v5, v4;
	v0 =	vadd.f32 v1, v0;
	v1 =	vld [tilespmem:s31+$0xDC70]  }
0x18f: {  	v5 =	vshll.u32 v2, $0x10;
	v2 =	vand.u32 $0xFFFF0000, v2;
	v6 =	vshll.u32 v3, $0x10  }
0x190: {  	v4 =	vadd.f32 v5, v4;
	v0 =	vadd.f32 v2, v0;
	v2 =	vand.u32 $0xFFFF0000, v3;
	v3 =	vld [tilespmem:s31+$0xDCB0];
	_ =	sdelay $0x1  }
0x191: {  	v4 =	vadd.f32 v6, v4;
	v0 =	vadd.f32 v2, v0;
	v2 =	vld [tilespmem:s31+$0xDCF0]  }
0x192: {  	v5 =	vshll.u32 v1, $0x10;
	v1 =	vand.u32 $0xFFFF0000, v1  }
0x193: {  	v4 =	vadd.f32 v5, v4;
	v0 =	vadd.f32 v1, v0;
	v1 =	vld [tilespmem:s31+$0xDD30]  }
0x194: {  	v5 =	vshll.u32 v3, $0x10;
	v3 =	vand.u32 $0xFFFF0000, v3  }
0x195: {  	v4 =	vadd.f32 v5, v4;
	v0 =	vadd.f32 v3, v0;
	v3 =	vld [tilespmem:s31+$0xDD70]  }
0x196: {  	v5 =	vshll.u32 v2, $0x10;
	v2 =	vand.u32 $0xFFFF0000, v2  }
0x197: {  	v4 =	vadd.f32 v5, v4;
	v0 =	vadd.f32 v2, v0;
	v2 =	vld [tilespmem:s31+$0xDDB0]  }
0x198: {  	v5 =	vshll.u32 v1, $0x10;
	v1 =	vand.u32 $0xFFFF0000, v1  }
0x199: {  	v4 =	vadd.f32 v5, v4;
	v0 =	vadd.f32 v1, v0;
	v1 =	vld [tilespmem:s31+$0xDDF0]  }
0x19a: {  	v5 =	vshll.u32 v3, $0x10;
	v3 =	vand.u32 $0xFFFF0000, v3  }
0x19b: {  	v4 =	vadd.f32 v5, v4;
	v0 =	vadd.f32 v3, v0  }
0x19c: {  	v3 =	vshll.u32 v2, $0x10;
	v2 =	vand.u32 $0xFFFF0000, v2  }
0x19d: {  	v3 =	vadd.f32 v3, v4;
	v0 =	vadd.f32 v2, v0  }
0x19e: {  	v2 =	vshll.u32 v1, $0x10;
	v1 =	vand.u32 $0xFFFF0000, v1  }
0x19f: {  	v2 =	vadd.f32 v2, v3;
	v0 =	vadd.f32 v1, v0;
	_ =	sdelay $0x1  }
0x1a0: {  	v1 =	vmax.f32 v2, $0.0e+00;
	v0 =	vmax.f32 v0, $0.0e+00  }
0x1a1: {  	[tilespmem:s29+$0xFFFFFF90] =	vst v1  }
0x1a2: {  	[tilespmem:s29+$0xFFFFFFA0] =	vst v0  }
0x1a3: {  	v0 =	vld [tilespmem:s28+$0xFFFFFFE0]  }
0x1a4: {  	v1 =	vld [tilespmem:s31+$0xDBC0]  }
0x1a5: {  	v2 =	vld [tilespmem:s31+$0xDC00];
	_ =	sdelay $0x2  }
0x1a6: {  	v3 =	vshll.u32 v0, $0x10;
	v4 =	vld [tilespmem:s31+$0xDC40]  }
0x1a7: {  	v0 =	vand.u32 $0xFFFF0000, v0;
	v5 =	vshll.u32 v1, $0x10;
	v1 =	vand.u32 $0xFFFF0000, v1  }
0x1a8: {  	v3 =	vadd.f32 v5, v3;
	v0 =	vadd.f32 v1, v0;
	v1 =	vld [tilespmem:s31+$0xDC80]  }
0x1a9: {  	v5 =	vshll.u32 v2, $0x10;
	v2 =	vand.u32 $0xFFFF0000, v2  }
0x1aa: {  	v3 =	vadd.f32 v5, v3;
	v0 =	vadd.f32 v2, v0;
	v2 =	vld [tilespmem:s31+$0xDCC0]  }
0x1ab: {  	v5 =	vshll.u32 v4, $0x10;
	v4 =	vand.u32 $0xFFFF0000, v4  }
0x1ac: {  	v3 =	vadd.f32 v5, v3;
	v0 =	vadd.f32 v4, v0;
	v4 =	vld [tilespmem:s31+$0xDD00]  }
0x1ad: {  	v5 =	vshll.u32 v1, $0x10;
	v1 =	vand.u32 $0xFFFF0000, v1  }
0x1ae: {  	v3 =	vadd.f32 v5, v3;
	v0 =	vadd.f32 v1, v0;
	v1 =	vld [tilespmem:s31+$0xDD40]  }
0x1af: {  	v5 =	vshll.u32 v2, $0x10;
	v2 =	vand.u32 $0xFFFF0000, v2  }
0x1b0: {  	v3 =	vadd.f32 v5, v3;
	v0 =	vadd.f32 v2, v0;
	v2 =	vld [tilespmem:s31+$0xDD80]  }
0x1b1: {  	v5 =	vshll.u32 v4, $0x10;
	v4 =	vand.u32 $0xFFFF0000, v4  }
0x1b2: {  	v3 =	vadd.f32 v5, v3;
	v0 =	vadd.f32 v4, v0;
	v4 =	vld [tilespmem:s31+$0xDDC0]  }
0x1b3: {  	v5 =	vshll.u32 v1, $0x10;
	v1 =	vand.u32 $0xFFFF0000, v1  }
0x1b4: {  	v3 =	vadd.f32 v5, v3;
	v0 =	vadd.f32 v1, v0;
	v1 =	vld [tilespmem:s31+$0xDE00]  }
0x1b5: {  	v5 =	vshll.u32 v2, $0x10;
	v2 =	vand.u32 $0xFFFF0000, v2  }
0x1b6: {  	v3 =	vadd.f32 v5, v3;
	v0 =	vadd.f32 v2, v0  }
0x1b7: {  	v2 =	vshll.u32 v4, $0x10;
	v4 =	vand.u32 $0xFFFF0000, v4  }
0x1b8: {  	v2 =	vadd.f32 v2, v3;
	v0 =	vadd.f32 v4, v0  }
0x1b9: {  	v3 =	vshll.u32 v1, $0x10;
	v1 =	vand.u32 $0xFFFF0000, v1  }
0x1ba: {  	v2 =	vadd.f32 v3, v2;
	v0 =	vadd.f32 v1, v0;
	_ =	sdelay $0x1  }
0x1bb: {  	v1 =	vmax.f32 v2, $0.0e+00;
	v0 =	vmax.f32 v0, $0.0e+00  }
0x1bc: {  	[tilespmem:s29+$0xFFFFFFB0] =	vst v1  }
0x1bd: {  	[tilespmem:s29+$0xFFFFFFC0] =	vst v0  }
0x1be: {  	v0 =	vld [tilespmem:s28+$0xFFFFFFF0]  }
0x1bf: {  	v1 =	vld [tilespmem:s31+$0xDBD0]  }
0x1c0: {  	v2 =	vld [tilespmem:s31+$0xDC10]  }
0x1c1: {  	v3 =	vld [tilespmem:s31+$0xDC50]  }
0x1c2: {  	v4 =	vld [tilespmem:s31+$0xDC90]  }
0x1c3: {  	v5 =	vshll.u32 v0, $0x10;
	v6 =	vld [tilespmem:s31+$0xDCD0]  }
0x1c4: {  	v0 =	vand.u32 $0xFFFF0000, v0;
	v7 =	vshll.u32 v1, $0x10;
	v1 =	vand.u32 $0xFFFF0000, v1;
	v8 =	vld [tilespmem:s31+$0xDD10]  }
0x1c5: {  	v5 =	vadd.f32 v7, v5;
	v0 =	vadd.f32 v1, v0;
	v1 =	vld [tilespmem:s31+$0xDD50]  }
0x1c6: {  	v7 =	vshll.u32 v2, $0x10;
	v2 =	vand.u32 $0xFFFF0000, v2;
	v9 =	vld [tilespmem:s31+$0xDD90]  }
0x1c7: {  	v5 =	vadd.f32 v7, v5;
	v0 =	vadd.f32 v2, v0;
	v2 =	vld [tilespmem:s31+$0xDDD0]  }
0x1c8: {  	v7 =	vshll.u32 v3, $0x10;
	v3 =	vand.u32 $0xFFFF0000, v3;
	v10 =	vld [tilespmem:s31+$0xDE10]  }
0x1c9: {  	v5 =	vadd.f32 v7, v5;
	v0 =	vadd.f32 v3, v0  }
0x1ca: {  	v3 =	vshll.u32 v4, $0x10;
	v4 =	vand.u32 $0xFFFF0000, v4  }
0x1cb: {  	v3 =	vadd.f32 v3, v5;
	v0 =	vadd.f32 v4, v0  }
0x1cc: {  	v4 =	vshll.u32 v6, $0x10;
	v5 =	vand.u32 $0xFFFF0000, v6  }
0x1cd: {  	v3 =	vadd.f32 v4, v3;
	v0 =	vadd.f32 v5, v0  }
0x1ce: {  	v4 =	vshll.u32 v8, $0x10;
	v5 =	vand.u32 $0xFFFF0000, v8  }
0x1cf: {  	v3 =	vadd.f32 v4, v3;
	v0 =	vadd.f32 v5, v0  }
0x1d0: {  	v4 =	vshll.u32 v1, $0x10;
	v1 =	vand.u32 $0xFFFF0000, v1  }
0x1d1: {  	v3 =	vadd.f32 v4, v3;
	v0 =	vadd.f32 v1, v0  }
0x1d2: {  	v1 =	vshll.u32 v9, $0x10;
	v4 =	vand.u32 $0xFFFF0000, v9  }
0x1d3: {  	v1 =	vadd.f32 v1, v3;
	v0 =	vadd.f32 v4, v0  }
0x1d4: {  	v3 =	vshll.u32 v2, $0x10;
	v2 =	vand.u32 $0xFFFF0000, v2  }
0x1d5: {  	v1 =	vadd.f32 v3, v1;
	v0 =	vadd.f32 v2, v0  }
0x1d6: {  	v2 =	vshll.u32 v10, $0x10;
	v3 =	vand.u32 $0xFFFF0000, v10  }
0x1d7: {  	v1 =	vadd.f32 v2, v1;
	v0 =	vadd.f32 v3, v0;
	_ =	sdelay $0x1  }
0x1d8: {  	v1 =	vmax.f32 v1, $0.0e+00;
	v0 =	vmax.f32 v0, $0.0e+00  }
0x1d9: {  	[tilespmem:s29+$0xFFFFFFD0] =	vst v1  }
0x1da: {  	[tilespmem:s29+$0xFFFFFFE0] =	vst v0  }
0x1db: {  	v0 =	vld [tilespmem:s28+$0x0]  }
0x1dc: {  	v1 =	vld [tilespmem:s31+$0xDBE0]  }
0x1dd: {  	v2 =	vld [tilespmem:s31+$0xDC20]  }
0x1de: {  	v3 =	vld [tilespmem:s31+$0xDC60]  }
0x1df: {  	v4 =	vld [tilespmem:s31+$0xDCA0]  }
0x1e0: {  	v5 =	vand.u32 $0xFFFF0000, v0;
	v6 =	vld [tilespmem:s31+$0xDCE0]  }
0x1e1: {  	v0 =	vshll.u32 v0, $0x10;
	v7 =	vshll.u32 v1, $0x10;
	v1 =	vand.u32 $0xFFFF0000, v1;
	v8 =	vld [tilespmem:s31+$0xDD20]  }
0x1e2: {  	v0 =	vadd.f32 v7, v0;
	v1 =	vadd.f32 v1, v5;
	v5 =	vld [tilespmem:s31+$0xDD60]  }
0x1e3: {  	v7 =	vshll.u32 v2, $0x10;
	v9 =	vand.u32 $0xFFFF0000, v2;
	v2 =	vld [tilespmem:s31+$0xDDA0]  }
0x1e4: {  	v7 =	vadd.f32 v7, v0;
	v9 =	vadd.f32 v9, v1;
	v1 =	vld [tilespmem:s31+$0xDDE0]  }
0x1e5: {  	v10 =	vshll.u32 v3, $0x10;
	v3 =	vand.u32 $0xFFFF0000, v3;
	v0 =	vld [tilespmem:s31+$0xDE20]  }
0x1e6: {  	v7 =	vadd.f32 v10, v7;
	v9 =	vadd.f32 v3, v9  }
0x1e7: {  	v10 =	vshll.u32 v4, $0x10;
	v4 =	vand.u32 $0xFFFF0000, v4;
	v3 =	vshll.u32 v5, $0x10  }
.Ltmp1:
0x1e8: {  	v7 =	vadd.f32 v10, v7;
	v9 =	vadd.f32 v4, v9;
	v4 =	vand.u32 $0xFFFF0000, v5;
	(pc) =	sbr.rel @p0 .LBB2_5-.Ltmp1, $4  }
0x1e9: {  	v5 =	vshll.u32 v6, $0x10;
	v6 =	vand.u32 $0xFFFF0000, v6  }
0x1ea: {  	v5 =	vadd.f32 v5, v7;
	v6 =	vadd.f32 v6, v9  }
0x1eb: {  	v7 =	vshll.u32 v8, $0x10;
	v8 =	vand.u32 $0xFFFF0000, v8  }
0x1ec: {  	v5 =	vadd.f32 v7, v5;
	v6 =	vadd.f32 v8, v6  }
0x1ed: {  	_ = 	snop  }
0x1ee: {  	v3 =	vadd.f32 v3, v5  }
0x1ef: {  	v57 =	vshll.u32 v2, $0x10;
	v4 =	vadd.f32 v4, v6  }
0x1f0: {  	v58 =	vand.u32 $0xFFFF0000, v2;
	v3 =	vadd.f32 v57, v3  }
0x1f1: {  	v59 =	vshll.u32 v1, $0x10;
	v2 =	vadd.f32 v58, v4  }
0x1f2: {  	v60 =	vand.u32 $0xFFFF0000, v1;
	v3 =	vadd.f32 v59, v3  }
0x1f3: {  	v61 =	vshll.u32 v0, $0x10;
	s0 =	smul.u32 $0x28, s26;
	s25 =	sadd.s32 $0x1, s25;
	v1 =	vadd.f32 v60, v2  }
0x1f4: {  	v62 =	vand.u32 $0xFFFF0000, v0;
	p0 =	sne.s32 s25, s10;
	v2 =	vadd.f32 v61, v3  }
.Ltmp2:
0x1f5: {  	s0 =	sadd.s32 s3, s0;
	v0 =	vadd.f32 v62, v1;
	(pc) =	sbr.rel @p0 .LBB2_2-.Ltmp2, $4  }
0x1f6: {  	s0 =	sshll.u32 s0, $0x4;
	v63 =	vmax.f32 v2, $0.0e+00  }
0x1f7: {  	s0 =	sand.u32 $0x1FFFFF80, s0;
	v0 =	vmax.f32 v0, $0.0e+00;
	[tilespmem:s30+$0xFFFFFFF0] =	vst v63  }
0x1f8: {  	s0 =	sadd.s32 s6, s0;
	[tilespmem:s30+$0x0] =	vst v0  }
0x1f9: {  	[hbm4b:s0+s4] =	stream.linear.scatter [tilespmem:s21], [sflag:$0x4], $0x1400, $0x38;
	[tilespmem:$0x167B0] =	vst v63  }
0x1fa: {  	s24 =	sadd.s32 $0x1, s24  }
0x1fb: {  	_ =	swait.ge [sflag:s22], $0x1400;
	p0 =	sne.s32 s24, s11  }
.Ltmp3:
0x1fc: {  	[sflag:s22] =	ssyncset.done $0x0;
	(pc) =	sbr.rel @p0 .LBB2_1-.Ltmp3, $4  }
0x1fd: {  	[sflag:s22] =	ssyncadd.s32 $0xFFFFEC00  }
0x1fe: {  	_ =	swait.ge [sflag:s23], $0x1400  }
0x1ff: {  	[sflag:s23] =	ssyncset.done $0x0  }
0x200: {  	[sflag:s23] =	ssyncadd.s32 $0xFFFFEC00  }
0x201: {  	_ =	sfence.sel $0x180000  }
0x202: {  	[bflag:$0x0] =	sbarrier.arrive $0xFFFF  }
0x203: {  	_ =	strace $0x90000047  }
0x204: {  	s0 =	stileid.u32;
	[bflag:$0x2] =	sbarrier.arrive $0xFFFF  }
0x205: {  	p0 =	sne.s32 s0, $0x0;
	s0 =	rddreg [dreg:$0x2]  }
0x206: {  	s0 =	sadd.s32 @!p0 $0x100000, s0  }
0x207: {  	[sflag:s0] =	ssyncadd.tile.s32 @!p0 $0x1;
	_ =	shalt  }
.Lfunc_end2:
_tile_overlayer_lowered:
.L_overlay_start_2:
0x208: {  	(tag) =	ssettag $0x2  }
0x209: {  	s0 =	rddreg [dreg:$0x0];
	s2 =	stileid.u32  }
0x20a: {  	s1 =	rddreg [dreg:$0x1];
	p0 =	sne.s32 s2, $0x0  }
0x20b: {  	s3 =	rddreg [dreg:$0x2];
	[bflag:$0x3] =	sbarrier.arrive $0xFFFF;
	s2 =	simm.s32 @!p0 $0x1C05  }
0x20c: {  	[timem:s3], [sflag:s2] =	dma.local @!p0 [hbm:s0], s1  }
0x20d: {  	s0 =	simm.s32 @!p0 $0x5  }
0x20e: {  	_ =	swait.ge @!p0 [sflag:s0], s1  }
0x20f: {  	s1 =	ssub.s32 @!p0 $0x0, s1;
	[sflag:s0] =	ssyncset.done @!p0 $0x0  }
0x210: {  	[sflag:s0] =	ssyncadd.s32 @!p0 s1  }
0x211: {  	[bflag:$0x3] =	sbarrier.arrive $0xFFFF  }
0x212: {  	_ =	shalt  }

</sc_bundles>
